<compile_context>
chip_gen: v7x
topology: tpu7x:2x2x1
jax: 0.10.2.dev20260603
libtpu: 0.0.44.dev20260713+nightly
codegen_flags: <defaults>
</compile_context>

<pallas_src>
import functools

import jax
import jax.numpy as jnp
from jax import lax
from jax.experimental import pallas as pl
from jax.experimental.pallas import tpu as pltpu
from jax.experimental.pallas import tpu_sc as plsc

N = 10000
E = 320000
NC = 2
NS = 16
CHUNK = 80

_MESH = plsc.VectorSubcoreMesh(core_axis_name="c", subcore_axis_name="s")



def _deg_kernel(dst_hbm, out_hbm, dst_v, dst_w, ones_v, zeros_v, acc_sh,
                isems):
    c = lax.axis_index("c")
    s = lax.axis_index("s")

    @pl.loop(0, 125)
    def _(i):
        zeros_v[pl.ds(i * 16, 16)] = jnp.zeros((16,), jnp.float32)

    @pl.loop(0, 5)
    def _(k):
        pltpu.sync_copy(zeros_v, acc_sh.at[pl.ds(k * 2000, 2000)])

    @pl.loop(0, CHUNK // 16)
    def _(i):
        ones_v[pl.ds(i * 16, 16)] = jnp.ones((16,), jnp.float32)

    plsc.subcore_barrier()

    w = c * NS + s
    epw = E // (NC * NS)
    nchunks = epw // CHUNK

    dbufs = (dst_v, dst_w)

    def load_idx(chunk, b):
        base = w * epw + chunk * CHUNK
        pltpu.async_copy(dst_hbm.at[pl.ds(base, CHUNK)], dbufs[b],
                         isems[b])

    def wait_idx(chunk, b):
        base = w * epw + chunk * CHUNK
        pltpu.make_async_copy(dst_hbm.at[pl.ds(base, CHUNK)],
                              dbufs[b], isems[b]).wait()

    load_idx(0, 0)

    @pl.loop(0, nchunks - 1, step=2)
    def _(i):
        for b in range(2):
            load_idx(i + b + 1, 1 - b)
            wait_idx(i + b, b)
            pltpu.sync_copy(ones_v, acc_sh.at[dbufs[b]], add=True)

    wait_idx(nchunks - 1, 0)
    pltpu.sync_copy(ones_v, acc_sh.at[dbufs[0]], add=True)

    plsc.subcore_barrier()

    pltpu.sync_copy(acc_sh, out_hbm.at[c])


_deg_call = functools.partial(
    pl.kernel,
    out_type=jax.ShapeDtypeStruct((NC, N), jnp.float32),
    mesh=_MESH,
    scratch_types=[
        pltpu.VMEM((CHUNK,), jnp.int32),
        pltpu.VMEM((CHUNK,), jnp.int32),
        pltpu.VMEM((CHUNK,), jnp.float32),
        pltpu.VMEM((2000,), jnp.float32),
        pltpu.VMEM_SHARED((N,), jnp.float32),
        [pltpu.SemaphoreType.DMA] * 2,
    ],
    compiler_params=pltpu.CompilerParams(use_tc_tiling_on_sc=False),
)(_deg_kernel)



_NCHUNKS = E // NS // CHUNK


def _agg_body(dh, table_hbm, src_hbm, dst_hbm, out_hbm,
              src0, dst0, src1, dst1, src2, dst2, src3, dst3,
              rows0, rows1, rows2, rows3, zeros_v, acc_sh, isems, gsems):
    c = lax.axis_index("c")
    s = lax.axis_index("s")
    zrows = 25
    npert = N // NS

    @pl.loop(0, zrows)
    def _(i):
        for j in range(dh // 16):
            zeros_v[i, pl.ds(j * 16, 16)] = jnp.zeros((16,), jnp.float32)

    @pl.loop(0, npert // zrows)
    def _(k):
        pltpu.sync_copy(
            zeros_v, acc_sh.at[pl.ds(s * npert + k * zrows, zrows), :])

    plsc.subcore_barrier()

    epw = E // NS
    slots = [(src0, dst0, rows0, isems[0], gsems[0]),
             (src1, dst1, rows1, isems[1], gsems[1]),
             (src2, dst2, rows2, isems[2], gsems[2]),
             (src3, dst3, rows3, isems[3], gsems[3])]

    def load_idx(chunk, sl):
        base = s * epw + chunk * CHUNK
        pltpu.async_copy(src_hbm.at[pl.ds(base, CHUNK)], sl[0], sl[3])
        pltpu.async_copy(dst_hbm.at[pl.ds(base, CHUNK)], sl[1], sl[3])

    def wait_idx(chunk, sl):
        base = s * epw + chunk * CHUNK
        pltpu.make_async_copy(src_hbm.at[pl.ds(base, CHUNK)], sl[0],
                              sl[3]).wait()
        pltpu.make_async_copy(dst_hbm.at[pl.ds(base, CHUNK)], sl[1],
                              sl[3]).wait()

    def gather(sl):
        pltpu.async_copy(table_hbm.at[c].at[sl[0]], sl[2], sl[4])

    def drain(sl):
        pltpu.make_async_copy(table_hbm.at[c].at[sl[0]], sl[2],
                              sl[4]).wait()

    def scatter(sl):
        pltpu.sync_copy(sl[2], acc_sh.at[sl[1]], add=True)

    load_idx(0, slots[0])
    load_idx(1, slots[1])
    load_idx(2, slots[2])
    wait_idx(0, slots[0])
    gather(slots[0])
    wait_idx(1, slots[1])
    gather(slots[1])

    @pl.loop(0, _NCHUNKS - 6, step=4)
    def _(i):
        for b in range(4):
            cur = slots[b]
            nxt = slots[(b + 2) % 4]
            pre = slots[(b + 3) % 4]
            load_idx(i + b + 3, pre)
            wait_idx(i + b + 2, nxt)
            gather(nxt)
            drain(cur)
            scatter(cur)

    load_idx(247, slots[3])
    wait_idx(246, slots[2])
    gather(slots[2])
    drain(slots[0])
    scatter(slots[0])

    load_idx(248, slots[0])
    wait_idx(247, slots[3])
    gather(slots[3])
    drain(slots[1])
    scatter(slots[1])

    load_idx(249, slots[1])
    wait_idx(248, slots[0])
    gather(slots[0])
    drain(slots[2])
    scatter(slots[2])

    wait_idx(249, slots[1])
    gather(slots[1])
    drain(slots[3])
    scatter(slots[3])

    drain(slots[0])
    scatter(slots[0])

    drain(slots[1])
    scatter(slots[1])

    plsc.subcore_barrier()

    pltpu.sync_copy(acc_sh.at[pl.ds(s * npert, npert), :],
                    out_hbm.at[c, pl.ds(s * npert, npert), :])


def _make_agg(dh):
    return functools.partial(
        pl.kernel,
        out_type=jax.ShapeDtypeStruct((NC, N, dh), jnp.float32),
        mesh=_MESH,
        scratch_types=[
            pltpu.VMEM((CHUNK,), jnp.int32),
            pltpu.VMEM((CHUNK,), jnp.int32),
            pltpu.VMEM((CHUNK,), jnp.int32),
            pltpu.VMEM((CHUNK,), jnp.int32),
            pltpu.VMEM((CHUNK,), jnp.int32),
            pltpu.VMEM((CHUNK,), jnp.int32),
            pltpu.VMEM((CHUNK,), jnp.int32),
            pltpu.VMEM((CHUNK,), jnp.int32),
            pltpu.VMEM((CHUNK, dh), jnp.float32),
            pltpu.VMEM((CHUNK, dh), jnp.float32),
            pltpu.VMEM((CHUNK, dh), jnp.float32),
            pltpu.VMEM((CHUNK, dh), jnp.float32),
            pltpu.VMEM((25, dh), jnp.float32),
            pltpu.VMEM_SHARED((N, dh), jnp.float32),
            [pltpu.SemaphoreType.DMA] * 4,
            [pltpu.SemaphoreType.DMA] * 4,
        ],
        compiler_params=pltpu.CompilerParams(use_tc_tiling_on_sc=False),
    )(functools.partial(_agg_body, dh))


_agg64 = _make_agg(64)
_agg128 = _make_agg(128)



_BLK = 2000


def _scale_kernel(deg_ref, x_ref, dinv_ref, xs_ref):
    deg = deg_ref[:, 0] + deg_ref[:, 1] + 1.0
    dinv = lax.rsqrt(deg)
    dinv_ref[...] = dinv[:, None]
    xs = x_ref[...] * dinv[:, None]
    xs_ref[0, :, :] = xs[:, :64]
    xs_ref[1, :, :] = xs[:, 64:]


def _scale_call(deg2, x):
    g = N // _BLK
    return pl.pallas_call(
        _scale_kernel,
        grid=(g,),
        in_specs=[
            pl.BlockSpec((_BLK, NC), lambda i: (i, 0)),
            pl.BlockSpec((_BLK, 128), lambda i: (i, 0)),
        ],
        out_specs=[
            pl.BlockSpec((_BLK, 1), lambda i: (i, 0)),
            pl.BlockSpec((NC, _BLK, 64), lambda i: (0, i, 0)),
        ],
        out_shape=[
            jax.ShapeDtypeStruct((N, 1), jnp.float32),
            jax.ShapeDtypeStruct((NC, N, 64), jnp.float32),
        ],
    )(deg2, x)



def _mm_kernel(relu, post, dh, s_ref, h_ref, dinv_ref, w_ref, o_ref):
    dinv = dinv_ref[...]
    m0 = (s_ref[0] + h_ref[0]) * dinv
    m1 = (s_ref[1] + h_ref[1]) * dinv
    p = (jnp.dot(m0, w_ref[:dh, :], preferred_element_type=jnp.float32)
         + jnp.dot(m1, w_ref[dh:, :], preferred_element_type=jnp.float32))
    if relu:
        p = jnp.maximum(p, 0.0)
    if post:
        o_ref[0, :, :] = p[:, :128] * dinv
        o_ref[1, :, :] = p[:, 128:] * dinv
    else:
        o_ref[...] = p


def _mm_call(s_agg, hprev, dinv, w, relu, post):
    dh = s_agg.shape[2]
    g = N // _BLK
    if post:
        out_shape = jax.ShapeDtypeStruct((NC, N, 128), jnp.float32)
        out_spec = pl.BlockSpec((NC, _BLK, 128), lambda i: (0, i, 0))
    else:
        out_shape = jax.ShapeDtypeStruct((N, 256), jnp.float32)
        out_spec = pl.BlockSpec((_BLK, 256), lambda i: (i, 0))
    return pl.pallas_call(
        functools.partial(_mm_kernel, relu, post, dh),
        grid=(g,),
        in_specs=[
            pl.BlockSpec((NC, _BLK, dh), lambda i: (0, i, 0)),
            pl.BlockSpec((NC, _BLK, dh), lambda i: (0, i, 0)),
            pl.BlockSpec((_BLK, 1), lambda i: (i, 0)),
            pl.BlockSpec((2 * dh, 256), lambda i: (0, 0)),
        ],
        out_specs=out_spec,
        out_shape=out_shape,
    )(s_agg, hprev, dinv, w)



@jax.jit
def kernel(x, edge_index, W1, W2, W3):
    src = edge_index[0].astype(jnp.int32)
    dst = edge_index[1].astype(jnp.int32)

    deg2 = _deg_call(dst)
    dinv, xs = _scale_call(deg2.T, x)

    s1 = _agg64(xs, src, dst)
    h1 = _mm_call(s1, xs, dinv, W1, relu=True, post=True)

    s2 = _agg128(h1, src, dst)
    h2 = _mm_call(s2, h1, dinv, W2, relu=True, post=True)

    s3 = _agg128(h2, src, dst)
    return _mm_call(s3, h2, dinv, W3, relu=False, post=False)

# --- scband reference (transcript-rebuilt; emitter-appended) ---
"""Pipeline reference for scband-gnn-35527969473024 (READ-ONLY COPY).

The authoritative reference and input builder live on the scoring server;
editing this copy changes nothing except your own understanding.
"""

import jax, jax.numpy as jnp
import numpy as np

N_NODES = 10000
N_EDGES = 320000


def gcn_conv(x, edge_index, W, num_nodes):
    # PyG GCNConv semantics: linear transform, add self-loops, symmetric normalization, scatter-add aggregation. bias=False.
    x = x @ W
    src = edge_index[0]
    dst = edge_index[1]
    loop = jnp.arange(num_nodes, dtype=edge_index.dtype)
    src = jnp.concatenate([src, loop])
    dst = jnp.concatenate([dst, loop])
    ones = jnp.ones(src.shape[0], dtype=x.dtype)
    deg = jnp.zeros(num_nodes, dtype=x.dtype).at[dst].add(ones)
    deg_inv_sqrt = jnp.where(deg > 0, deg ** -0.5, 0.0)
    norm = deg_inv_sqrt[src] * deg_inv_sqrt[dst]
    msg = x[src] * norm[:, None]
    out = jnp.zeros((num_nodes, x.shape[1]), dtype=x.dtype).at[dst].add(msg)
    return out


def setup_inputs(seed: int = 0) -> dict:
    key = jax.random.key(seed)
    k1, k2, k3, k4, k5 = jax.random.split(key, 5)
    x = jax.random.normal(k1, (N_NODES, 128), dtype=jnp.float32)
    edge_index = jax.random.randint(k2, (2, N_EDGES), 0, N_NODES, dtype=jnp.int64)
    W1 = jax.random.normal(k3, (128, 256), dtype=jnp.float32) * 0.05
    W2 = jax.random.normal(k4, (256, 256), dtype=jnp.float32) * 0.05
    W3 = jax.random.normal(k5, (256, 256), dtype=jnp.float32) * 0.05
    return {"x": x, "edge_index": edge_index, "W1": W1, "W2": W2, "W3": W3}


def reference(x, edge_index, W1, W2, W3):
    num_nodes = x.shape[0]
    h = gcn_conv(x, edge_index, W1, num_nodes)
    h = jax.nn.relu(h)
    h = gcn_conv(h, edge_index, W2, num_nodes)
    h = jax.nn.relu(h)
    h = gcn_conv(h, edge_index, W3, num_nodes)
    return h

if __name__ == "__main__":
    import jax
    _d = setup_inputs()
    print(jax.jit(kernel)(*tuple(_d.values())))

</pallas_src>

<mosaic_0001>
#map = affine_map<(d0, d1) -> (0, 0, 0)>
#map1 = affine_map<(d0, d1) -> (0)>
module attributes {stable_mosaic.version = 14 : i64} {
  func.func @_agg_body(%arg0: i32, %arg1: i32, %arg2: memref<2x10000x64xf32, #tpu.memory_space<hbm>>, %arg3: memref<320000xi32, #tpu.memory_space<hbm>>, %arg4: memref<320000xi32, #tpu.memory_space<hbm>>, %arg5: memref<2x10000x64xf32, #tpu.memory_space<hbm>>, %arg6: memref<80xi32, #tpu.memory_space<vmem>>, %arg7: memref<80xi32, #tpu.memory_space<vmem>>, %arg8: memref<80xi32, #tpu.memory_space<vmem>>, %arg9: memref<80xi32, #tpu.memory_space<vmem>>, %arg10: memref<80xi32, #tpu.memory_space<vmem>>, %arg11: memref<80xi32, #tpu.memory_space<vmem>>, %arg12: memref<80xi32, #tpu.memory_space<vmem>>, %arg13: memref<80xi32, #tpu.memory_space<vmem>>, %arg14: memref<80x64xf32, #tpu.memory_space<vmem>>, %arg15: memref<80x64xf32, #tpu.memory_space<vmem>>, %arg16: memref<80x64xf32, #tpu.memory_space<vmem>>, %arg17: memref<80x64xf32, #tpu.memory_space<vmem>>, %arg18: memref<25x64xf32, #tpu.memory_space<vmem>>, %arg19: memref<10000x64xf32, #tpu.memory_space<vmem_shared>>, %arg20: memref<!tpu.dma_semaphore, #tpu.memory_space<semaphore_mem>>, %arg21: memref<!tpu.dma_semaphore, #tpu.memory_space<semaphore_mem>>, %arg22: memref<!tpu.dma_semaphore, #tpu.memory_space<semaphore_mem>>, %arg23: memref<!tpu.dma_semaphore, #tpu.memory_space<semaphore_mem>>, %arg24: memref<!tpu.dma_semaphore, #tpu.memory_space<semaphore_mem>>, %arg25: memref<!tpu.dma_semaphore, #tpu.memory_space<semaphore_mem>>, %arg26: memref<!tpu.dma_semaphore, #tpu.memory_space<semaphore_mem>>, %arg27: memref<!tpu.dma_semaphore, #tpu.memory_space<semaphore_mem>>) attributes {dimension_semantics = [#tpu.dimension_semantics<core_parallel>, #tpu.dimension_semantics<subcore_parallel>], iteration_bounds = array<i64: 2, 16>, scalar_prefetch = 0 : i64, scratch_operands = 22 : i64, tpu.core_type = #tpu.core_type<sc_vector_subcore>, window_params = [{transform_indices = #map}, {transform_indices = #map1}, {transform_indices = #map1}, {transform_indices = #map}]} {
    %scan3A = arith.constant 0 : i32
    %scan3A_0 = arith.constant 25 : i32
    %scan3A_1 = arith.addi %scan3A, %scan3A_0 : i32
    %scan3A_2 = arith.constant 1 : i32
    scf.for %scan3A_195 = %scan3A to %scan3A_1 step %scan3A_2  : i32 {
      %mul3A_196 = arith.constant 1 : i32
      %mul3A_197 = arith.muli %scan3A_195, %mul3A_196 : i32
      %add3A_198 = arith.constant 0 : i32
      %add3A_199 = arith.addi %add3A_198, %mul3A_197 : i32
      %broadcast_in_dim3A = arith.constant 0.000000e+00 : f32
      %broadcast_in_dim3A_200 = vector.broadcast %broadcast_in_dim3A : f32 to vector<16xf32>
      %swap3A = arith.index_cast %add3A_199 : i32 to index
      %swap3A_201 = arith.constant 0 : index
      %swap3A_202 = tpu.vector_load %arg18[%swap3A, %swap3A_201] {strides = array<i32>} : memref<25x64xf32, #tpu.memory_space<vmem>>, vector<1x16xf32>,
      %swap3A_203 = vector.shape_cast %swap3A_202 : vector<1x16xf32> to vector<16xf32>
      %swap3A_204 = vector.shape_cast %broadcast_in_dim3A_200 : vector<16xf32> to vector<1x16xf32>
      tpu.vector_store %arg18[%swap3A, %swap3A_201], %swap3A_204 {strides = array<i32>} : memref<25x64xf32, #tpu.memory_space<vmem>>, vector<1x16xf32>,
      %broadcast_in_dim3A_205 = arith.constant 0.000000e+00 : f32
      %broadcast_in_dim3A_206 = vector.broadcast %broadcast_in_dim3A_205 : f32 to vector<16xf32>
      %swap3A_207 = arith.index_cast %add3A_199 : i32 to index
      %swap3A_208 = arith.constant 16 : index
      %swap3A_209 = tpu.vector_load %arg18[%swap3A_207, %swap3A_208] {strides = array<i32>} : memref<25x64xf32, #tpu.memory_space<vmem>>, vector<1x16xf32>,
      %swap3A_210 = vector.shape_cast %swap3A_209 : vector<1x16xf32> to vector<16xf32>
      %swap3A_211 = vector.shape_cast %broadcast_in_dim3A_206 : vector<16xf32> to vector<1x16xf32>
      tpu.vector_store %arg18[%swap3A_207, %swap3A_208], %swap3A_211 {strides = array<i32>} : memref<25x64xf32, #tpu.memory_space<vmem>>, vector<1x16xf32>,
      %broadcast_in_dim3A_212 = arith.constant 0.000000e+00 : f32
      %broadcast_in_dim3A_213 = vector.broadcast %broadcast_in_dim3A_212 : f32 to vector<16xf32>
      %swap3A_214 = arith.index_cast %add3A_199 : i32 to index
      %swap3A_215 = arith.constant 32 : index
      %swap3A_216 = tpu.vector_load %arg18[%swap3A_214, %swap3A_215] {strides = array<i32>} : memref<25x64xf32, #tpu.memory_space<vmem>>, vector<1x16xf32>,
      %swap3A_217 = vector.shape_cast %swap3A_216 : vector<1x16xf32> to vector<16xf32>
      %swap3A_218 = vector.shape_cast %broadcast_in_dim3A_213 : vector<16xf32> to vector<1x16xf32>
      tpu.vector_store %arg18[%swap3A_214, %swap3A_215], %swap3A_218 {strides = array<i32>} : memref<25x64xf32, #tpu.memory_space<vmem>>, vector<1x16xf32>,
      %broadcast_in_dim3A_219 = arith.constant 0.000000e+00 : f32
      %broadcast_in_dim3A_220 = vector.broadcast %broadcast_in_dim3A_219 : f32 to vector<16xf32>
      %swap3A_221 = arith.index_cast %add3A_199 : i32 to index
      %swap3A_222 = arith.constant 48 : index
      %swap3A_223 = tpu.vector_load %arg18[%swap3A_221, %swap3A_222] {strides = array<i32>} : memref<25x64xf32, #tpu.memory_space<vmem>>, vector<1x16xf32>,
      %swap3A_224 = vector.shape_cast %swap3A_223 : vector<1x16xf32> to vector<16xf32>
      %swap3A_225 = vector.shape_cast %broadcast_in_dim3A_220 : vector<16xf32> to vector<1x16xf32>
      tpu.vector_store %arg18[%swap3A_221, %swap3A_222], %swap3A_225 {strides = array<i32>} : memref<25x64xf32, #tpu.memory_space<vmem>>, vector<1x16xf32>,
    }
    %scan3A_3 = arith.constant 25 : i32
    %scan3A_4 = arith.constant 0 : i32
    %scan3A_5 = arith.constant 25 : i32
    %scan3A_6 = arith.addi %scan3A_4, %scan3A_5 : i32
    %scan3A_7 = arith.constant 1 : i32
    scf.for %scan3A_195 = %scan3A_4 to %scan3A_6 step %scan3A_7  : i32 {
      %mul3A_196 = arith.constant 1 : i32
      %mul3A_197 = arith.muli %scan3A_195, %mul3A_196 : i32
      %add3A_198 = arith.constant 0 : i32
      %add3A_199 = arith.addi %add3A_198, %mul3A_197 : i32
      %mul3A_200 = arith.constant 625 : i32
      %mul3A_201 = arith.muli %arg1, %mul3A_200 : i32
      %mul3A_202 = arith.constant 25 : i32
      %mul3A_203 = arith.muli %add3A_199, %mul3A_202 : i32
      %add3A_204 = arith.addi %mul3A_201, %mul3A_203 : i32
      "tpu.region"() ({
        %run_scoped3A = tpu.sem_alloc : memref<!tpu.dma_semaphore, #tpu.memory_space<semaphore_mem>>
        %dma_start3A_205 = arith.constant 0 : i32
        %dma_start3A_206 = tpu.memref_slice %arg19[%add3A_204, %dma_start3A_205] : memref<10000x64xf32, #tpu.memory_space<vmem_shared>> -> memref<25x64xf32, #tpu.memory_space<vmem_shared>>
        %dma_start3A_207 = arith.constant 0 : i32
        %dma_start3A_208 = tpu.memref_slice %arg19[%add3A_204, %dma_start3A_207] : memref<10000x64xf32, #tpu.memory_space<vmem_shared>> -> memref<25x64xf32, #tpu.memory_space<vmem_shared>>
        tpu.enqueue_dma source(%arg18 : memref<25x64xf32, #tpu.memory_space<vmem>>) target(%dma_start3A_208 : memref<25x64xf32, #tpu.memory_space<vmem_shared>>) target_semaphore(%run_scoped3A : memref<!tpu.dma_semaphore, #tpu.memory_space<semaphore_mem>>)
        %dma_wait3A_209 = arith.constant 0 : i32
        %dma_wait3A_210 = tpu.memref_slice %arg19[%add3A_204, %dma_wait3A_209] : memref<10000x64xf32, #tpu.memory_space<vmem_shared>> -> memref<25x64xf32, #tpu.memory_space<vmem_shared>>
        %dma_wait3A_211 = arith.constant 0 : i32
        %dma_wait3A_212 = tpu.memref_slice %arg19[%add3A_204, %dma_wait3A_211] : memref<10000x64xf32, #tpu.memory_space<vmem_shared>> -> memref<25x64xf32, #tpu.memory_space<vmem_shared>>
        tpu.wait_dma2 semaphore(%run_scoped3A : memref<!tpu.dma_semaphore, #tpu.memory_space<semaphore_mem>>) src(%arg18 : memref<25x64xf32, #tpu.memory_space<vmem>>) dst(%dma_wait3A_212 : memref<25x64xf32, #tpu.memory_space<vmem_shared>>)
        tpu.yield
      }) : () -> ()
    }
    %scan3A_8 = arith.constant 25 : i32
    %barrier3A = arith.constant 0 : index
    tpu.barrier barrier_id(%barrier3A)
    %mul3A = arith.constant 20000 : i32
    %mul3A_9 = arith.muli %arg1, %mul3A : i32
    %add3A = arith.constant 0 : i32
    %add3A_10 = arith.addi %mul3A_9, %add3A : i32
    %dma_start3A = tpu.memref_slice %arg3[%add3A_10] : memref<320000xi32, #tpu.memory_space<hbm>> -> memref<80xi32, #tpu.memory_space<hbm>>
    %dma_start3A_11 = tpu.memref_slice %arg3[%add3A_10] : memref<320000xi32, #tpu.memory_space<hbm>> -> memref<80xi32, #tpu.memory_space<hbm>>
    tpu.enqueue_dma source(%dma_start3A_11 : memref<80xi32, #tpu.memory_space<hbm>>) target(%arg6 : memref<80xi32, #tpu.memory_space<vmem>>) target_semaphore(%arg20 : memref<!tpu.dma_semaphore, #tpu.memory_space<semaphore_mem>>)
    %dma_start3A_12 = tpu.memref_slice %arg4[%add3A_10] : memref<320000xi32, #tpu.memory_space<hbm>> -> memref<80xi32, #tpu.memory_space<hbm>>
    %dma_start3A_13 = tpu.memref_slice %arg4[%add3A_10] : memref<320000xi32, #tpu.memory_space<hbm>> -> memref<80xi32, #tpu.memory_space<hbm>>
    tpu.enqueue_dma source(%dma_start3A_13 : memref<80xi32, #tpu.memory_space<hbm>>) target(%arg7 : memref<80xi32, #tpu.memory_space<vmem>>) target_semaphore(%arg20 : memref<!tpu.dma_semaphore, #tpu.memory_space<semaphore_mem>>)
    %mul3A_14 = arith.constant 20000 : i32
    %mul3A_15 = arith.muli %arg1, %mul3A_14 : i32
    %add3A_16 = arith.constant 80 : i32
    %add3A_17 = arith.addi %mul3A_15, %add3A_16 : i32
    %dma_start3A_18 = tpu.memref_slice %arg3[%add3A_17] : memref<320000xi32, #tpu.memory_space<hbm>> -> memref<80xi32, #tpu.memory_space<hbm>>
    %dma_start3A_19 = tpu.memref_slice %arg3[%add3A_17] : memref<320000xi32, #tpu.memory_space<hbm>> -> memref<80xi32, #tpu.memory_space<hbm>>
    tpu.enqueue_dma source(%dma_start3A_19 : memref<80xi32, #tpu.memory_space<hbm>>) target(%arg8 : memref<80xi32, #tpu.memory_space<vmem>>) target_semaphore(%arg21 : memref<!tpu.dma_semaphore, #tpu.memory_space<semaphore_mem>>)
    %dma_start3A_20 = tpu.memref_slice %arg4[%add3A_17] : memref<320000xi32, #tpu.memory_space<hbm>> -> memref<80xi32, #tpu.memory_space<hbm>>
    %dma_start3A_21 = tpu.memref_slice %arg4[%add3A_17] : memref<320000xi32, #tpu.memory_space<hbm>> -> memref<80xi32, #tpu.memory_space<hbm>>
    tpu.enqueue_dma source(%dma_start3A_21 : memref<80xi32, #tpu.memory_space<hbm>>) target(%arg9 : memref<80xi32, #tpu.memory_space<vmem>>) target_semaphore(%arg21 : memref<!tpu.dma_semaphore, #tpu.memory_space<semaphore_mem>>)
    %mul3A_22 = arith.constant 20000 : i32
    %mul3A_23 = arith.muli %arg1, %mul3A_22 : i32
    %add3A_24 = arith.constant 160 : i32
    %add3A_25 = arith.addi %mul3A_23, %add3A_24 : i32
    %dma_start3A_26 = tpu.memref_slice %arg3[%add3A_25] : memref<320000xi32, #tpu.memory_space<hbm>> -> memref<80xi32, #tpu.memory_space<hbm>>
    %dma_start3A_27 = tpu.memref_slice %arg3[%add3A_25] : memref<320000xi32, #tpu.memory_space<hbm>> -> memref<80xi32, #tpu.memory_space<hbm>>
    tpu.enqueue_dma source(%dma_start3A_27 : memref<80xi32, #tpu.memory_space<hbm>>) target(%arg10 : memref<80xi32, #tpu.memory_space<vmem>>) target_semaphore(%arg22 : memref<!tpu.dma_semaphore, #tpu.memory_space<semaphore_mem>>)
    %dma_start3A_28 = tpu.memref_slice %arg4[%add3A_25] : memref<320000xi32, #tpu.memory_space<hbm>> -> memref<80xi32, #tpu.memory_space<hbm>>
    %dma_start3A_29 = tpu.memref_slice %arg4[%add3A_25] : memref<320000xi32, #tpu.memory_space<hbm>> -> memref<80xi32, #tpu.memory_space<hbm>>
    tpu.enqueue_dma source(%dma_start3A_29 : memref<80xi32, #tpu.memory_space<hbm>>) target(%arg11 : memref<80xi32, #tpu.memory_space<vmem>>) target_semaphore(%arg22 : memref<!tpu.dma_semaphore, #tpu.memory_space<semaphore_mem>>)
    %mul3A_30 = arith.constant 20000 : i32
    %mul3A_31 = arith.muli %arg1, %mul3A_30 : i32
    %add3A_32 = arith.constant 0 : i32
    %add3A_33 = arith.addi %mul3A_31, %add3A_32 : i32
    %dma_wait3A = tpu.memref_slice %arg3[%add3A_33] : memref<320000xi32, #tpu.memory_space<hbm>> -> memref<80xi32, #tpu.memory_space<hbm>>
    %dma_wait3A_34 = tpu.memref_slice %arg3[%add3A_33] : memref<320000xi32, #tpu.memory_space<hbm>> -> memref<80xi32, #tpu.memory_space<hbm>>
    tpu.wait_dma2 semaphore(%arg20 : memref<!tpu.dma_semaphore, #tpu.memory_space<semaphore_mem>>) src(%dma_wait3A_34 : memref<80xi32, #tpu.memory_space<hbm>>) dst(%arg6 : memref<80xi32, #tpu.memory_space<vmem>>)
    %dma_wait3A_35 = tpu.memref_slice %arg4[%add3A_33] : memref<320000xi32, #tpu.memory_space<hbm>> -> memref<80xi32, #tpu.memory_space<hbm>>
    %dma_wait3A_36 = tpu.memref_slice %arg4[%add3A_33] : memref<320000xi32, #tpu.memory_space<hbm>> -> memref<80xi32, #tpu.memory_space<hbm>>
    tpu.wait_dma2 semaphore(%arg20 : memref<!tpu.dma_semaphore, #tpu.memory_space<semaphore_mem>>) src(%dma_wait3A_36 : memref<80xi32, #tpu.memory_space<hbm>>) dst(%arg7 : memref<80xi32, #tpu.memory_space<vmem>>)
    %dma_start3A_37 = arith.constant 0 : i32
    %dma_start3A_38 = arith.constant 0 : i32
    %dma_start3A_39 = tpu.memref_slice %arg2[%arg0, %dma_start3A_37, %dma_start3A_38] : memref<2x10000x64xf32, #tpu.memory_space<hbm>> -> memref<1x10000x64xf32, #tpu.memory_space<hbm>>
    %dma_start3A_40 = tpu.memref_squeeze %dma_start3A_39 : memref<1x10000x64xf32, #tpu.memory_space<hbm>> -> memref<10000x64xf32, #tpu.memory_space<hbm>>
    %dma_start3A_41 = arith.constant 0 : i32
    %dma_start3A_42 = arith.constant 0 : i32
    %dma_start3A_43 = tpu.memref_slice %dma_start3A_40[%dma_start3A_41, %dma_start3A_42] : memref<10000x64xf32, #tpu.memory_space<hbm>> -> memref<10000x64xf32, #tpu.memory_space<hbm>>
    tpu.enqueue_indirect_dma source(%dma_start3A_43 : memref<10000x64xf32, #tpu.memory_space<hbm>>) target(%arg14 : memref<80x64xf32, #tpu.memory_space<vmem>>) offsets(%arg6 : memref<80xi32, #tpu.memory_space<vmem>>) semaphore(%arg24 : memref<!tpu.dma_semaphore, #tpu.memory_space<semaphore_mem>>)
    %mul3A_44 = arith.constant 20000 : i32
    %mul3A_45 = arith.muli %arg1, %mul3A_44 : i32
    %add3A_46 = arith.constant 80 : i32
    %add3A_47 = arith.addi %mul3A_45, %add3A_46 : i32
    %dma_wait3A_48 = tpu.memref_slice %arg3[%add3A_47] : memref<320000xi32, #tpu.memory_space<hbm>> -> memref<80xi32, #tpu.memory_space<hbm>>
    %dma_wait3A_49 = tpu.memref_slice %arg3[%add3A_47] : memref<320000xi32, #tpu.memory_space<hbm>> -> memref<80xi32, #tpu.memory_space<hbm>>
    tpu.wait_dma2 semaphore(%arg21 : memref<!tpu.dma_semaphore, #tpu.memory_space<semaphore_mem>>) src(%dma_wait3A_49 : memref<80xi32, #tpu.memory_space<hbm>>) dst(%arg8 : memref<80xi32, #tpu.memory_space<vmem>>)
    %dma_wait3A_50 = tpu.memref_slice %arg4[%add3A_47] : memref<320000xi32, #tpu.memory_space<hbm>> -> memref<80xi32, #tpu.memory_space<hbm>>
    %dma_wait3A_51 = tpu.memref_slice %arg4[%add3A_47] : memref<320000xi32, #tpu.memory_space<hbm>> -> memref<80xi32, #tpu.memory_space<hbm>>
    tpu.wait_dma2 semaphore(%arg21 : memref<!tpu.dma_semaphore, #tpu.memory_space<semaphore_mem>>) src(%dma_wait3A_51 : memref<80xi32, #tpu.memory_space<hbm>>) dst(%arg9 : memref<80xi32, #tpu.memory_space<vmem>>)
    %dma_start3A_52 = arith.constant 0 : i32
    %dma_start3A_53 = arith.constant 0 : i32
    %dma_start3A_54 = tpu.memref_slice %arg2[%arg0, %dma_start3A_52, %dma_start3A_53] : memref<2x10000x64xf32, #tpu.memory_space<hbm>> -> memref<1x10000x64xf32, #tpu.memory_space<hbm>>
    %dma_start3A_55 = tpu.memref_squeeze %dma_start3A_54 : memref<1x10000x64xf32, #tpu.memory_space<hbm>> -> memref<10000x64xf32, #tpu.memory_space<hbm>>
    %dma_start3A_56 = arith.constant 0 : i32
    %dma_start3A_57 = arith.constant 0 : i32
    %dma_start3A_58 = tpu.memref_slice %dma_start3A_55[%dma_start3A_56, %dma_start3A_57] : memref<10000x64xf32, #tpu.memory_space<hbm>> -> memref<10000x64xf32, #tpu.memory_space<hbm>>
    tpu.enqueue_indirect_dma source(%dma_start3A_58 : memref<10000x64xf32, #tpu.memory_space<hbm>>) target(%arg15 : memref<80x64xf32, #tpu.memory_space<vmem>>) offsets(%arg8 : memref<80xi32, #tpu.memory_space<vmem>>) semaphore(%arg25 : memref<!tpu.dma_semaphore, #tpu.memory_space<semaphore_mem>>)
    %scan3A_59 = arith.constant 0 : i32
    %scan3A_60 = arith.constant 61 : i32
    %scan3A_61 = arith.addi %scan3A_59, %scan3A_60 : i32
    %scan3A_62 = arith.constant 1 : i32
    scf.for %scan3A_195 = %scan3A_59 to %scan3A_61 step %scan3A_62  : i32 {
      %mul3A_196 = arith.constant 4 : i32
      %mul3A_197 = arith.muli %scan3A_195, %mul3A_196 : i32
      %add3A_198 = arith.constant 0 : i32
      %add3A_199 = arith.addi %add3A_198, %mul3A_197 : i32
      %add3A_200 = arith.constant 0 : i32
      %add3A_201 = arith.addi %add3A_199, %add3A_200 : i32
      %add3A_202 = arith.constant 3 : i32
      %add3A_203 = arith.addi %add3A_201, %add3A_202 : i32
      %mul3A_204 = arith.constant 20000 : i32
      %mul3A_205 = arith.muli %arg1, %mul3A_204 : i32
      %mul3A_206 = arith.constant 80 : i32
      %mul3A_207 = arith.muli %add3A_203, %mul3A_206 : i32
      %add3A_208 = arith.addi %mul3A_205, %mul3A_207 : i32
      %dma_start3A_209 = tpu.memref_slice %arg3[%add3A_208] : memref<320000xi32, #tpu.memory_space<hbm>> -> memref<80xi32, #tpu.memory_space<hbm>>
      %dma_start3A_210 = tpu.memref_slice %arg3[%add3A_208] : memref<320000xi32, #tpu.memory_space<hbm>> -> memref<80xi32, #tpu.memory_space<hbm>>
      tpu.enqueue_dma source(%dma_start3A_210 : memref<80xi32, #tpu.memory_space<hbm>>) target(%arg12 : memref<80xi32, #tpu.memory_space<vmem>>) target_semaphore(%arg23 : memref<!tpu.dma_semaphore, #tpu.memory_space<semaphore_mem>>)
      %dma_start3A_211 = tpu.memref_slice %arg4[%add3A_208] : memref<320000xi32, #tpu.memory_space<hbm>> -> memref<80xi32, #tpu.memory_space<hbm>>
      %dma_start3A_212 = tpu.memref_slice %arg4[%add3A_208] : memref<320000xi32, #tpu.memory_space<hbm>> -> memref<80xi32, #tpu.memory_space<hbm>>
      tpu.enqueue_dma source(%dma_start3A_212 : memref<80xi32, #tpu.memory_space<hbm>>) target(%arg13 : memref<80xi32, #tpu.memory_space<vmem>>) target_semaphore(%arg23 : memref<!tpu.dma_semaphore, #tpu.memory_space<semaphore_mem>>)
      %add3A_213 = arith.constant 0 : i32
      %add3A_214 = arith.addi %add3A_199, %add3A_213 : i32
      %add3A_215 = arith.constant 2 : i32
      %add3A_216 = arith.addi %add3A_214, %add3A_215 : i32
      %mul3A_217 = arith.constant 20000 : i32
      %mul3A_218 = arith.muli %arg1, %mul3A_217 : i32
      %mul3A_219 = arith.constant 80 : i32
      %mul3A_220 = arith.muli %add3A_216, %mul3A_219 : i32
      %add3A_221 = arith.addi %mul3A_218, %mul3A_220 : i32
      %dma_wait3A_222 = tpu.memref_slice %arg3[%add3A_221] : memref<320000xi32, #tpu.memory_space<hbm>> -> memref<80xi32, #tpu.memory_space<hbm>>
      %dma_wait3A_223 = tpu.memref_slice %arg3[%add3A_221] : memref<320000xi32, #tpu.memory_space<hbm>> -> memref<80xi32, #tpu.memory_space<hbm>>
      tpu.wait_dma2 semaphore(%arg22 : memref<!tpu.dma_semaphore, #tpu.memory_space<semaphore_mem>>) src(%dma_wait3A_223 : memref<80xi32, #tpu.memory_space<hbm>>) dst(%arg10 : memref<80xi32, #tpu.memory_space<vmem>>)
      %dma_wait3A_224 = tpu.memref_slice %arg4[%add3A_221] : memref<320000xi32, #tpu.memory_space<hbm>> -> memref<80xi32, #tpu.memory_space<hbm>>
      %dma_wait3A_225 = tpu.memref_slice %arg4[%add3A_221] : memref<320000xi32, #tpu.memory_space<hbm>> -> memref<80xi32, #tpu.memory_space<hbm>>
      tpu.wait_dma2 semaphore(%arg22 : memref<!tpu.dma_semaphore, #tpu.memory_space<semaphore_mem>>) src(%dma_wait3A_225 : memref<80xi32, #tpu.memory_space<hbm>>) dst(%arg11 : memref<80xi32, #tpu.memory_space<vmem>>)
      %dma_start3A_226 = arith.constant 0 : i32
      %dma_start3A_227 = arith.constant 0 : i32
      %dma_start3A_228 = tpu.memref_slice %arg2[%arg0, %dma_start3A_226, %dma_start3A_227] : memref<2x10000x64xf32, #tpu.memory_space<hbm>> -> memref<1x10000x64xf32, #tpu.memory_space<hbm>>
      %dma_start3A_229 = tpu.memref_squeeze %dma_start3A_228 : memref<1x10000x64xf32, #tpu.memory_space<hbm>> -> memref<10000x64xf32, #tpu.memory_space<hbm>>
      %dma_start3A_230 = arith.constant 0 : i32
      %dma_start3A_231 = arith.constant 0 : i32
      %dma_start3A_232 = tpu.memref_slice %dma_start3A_229[%dma_start3A_230, %dma_start3A_231] : memref<10000x64xf32, #tpu.memory_space<hbm>> -> memref<10000x64xf32, #tpu.memory_space<hbm>>
      tpu.enqueue_indirect_dma source(%dma_start3A_232 : memref<10000x64xf32, #tpu.memory_space<hbm>>) target(%arg16 : memref<80x64xf32, #tpu.memory_space<vmem>>) offsets(%arg10 : memref<80xi32, #tpu.memory_space<vmem>>) semaphore(%arg26 : memref<!tpu.dma_semaphore, #tpu.memory_space<semaphore_mem>>)
      %dma_wait3A_233 = arith.constant 0 : i32
      %dma_wait3A_234 = arith.constant 0 : i32
      %dma_wait3A_235 = tpu.memref_slice %arg2[%arg0, %dma_wait3A_233, %dma_wait3A_234] : memref<2x10000x64xf32, #tpu.memory_space<hbm>> -> memref<1x10000x64xf32, #tpu.memory_space<hbm>>
      %dma_wait3A_236 = tpu.memref_squeeze %dma_wait3A_235 : memref<1x10000x64xf32, #tpu.memory_space<hbm>> -> memref<10000x64xf32, #tpu.memory_space<hbm>>
      %dma_wait3A_237 = arith.constant 0 : i32
      %dma_wait3A_238 = arith.constant 0 : i32
      %dma_wait3A_239 = tpu.memref_slice %dma_wait3A_236[%dma_wait3A_237, %dma_wait3A_238] : memref<10000x64xf32, #tpu.memory_space<hbm>> -> memref<10000x64xf32, #tpu.memory_space<hbm>>
      tpu.wait_indirect_dma semaphore(%arg24 : memref<!tpu.dma_semaphore, #tpu.memory_space<semaphore_mem>>) src(%dma_wait3A_239 : memref<10000x64xf32, #tpu.memory_space<hbm>>) dst(%arg14 : memref<80x64xf32, #tpu.memory_space<vmem>>)
      "tpu.region"() ({
        %run_scoped3A = tpu.sem_alloc : memref<!tpu.dma_semaphore, #tpu.memory_space<semaphore_mem>>
        %dma_start3A_360 = arith.constant 0 : i32
        %dma_start3A_361 = arith.constant 0 : i32
        %dma_start3A_362 = tpu.memref_slice %arg19[%dma_start3A_360, %dma_start3A_361] : memref<10000x64xf32, #tpu.memory_space<vmem_shared>> -> memref<10000x64xf32, #tpu.memory_space<vmem_shared>>
        tpu.enqueue_indirect_dma source(%arg14 : memref<80x64xf32, #tpu.memory_space<vmem>>) target(%dma_start3A_362 : memref<10000x64xf32, #tpu.memory_space<vmem_shared>>) offsets(%arg7 : memref<80xi32, #tpu.memory_space<vmem>>) semaphore(%run_scoped3A : memref<!tpu.dma_semaphore, #tpu.memory_space<semaphore_mem>>) {add = true}
        %dma_wait3A_363 = arith.constant 0 : i32
        %dma_wait3A_364 = arith.constant 0 : i32
        %dma_wait3A_365 = tpu.memref_slice %arg19[%dma_wait3A_363, %dma_wait3A_364] : memref<10000x64xf32, #tpu.memory_space<vmem_shared>> -> memref<10000x64xf32, #tpu.memory_space<vmem_shared>>
        tpu.wait_indirect_dma semaphore(%run_scoped3A : memref<!tpu.dma_semaphore, #tpu.memory_space<semaphore_mem>>) src(%arg14 : memref<80x64xf32, #tpu.memory_space<vmem>>) dst(%dma_wait3A_365 : memref<10000x64xf32, #tpu.memory_space<vmem_shared>>)
        tpu.yield
      }) : () -> ()
      %add3A_240 = arith.constant 1 : i32
      %add3A_241 = arith.addi %add3A_199, %add3A_240 : i32
      %add3A_242 = arith.constant 3 : i32
      %add3A_243 = arith.addi %add3A_241, %add3A_242 : i32
      %mul3A_244 = arith.constant 20000 : i32
      %mul3A_245 = arith.muli %arg1, %mul3A_244 : i32
      %mul3A_246 = arith.constant 80 : i32
      %mul3A_247 = arith.muli %add3A_243, %mul3A_246 : i32
      %add3A_248 = arith.addi %mul3A_245, %mul3A_247 : i32
      %dma_start3A_249 = tpu.memref_slice %arg3[%add3A_248] : memref<320000xi32, #tpu.memory_space<hbm>> -> memref<80xi32, #tpu.memory_space<hbm>>
      %dma_start3A_250 = tpu.memref_slice %arg3[%add3A_248] : memref<320000xi32, #tpu.memory_space<hbm>> -> memref<80xi32, #tpu.memory_space<hbm>>
      tpu.enqueue_dma source(%dma_start3A_250 : memref<80xi32, #tpu.memory_space<hbm>>) target(%arg6 : memref<80xi32, #tpu.memory_space<vmem>>) target_semaphore(%arg20 : memref<!tpu.dma_semaphore, #tpu.memory_space<semaphore_mem>>)
      %dma_start3A_251 = tpu.memref_slice %arg4[%add3A_248] : memref<320000xi32, #tpu.memory_space<hbm>> -> memref<80xi32, #tpu.memory_space<hbm>>
      %dma_start3A_252 = tpu.memref_slice %arg4[%add3A_248] : memref<320000xi32, #tpu.memory_space<hbm>> -> memref<80xi32, #tpu.memory_space<hbm>>
      tpu.enqueue_dma source(%dma_start3A_252 : memref<80xi32, #tpu.memory_space<hbm>>) target(%arg7 : memref<80xi32, #tpu.memory_space<vmem>>) target_semaphore(%arg20 : memref<!tpu.dma_semaphore, #tpu.memory_space<semaphore_mem>>)
      %add3A_253 = arith.constant 1 : i32
      %add3A_254 = arith.addi %add3A_199, %add3A_253 : i32
      %add3A_255 = arith.constant 2 : i32
      %add3A_256 = arith.addi %add3A_254, %add3A_255 : i32
      %mul3A_257 = arith.constant 20000 : i32
      %mul3A_258 = arith.muli %arg1, %mul3A_257 : i32
      %mul3A_259 = arith.constant 80 : i32
      %mul3A_260 = arith.muli %add3A_256, %mul3A_259 : i32
      %add3A_261 = arith.addi %mul3A_258, %mul3A_260 : i32
      %dma_wait3A_262 = tpu.memref_slice %arg3[%add3A_261] : memref<320000xi32, #tpu.memory_space<hbm>> -> memref<80xi32, #tpu.memory_space<hbm>>
      %dma_wait3A_263 = tpu.memref_slice %arg3[%add3A_261] : memref<320000xi32, #tpu.memory_space<hbm>> -> memref<80xi32, #tpu.memory_space<hbm>>
      tpu.wait_dma2 semaphore(%arg23 : memref<!tpu.dma_semaphore, #tpu.memory_space<semaphore_mem>>) src(%dma_wait3A_263 : memref<80xi32, #tpu.memory_space<hbm>>) dst(%arg12 : memref<80xi32, #tpu.memory_space<vmem>>)
      %dma_wait3A_264 = tpu.memref_slice %arg4[%add3A_261] : memref<320000xi32, #tpu.memory_space<hbm>> -> memref<80xi32, #tpu.memory_space<hbm>>
      %dma_wait3A_265 = tpu.memref_slice %arg4[%add3A_261] : memref<320000xi32, #tpu.memory_space<hbm>> -> memref<80xi32, #tpu.memory_space<hbm>>
      tpu.wait_dma2 semaphore(%arg23 : memref<!tpu.dma_semaphore, #tpu.memory_space<semaphore_mem>>) src(%dma_wait3A_265 : memref<80xi32, #tpu.memory_space<hbm>>) dst(%arg13 : memref<80xi32, #tpu.memory_space<vmem>>)
      %dma_start3A_266 = arith.constant 0 : i32
      %dma_start3A_267 = arith.constant 0 : i32
      %dma_start3A_268 = tpu.memref_slice %arg2[%arg0, %dma_start3A_266, %dma_start3A_267] : memref<2x10000x64xf32, #tpu.memory_space<hbm>> -> memref<1x10000x64xf32, #tpu.memory_space<hbm>>
      %dma_start3A_269 = tpu.memref_squeeze %dma_start3A_268 : memref<1x10000x64xf32, #tpu.memory_space<hbm>> -> memref<10000x64xf32, #tpu.memory_space<hbm>>
      %dma_start3A_270 = arith.constant 0 : i32
      %dma_start3A_271 = arith.constant 0 : i32
      %dma_start3A_272 = tpu.memref_slice %dma_start3A_269[%dma_start3A_270, %dma_start3A_271] : memref<10000x64xf32, #tpu.memory_space<hbm>> -> memref<10000x64xf32, #tpu.memory_space<hbm>>
      tpu.enqueue_indirect_dma source(%dma_start3A_272 : memref<10000x64xf32, #tpu.memory_space<hbm>>) target(%arg17 : memref<80x64xf32, #tpu.memory_space<vmem>>) offsets(%arg12 : memref<80xi32, #tpu.memory_space<vmem>>) semaphore(%arg27 : memref<!tpu.dma_semaphore, #tpu.memory_space<semaphore_mem>>)
      %dma_wait3A_273 = arith.constant 0 : i32
      %dma_wait3A_274 = arith.constant 0 : i32
      %dma_wait3A_275 = tpu.memref_slice %arg2[%arg0, %dma_wait3A_273, %dma_wait3A_274] : memref<2x10000x64xf32, #tpu.memory_space<hbm>> -> memref<1x10000x64xf32, #tpu.memory_space<hbm>>
      %dma_wait3A_276 = tpu.memref_squeeze %dma_wait3A_275 : memref<1x10000x64xf32, #tpu.memory_space<hbm>> -> memref<10000x64xf32, #tpu.memory_space<hbm>>
      %dma_wait3A_277 = arith.constant 0 : i32
      %dma_wait3A_278 = arith.constant 0 : i32
      %dma_wait3A_279 = tpu.memref_slice %dma_wait3A_276[%dma_wait3A_277, %dma_wait3A_278] : memref<10000x64xf32, #tpu.memory_space<hbm>> -> memref<10000x64xf32, #tpu.memory_space<hbm>>
      tpu.wait_indirect_dma semaphore(%arg25 : memref<!tpu.dma_semaphore, #tpu.memory_space<semaphore_mem>>) src(%dma_wait3A_279 : memref<10000x64xf32, #tpu.memory_space<hbm>>) dst(%arg15 : memref<80x64xf32, #tpu.memory_space<vmem>>)
      "tpu.region"() ({
        %run_scoped3A = tpu.sem_alloc : memref<!tpu.dma_semaphore, #tpu.memory_space<semaphore_mem>>
        %dma_start3A_360 = arith.constant 0 : i32
        %dma_start3A_361 = arith.constant 0 : i32
        %dma_start3A_362 = tpu.memref_slice %arg19[%dma_start3A_360, %dma_start3A_361] : memref<10000x64xf32, #tpu.memory_space<vmem_shared>> -> memref<10000x64xf32, #tpu.memory_space<vmem_shared>>
        tpu.enqueue_indirect_dma source(%arg15 : memref<80x64xf32, #tpu.memory_space<vmem>>) target(%dma_start3A_362 : memref<10000x64xf32, #tpu.memory_space<vmem_shared>>) offsets(%arg9 : memref<80xi32, #tpu.memory_space<vmem>>) semaphore(%run_scoped3A : memref<!tpu.dma_semaphore, #tpu.memory_space<semaphore_mem>>) {add = true}
        %dma_wait3A_363 = arith.constant 0 : i32
        %dma_wait3A_364 = arith.constant 0 : i32
        %dma_wait3A_365 = tpu.memref_slice %arg19[%dma_wait3A_363, %dma_wait3A_364] : memref<10000x64xf32, #tpu.memory_space<vmem_shared>> -> memref<10000x64xf32, #tpu.memory_space<vmem_shared>>
        tpu.wait_indirect_dma semaphore(%run_scoped3A : memref<!tpu.dma_semaphore, #tpu.memory_space<semaphore_mem>>) src(%arg15 : memref<80x64xf32, #tpu.memory_space<vmem>>) dst(%dma_wait3A_365 : memref<10000x64xf32, #tpu.memory_space<vmem_shared>>)
        tpu.yield
      }) : () -> ()
      %add3A_280 = arith.constant 2 : i32
      %add3A_281 = arith.addi %add3A_199, %add3A_280 : i32
      %add3A_282 = arith.constant 3 : i32
      %add3A_283 = arith.addi %add3A_281, %add3A_282 : i32
      %mul3A_284 = arith.constant 20000 : i32
      %mul3A_285 = arith.muli %arg1, %mul3A_284 : i32
      %mul3A_286 = arith.constant 80 : i32
      %mul3A_287 = arith.muli %add3A_283, %mul3A_286 : i32
      %add3A_288 = arith.addi %mul3A_285, %mul3A_287 : i32
      %dma_start3A_289 = tpu.memref_slice %arg3[%add3A_288] : memref<320000xi32, #tpu.memory_space<hbm>> -> memref<80xi32, #tpu.memory_space<hbm>>
      %dma_start3A_290 = tpu.memref_slice %arg3[%add3A_288] : memref<320000xi32, #tpu.memory_space<hbm>> -> memref<80xi32, #tpu.memory_space<hbm>>
      tpu.enqueue_dma source(%dma_start3A_290 : memref<80xi32, #tpu.memory_space<hbm>>) target(%arg8 : memref<80xi32, #tpu.memory_space<vmem>>) target_semaphore(%arg21 : memref<!tpu.dma_semaphore, #tpu.memory_space<semaphore_mem>>)
      %dma_start3A_291 = tpu.memref_slice %arg4[%add3A_288] : memref<320000xi32, #tpu.memory_space<hbm>> -> memref<80xi32, #tpu.memory_space<hbm>>
      %dma_start3A_292 = tpu.memref_slice %arg4[%add3A_288] : memref<320000xi32, #tpu.memory_space<hbm>> -> memref<80xi32, #tpu.memory_space<hbm>>
      tpu.enqueue_dma source(%dma_start3A_292 : memref<80xi32, #tpu.memory_space<hbm>>) target(%arg9 : memref<80xi32, #tpu.memory_space<vmem>>) target_semaphore(%arg21 : memref<!tpu.dma_semaphore, #tpu.memory_space<semaphore_mem>>)
      %add3A_293 = arith.constant 2 : i32
      %add3A_294 = arith.addi %add3A_199, %add3A_293 : i32
      %add3A_295 = arith.constant 2 : i32
      %add3A_296 = arith.addi %add3A_294, %add3A_295 : i32
      %mul3A_297 = arith.constant 20000 : i32
      %mul3A_298 = arith.muli %arg1, %mul3A_297 : i32
      %mul3A_299 = arith.constant 80 : i32
      %mul3A_300 = arith.muli %add3A_296, %mul3A_299 : i32
      %add3A_301 = arith.addi %mul3A_298, %mul3A_300 : i32
      %dma_wait3A_302 = tpu.memref_slice %arg3[%add3A_301] : memref<320000xi32, #tpu.memory_space<hbm>> -> memref<80xi32, #tpu.memory_space<hbm>>
      %dma_wait3A_303 = tpu.memref_slice %arg3[%add3A_301] : memref<320000xi32, #tpu.memory_space<hbm>> -> memref<80xi32, #tpu.memory_space<hbm>>
      tpu.wait_dma2 semaphore(%arg20 : memref<!tpu.dma_semaphore, #tpu.memory_space<semaphore_mem>>) src(%dma_wait3A_303 : memref<80xi32, #tpu.memory_space<hbm>>) dst(%arg6 : memref<80xi32, #tpu.memory_space<vmem>>)
      %dma_wait3A_304 = tpu.memref_slice %arg4[%add3A_301] : memref<320000xi32, #tpu.memory_space<hbm>> -> memref<80xi32, #tpu.memory_space<hbm>>
      %dma_wait3A_305 = tpu.memref_slice %arg4[%add3A_301] : memref<320000xi32, #tpu.memory_space<hbm>> -> memref<80xi32, #tpu.memory_space<hbm>>
      tpu.wait_dma2 semaphore(%arg20 : memref<!tpu.dma_semaphore, #tpu.memory_space<semaphore_mem>>) src(%dma_wait3A_305 : memref<80xi32, #tpu.memory_space<hbm>>) dst(%arg7 : memref<80xi32, #tpu.memory_space<vmem>>)
      %dma_start3A_306 = arith.constant 0 : i32
      %dma_start3A_307 = arith.constant 0 : i32
      %dma_start3A_308 = tpu.memref_slice %arg2[%arg0, %dma_start3A_306, %dma_start3A_307] : memref<2x10000x64xf32, #tpu.memory_space<hbm>> -> memref<1x10000x64xf32, #tpu.memory_space<hbm>>
      %dma_start3A_309 = tpu.memref_squeeze %dma_start3A_308 : memref<1x10000x64xf32, #tpu.memory_space<hbm>> -> memref<10000x64xf32, #tpu.memory_space<hbm>>
      %dma_start3A_310 = arith.constant 0 : i32
      %dma_start3A_311 = arith.constant 0 : i32
      %dma_start3A_312 = tpu.memref_slice %dma_start3A_309[%dma_start3A_310, %dma_start3A_311] : memref<10000x64xf32, #tpu.memory_space<hbm>> -> memref<10000x64xf32, #tpu.memory_space<hbm>>
      tpu.enqueue_indirect_dma source(%dma_start3A_312 : memref<10000x64xf32, #tpu.memory_space<hbm>>) target(%arg14 : memref<80x64xf32, #tpu.memory_space<vmem>>) offsets(%arg6 : memref<80xi32, #tpu.memory_space<vmem>>) semaphore(%arg24 : memref<!tpu.dma_semaphore, #tpu.memory_space<semaphore_mem>>)
      %dma_wait3A_313 = arith.constant 0 : i32
      %dma_wait3A_314 = arith.constant 0 : i32
      %dma_wait3A_315 = tpu.memref_slice %arg2[%arg0, %dma_wait3A_313, %dma_wait3A_314] : memref<2x10000x64xf32, #tpu.memory_space<hbm>> -> memref<1x10000x64xf32, #tpu.memory_space<hbm>>
      %dma_wait3A_316 = tpu.memref_squeeze %dma_wait3A_315 : memref<1x10000x64xf32, #tpu.memory_space<hbm>> -> memref<10000x64xf32, #tpu.memory_space<hbm>>
      %dma_wait3A_317 = arith.constant 0 : i32
      %dma_wait3A_318 = arith.constant 0 : i32
      %dma_wait3A_319 = tpu.memref_slice %dma_wait3A_316[%dma_wait3A_317, %dma_wait3A_318] : memref<10000x64xf32, #tpu.memory_space<hbm>> -> memref<10000x64xf32, #tpu.memory_space<hbm>>
      tpu.wait_indirect_dma semaphore(%arg26 : memref<!tpu.dma_semaphore, #tpu.memory_space<semaphore_mem>>) src(%dma_wait3A_319 : memref<10000x64xf32, #tpu.memory_space<hbm>>) dst(%arg16 : memref<80x64xf32, #tpu.memory_space<vmem>>)
      "tpu.region"() ({
        %run_scoped3A = tpu.sem_alloc : memref<!tpu.dma_semaphore, #tpu.memory_space<semaphore_mem>>
        %dma_start3A_360 = arith.constant 0 : i32
        %dma_start3A_361 = arith.constant 0 : i32
        %dma_start3A_362 = tpu.memref_slice %arg19[%dma_start3A_360, %dma_start3A_361] : memref<10000x64xf32, #tpu.memory_space<vmem_shared>> -> memref<10000x64xf32, #tpu.memory_space<vmem_shared>>
        tpu.enqueue_indirect_dma source(%arg16 : memref<80x64xf32, #tpu.memory_space<vmem>>) target(%dma_start3A_362 : memref<10000x64xf32, #tpu.memory_space<vmem_shared>>) offsets(%arg11 : memref<80xi32, #tpu.memory_space<vmem>>) semaphore(%run_scoped3A : memref<!tpu.dma_semaphore, #tpu.memory_space<semaphore_mem>>) {add = true}
        %dma_wait3A_363 = arith.constant 0 : i32
        %dma_wait3A_364 = arith.constant 0 : i32
        %dma_wait3A_365 = tpu.memref_slice %arg19[%dma_wait3A_363, %dma_wait3A_364] : memref<10000x64xf32, #tpu.memory_space<vmem_shared>> -> memref<10000x64xf32, #tpu.memory_space<vmem_shared>>
        tpu.wait_indirect_dma semaphore(%run_scoped3A : memref<!tpu.dma_semaphore, #tpu.memory_space<semaphore_mem>>) src(%arg16 : memref<80x64xf32, #tpu.memory_space<vmem>>) dst(%dma_wait3A_365 : memref<10000x64xf32, #tpu.memory_space<vmem_shared>>)
        tpu.yield
      }) : () -> ()
      %add3A_320 = arith.constant 3 : i32
      %add3A_321 = arith.addi %add3A_199, %add3A_320 : i32
      %add3A_322 = arith.constant 3 : i32
      %add3A_323 = arith.addi %add3A_321, %add3A_322 : i32
      %mul3A_324 = arith.constant 20000 : i32
      %mul3A_325 = arith.muli %arg1, %mul3A_324 : i32
      %mul3A_326 = arith.constant 80 : i32
      %mul3A_327 = arith.muli %add3A_323, %mul3A_326 : i32
      %add3A_328 = arith.addi %mul3A_325, %mul3A_327 : i32
      %dma_start3A_329 = tpu.memref_slice %arg3[%add3A_328] : memref<320000xi32, #tpu.memory_space<hbm>> -> memref<80xi32, #tpu.memory_space<hbm>>
      %dma_start3A_330 = tpu.memref_slice %arg3[%add3A_328] : memref<320000xi32, #tpu.memory_space<hbm>> -> memref<80xi32, #tpu.memory_space<hbm>>
      tpu.enqueue_dma source(%dma_start3A_330 : memref<80xi32, #tpu.memory_space<hbm>>) target(%arg10 : memref<80xi32, #tpu.memory_space<vmem>>) target_semaphore(%arg22 : memref<!tpu.dma_semaphore, #tpu.memory_space<semaphore_mem>>)
      %dma_start3A_331 = tpu.memref_slice %arg4[%add3A_328] : memref<320000xi32, #tpu.memory_space<hbm>> -> memref<80xi32, #tpu.memory_space<hbm>>
      %dma_start3A_332 = tpu.memref_slice %arg4[%add3A_328] : memref<320000xi32, #tpu.memory_space<hbm>> -> memref<80xi32, #tpu.memory_space<hbm>>
      tpu.enqueue_dma source(%dma_start3A_332 : memref<80xi32, #tpu.memory_space<hbm>>) target(%arg11 : memref<80xi32, #tpu.memory_space<vmem>>) target_semaphore(%arg22 : memref<!tpu.dma_semaphore, #tpu.memory_space<semaphore_mem>>)
      %add3A_333 = arith.constant 3 : i32
      %add3A_334 = arith.addi %add3A_199, %add3A_333 : i32
      %add3A_335 = arith.constant 2 : i32
      %add3A_336 = arith.addi %add3A_334, %add3A_335 : i32
      %mul3A_337 = arith.constant 20000 : i32
      %mul3A_338 = arith.muli %arg1, %mul3A_337 : i32
      %mul3A_339 = arith.constant 80 : i32
      %mul3A_340 = arith.muli %add3A_336, %mul3A_339 : i32
      %add3A_341 = arith.addi %mul3A_338, %mul3A_340 : i32
      %dma_wait3A_342 = tpu.memref_slice %arg3[%add3A_341] : memref<320000xi32, #tpu.memory_space<hbm>> -> memref<80xi32, #tpu.memory_space<hbm>>
      %dma_wait3A_343 = tpu.memref_slice %arg3[%add3A_341] : memref<320000xi32, #tpu.memory_space<hbm>> -> memref<80xi32, #tpu.memory_space<hbm>>
      tpu.wait_dma2 semaphore(%arg21 : memref<!tpu.dma_semaphore, #tpu.memory_space<semaphore_mem>>) src(%dma_wait3A_343 : memref<80xi32, #tpu.memory_space<hbm>>) dst(%arg8 : memref<80xi32, #tpu.memory_space<vmem>>)
      %dma_wait3A_344 = tpu.memref_slice %arg4[%add3A_341] : memref<320000xi32, #tpu.memory_space<hbm>> -> memref<80xi32, #tpu.memory_space<hbm>>
      %dma_wait3A_345 = tpu.memref_slice %arg4[%add3A_341] : memref<320000xi32, #tpu.memory_space<hbm>> -> memref<80xi32, #tpu.memory_space<hbm>>
      tpu.wait_dma2 semaphore(%arg21 : memref<!tpu.dma_semaphore, #tpu.memory_space<semaphore_mem>>) src(%dma_wait3A_345 : memref<80xi32, #tpu.memory_space<hbm>>) dst(%arg9 : memref<80xi32, #tpu.memory_space<vmem>>)
      %dma_start3A_346 = arith.constant 0 : i32
      %dma_start3A_347 = arith.constant 0 : i32
      %dma_start3A_348 = tpu.memref_slice %arg2[%arg0, %dma_start3A_346, %dma_start3A_347] : memref<2x10000x64xf32, #tpu.memory_space<hbm>> -> memref<1x10000x64xf32, #tpu.memory_space<hbm>>
      %dma_start3A_349 = tpu.memref_squeeze %dma_start3A_348 : memref<1x10000x64xf32, #tpu.memory_space<hbm>> -> memref<10000x64xf32, #tpu.memory_space<hbm>>
      %dma_start3A_350 = arith.constant 0 : i32
      %dma_start3A_351 = arith.constant 0 : i32
      %dma_start3A_352 = tpu.memref_slice %dma_start3A_349[%dma_start3A_350, %dma_start3A_351] : memref<10000x64xf32, #tpu.memory_space<hbm>> -> memref<10000x64xf32, #tpu.memory_space<hbm>>
      tpu.enqueue_indirect_dma source(%dma_start3A_352 : memref<10000x64xf32, #tpu.memory_space<hbm>>) target(%arg15 : memref<80x64xf32, #tpu.memory_space<vmem>>) offsets(%arg8 : memref<80xi32, #tpu.memory_space<vmem>>) semaphore(%arg25 : memref<!tpu.dma_semaphore, #tpu.memory_space<semaphore_mem>>)
      %dma_wait3A_353 = arith.constant 0 : i32
      %dma_wait3A_354 = arith.constant 0 : i32
      %dma_wait3A_355 = tpu.memref_slice %arg2[%arg0, %dma_wait3A_353, %dma_wait3A_354] : memref<2x10000x64xf32, #tpu.memory_space<hbm>> -> memref<1x10000x64xf32, #tpu.memory_space<hbm>>
      %dma_wait3A_356 = tpu.memref_squeeze %dma_wait3A_355 : memref<1x10000x64xf32, #tpu.memory_space<hbm>> -> memref<10000x64xf32, #tpu.memory_space<hbm>>
      %dma_wait3A_357 = arith.constant 0 : i32
      %dma_wait3A_358 = arith.constant 0 : i32
      %dma_wait3A_359 = tpu.memref_slice %dma_wait3A_356[%dma_wait3A_357, %dma_wait3A_358] : memref<10000x64xf32, #tpu.memory_space<hbm>> -> memref<10000x64xf32, #tpu.memory_space<hbm>>
      tpu.wait_indirect_dma semaphore(%arg27 : memref<!tpu.dma_semaphore, #tpu.memory_space<semaphore_mem>>) src(%dma_wait3A_359 : memref<10000x64xf32, #tpu.memory_space<hbm>>) dst(%arg17 : memref<80x64xf32, #tpu.memory_space<vmem>>)
      "tpu.region"() ({
        %run_scoped3A = tpu.sem_alloc : memref<!tpu.dma_semaphore, #tpu.memory_space<semaphore_mem>>
        %dma_start3A_360 = arith.constant 0 : i32
        %dma_start3A_361 = arith.constant 0 : i32
        %dma_start3A_362 = tpu.memref_slice %arg19[%dma_start3A_360, %dma_start3A_361] : memref<10000x64xf32, #tpu.memory_space<vmem_shared>> -> memref<10000x64xf32, #tpu.memory_space<vmem_shared>>
        tpu.enqueue_indirect_dma source(%arg17 : memref<80x64xf32, #tpu.memory_space<vmem>>) target(%dma_start3A_362 : memref<10000x64xf32, #tpu.memory_space<vmem_shared>>) offsets(%arg13 : memref<80xi32, #tpu.memory_space<vmem>>) semaphore(%run_scoped3A : memref<!tpu.dma_semaphore, #tpu.memory_space<semaphore_mem>>) {add = true}
        %dma_wait3A_363 = arith.constant 0 : i32
        %dma_wait3A_364 = arith.constant 0 : i32
        %dma_wait3A_365 = tpu.memref_slice %arg19[%dma_wait3A_363, %dma_wait3A_364] : memref<10000x64xf32, #tpu.memory_space<vmem_shared>> -> memref<10000x64xf32, #tpu.memory_space<vmem_shared>>
        tpu.wait_indirect_dma semaphore(%run_scoped3A : memref<!tpu.dma_semaphore, #tpu.memory_space<semaphore_mem>>) src(%arg17 : memref<80x64xf32, #tpu.memory_space<vmem>>) dst(%dma_wait3A_365 : memref<10000x64xf32, #tpu.memory_space<vmem_shared>>)
        tpu.yield
      }) : () -> ()
    }
    %scan3A_63 = arith.constant 61 : i32
    %mul3A_64 = arith.constant 20000 : i32
    %mul3A_65 = arith.muli %arg1, %mul3A_64 : i32
    %add3A_66 = arith.constant 19760 : i32
    %add3A_67 = arith.addi %mul3A_65, %add3A_66 : i32
    %dma_start3A_68 = tpu.memref_slice %arg3[%add3A_67] : memref<320000xi32, #tpu.memory_space<hbm>> -> memref<80xi32, #tpu.memory_space<hbm>>
    %dma_start3A_69 = tpu.memref_slice %arg3[%add3A_67] : memref<320000xi32, #tpu.memory_space<hbm>> -> memref<80xi32, #tpu.memory_space<hbm>>
    tpu.enqueue_dma source(%dma_start3A_69 : memref<80xi32, #tpu.memory_space<hbm>>) target(%arg12 : memref<80xi32, #tpu.memory_space<vmem>>) target_semaphore(%arg23 : memref<!tpu.dma_semaphore, #tpu.memory_space<semaphore_mem>>)
    %dma_start3A_70 = tpu.memref_slice %arg4[%add3A_67] : memref<320000xi32, #tpu.memory_space<hbm>> -> memref<80xi32, #tpu.memory_space<hbm>>
    %dma_start3A_71 = tpu.memref_slice %arg4[%add3A_67] : memref<320000xi32, #tpu.memory_space<hbm>> -> memref<80xi32, #tpu.memory_space<hbm>>
    tpu.enqueue_dma source(%dma_start3A_71 : memref<80xi32, #tpu.memory_space<hbm>>) target(%arg13 : memref<80xi32, #tpu.memory_space<vmem>>) target_semaphore(%arg23 : memref<!tpu.dma_semaphore, #tpu.memory_space<semaphore_mem>>)
    %mul3A_72 = arith.constant 20000 : i32
    %mul3A_73 = arith.muli %arg1, %mul3A_72 : i32
    %add3A_74 = arith.constant 19680 : i32
    %add3A_75 = arith.addi %mul3A_73, %add3A_74 : i32
    %dma_wait3A_76 = tpu.memref_slice %arg3[%add3A_75] : memref<320000xi32, #tpu.memory_space<hbm>> -> memref<80xi32, #tpu.memory_space<hbm>>
    %dma_wait3A_77 = tpu.memref_slice %arg3[%add3A_75] : memref<320000xi32, #tpu.memory_space<hbm>> -> memref<80xi32, #tpu.memory_space<hbm>>
    tpu.wait_dma2 semaphore(%arg22 : memref<!tpu.dma_semaphore, #tpu.memory_space<semaphore_mem>>) src(%dma_wait3A_77 : memref<80xi32, #tpu.memory_space<hbm>>) dst(%arg10 : memref<80xi32, #tpu.memory_space<vmem>>)
    %dma_wait3A_78 = tpu.memref_slice %arg4[%add3A_75] : memref<320000xi32, #tpu.memory_space<hbm>> -> memref<80xi32, #tpu.memory_space<hbm>>
    %dma_wait3A_79 = tpu.memref_slice %arg4[%add3A_75] : memref<320000xi32, #tpu.memory_space<hbm>> -> memref<80xi32, #tpu.memory_space<hbm>>
    tpu.wait_dma2 semaphore(%arg22 : memref<!tpu.dma_semaphore, #tpu.memory_space<semaphore_mem>>) src(%dma_wait3A_79 : memref<80xi32, #tpu.memory_space<hbm>>) dst(%arg11 : memref<80xi32, #tpu.memory_space<vmem>>)
    %dma_start3A_80 = arith.constant 0 : i32
    %dma_start3A_81 = arith.constant 0 : i32
    %dma_start3A_82 = tpu.memref_slice %arg2[%arg0, %dma_start3A_80, %dma_start3A_81] : memref<2x10000x64xf32, #tpu.memory_space<hbm>> -> memref<1x10000x64xf32, #tpu.memory_space<hbm>>
    %dma_start3A_83 = tpu.memref_squeeze %dma_start3A_82 : memref<1x10000x64xf32, #tpu.memory_space<hbm>> -> memref<10000x64xf32, #tpu.memory_space<hbm>>
    %dma_start3A_84 = arith.constant 0 : i32
    %dma_start3A_85 = arith.constant 0 : i32
    %dma_start3A_86 = tpu.memref_slice %dma_start3A_83[%dma_start3A_84, %dma_start3A_85] : memref<10000x64xf32, #tpu.memory_space<hbm>> -> memref<10000x64xf32, #tpu.memory_space<hbm>>
    tpu.enqueue_indirect_dma source(%dma_start3A_86 : memref<10000x64xf32, #tpu.memory_space<hbm>>) target(%arg16 : memref<80x64xf32, #tpu.memory_space<vmem>>) offsets(%arg10 : memref<80xi32, #tpu.memory_space<vmem>>) semaphore(%arg26 : memref<!tpu.dma_semaphore, #tpu.memory_space<semaphore_mem>>)
    %dma_wait3A_87 = arith.constant 0 : i32
    %dma_wait3A_88 = arith.constant 0 : i32
    %dma_wait3A_89 = tpu.memref_slice %arg2[%arg0, %dma_wait3A_87, %dma_wait3A_88] : memref<2x10000x64xf32, #tpu.memory_space<hbm>> -> memref<1x10000x64xf32, #tpu.memory_space<hbm>>
    %dma_wait3A_90 = tpu.memref_squeeze %dma_wait3A_89 : memref<1x10000x64xf32, #tpu.memory_space<hbm>> -> memref<10000x64xf32, #tpu.memory_space<hbm>>
    %dma_wait3A_91 = arith.constant 0 : i32
    %dma_wait3A_92 = arith.constant 0 : i32
    %dma_wait3A_93 = tpu.memref_slice %dma_wait3A_90[%dma_wait3A_91, %dma_wait3A_92] : memref<10000x64xf32, #tpu.memory_space<hbm>> -> memref<10000x64xf32, #tpu.memory_space<hbm>>
    tpu.wait_indirect_dma semaphore(%arg24 : memref<!tpu.dma_semaphore, #tpu.memory_space<semaphore_mem>>) src(%dma_wait3A_93 : memref<10000x64xf32, #tpu.memory_space<hbm>>) dst(%arg14 : memref<80x64xf32, #tpu.memory_space<vmem>>)
    "tpu.region"() ({
      %run_scoped3A = tpu.sem_alloc : memref<!tpu.dma_semaphore, #tpu.memory_space<semaphore_mem>>
      %dma_start3A_195 = arith.constant 0 : i32
      %dma_start3A_196 = arith.constant 0 : i32
      %dma_start3A_197 = tpu.memref_slice %arg19[%dma_start3A_195, %dma_start3A_196] : memref<10000x64xf32, #tpu.memory_space<vmem_shared>> -> memref<10000x64xf32, #tpu.memory_space<vmem_shared>>
      tpu.enqueue_indirect_dma source(%arg14 : memref<80x64xf32, #tpu.memory_space<vmem>>) target(%dma_start3A_197 : memref<10000x64xf32, #tpu.memory_space<vmem_shared>>) offsets(%arg7 : memref<80xi32, #tpu.memory_space<vmem>>) semaphore(%run_scoped3A : memref<!tpu.dma_semaphore, #tpu.memory_space<semaphore_mem>>) {add = true}
      %dma_wait3A_198 = arith.constant 0 : i32
      %dma_wait3A_199 = arith.constant 0 : i32
      %dma_wait3A_200 = tpu.memref_slice %arg19[%dma_wait3A_198, %dma_wait3A_199] : memref<10000x64xf32, #tpu.memory_space<vmem_shared>> -> memref<10000x64xf32, #tpu.memory_space<vmem_shared>>
      tpu.wait_indirect_dma semaphore(%run_scoped3A : memref<!tpu.dma_semaphore, #tpu.memory_space<semaphore_mem>>) src(%arg14 : memref<80x64xf32, #tpu.memory_space<vmem>>) dst(%dma_wait3A_200 : memref<10000x64xf32, #tpu.memory_space<vmem_shared>>)
      tpu.yield
    }) : () -> ()
    %mul3A_94 = arith.constant 20000 : i32
    %mul3A_95 = arith.muli %arg1, %mul3A_94 : i32
    %add3A_96 = arith.constant 19840 : i32
    %add3A_97 = arith.addi %mul3A_95, %add3A_96 : i32
    %dma_start3A_98 = tpu.memref_slice %arg3[%add3A_97] : memref<320000xi32, #tpu.memory_space<hbm>> -> memref<80xi32, #tpu.memory_space<hbm>>
    %dma_start3A_99 = tpu.memref_slice %arg3[%add3A_97] : memref<320000xi32, #tpu.memory_space<hbm>> -> memref<80xi32, #tpu.memory_space<hbm>>
    tpu.enqueue_dma source(%dma_start3A_99 : memref<80xi32, #tpu.memory_space<hbm>>) target(%arg6 : memref<80xi32, #tpu.memory_space<vmem>>) target_semaphore(%arg20 : memref<!tpu.dma_semaphore, #tpu.memory_space<semaphore_mem>>)
    %dma_start3A_100 = tpu.memref_slice %arg4[%add3A_97] : memref<320000xi32, #tpu.memory_space<hbm>> -> memref<80xi32, #tpu.memory_space<hbm>>
    %dma_start3A_101 = tpu.memref_slice %arg4[%add3A_97] : memref<320000xi32, #tpu.memory_space<hbm>> -> memref<80xi32, #tpu.memory_space<hbm>>
    tpu.enqueue_dma source(%dma_start3A_101 : memref<80xi32, #tpu.memory_space<hbm>>) target(%arg7 : memref<80xi32, #tpu.memory_space<vmem>>) target_semaphore(%arg20 : memref<!tpu.dma_semaphore, #tpu.memory_space<semaphore_mem>>)
    %mul3A_102 = arith.constant 20000 : i32
    %mul3A_103 = arith.muli %arg1, %mul3A_102 : i32
    %add3A_104 = arith.constant 19760 : i32
    %add3A_105 = arith.addi %mul3A_103, %add3A_104 : i32
    %dma_wait3A_106 = tpu.memref_slice %arg3[%add3A_105] : memref<320000xi32, #tpu.memory_space<hbm>> -> memref<80xi32, #tpu.memory_space<hbm>>
    %dma_wait3A_107 = tpu.memref_slice %arg3[%add3A_105] : memref<320000xi32, #tpu.memory_space<hbm>> -> memref<80xi32, #tpu.memory_space<hbm>>
    tpu.wait_dma2 semaphore(%arg23 : memref<!tpu.dma_semaphore, #tpu.memory_space<semaphore_mem>>) src(%dma_wait3A_107 : memref<80xi32, #tpu.memory_space<hbm>>) dst(%arg12 : memref<80xi32, #tpu.memory_space<vmem>>)
    %dma_wait3A_108 = tpu.memref_slice %arg4[%add3A_105] : memref<320000xi32, #tpu.memory_space<hbm>> -> memref<80xi32, #tpu.memory_space<hbm>>
    %dma_wait3A_109 = tpu.memref_slice %arg4[%add3A_105] : memref<320000xi32, #tpu.memory_space<hbm>> -> memref<80xi32, #tpu.memory_space<hbm>>
    tpu.wait_dma2 semaphore(%arg23 : memref<!tpu.dma_semaphore, #tpu.memory_space<semaphore_mem>>) src(%dma_wait3A_109 : memref<80xi32, #tpu.memory_space<hbm>>) dst(%arg13 : memref<80xi32, #tpu.memory_space<vmem>>)
    %dma_start3A_110 = arith.constant 0 : i32
    %dma_start3A_111 = arith.constant 0 : i32
    %dma_start3A_112 = tpu.memref_slice %arg2[%arg0, %dma_start3A_110, %dma_start3A_111] : memref<2x10000x64xf32, #tpu.memory_space<hbm>> -> memref<1x10000x64xf32, #tpu.memory_space<hbm>>
    %dma_start3A_113 = tpu.memref_squeeze %dma_start3A_112 : memref<1x10000x64xf32, #tpu.memory_space<hbm>> -> memref<10000x64xf32, #tpu.memory_space<hbm>>
    %dma_start3A_114 = arith.constant 0 : i32
    %dma_start3A_115 = arith.constant 0 : i32
    %dma_start3A_116 = tpu.memref_slice %dma_start3A_113[%dma_start3A_114, %dma_start3A_115] : memref<10000x64xf32, #tpu.memory_space<hbm>> -> memref<10000x64xf32, #tpu.memory_space<hbm>>
    tpu.enqueue_indirect_dma source(%dma_start3A_116 : memref<10000x64xf32, #tpu.memory_space<hbm>>) target(%arg17 : memref<80x64xf32, #tpu.memory_space<vmem>>) offsets(%arg12 : memref<80xi32, #tpu.memory_space<vmem>>) semaphore(%arg27 : memref<!tpu.dma_semaphore, #tpu.memory_space<semaphore_mem>>)
    %dma_wait3A_117 = arith.constant 0 : i32
    %dma_wait3A_118 = arith.constant 0 : i32
    %dma_wait3A_119 = tpu.memref_slice %arg2[%arg0, %dma_wait3A_117, %dma_wait3A_118] : memref<2x10000x64xf32, #tpu.memory_space<hbm>> -> memref<1x10000x64xf32, #tpu.memory_space<hbm>>
    %dma_wait3A_120 = tpu.memref_squeeze %dma_wait3A_119 : memref<1x10000x64xf32, #tpu.memory_space<hbm>> -> memref<10000x64xf32, #tpu.memory_space<hbm>>
    %dma_wait3A_121 = arith.constant 0 : i32
    %dma_wait3A_122 = arith.constant 0 : i32
    %dma_wait3A_123 = tpu.memref_slice %dma_wait3A_120[%dma_wait3A_121, %dma_wait3A_122] : memref<10000x64xf32, #tpu.memory_space<hbm>> -> memref<10000x64xf32, #tpu.memory_space<hbm>>
    tpu.wait_indirect_dma semaphore(%arg25 : memref<!tpu.dma_semaphore, #tpu.memory_space<semaphore_mem>>) src(%dma_wait3A_123 : memref<10000x64xf32, #tpu.memory_space<hbm>>) dst(%arg15 : memref<80x64xf32, #tpu.memory_space<vmem>>)
    "tpu.region"() ({
      %run_scoped3A = tpu.sem_alloc : memref<!tpu.dma_semaphore, #tpu.memory_space<semaphore_mem>>
      %dma_start3A_195 = arith.constant 0 : i32
      %dma_start3A_196 = arith.constant 0 : i32
      %dma_start3A_197 = tpu.memref_slice %arg19[%dma_start3A_195, %dma_start3A_196] : memref<10000x64xf32, #tpu.memory_space<vmem_shared>> -> memref<10000x64xf32, #tpu.memory_space<vmem_shared>>
      tpu.enqueue_indirect_dma source(%arg15 : memref<80x64xf32, #tpu.memory_space<vmem>>) target(%dma_start3A_197 : memref<10000x64xf32, #tpu.memory_space<vmem_shared>>) offsets(%arg9 : memref<80xi32, #tpu.memory_space<vmem>>) semaphore(%run_scoped3A : memref<!tpu.dma_semaphore, #tpu.memory_space<semaphore_mem>>) {add = true}
      %dma_wait3A_198 = arith.constant 0 : i32
      %dma_wait3A_199 = arith.constant 0 : i32
      %dma_wait3A_200 = tpu.memref_slice %arg19[%dma_wait3A_198, %dma_wait3A_199] : memref<10000x64xf32, #tpu.memory_space<vmem_shared>> -> memref<10000x64xf32, #tpu.memory_space<vmem_shared>>
      tpu.wait_indirect_dma semaphore(%run_scoped3A : memref<!tpu.dma_semaphore, #tpu.memory_space<semaphore_mem>>) src(%arg15 : memref<80x64xf32, #tpu.memory_space<vmem>>) dst(%dma_wait3A_200 : memref<10000x64xf32, #tpu.memory_space<vmem_shared>>)
      tpu.yield
    }) : () -> ()
    %mul3A_124 = arith.constant 20000 : i32
    %mul3A_125 = arith.muli %arg1, %mul3A_124 : i32
    %add3A_126 = arith.constant 19920 : i32
    %add3A_127 = arith.addi %mul3A_125, %add3A_126 : i32
    %dma_start3A_128 = tpu.memref_slice %arg3[%add3A_127] : memref<320000xi32, #tpu.memory_space<hbm>> -> memref<80xi32, #tpu.memory_space<hbm>>
    %dma_start3A_129 = tpu.memref_slice %arg3[%add3A_127] : memref<320000xi32, #tpu.memory_space<hbm>> -> memref<80xi32, #tpu.memory_space<hbm>>
    tpu.enqueue_dma source(%dma_start3A_129 : memref<80xi32, #tpu.memory_space<hbm>>) target(%arg8 : memref<80xi32, #tpu.memory_space<vmem>>) target_semaphore(%arg21 : memref<!tpu.dma_semaphore, #tpu.memory_space<semaphore_mem>>)
    %dma_start3A_130 = tpu.memref_slice %arg4[%add3A_127] : memref<320000xi32, #tpu.memory_space<hbm>> -> memref<80xi32, #tpu.memory_space<hbm>>
    %dma_start3A_131 = tpu.memref_slice %arg4[%add3A_127] : memref<320000xi32, #tpu.memory_space<hbm>> -> memref<80xi32, #tpu.memory_space<hbm>>
    tpu.enqueue_dma source(%dma_start3A_131 : memref<80xi32, #tpu.memory_space<hbm>>) target(%arg9 : memref<80xi32, #tpu.memory_space<vmem>>) target_semaphore(%arg21 : memref<!tpu.dma_semaphore, #tpu.memory_space<semaphore_mem>>)
    %mul3A_132 = arith.constant 20000 : i32
    %mul3A_133 = arith.muli %arg1, %mul3A_132 : i32
    %add3A_134 = arith.constant 19840 : i32
    %add3A_135 = arith.addi %mul3A_133, %add3A_134 : i32
    %dma_wait3A_136 = tpu.memref_slice %arg3[%add3A_135] : memref<320000xi32, #tpu.memory_space<hbm>> -> memref<80xi32, #tpu.memory_space<hbm>>
    %dma_wait3A_137 = tpu.memref_slice %arg3[%add3A_135] : memref<320000xi32, #tpu.memory_space<hbm>> -> memref<80xi32, #tpu.memory_space<hbm>>
    tpu.wait_dma2 semaphore(%arg20 : memref<!tpu.dma_semaphore, #tpu.memory_space<semaphore_mem>>) src(%dma_wait3A_137 : memref<80xi32, #tpu.memory_space<hbm>>) dst(%arg6 : memref<80xi32, #tpu.memory_space<vmem>>)
    %dma_wait3A_138 = tpu.memref_slice %arg4[%add3A_135] : memref<320000xi32, #tpu.memory_space<hbm>> -> memref<80xi32, #tpu.memory_space<hbm>>
    %dma_wait3A_139 = tpu.memref_slice %arg4[%add3A_135] : memref<320000xi32, #tpu.memory_space<hbm>> -> memref<80xi32, #tpu.memory_space<hbm>>
    tpu.wait_dma2 semaphore(%arg20 : memref<!tpu.dma_semaphore, #tpu.memory_space<semaphore_mem>>) src(%dma_wait3A_139 : memref<80xi32, #tpu.memory_space<hbm>>) dst(%arg7 : memref<80xi32, #tpu.memory_space<vmem>>)
    %dma_start3A_140 = arith.constant 0 : i32
    %dma_start3A_141 = arith.constant 0 : i32
    %dma_start3A_142 = tpu.memref_slice %arg2[%arg0, %dma_start3A_140, %dma_start3A_141] : memref<2x10000x64xf32, #tpu.memory_space<hbm>> -> memref<1x10000x64xf32, #tpu.memory_space<hbm>>
    %dma_start3A_143 = tpu.memref_squeeze %dma_start3A_142 : memref<1x10000x64xf32, #tpu.memory_space<hbm>> -> memref<10000x64xf32, #tpu.memory_space<hbm>>
    %dma_start3A_144 = arith.constant 0 : i32
    %dma_start3A_145 = arith.constant 0 : i32
    %dma_start3A_146 = tpu.memref_slice %dma_start3A_143[%dma_start3A_144, %dma_start3A_145] : memref<10000x64xf32, #tpu.memory_space<hbm>> -> memref<10000x64xf32, #tpu.memory_space<hbm>>
    tpu.enqueue_indirect_dma source(%dma_start3A_146 : memref<10000x64xf32, #tpu.memory_space<hbm>>) target(%arg14 : memref<80x64xf32, #tpu.memory_space<vmem>>) offsets(%arg6 : memref<80xi32, #tpu.memory_space<vmem>>) semaphore(%arg24 : memref<!tpu.dma_semaphore, #tpu.memory_space<semaphore_mem>>)
    %dma_wait3A_147 = arith.constant 0 : i32
    %dma_wait3A_148 = arith.constant 0 : i32
    %dma_wait3A_149 = tpu.memref_slice %arg2[%arg0, %dma_wait3A_147, %dma_wait3A_148] : memref<2x10000x64xf32, #tpu.memory_space<hbm>> -> memref<1x10000x64xf32, #tpu.memory_space<hbm>>
    %dma_wait3A_150 = tpu.memref_squeeze %dma_wait3A_149 : memref<1x10000x64xf32, #tpu.memory_space<hbm>> -> memref<10000x64xf32, #tpu.memory_space<hbm>>
    %dma_wait3A_151 = arith.constant 0 : i32
    %dma_wait3A_152 = arith.constant 0 : i32
    %dma_wait3A_153 = tpu.memref_slice %dma_wait3A_150[%dma_wait3A_151, %dma_wait3A_152] : memref<10000x64xf32, #tpu.memory_space<hbm>> -> memref<10000x64xf32, #tpu.memory_space<hbm>>
    tpu.wait_indirect_dma semaphore(%arg26 : memref<!tpu.dma_semaphore, #tpu.memory_space<semaphore_mem>>) src(%dma_wait3A_153 : memref<10000x64xf32, #tpu.memory_space<hbm>>) dst(%arg16 : memref<80x64xf32, #tpu.memory_space<vmem>>)
    "tpu.region"() ({
      %run_scoped3A = tpu.sem_alloc : memref<!tpu.dma_semaphore, #tpu.memory_space<semaphore_mem>>
      %dma_start3A_195 = arith.constant 0 : i32
      %dma_start3A_196 = arith.constant 0 : i32
      %dma_start3A_197 = tpu.memref_slice %arg19[%dma_start3A_195, %dma_start3A_196] : memref<10000x64xf32, #tpu.memory_space<vmem_shared>> -> memref<10000x64xf32, #tpu.memory_space<vmem_shared>>
      tpu.enqueue_indirect_dma source(%arg16 : memref<80x64xf32, #tpu.memory_space<vmem>>) target(%dma_start3A_197 : memref<10000x64xf32, #tpu.memory_space<vmem_shared>>) offsets(%arg11 : memref<80xi32, #tpu.memory_space<vmem>>) semaphore(%run_scoped3A : memref<!tpu.dma_semaphore, #tpu.memory_space<semaphore_mem>>) {add = true}
      %dma_wait3A_198 = arith.constant 0 : i32
      %dma_wait3A_199 = arith.constant 0 : i32
      %dma_wait3A_200 = tpu.memref_slice %arg19[%dma_wait3A_198, %dma_wait3A_199] : memref<10000x64xf32, #tpu.memory_space<vmem_shared>> -> memref<10000x64xf32, #tpu.memory_space<vmem_shared>>
      tpu.wait_indirect_dma semaphore(%run_scoped3A : memref<!tpu.dma_semaphore, #tpu.memory_space<semaphore_mem>>) src(%arg16 : memref<80x64xf32, #tpu.memory_space<vmem>>) dst(%dma_wait3A_200 : memref<10000x64xf32, #tpu.memory_space<vmem_shared>>)
      tpu.yield
    }) : () -> ()
    %mul3A_154 = arith.constant 20000 : i32
    %mul3A_155 = arith.muli %arg1, %mul3A_154 : i32
    %add3A_156 = arith.constant 19920 : i32
    %add3A_157 = arith.addi %mul3A_155, %add3A_156 : i32
    %dma_wait3A_158 = tpu.memref_slice %arg3[%add3A_157] : memref<320000xi32, #tpu.memory_space<hbm>> -> memref<80xi32, #tpu.memory_space<hbm>>
    %dma_wait3A_159 = tpu.memref_slice %arg3[%add3A_157] : memref<320000xi32, #tpu.memory_space<hbm>> -> memref<80xi32, #tpu.memory_space<hbm>>
    tpu.wait_dma2 semaphore(%arg21 : memref<!tpu.dma_semaphore, #tpu.memory_space<semaphore_mem>>) src(%dma_wait3A_159 : memref<80xi32, #tpu.memory_space<hbm>>) dst(%arg8 : memref<80xi32, #tpu.memory_space<vmem>>)
    %dma_wait3A_160 = tpu.memref_slice %arg4[%add3A_157] : memref<320000xi32, #tpu.memory_space<hbm>> -> memref<80xi32, #tpu.memory_space<hbm>>
    %dma_wait3A_161 = tpu.memref_slice %arg4[%add3A_157] : memref<320000xi32, #tpu.memory_space<hbm>> -> memref<80xi32, #tpu.memory_space<hbm>>
    tpu.wait_dma2 semaphore(%arg21 : memref<!tpu.dma_semaphore, #tpu.memory_space<semaphore_mem>>) src(%dma_wait3A_161 : memref<80xi32, #tpu.memory_space<hbm>>) dst(%arg9 : memref<80xi32, #tpu.memory_space<vmem>>)
    %dma_start3A_162 = arith.constant 0 : i32
    %dma_start3A_163 = arith.constant 0 : i32
    %dma_start3A_164 = tpu.memref_slice %arg2[%arg0, %dma_start3A_162, %dma_start3A_163] : memref<2x10000x64xf32, #tpu.memory_space<hbm>> -> memref<1x10000x64xf32, #tpu.memory_space<hbm>>
    %dma_start3A_165 = tpu.memref_squeeze %dma_start3A_164 : memref<1x10000x64xf32, #tpu.memory_space<hbm>> -> memref<10000x64xf32, #tpu.memory_space<hbm>>
    %dma_start3A_166 = arith.constant 0 : i32
    %dma_start3A_167 = arith.constant 0 : i32
    %dma_start3A_168 = tpu.memref_slice %dma_start3A_165[%dma_start3A_166, %dma_start3A_167] : memref<10000x64xf32, #tpu.memory_space<hbm>> -> memref<10000x64xf32, #tpu.memory_space<hbm>>
    tpu.enqueue_indirect_dma source(%dma_start3A_168 : memref<10000x64xf32, #tpu.memory_space<hbm>>) target(%arg15 : memref<80x64xf32, #tpu.memory_space<vmem>>) offsets(%arg8 : memref<80xi32, #tpu.memory_space<vmem>>) semaphore(%arg25 : memref<!tpu.dma_semaphore, #tpu.memory_space<semaphore_mem>>)
    %dma_wait3A_169 = arith.constant 0 : i32
    %dma_wait3A_170 = arith.constant 0 : i32
    %dma_wait3A_171 = tpu.memref_slice %arg2[%arg0, %dma_wait3A_169, %dma_wait3A_170] : memref<2x10000x64xf32, #tpu.memory_space<hbm>> -> memref<1x10000x64xf32, #tpu.memory_space<hbm>>
    %dma_wait3A_172 = tpu.memref_squeeze %dma_wait3A_171 : memref<1x10000x64xf32, #tpu.memory_space<hbm>> -> memref<10000x64xf32, #tpu.memory_space<hbm>>
    %dma_wait3A_173 = arith.constant 0 : i32
    %dma_wait3A_174 = arith.constant 0 : i32
    %dma_wait3A_175 = tpu.memref_slice %dma_wait3A_172[%dma_wait3A_173, %dma_wait3A_174] : memref<10000x64xf32, #tpu.memory_space<hbm>> -> memref<10000x64xf32, #tpu.memory_space<hbm>>
    tpu.wait_indirect_dma semaphore(%arg27 : memref<!tpu.dma_semaphore, #tpu.memory_space<semaphore_mem>>) src(%dma_wait3A_175 : memref<10000x64xf32, #tpu.memory_space<hbm>>) dst(%arg17 : memref<80x64xf32, #tpu.memory_space<vmem>>)
    "tpu.region"() ({
      %run_scoped3A = tpu.sem_alloc : memref<!tpu.dma_semaphore, #tpu.memory_space<semaphore_mem>>
      %dma_start3A_195 = arith.constant 0 : i32
      %dma_start3A_196 = arith.constant 0 : i32
      %dma_start3A_197 = tpu.memref_slice %arg19[%dma_start3A_195, %dma_start3A_196] : memref<10000x64xf32, #tpu.memory_space<vmem_shared>> -> memref<10000x64xf32, #tpu.memory_space<vmem_shared>>
      tpu.enqueue_indirect_dma source(%arg17 : memref<80x64xf32, #tpu.memory_space<vmem>>) target(%dma_start3A_197 : memref<10000x64xf32, #tpu.memory_space<vmem_shared>>) offsets(%arg13 : memref<80xi32, #tpu.memory_space<vmem>>) semaphore(%run_scoped3A : memref<!tpu.dma_semaphore, #tpu.memory_space<semaphore_mem>>) {add = true}
      %dma_wait3A_198 = arith.constant 0 : i32
      %dma_wait3A_199 = arith.constant 0 : i32
      %dma_wait3A_200 = tpu.memref_slice %arg19[%dma_wait3A_198, %dma_wait3A_199] : memref<10000x64xf32, #tpu.memory_space<vmem_shared>> -> memref<10000x64xf32, #tpu.memory_space<vmem_shared>>
      tpu.wait_indirect_dma semaphore(%run_scoped3A : memref<!tpu.dma_semaphore, #tpu.memory_space<semaphore_mem>>) src(%arg17 : memref<80x64xf32, #tpu.memory_space<vmem>>) dst(%dma_wait3A_200 : memref<10000x64xf32, #tpu.memory_space<vmem_shared>>)
      tpu.yield
    }) : () -> ()
    %dma_wait3A_176 = arith.constant 0 : i32
    %dma_wait3A_177 = arith.constant 0 : i32
    %dma_wait3A_178 = tpu.memref_slice %arg2[%arg0, %dma_wait3A_176, %dma_wait3A_177] : memref<2x10000x64xf32, #tpu.memory_space<hbm>> -> memref<1x10000x64xf32, #tpu.memory_space<hbm>>
    %dma_wait3A_179 = tpu.memref_squeeze %dma_wait3A_178 : memref<1x10000x64xf32, #tpu.memory_space<hbm>> -> memref<10000x64xf32, #tpu.memory_space<hbm>>
    %dma_wait3A_180 = arith.constant 0 : i32
    %dma_wait3A_181 = arith.constant 0 : i32
    %dma_wait3A_182 = tpu.memref_slice %dma_wait3A_179[%dma_wait3A_180, %dma_wait3A_181] : memref<10000x64xf32, #tpu.memory_space<hbm>> -> memref<10000x64xf32, #tpu.memory_space<hbm>>
    tpu.wait_indirect_dma semaphore(%arg24 : memref<!tpu.dma_semaphore, #tpu.memory_space<semaphore_mem>>) src(%dma_wait3A_182 : memref<10000x64xf32, #tpu.memory_space<hbm>>) dst(%arg14 : memref<80x64xf32, #tpu.memory_space<vmem>>)
    "tpu.region"() ({
      %run_scoped3A = tpu.sem_alloc : memref<!tpu.dma_semaphore, #tpu.memory_space<semaphore_mem>>
      %dma_start3A_195 = arith.constant 0 : i32
      %dma_start3A_196 = arith.constant 0 : i32
      %dma_start3A_197 = tpu.memref_slice %arg19[%dma_start3A_195, %dma_start3A_196] : memref<10000x64xf32, #tpu.memory_space<vmem_shared>> -> memref<10000x64xf32, #tpu.memory_space<vmem_shared>>
      tpu.enqueue_indirect_dma source(%arg14 : memref<80x64xf32, #tpu.memory_space<vmem>>) target(%dma_start3A_197 : memref<10000x64xf32, #tpu.memory_space<vmem_shared>>) offsets(%arg7 : memref<80xi32, #tpu.memory_space<vmem>>) semaphore(%run_scoped3A : memref<!tpu.dma_semaphore, #tpu.memory_space<semaphore_mem>>) {add = true}
      %dma_wait3A_198 = arith.constant 0 : i32
      %dma_wait3A_199 = arith.constant 0 : i32
      %dma_wait3A_200 = tpu.memref_slice %arg19[%dma_wait3A_198, %dma_wait3A_199] : memref<10000x64xf32, #tpu.memory_space<vmem_shared>> -> memref<10000x64xf32, #tpu.memory_space<vmem_shared>>
      tpu.wait_indirect_dma semaphore(%run_scoped3A : memref<!tpu.dma_semaphore, #tpu.memory_space<semaphore_mem>>) src(%arg14 : memref<80x64xf32, #tpu.memory_space<vmem>>) dst(%dma_wait3A_200 : memref<10000x64xf32, #tpu.memory_space<vmem_shared>>)
      tpu.yield
    }) : () -> ()
    %dma_wait3A_183 = arith.constant 0 : i32
    %dma_wait3A_184 = arith.constant 0 : i32
    %dma_wait3A_185 = tpu.memref_slice %arg2[%arg0, %dma_wait3A_183, %dma_wait3A_184] : memref<2x10000x64xf32, #tpu.memory_space<hbm>> -> memref<1x10000x64xf32, #tpu.memory_space<hbm>>
    %dma_wait3A_186 = tpu.memref_squeeze %dma_wait3A_185 : memref<1x10000x64xf32, #tpu.memory_space<hbm>> -> memref<10000x64xf32, #tpu.memory_space<hbm>>
    %dma_wait3A_187 = arith.constant 0 : i32
    %dma_wait3A_188 = arith.constant 0 : i32
    %dma_wait3A_189 = tpu.memref_slice %dma_wait3A_186[%dma_wait3A_187, %dma_wait3A_188] : memref<10000x64xf32, #tpu.memory_space<hbm>> -> memref<10000x64xf32, #tpu.memory_space<hbm>>
    tpu.wait_indirect_dma semaphore(%arg25 : memref<!tpu.dma_semaphore, #tpu.memory_space<semaphore_mem>>) src(%dma_wait3A_189 : memref<10000x64xf32, #tpu.memory_space<hbm>>) dst(%arg15 : memref<80x64xf32, #tpu.memory_space<vmem>>)
    "tpu.region"() ({
      %run_scoped3A = tpu.sem_alloc : memref<!tpu.dma_semaphore, #tpu.memory_space<semaphore_mem>>
      %dma_start3A_195 = arith.constant 0 : i32
      %dma_start3A_196 = arith.constant 0 : i32
      %dma_start3A_197 = tpu.memref_slice %arg19[%dma_start3A_195, %dma_start3A_196] : memref<10000x64xf32, #tpu.memory_space<vmem_shared>> -> memref<10000x64xf32, #tpu.memory_space<vmem_shared>>
      tpu.enqueue_indirect_dma source(%arg15 : memref<80x64xf32, #tpu.memory_space<vmem>>) target(%dma_start3A_197 : memref<10000x64xf32, #tpu.memory_space<vmem_shared>>) offsets(%arg9 : memref<80xi32, #tpu.memory_space<vmem>>) semaphore(%run_scoped3A : memref<!tpu.dma_semaphore, #tpu.memory_space<semaphore_mem>>) {add = true}
      %dma_wait3A_198 = arith.constant 0 : i32
      %dma_wait3A_199 = arith.constant 0 : i32
      %dma_wait3A_200 = tpu.memref_slice %arg19[%dma_wait3A_198, %dma_wait3A_199] : memref<10000x64xf32, #tpu.memory_space<vmem_shared>> -> memref<10000x64xf32, #tpu.memory_space<vmem_shared>>
      tpu.wait_indirect_dma semaphore(%run_scoped3A : memref<!tpu.dma_semaphore, #tpu.memory_space<semaphore_mem>>) src(%arg15 : memref<80x64xf32, #tpu.memory_space<vmem>>) dst(%dma_wait3A_200 : memref<10000x64xf32, #tpu.memory_space<vmem_shared>>)
      tpu.yield
    }) : () -> ()
    %barrier3A_190 = arith.constant 0 : index
    tpu.barrier barrier_id(%barrier3A_190)
    %mul3A_191 = arith.constant 625 : i32
    %mul3A_192 = arith.muli %arg1, %mul3A_191 : i32
    %mul3A_193 = arith.constant 625 : i32
    %mul3A_194 = arith.muli %arg1, %mul3A_193 : i32
    "tpu.region"() ({
      %run_scoped3A = tpu.sem_alloc : memref<!tpu.dma_semaphore, #tpu.memory_space<semaphore_mem>>
      %dma_start3A_195 = arith.constant 0 : i32
      %dma_start3A_196 = tpu.memref_slice %arg5[%arg0, %mul3A_194, %dma_start3A_195] : memref<2x10000x64xf32, #tpu.memory_space<hbm>> -> memref<1x625x64xf32, #tpu.memory_space<hbm>>
      %dma_start3A_197 = tpu.memref_squeeze %dma_start3A_196 : memref<1x625x64xf32, #tpu.memory_space<hbm>> -> memref<625x64xf32, #tpu.memory_space<hbm>>
      %dma_start3A_198 = arith.constant 0 : i32
      %dma_start3A_199 = tpu.memref_slice %arg19[%mul3A_192, %dma_start3A_198] : memref<10000x64xf32, #tpu.memory_space<vmem_shared>> -> memref<625x64xf32, #tpu.memory_space<vmem_shared>>
      tpu.enqueue_dma source(%dma_start3A_199 : memref<625x64xf32, #tpu.memory_space<vmem_shared>>) target(%dma_start3A_197 : memref<625x64xf32, #tpu.memory_space<hbm>>) target_semaphore(%run_scoped3A : memref<!tpu.dma_semaphore, #tpu.memory_space<semaphore_mem>>)
      %dma_wait3A_200 = arith.constant 0 : i32
      %dma_wait3A_201 = tpu.memref_slice %arg5[%arg0, %mul3A_194, %dma_wait3A_200] : memref<2x10000x64xf32, #tpu.memory_space<hbm>> -> memref<1x625x64xf32, #tpu.memory_space<hbm>>
      %dma_wait3A_202 = tpu.memref_squeeze %dma_wait3A_201 : memref<1x625x64xf32, #tpu.memory_space<hbm>> -> memref<625x64xf32, #tpu.memory_space<hbm>>
      %dma_wait3A_203 = arith.constant 0 : i32
      %dma_wait3A_204 = tpu.memref_slice %arg19[%mul3A_192, %dma_wait3A_203] : memref<10000x64xf32, #tpu.memory_space<vmem_shared>> -> memref<625x64xf32, #tpu.memory_space<vmem_shared>>
      tpu.wait_dma2 semaphore(%run_scoped3A : memref<!tpu.dma_semaphore, #tpu.memory_space<semaphore_mem>>) src(%dma_wait3A_204 : memref<625x64xf32, #tpu.memory_space<vmem_shared>>) dst(%dma_wait3A_202 : memref<625x64xf32, #tpu.memory_space<hbm>>)
      tpu.yield
    }) : () -> ()
    return
  }
}

#map = affine_map<(d0, d1) -> (0)>
#map1 = affine_map<(d0, d1) -> (0, 0)>
module attributes {stable_mosaic.version = 14 : i64} {
  func.func @_deg_kernel(%arg0: i32, %arg1: i32, %arg2: memref<320000xi32, #tpu.memory_space<hbm>>, %arg3: memref<2x10000xf32, #tpu.memory_space<hbm>>, %arg4: memref<80xi32, #tpu.memory_space<vmem>>, %arg5: memref<80xi32, #tpu.memory_space<vmem>>, %arg6: memref<80xf32, #tpu.memory_space<vmem>>, %arg7: memref<2000xf32, #tpu.memory_space<vmem>>, %arg8: memref<10000xf32, #tpu.memory_space<vmem_shared>>, %arg9: memref<!tpu.dma_semaphore, #tpu.memory_space<semaphore_mem>>, %arg10: memref<!tpu.dma_semaphore, #tpu.memory_space<semaphore_mem>>) attributes {dimension_semantics = [#tpu.dimension_semantics<core_parallel>, #tpu.dimension_semantics<subcore_parallel>], iteration_bounds = array<i64: 2, 16>, scalar_prefetch = 0 : i64, scratch_operands = 7 : i64, tpu.core_type = #tpu.core_type<sc_vector_subcore>, window_params = [{transform_indices = #map}, {transform_indices = #map1}]} {
    %scan3A = arith.constant 0 : i32
    %scan3A_0 = arith.constant 125 : i32
    %scan3A_1 = arith.addi %scan3A, %scan3A_0 : i32
    %scan3A_2 = arith.constant 1 : i32
    scf.for %scan3A_31 = %scan3A to %scan3A_1 step %scan3A_2  : i32 {
      %mul3A_32 = arith.constant 1 : i32
      %mul3A_33 = arith.muli %scan3A_31, %mul3A_32 : i32
      %add3A_34 = arith.constant 0 : i32
      %add3A_35 = arith.addi %add3A_34, %mul3A_33 : i32
      %broadcast_in_dim3A = arith.constant 0.000000e+00 : f32
      %broadcast_in_dim3A_36 = vector.broadcast %broadcast_in_dim3A : f32 to vector<16xf32>
      %mul3A_37 = arith.constant 16 : i32
      %mul3A_38 = arith.muli %add3A_35, %mul3A_37 : i32
      %swap3A = arith.index_cast %mul3A_38 : i32 to index
      %swap3A_39 = tpu.vector_load %arg7[%swap3A] {strides = array<i32>} : memref<2000xf32, #tpu.memory_space<vmem>>, vector<16xf32>,
      %swap3A_40 = vector.shape_cast %swap3A_39 : vector<16xf32> to vector<16xf32>
      %swap3A_41 = vector.shape_cast %broadcast_in_dim3A_36 : vector<16xf32> to vector<16xf32>
      tpu.vector_store %arg7[%swap3A], %swap3A_41 {strides = array<i32>} : memref<2000xf32, #tpu.memory_space<vmem>>, vector<16xf32>,
    }
    %scan3A_3 = arith.constant 125 : i32
    %scan3A_4 = arith.constant 0 : i32
    %scan3A_5 = arith.constant 5 : i32
    %scan3A_6 = arith.addi %scan3A_4, %scan3A_5 : i32
    %scan3A_7 = arith.constant 1 : i32
    scf.for %scan3A_31 = %scan3A_4 to %scan3A_6 step %scan3A_7  : i32 {
      %mul3A_32 = arith.constant 1 : i32
      %mul3A_33 = arith.muli %scan3A_31, %mul3A_32 : i32
      %add3A_34 = arith.constant 0 : i32
      %add3A_35 = arith.addi %add3A_34, %mul3A_33 : i32
      %mul3A_36 = arith.constant 2000 : i32
      %mul3A_37 = arith.muli %add3A_35, %mul3A_36 : i32
      "tpu.region"() ({
        %run_scoped3A = tpu.sem_alloc : memref<!tpu.dma_semaphore, #tpu.memory_space<semaphore_mem>>
        %dma_start3A_38 = tpu.memref_slice %arg8[%mul3A_37] : memref<10000xf32, #tpu.memory_space<vmem_shared>> -> memref<2000xf32, #tpu.memory_space<vmem_shared>>
        %dma_start3A_39 = tpu.memref_slice %arg8[%mul3A_37] : memref<10000xf32, #tpu.memory_space<vmem_shared>> -> memref<2000xf32, #tpu.memory_space<vmem_shared>>
        tpu.enqueue_dma source(%arg7 : memref<2000xf32, #tpu.memory_space<vmem>>) target(%dma_start3A_39 : memref<2000xf32, #tpu.memory_space<vmem_shared>>) target_semaphore(%run_scoped3A : memref<!tpu.dma_semaphore, #tpu.memory_space<semaphore_mem>>)
        %dma_wait3A_40 = tpu.memref_slice %arg8[%mul3A_37] : memref<10000xf32, #tpu.memory_space<vmem_shared>> -> memref<2000xf32, #tpu.memory_space<vmem_shared>>
        %dma_wait3A_41 = tpu.memref_slice %arg8[%mul3A_37] : memref<10000xf32, #tpu.memory_space<vmem_shared>> -> memref<2000xf32, #tpu.memory_space<vmem_shared>>
        tpu.wait_dma2 semaphore(%run_scoped3A : memref<!tpu.dma_semaphore, #tpu.memory_space<semaphore_mem>>) src(%arg7 : memref<2000xf32, #tpu.memory_space<vmem>>) dst(%dma_wait3A_41 : memref<2000xf32, #tpu.memory_space<vmem_shared>>)
        tpu.yield
      }) : () -> ()
    }
    %scan3A_8 = arith.constant 5 : i32
    %scan3A_9 = arith.constant 0 : i32
    %scan3A_10 = arith.constant 5 : i32
    %scan3A_11 = arith.addi %scan3A_9, %scan3A_10 : i32
    %scan3A_12 = arith.constant 1 : i32
    scf.for %scan3A_31 = %scan3A_9 to %scan3A_11 step %scan3A_12  : i32 {
      %mul3A_32 = arith.constant 1 : i32
      %mul3A_33 = arith.muli %scan3A_31, %mul3A_32 : i32
      %add3A_34 = arith.constant 0 : i32
      %add3A_35 = arith.addi %add3A_34, %mul3A_33 : i32
      %broadcast_in_dim3A = arith.constant 1.000000e+00 : f32
      %broadcast_in_dim3A_36 = vector.broadcast %broadcast_in_dim3A : f32 to vector<16xf32>
      %mul3A_37 = arith.constant 16 : i32
      %mul3A_38 = arith.muli %add3A_35, %mul3A_37 : i32
      %swap3A = arith.index_cast %mul3A_38 : i32 to index
      %swap3A_39 = tpu.vector_load %arg6[%swap3A] {strides = array<i32>} : memref<80xf32, #tpu.memory_space<vmem>>, vector<16xf32>,
      %swap3A_40 = vector.shape_cast %swap3A_39 : vector<16xf32> to vector<16xf32>
      %swap3A_41 = vector.shape_cast %broadcast_in_dim3A_36 : vector<16xf32> to vector<16xf32>
      tpu.vector_store %arg6[%swap3A], %swap3A_41 {strides = array<i32>} : memref<80xf32, #tpu.memory_space<vmem>>, vector<16xf32>,
    }
    %scan3A_13 = arith.constant 5 : i32
    %barrier3A = arith.constant 0 : index
    tpu.barrier barrier_id(%barrier3A)
    %mul3A = arith.constant 16 : i32
    %mul3A_14 = arith.muli %arg0, %mul3A : i32
    %add3A = arith.addi %mul3A_14, %arg1 : i32
    %mul3A_15 = arith.constant 10000 : i32
    %mul3A_16 = arith.muli %add3A, %mul3A_15 : i32
    %add3A_17 = arith.constant 0 : i32
    %add3A_18 = arith.addi %mul3A_16, %add3A_17 : i32
    %dma_start3A = tpu.memref_slice %arg2[%add3A_18] : memref<320000xi32, #tpu.memory_space<hbm>> -> memref<80xi32, #tpu.memory_space<hbm>>
    %dma_start3A_19 = tpu.memref_slice %arg2[%add3A_18] : memref<320000xi32, #tpu.memory_space<hbm>> -> memref<80xi32, #tpu.memory_space<hbm>>
    tpu.enqueue_dma source(%dma_start3A_19 : memref<80xi32, #tpu.memory_space<hbm>>) target(%arg4 : memref<80xi32, #tpu.memory_space<vmem>>) target_semaphore(%arg9 : memref<!tpu.dma_semaphore, #tpu.memory_space<semaphore_mem>>)
    %scan3A_20 = arith.constant 0 : i32
    %scan3A_21 = arith.constant 62 : i32
    %scan3A_22 = arith.addi %scan3A_20, %scan3A_21 : i32
    %scan3A_23 = arith.constant 1 : i32
    scf.for %scan3A_31 = %scan3A_20 to %scan3A_22 step %scan3A_23  : i32 {
      %mul3A_32 = arith.constant 2 : i32
      %mul3A_33 = arith.muli %scan3A_31, %mul3A_32 : i32
      %add3A_34 = arith.constant 0 : i32
      %add3A_35 = arith.addi %add3A_34, %mul3A_33 : i32
      %add3A_36 = arith.constant 0 : i32
      %add3A_37 = arith.addi %add3A_35, %add3A_36 : i32
      %add3A_38 = arith.constant 1 : i32
      %add3A_39 = arith.addi %add3A_37, %add3A_38 : i32
      %mul3A_40 = arith.constant 10000 : i32
      %mul3A_41 = arith.muli %add3A, %mul3A_40 : i32
      %mul3A_42 = arith.constant 80 : i32
      %mul3A_43 = arith.muli %add3A_39, %mul3A_42 : i32
      %add3A_44 = arith.addi %mul3A_41, %mul3A_43 : i32
      %dma_start3A_45 = tpu.memref_slice %arg2[%add3A_44] : memref<320000xi32, #tpu.memory_space<hbm>> -> memref<80xi32, #tpu.memory_space<hbm>>
      %dma_start3A_46 = tpu.memref_slice %arg2[%add3A_44] : memref<320000xi32, #tpu.memory_space<hbm>> -> memref<80xi32, #tpu.memory_space<hbm>>
      tpu.enqueue_dma source(%dma_start3A_46 : memref<80xi32, #tpu.memory_space<hbm>>) target(%arg5 : memref<80xi32, #tpu.memory_space<vmem>>) target_semaphore(%arg10 : memref<!tpu.dma_semaphore, #tpu.memory_space<semaphore_mem>>)
      %add3A_47 = arith.constant 0 : i32
      %add3A_48 = arith.addi %add3A_35, %add3A_47 : i32
      %mul3A_49 = arith.constant 10000 : i32
      %mul3A_50 = arith.muli %add3A, %mul3A_49 : i32
      %mul3A_51 = arith.constant 80 : i32
      %mul3A_52 = arith.muli %add3A_48, %mul3A_51 : i32
      %add3A_53 = arith.addi %mul3A_50, %mul3A_52 : i32
      %dma_wait3A_54 = tpu.memref_slice %arg2[%add3A_53] : memref<320000xi32, #tpu.memory_space<hbm>> -> memref<80xi32, #tpu.memory_space<hbm>>
      %dma_wait3A_55 = tpu.memref_slice %arg2[%add3A_53] : memref<320000xi32, #tpu.memory_space<hbm>> -> memref<80xi32, #tpu.memory_space<hbm>>
      tpu.wait_dma2 semaphore(%arg9 : memref<!tpu.dma_semaphore, #tpu.memory_space<semaphore_mem>>) src(%dma_wait3A_55 : memref<80xi32, #tpu.memory_space<hbm>>) dst(%arg4 : memref<80xi32, #tpu.memory_space<vmem>>)
      "tpu.region"() ({
        %run_scoped3A = tpu.sem_alloc : memref<!tpu.dma_semaphore, #tpu.memory_space<semaphore_mem>>
        %dma_start3A_76 = arith.constant 0 : i32
        %dma_start3A_77 = tpu.memref_slice %arg8[%dma_start3A_76] : memref<10000xf32, #tpu.memory_space<vmem_shared>> -> memref<10000xf32, #tpu.memory_space<vmem_shared>>
        tpu.enqueue_indirect_dma source(%arg6 : memref<80xf32, #tpu.memory_space<vmem>>) target(%dma_start3A_77 : memref<10000xf32, #tpu.memory_space<vmem_shared>>) offsets(%arg4 : memref<80xi32, #tpu.memory_space<vmem>>) semaphore(%run_scoped3A : memref<!tpu.dma_semaphore, #tpu.memory_space<semaphore_mem>>) {add = true}
        %dma_wait3A_78 = arith.constant 0 : i32
        %dma_wait3A_79 = tpu.memref_slice %arg8[%dma_wait3A_78] : memref<10000xf32, #tpu.memory_space<vmem_shared>> -> memref<10000xf32, #tpu.memory_space<vmem_shared>>
        tpu.wait_indirect_dma semaphore(%run_scoped3A : memref<!tpu.dma_semaphore, #tpu.memory_space<semaphore_mem>>) src(%arg6 : memref<80xf32, #tpu.memory_space<vmem>>) dst(%dma_wait3A_79 : memref<10000xf32, #tpu.memory_space<vmem_shared>>)
        tpu.yield
      }) : () -> ()
      %add3A_56 = arith.constant 1 : i32
      %add3A_57 = arith.addi %add3A_35, %add3A_56 : i32
      %add3A_58 = arith.constant 1 : i32
      %add3A_59 = arith.addi %add3A_57, %add3A_58 : i32
      %mul3A_60 = arith.constant 10000 : i32
      %mul3A_61 = arith.muli %add3A, %mul3A_60 : i32
      %mul3A_62 = arith.constant 80 : i32
      %mul3A_63 = arith.muli %add3A_59, %mul3A_62 : i32
      %add3A_64 = arith.addi %mul3A_61, %mul3A_63 : i32
      %dma_start3A_65 = tpu.memref_slice %arg2[%add3A_64] : memref<320000xi32, #tpu.memory_space<hbm>> -> memref<80xi32, #tpu.memory_space<hbm>>
      %dma_start3A_66 = tpu.memref_slice %arg2[%add3A_64] : memref<320000xi32, #tpu.memory_space<hbm>> -> memref<80xi32, #tpu.memory_space<hbm>>
      tpu.enqueue_dma source(%dma_start3A_66 : memref<80xi32, #tpu.memory_space<hbm>>) target(%arg4 : memref<80xi32, #tpu.memory_space<vmem>>) target_semaphore(%arg9 : memref<!tpu.dma_semaphore, #tpu.memory_space<semaphore_mem>>)
      %add3A_67 = arith.constant 1 : i32
      %add3A_68 = arith.addi %add3A_35, %add3A_67 : i32
      %mul3A_69 = arith.constant 10000 : i32
      %mul3A_70 = arith.muli %add3A, %mul3A_69 : i32
      %mul3A_71 = arith.constant 80 : i32
      %mul3A_72 = arith.muli %add3A_68, %mul3A_71 : i32
      %add3A_73 = arith.addi %mul3A_70, %mul3A_72 : i32
      %dma_wait3A_74 = tpu.memref_slice %arg2[%add3A_73] : memref<320000xi32, #tpu.memory_space<hbm>> -> memref<80xi32, #tpu.memory_space<hbm>>
      %dma_wait3A_75 = tpu.memref_slice %arg2[%add3A_73] : memref<320000xi32, #tpu.memory_space<hbm>> -> memref<80xi32, #tpu.memory_space<hbm>>
      tpu.wait_dma2 semaphore(%arg10 : memref<!tpu.dma_semaphore, #tpu.memory_space<semaphore_mem>>) src(%dma_wait3A_75 : memref<80xi32, #tpu.memory_space<hbm>>) dst(%arg5 : memref<80xi32, #tpu.memory_space<vmem>>)
      "tpu.region"() ({
        %run_scoped3A = tpu.sem_alloc : memref<!tpu.dma_semaphore, #tpu.memory_space<semaphore_mem>>
        %dma_start3A_76 = arith.constant 0 : i32
        %dma_start3A_77 = tpu.memref_slice %arg8[%dma_start3A_76] : memref<10000xf32, #tpu.memory_space<vmem_shared>> -> memref<10000xf32, #tpu.memory_space<vmem_shared>>
        tpu.enqueue_indirect_dma source(%arg6 : memref<80xf32, #tpu.memory_space<vmem>>) target(%dma_start3A_77 : memref<10000xf32, #tpu.memory_space<vmem_shared>>) offsets(%arg5 : memref<80xi32, #tpu.memory_space<vmem>>) semaphore(%run_scoped3A : memref<!tpu.dma_semaphore, #tpu.memory_space<semaphore_mem>>) {add = true}
        %dma_wait3A_78 = arith.constant 0 : i32
        %dma_wait3A_79 = tpu.memref_slice %arg8[%dma_wait3A_78] : memref<10000xf32, #tpu.memory_space<vmem_shared>> -> memref<10000xf32, #tpu.memory_space<vmem_shared>>
        tpu.wait_indirect_dma semaphore(%run_scoped3A : memref<!tpu.dma_semaphore, #tpu.memory_space<semaphore_mem>>) src(%arg6 : memref<80xf32, #tpu.memory_space<vmem>>) dst(%dma_wait3A_79 : memref<10000xf32, #tpu.memory_space<vmem_shared>>)
        tpu.yield
      }) : () -> ()
    }
    %scan3A_24 = arith.constant 62 : i32
    %mul3A_25 = arith.constant 10000 : i32
    %mul3A_26 = arith.muli %add3A, %mul3A_25 : i32
    %add3A_27 = arith.constant 9920 : i32
    %add3A_28 = arith.addi %mul3A_26, %add3A_27 : i32
    %dma_wait3A = tpu.memref_slice %arg2[%add3A_28] : memref<320000xi32, #tpu.memory_space<hbm>> -> memref<80xi32, #tpu.memory_space<hbm>>
    %dma_wait3A_29 = tpu.memref_slice %arg2[%add3A_28] : memref<320000xi32, #tpu.memory_space<hbm>> -> memref<80xi32, #tpu.memory_space<hbm>>
    tpu.wait_dma2 semaphore(%arg9 : memref<!tpu.dma_semaphore, #tpu.memory_space<semaphore_mem>>) src(%dma_wait3A_29 : memref<80xi32, #tpu.memory_space<hbm>>) dst(%arg4 : memref<80xi32, #tpu.memory_space<vmem>>)
    "tpu.region"() ({
      %run_scoped3A = tpu.sem_alloc : memref<!tpu.dma_semaphore, #tpu.memory_space<semaphore_mem>>
      %dma_start3A_31 = arith.constant 0 : i32
      %dma_start3A_32 = tpu.memref_slice %arg8[%dma_start3A_31] : memref<10000xf32, #tpu.memory_space<vmem_shared>> -> memref<10000xf32, #tpu.memory_space<vmem_shared>>
      tpu.enqueue_indirect_dma source(%arg6 : memref<80xf32, #tpu.memory_space<vmem>>) target(%dma_start3A_32 : memref<10000xf32, #tpu.memory_space<vmem_shared>>) offsets(%arg4 : memref<80xi32, #tpu.memory_space<vmem>>) semaphore(%run_scoped3A : memref<!tpu.dma_semaphore, #tpu.memory_space<semaphore_mem>>) {add = true}
      %dma_wait3A_33 = arith.constant 0 : i32
      %dma_wait3A_34 = tpu.memref_slice %arg8[%dma_wait3A_33] : memref<10000xf32, #tpu.memory_space<vmem_shared>> -> memref<10000xf32, #tpu.memory_space<vmem_shared>>
      tpu.wait_indirect_dma semaphore(%run_scoped3A : memref<!tpu.dma_semaphore, #tpu.memory_space<semaphore_mem>>) src(%arg6 : memref<80xf32, #tpu.memory_space<vmem>>) dst(%dma_wait3A_34 : memref<10000xf32, #tpu.memory_space<vmem_shared>>)
      tpu.yield
    }) : () -> ()
    %barrier3A_30 = arith.constant 0 : index
    tpu.barrier barrier_id(%barrier3A_30)
    "tpu.region"() ({
      %run_scoped3A = tpu.sem_alloc : memref<!tpu.dma_semaphore, #tpu.memory_space<semaphore_mem>>
      %dma_start3A_31 = arith.constant 0 : i32
      %dma_start3A_32 = tpu.memref_slice %arg3[%arg0, %dma_start3A_31] : memref<2x10000xf32, #tpu.memory_space<hbm>> -> memref<1x10000xf32, #tpu.memory_space<hbm>>
      %dma_start3A_33 = tpu.memref_squeeze %dma_start3A_32 : memref<1x10000xf32, #tpu.memory_space<hbm>> -> memref<10000xf32, #tpu.memory_space<hbm>>
      tpu.enqueue_dma source(%arg8 : memref<10000xf32, #tpu.memory_space<vmem_shared>>) target(%dma_start3A_33 : memref<10000xf32, #tpu.memory_space<hbm>>) target_semaphore(%run_scoped3A : memref<!tpu.dma_semaphore, #tpu.memory_space<semaphore_mem>>)
      %dma_wait3A_34 = arith.constant 0 : i32
      %dma_wait3A_35 = tpu.memref_slice %arg3[%arg0, %dma_wait3A_34] : memref<2x10000xf32, #tpu.memory_space<hbm>> -> memref<1x10000xf32, #tpu.memory_space<hbm>>
      %dma_wait3A_36 = tpu.memref_squeeze %dma_wait3A_35 : memref<1x10000xf32, #tpu.memory_space<hbm>> -> memref<10000xf32, #tpu.memory_space<hbm>>
      tpu.wait_dma2 semaphore(%run_scoped3A : memref<!tpu.dma_semaphore, #tpu.memory_space<semaphore_mem>>) src(%arg8 : memref<10000xf32, #tpu.memory_space<vmem_shared>>) dst(%dma_wait3A_36 : memref<10000xf32, #tpu.memory_space<hbm>>)
      tpu.yield
    }) : () -> ()
    return
  }
}

#map = affine_map<(d0, d1) -> (0, 0, 0)>
#map1 = affine_map<(d0, d1) -> (0)>
module attributes {stable_mosaic.version = 14 : i64} {
  func.func @_agg_body(%arg0: i32, %arg1: i32, %arg2: memref<2x10000x128xf32, #tpu.memory_space<hbm>>, %arg3: memref<320000xi32, #tpu.memory_space<hbm>>, %arg4: memref<320000xi32, #tpu.memory_space<hbm>>, %arg5: memref<2x10000x128xf32, #tpu.memory_space<hbm>>, %arg6: memref<80xi32, #tpu.memory_space<vmem>>, %arg7: memref<80xi32, #tpu.memory_space<vmem>>, %arg8: memref<80xi32, #tpu.memory_space<vmem>>, %arg9: memref<80xi32, #tpu.memory_space<vmem>>, %arg10: memref<80xi32, #tpu.memory_space<vmem>>, %arg11: memref<80xi32, #tpu.memory_space<vmem>>, %arg12: memref<80xi32, #tpu.memory_space<vmem>>, %arg13: memref<80xi32, #tpu.memory_space<vmem>>, %arg14: memref<80x128xf32, #tpu.memory_space<vmem>>, %arg15: memref<80x128xf32, #tpu.memory_space<vmem>>, %arg16: memref<80x128xf32, #tpu.memory_space<vmem>>, %arg17: memref<80x128xf32, #tpu.memory_space<vmem>>, %arg18: memref<25x128xf32, #tpu.memory_space<vmem>>, %arg19: memref<10000x128xf32, #tpu.memory_space<vmem_shared>>, %arg20: memref<!tpu.dma_semaphore, #tpu.memory_space<semaphore_mem>>, %arg21: memref<!tpu.dma_semaphore, #tpu.memory_space<semaphore_mem>>, %arg22: memref<!tpu.dma_semaphore, #tpu.memory_space<semaphore_mem>>, %arg23: memref<!tpu.dma_semaphore, #tpu.memory_space<semaphore_mem>>, %arg24: memref<!tpu.dma_semaphore, #tpu.memory_space<semaphore_mem>>, %arg25: memref<!tpu.dma_semaphore, #tpu.memory_space<semaphore_mem>>, %arg26: memref<!tpu.dma_semaphore, #tpu.memory_space<semaphore_mem>>, %arg27: memref<!tpu.dma_semaphore, #tpu.memory_space<semaphore_mem>>) attributes {dimension_semantics = [#tpu.dimension_semantics<core_parallel>, #tpu.dimension_semantics<subcore_parallel>], iteration_bounds = array<i64: 2, 16>, scalar_prefetch = 0 : i64, scratch_operands = 22 : i64, tpu.core_type = #tpu.core_type<sc_vector_subcore>, window_params = [{transform_indices = #map}, {transform_indices = #map1}, {transform_indices = #map1}, {transform_indices = #map}]} {
    %scan3A = arith.constant 0 : i32
    %scan3A_0 = arith.constant 25 : i32
    %scan3A_1 = arith.addi %scan3A, %scan3A_0 : i32
    %scan3A_2 = arith.constant 1 : i32
    scf.for %scan3A_195 = %scan3A to %scan3A_1 step %scan3A_2  : i32 {
      %mul3A_196 = arith.constant 1 : i32
      %mul3A_197 = arith.muli %scan3A_195, %mul3A_196 : i32
      %add3A_198 = arith.constant 0 : i32
      %add3A_199 = arith.addi %add3A_198, %mul3A_197 : i32
      %broadcast_in_dim3A = arith.constant 0.000000e+00 : f32
      %broadcast_in_dim3A_200 = vector.broadcast %broadcast_in_dim3A : f32 to vector<16xf32>
      %swap3A = arith.index_cast %add3A_199 : i32 to index
      %swap3A_201 = arith.constant 0 : index
      %swap3A_202 = tpu.vector_load %arg18[%swap3A, %swap3A_201] {strides = array<i32>} : memref<25x128xf32, #tpu.memory_space<vmem>>, vector<1x16xf32>,
      %swap3A_203 = vector.shape_cast %swap3A_202 : vector<1x16xf32> to vector<16xf32>
      %swap3A_204 = vector.shape_cast %broadcast_in_dim3A_200 : vector<16xf32> to vector<1x16xf32>
      tpu.vector_store %arg18[%swap3A, %swap3A_201], %swap3A_204 {strides = array<i32>} : memref<25x128xf32, #tpu.memory_space<vmem>>, vector<1x16xf32>,
      %broadcast_in_dim3A_205 = arith.constant 0.000000e+00 : f32
      %broadcast_in_dim3A_206 = vector.broadcast %broadcast_in_dim3A_205 : f32 to vector<16xf32>
      %swap3A_207 = arith.index_cast %add3A_199 : i32 to index
      %swap3A_208 = arith.constant 16 : index
      %swap3A_209 = tpu.vector_load %arg18[%swap3A_207, %swap3A_208] {strides = array<i32>} : memref<25x128xf32, #tpu.memory_space<vmem>>, vector<1x16xf32>,
      %swap3A_210 = vector.shape_cast %swap3A_209 : vector<1x16xf32> to vector<16xf32>
      %swap3A_211 = vector.shape_cast %broadcast_in_dim3A_206 : vector<16xf32> to vector<1x16xf32>
      tpu.vector_store %arg18[%swap3A_207, %swap3A_208], %swap3A_211 {strides = array<i32>} : memref<25x128xf32, #tpu.memory_space<vmem>>, vector<1x16xf32>,
      %broadcast_in_dim3A_212 = arith.constant 0.000000e+00 : f32
      %broadcast_in_dim3A_213 = vector.broadcast %broadcast_in_dim3A_212 : f32 to vector<16xf32>
      %swap3A_214 = arith.index_cast %add3A_199 : i32 to index
      %swap3A_215 = arith.constant 32 : index
      %swap3A_216 = tpu.vector_load %arg18[%swap3A_214, %swap3A_215] {strides = array<i32>} : memref<25x128xf32, #tpu.memory_space<vmem>>, vector<1x16xf32>,
      %swap3A_217 = vector.shape_cast %swap3A_216 : vector<1x16xf32> to vector<16xf32>
      %swap3A_218 = vector.shape_cast %broadcast_in_dim3A_213 : vector<16xf32> to vector<1x16xf32>
      tpu.vector_store %arg18[%swap3A_214, %swap3A_215], %swap3A_218 {strides = array<i32>} : memref<25x128xf32, #tpu.memory_space<vmem>>, vector<1x16xf32>,
      %broadcast_in_dim3A_219 = arith.constant 0.000000e+00 : f32
      %broadcast_in_dim3A_220 = vector.broadcast %broadcast_in_dim3A_219 : f32 to vector<16xf32>
      %swap3A_221 = arith.index_cast %add3A_199 : i32 to index
      %swap3A_222 = arith.constant 48 : index
      %swap3A_223 = tpu.vector_load %arg18[%swap3A_221, %swap3A_222] {strides = array<i32>} : memref<25x128xf32, #tpu.memory_space<vmem>>, vector<1x16xf32>,
      %swap3A_224 = vector.shape_cast %swap3A_223 : vector<1x16xf32> to vector<16xf32>
      %swap3A_225 = vector.shape_cast %broadcast_in_dim3A_220 : vector<16xf32> to vector<1x16xf32>
      tpu.vector_store %arg18[%swap3A_221, %swap3A_222], %swap3A_225 {strides = array<i32>} : memref<25x128xf32, #tpu.memory_space<vmem>>, vector<1x16xf32>,
      %broadcast_in_dim3A_226 = arith.constant 0.000000e+00 : f32
      %broadcast_in_dim3A_227 = vector.broadcast %broadcast_in_dim3A_226 : f32 to vector<16xf32>
      %swap3A_228 = arith.index_cast %add3A_199 : i32 to index
      %swap3A_229 = arith.constant 64 : index
      %swap3A_230 = tpu.vector_load %arg18[%swap3A_228, %swap3A_229] {strides = array<i32>} : memref<25x128xf32, #tpu.memory_space<vmem>>, vector<1x16xf32>,
      %swap3A_231 = vector.shape_cast %swap3A_230 : vector<1x16xf32> to vector<16xf32>
      %swap3A_232 = vector.shape_cast %broadcast_in_dim3A_227 : vector<16xf32> to vector<1x16xf32>
      tpu.vector_store %arg18[%swap3A_228, %swap3A_229], %swap3A_232 {strides = array<i32>} : memref<25x128xf32, #tpu.memory_space<vmem>>, vector<1x16xf32>,
      %broadcast_in_dim3A_233 = arith.constant 0.000000e+00 : f32
      %broadcast_in_dim3A_234 = vector.broadcast %broadcast_in_dim3A_233 : f32 to vector<16xf32>
      %swap3A_235 = arith.index_cast %add3A_199 : i32 to index
      %swap3A_236 = arith.constant 80 : index
      %swap3A_237 = tpu.vector_load %arg18[%swap3A_235, %swap3A_236] {strides = array<i32>} : memref<25x128xf32, #tpu.memory_space<vmem>>, vector<1x16xf32>,
      %swap3A_238 = vector.shape_cast %swap3A_237 : vector<1x16xf32> to vector<16xf32>
      %swap3A_239 = vector.shape_cast %broadcast_in_dim3A_234 : vector<16xf32> to vector<1x16xf32>
      tpu.vector_store %arg18[%swap3A_235, %swap3A_236], %swap3A_239 {strides = array<i32>} : memref<25x128xf32, #tpu.memory_space<vmem>>, vector<1x16xf32>,
      %broadcast_in_dim3A_240 = arith.constant 0.000000e+00 : f32
      %broadcast_in_dim3A_241 = vector.broadcast %broadcast_in_dim3A_240 : f32 to vector<16xf32>
      %swap3A_242 = arith.index_cast %add3A_199 : i32 to index
      %swap3A_243 = arith.constant 96 : index
      %swap3A_244 = tpu.vector_load %arg18[%swap3A_242, %swap3A_243] {strides = array<i32>} : memref<25x128xf32, #tpu.memory_space<vmem>>, vector<1x16xf32>,
      %swap3A_245 = vector.shape_cast %swap3A_244 : vector<1x16xf32> to vector<16xf32>
      %swap3A_246 = vector.shape_cast %broadcast_in_dim3A_241 : vector<16xf32> to vector<1x16xf32>
      tpu.vector_store %arg18[%swap3A_242, %swap3A_243], %swap3A_246 {strides = array<i32>} : memref<25x128xf32, #tpu.memory_space<vmem>>, vector<1x16xf32>,
      %broadcast_in_dim3A_247 = arith.constant 0.000000e+00 : f32
      %broadcast_in_dim3A_248 = vector.broadcast %broadcast_in_dim3A_247 : f32 to vector<16xf32>
      %swap3A_249 = arith.index_cast %add3A_199 : i32 to index
      %swap3A_250 = arith.constant 112 : index
      %swap3A_251 = tpu.vector_load %arg18[%swap3A_249, %swap3A_250] {strides = array<i32>} : memref<25x128xf32, #tpu.memory_space<vmem>>, vector<1x16xf32>,
      %swap3A_252 = vector.shape_cast %swap3A_251 : vector<1x16xf32> to vector<16xf32>
      %swap3A_253 = vector.shape_cast %broadcast_in_dim3A_248 : vector<16xf32> to vector<1x16xf32>
      tpu.vector_store %arg18[%swap3A_249, %swap3A_250], %swap3A_253 {strides = array<i32>} : memref<25x128xf32, #tpu.memory_space<vmem>>, vector<1x16xf32>,
    }
    %scan3A_3 = arith.constant 25 : i32
    %scan3A_4 = arith.constant 0 : i32
    %scan3A_5 = arith.constant 25 : i32
    %scan3A_6 = arith.addi %scan3A_4, %scan3A_5 : i32
    %scan3A_7 = arith.constant 1 : i32
    scf.for %scan3A_195 = %scan3A_4 to %scan3A_6 step %scan3A_7  : i32 {
      %mul3A_196 = arith.constant 1 : i32
      %mul3A_197 = arith.muli %scan3A_195, %mul3A_196 : i32
      %add3A_198 = arith.constant 0 : i32
      %add3A_199 = arith.addi %add3A_198, %mul3A_197 : i32
      %mul3A_200 = arith.constant 625 : i32
      %mul3A_201 = arith.muli %arg1, %mul3A_200 : i32
      %mul3A_202 = arith.constant 25 : i32
      %mul3A_203 = arith.muli %add3A_199, %mul3A_202 : i32
      %add3A_204 = arith.addi %mul3A_201, %mul3A_203 : i32
      "tpu.region"() ({
        %run_scoped3A = tpu.sem_alloc : memref<!tpu.dma_semaphore, #tpu.memory_space<semaphore_mem>>
        %dma_start3A_205 = arith.constant 0 : i32
        %dma_start3A_206 = tpu.memref_slice %arg19[%add3A_204, %dma_start3A_205] : memref<10000x128xf32, #tpu.memory_space<vmem_shared>> -> memref<25x128xf32, #tpu.memory_space<vmem_shared>>
        %dma_start3A_207 = arith.constant 0 : i32
        %dma_start3A_208 = tpu.memref_slice %arg19[%add3A_204, %dma_start3A_207] : memref<10000x128xf32, #tpu.memory_space<vmem_shared>> -> memref<25x128xf32, #tpu.memory_space<vmem_shared>>
        tpu.enqueue_dma source(%arg18 : memref<25x128xf32, #tpu.memory_space<vmem>>) target(%dma_start3A_208 : memref<25x128xf32, #tpu.memory_space<vmem_shared>>) target_semaphore(%run_scoped3A : memref<!tpu.dma_semaphore, #tpu.memory_space<semaphore_mem>>)
        %dma_wait3A_209 = arith.constant 0 : i32
        %dma_wait3A_210 = tpu.memref_slice %arg19[%add3A_204, %dma_wait3A_209] : memref<10000x128xf32, #tpu.memory_space<vmem_shared>> -> memref<25x128xf32, #tpu.memory_space<vmem_shared>>
        %dma_wait3A_211 = arith.constant 0 : i32
        %dma_wait3A_212 = tpu.memref_slice %arg19[%add3A_204, %dma_wait3A_211] : memref<10000x128xf32, #tpu.memory_space<vmem_shared>> -> memref<25x128xf32, #tpu.memory_space<vmem_shared>>
        tpu.wait_dma2 semaphore(%run_scoped3A : memref<!tpu.dma_semaphore, #tpu.memory_space<semaphore_mem>>) src(%arg18 : memref<25x128xf32, #tpu.memory_space<vmem>>) dst(%dma_wait3A_212 : memref<25x128xf32, #tpu.memory_space<vmem_shared>>)
        tpu.yield
      }) : () -> ()
    }
    %scan3A_8 = arith.constant 25 : i32
    %barrier3A = arith.constant 0 : index
    tpu.barrier barrier_id(%barrier3A)
    %mul3A = arith.constant 20000 : i32
    %mul3A_9 = arith.muli %arg1, %mul3A : i32
    %add3A = arith.constant 0 : i32
    %add3A_10 = arith.addi %mul3A_9, %add3A : i32
    %dma_start3A = tpu.memref_slice %arg3[%add3A_10] : memref<320000xi32, #tpu.memory_space<hbm>> -> memref<80xi32, #tpu.memory_space<hbm>>
    %dma_start3A_11 = tpu.memref_slice %arg3[%add3A_10] : memref<320000xi32, #tpu.memory_space<hbm>> -> memref<80xi32, #tpu.memory_space<hbm>>
    tpu.enqueue_dma source(%dma_start3A_11 : memref<80xi32, #tpu.memory_space<hbm>>) target(%arg6 : memref<80xi32, #tpu.memory_space<vmem>>) target_semaphore(%arg20 : memref<!tpu.dma_semaphore, #tpu.memory_space<semaphore_mem>>)
    %dma_start3A_12 = tpu.memref_slice %arg4[%add3A_10] : memref<320000xi32, #tpu.memory_space<hbm>> -> memref<80xi32, #tpu.memory_space<hbm>>
    %dma_start3A_13 = tpu.memref_slice %arg4[%add3A_10] : memref<320000xi32, #tpu.memory_space<hbm>> -> memref<80xi32, #tpu.memory_space<hbm>>
    tpu.enqueue_dma source(%dma_start3A_13 : memref<80xi32, #tpu.memory_space<hbm>>) target(%arg7 : memref<80xi32, #tpu.memory_space<vmem>>) target_semaphore(%arg20 : memref<!tpu.dma_semaphore, #tpu.memory_space<semaphore_mem>>)
    %mul3A_14 = arith.constant 20000 : i32
    %mul3A_15 = arith.muli %arg1, %mul3A_14 : i32
    %add3A_16 = arith.constant 80 : i32
    %add3A_17 = arith.addi %mul3A_15, %add3A_16 : i32
    %dma_start3A_18 = tpu.memref_slice %arg3[%add3A_17] : memref<320000xi32, #tpu.memory_space<hbm>> -> memref<80xi32, #tpu.memory_space<hbm>>
    %dma_start3A_19 = tpu.memref_slice %arg3[%add3A_17] : memref<320000xi32, #tpu.memory_space<hbm>> -> memref<80xi32, #tpu.memory_space<hbm>>
    tpu.enqueue_dma source(%dma_start3A_19 : memref<80xi32, #tpu.memory_space<hbm>>) target(%arg8 : memref<80xi32, #tpu.memory_space<vmem>>) target_semaphore(%arg21 : memref<!tpu.dma_semaphore, #tpu.memory_space<semaphore_mem>>)
    %dma_start3A_20 = tpu.memref_slice %arg4[%add3A_17] : memref<320000xi32, #tpu.memory_space<hbm>> -> memref<80xi32, #tpu.memory_space<hbm>>
    %dma_start3A_21 = tpu.memref_slice %arg4[%add3A_17] : memref<320000xi32, #tpu.memory_space<hbm>> -> memref<80xi32, #tpu.memory_space<hbm>>
    tpu.enqueue_dma source(%dma_start3A_21 : memref<80xi32, #tpu.memory_space<hbm>>) target(%arg9 : memref<80xi32, #tpu.memory_space<vmem>>) target_semaphore(%arg21 : memref<!tpu.dma_semaphore, #tpu.memory_space<semaphore_mem>>)
    %mul3A_22 = arith.constant 20000 : i32
    %mul3A_23 = arith.muli %arg1, %mul3A_22 : i32
    %add3A_24 = arith.constant 160 : i32
    %add3A_25 = arith.addi %mul3A_23, %add3A_24 : i32
    %dma_start3A_26 = tpu.memref_slice %arg3[%add3A_25] : memref<320000xi32, #tpu.memory_space<hbm>> -> memref<80xi32, #tpu.memory_space<hbm>>
    %dma_start3A_27 = tpu.memref_slice %arg3[%add3A_25] : memref<320000xi32, #tpu.memory_space<hbm>> -> memref<80xi32, #tpu.memory_space<hbm>>
    tpu.enqueue_dma source(%dma_start3A_27 : memref<80xi32, #tpu.memory_space<hbm>>) target(%arg10 : memref<80xi32, #tpu.memory_space<vmem>>) target_semaphore(%arg22 : memref<!tpu.dma_semaphore, #tpu.memory_space<semaphore_mem>>)
    %dma_start3A_28 = tpu.memref_slice %arg4[%add3A_25] : memref<320000xi32, #tpu.memory_space<hbm>> -> memref<80xi32, #tpu.memory_space<hbm>>
    %dma_start3A_29 = tpu.memref_slice %arg4[%add3A_25] : memref<320000xi32, #tpu.memory_space<hbm>> -> memref<80xi32, #tpu.memory_space<hbm>>
    tpu.enqueue_dma source(%dma_start3A_29 : memref<80xi32, #tpu.memory_space<hbm>>) target(%arg11 : memref<80xi32, #tpu.memory_space<vmem>>) target_semaphore(%arg22 : memref<!tpu.dma_semaphore, #tpu.memory_space<semaphore_mem>>)
    %mul3A_30 = arith.constant 20000 : i32
    %mul3A_31 = arith.muli %arg1, %mul3A_30 : i32
    %add3A_32 = arith.constant 0 : i32
    %add3A_33 = arith.addi %mul3A_31, %add3A_32 : i32
    %dma_wait3A = tpu.memref_slice %arg3[%add3A_33] : memref<320000xi32, #tpu.memory_space<hbm>> -> memref<80xi32, #tpu.memory_space<hbm>>
    %dma_wait3A_34 = tpu.memref_slice %arg3[%add3A_33] : memref<320000xi32, #tpu.memory_space<hbm>> -> memref<80xi32, #tpu.memory_space<hbm>>
    tpu.wait_dma2 semaphore(%arg20 : memref<!tpu.dma_semaphore, #tpu.memory_space<semaphore_mem>>) src(%dma_wait3A_34 : memref<80xi32, #tpu.memory_space<hbm>>) dst(%arg6 : memref<80xi32, #tpu.memory_space<vmem>>)
    %dma_wait3A_35 = tpu.memref_slice %arg4[%add3A_33] : memref<320000xi32, #tpu.memory_space<hbm>> -> memref<80xi32, #tpu.memory_space<hbm>>
    %dma_wait3A_36 = tpu.memref_slice %arg4[%add3A_33] : memref<320000xi32, #tpu.memory_space<hbm>> -> memref<80xi32, #tpu.memory_space<hbm>>
    tpu.wait_dma2 semaphore(%arg20 : memref<!tpu.dma_semaphore, #tpu.memory_space<semaphore_mem>>) src(%dma_wait3A_36 : memref<80xi32, #tpu.memory_space<hbm>>) dst(%arg7 : memref<80xi32, #tpu.memory_space<vmem>>)
    %dma_start3A_37 = arith.constant 0 : i32
    %dma_start3A_38 = arith.constant 0 : i32
    %dma_start3A_39 = tpu.memref_slice %arg2[%arg0, %dma_start3A_37, %dma_start3A_38] : memref<2x10000x128xf32, #tpu.memory_space<hbm>> -> memref<1x10000x128xf32, #tpu.memory_space<hbm>>
    %dma_start3A_40 = tpu.memref_squeeze %dma_start3A_39 : memref<1x10000x128xf32, #tpu.memory_space<hbm>> -> memref<10000x128xf32, #tpu.memory_space<hbm>>
    %dma_start3A_41 = arith.constant 0 : i32
    %dma_start3A_42 = arith.constant 0 : i32
    %dma_start3A_43 = tpu.memref_slice %dma_start3A_40[%dma_start3A_41, %dma_start3A_42] : memref<10000x128xf32, #tpu.memory_space<hbm>> -> memref<10000x128xf32, #tpu.memory_space<hbm>>
    tpu.enqueue_indirect_dma source(%dma_start3A_43 : memref<10000x128xf32, #tpu.memory_space<hbm>>) target(%arg14 : memref<80x128xf32, #tpu.memory_space<vmem>>) offsets(%arg6 : memref<80xi32, #tpu.memory_space<vmem>>) semaphore(%arg24 : memref<!tpu.dma_semaphore, #tpu.memory_space<semaphore_mem>>)
    %mul3A_44 = arith.constant 20000 : i32
    %mul3A_45 = arith.muli %arg1, %mul3A_44 : i32
    %add3A_46 = arith.constant 80 : i32
    %add3A_47 = arith.addi %mul3A_45, %add3A_46 : i32
    %dma_wait3A_48 = tpu.memref_slice %arg3[%add3A_47] : memref<320000xi32, #tpu.memory_space<hbm>> -> memref<80xi32, #tpu.memory_space<hbm>>
    %dma_wait3A_49 = tpu.memref_slice %arg3[%add3A_47] : memref<320000xi32, #tpu.memory_space<hbm>> -> memref<80xi32, #tpu.memory_space<hbm>>
    tpu.wait_dma2 semaphore(%arg21 : memref<!tpu.dma_semaphore, #tpu.memory_space<semaphore_mem>>) src(%dma_wait3A_49 : memref<80xi32, #tpu.memory_space<hbm>>) dst(%arg8 : memref<80xi32, #tpu.memory_space<vmem>>)
    %dma_wait3A_50 = tpu.memref_slice %arg4[%add3A_47] : memref<320000xi32, #tpu.memory_space<hbm>> -> memref<80xi32, #tpu.memory_space<hbm>>
    %dma_wait3A_51 = tpu.memref_slice %arg4[%add3A_47] : memref<320000xi32, #tpu.memory_space<hbm>> -> memref<80xi32, #tpu.memory_space<hbm>>
    tpu.wait_dma2 semaphore(%arg21 : memref<!tpu.dma_semaphore, #tpu.memory_space<semaphore_mem>>) src(%dma_wait3A_51 : memref<80xi32, #tpu.memory_space<hbm>>) dst(%arg9 : memref<80xi32, #tpu.memory_space<vmem>>)
    %dma_start3A_52 = arith.constant 0 : i32
    %dma_start3A_53 = arith.constant 0 : i32
    %dma_start3A_54 = tpu.memref_slice %arg2[%arg0, %dma_start3A_52, %dma_start3A_53] : memref<2x10000x128xf32, #tpu.memory_space<hbm>> -> memref<1x10000x128xf32, #tpu.memory_space<hbm>>
    %dma_start3A_55 = tpu.memref_squeeze %dma_start3A_54 : memref<1x10000x128xf32, #tpu.memory_space<hbm>> -> memref<10000x128xf32, #tpu.memory_space<hbm>>
    %dma_start3A_56 = arith.constant 0 : i32
    %dma_start3A_57 = arith.constant 0 : i32
    %dma_start3A_58 = tpu.memref_slice %dma_start3A_55[%dma_start3A_56, %dma_start3A_57] : memref<10000x128xf32, #tpu.memory_space<hbm>> -> memref<10000x128xf32, #tpu.memory_space<hbm>>
    tpu.enqueue_indirect_dma source(%dma_start3A_58 : memref<10000x128xf32, #tpu.memory_space<hbm>>) target(%arg15 : memref<80x128xf32, #tpu.memory_space<vmem>>) offsets(%arg8 : memref<80xi32, #tpu.memory_space<vmem>>) semaphore(%arg25 : memref<!tpu.dma_semaphore, #tpu.memory_space<semaphore_mem>>)
    %scan3A_59 = arith.constant 0 : i32
    %scan3A_60 = arith.constant 61 : i32
    %scan3A_61 = arith.addi %scan3A_59, %scan3A_60 : i32
    %scan3A_62 = arith.constant 1 : i32
    scf.for %scan3A_195 = %scan3A_59 to %scan3A_61 step %scan3A_62  : i32 {
      %mul3A_196 = arith.constant 4 : i32
      %mul3A_197 = arith.muli %scan3A_195, %mul3A_196 : i32
      %add3A_198 = arith.constant 0 : i32
      %add3A_199 = arith.addi %add3A_198, %mul3A_197 : i32
      %add3A_200 = arith.constant 0 : i32
      %add3A_201 = arith.addi %add3A_199, %add3A_200 : i32
      %add3A_202 = arith.constant 3 : i32
      %add3A_203 = arith.addi %add3A_201, %add3A_202 : i32
      %mul3A_204 = arith.constant 20000 : i32
      %mul3A_205 = arith.muli %arg1, %mul3A_204 : i32
      %mul3A_206 = arith.constant 80 : i32
      %mul3A_207 = arith.muli %add3A_203, %mul3A_206 : i32
      %add3A_208 = arith.addi %mul3A_205, %mul3A_207 : i32
      %dma_start3A_209 = tpu.memref_slice %arg3[%add3A_208] : memref<320000xi32, #tpu.memory_space<hbm>> -> memref<80xi32, #tpu.memory_space<hbm>>
      %dma_start3A_210 = tpu.memref_slice %arg3[%add3A_208] : memref<320000xi32, #tpu.memory_space<hbm>> -> memref<80xi32, #tpu.memory_space<hbm>>
      tpu.enqueue_dma source(%dma_start3A_210 : memref<80xi32, #tpu.memory_space<hbm>>) target(%arg12 : memref<80xi32, #tpu.memory_space<vmem>>) target_semaphore(%arg23 : memref<!tpu.dma_semaphore, #tpu.memory_space<semaphore_mem>>)
      %dma_start3A_211 = tpu.memref_slice %arg4[%add3A_208] : memref<320000xi32, #tpu.memory_space<hbm>> -> memref<80xi32, #tpu.memory_space<hbm>>
      %dma_start3A_212 = tpu.memref_slice %arg4[%add3A_208] : memref<320000xi32, #tpu.memory_space<hbm>> -> memref<80xi32, #tpu.memory_space<hbm>>
      tpu.enqueue_dma source(%dma_start3A_212 : memref<80xi32, #tpu.memory_space<hbm>>) target(%arg13 : memref<80xi32, #tpu.memory_space<vmem>>) target_semaphore(%arg23 : memref<!tpu.dma_semaphore, #tpu.memory_space<semaphore_mem>>)
      %add3A_213 = arith.constant 0 : i32
      %add3A_214 = arith.addi %add3A_199, %add3A_213 : i32
      %add3A_215 = arith.constant 2 : i32
      %add3A_216 = arith.addi %add3A_214, %add3A_215 : i32
      %mul3A_217 = arith.constant 20000 : i32
      %mul3A_218 = arith.muli %arg1, %mul3A_217 : i32
      %mul3A_219 = arith.constant 80 : i32
      %mul3A_220 = arith.muli %add3A_216, %mul3A_219 : i32
      %add3A_221 = arith.addi %mul3A_218, %mul3A_220 : i32
      %dma_wait3A_222 = tpu.memref_slice %arg3[%add3A_221] : memref<320000xi32, #tpu.memory_space<hbm>> -> memref<80xi32, #tpu.memory_space<hbm>>
      %dma_wait3A_223 = tpu.memref_slice %arg3[%add3A_221] : memref<320000xi32, #tpu.memory_space<hbm>> -> memref<80xi32, #tpu.memory_space<hbm>>
      tpu.wait_dma2 semaphore(%arg22 : memref<!tpu.dma_semaphore, #tpu.memory_space<semaphore_mem>>) src(%dma_wait3A_223 : memref<80xi32, #tpu.memory_space<hbm>>) dst(%arg10 : memref<80xi32, #tpu.memory_space<vmem>>)
      %dma_wait3A_224 = tpu.memref_slice %arg4[%add3A_221] : memref<320000xi32, #tpu.memory_space<hbm>> -> memref<80xi32, #tpu.memory_space<hbm>>
      %dma_wait3A_225 = tpu.memref_slice %arg4[%add3A_221] : memref<320000xi32, #tpu.memory_space<hbm>> -> memref<80xi32, #tpu.memory_space<hbm>>
      tpu.wait_dma2 semaphore(%arg22 : memref<!tpu.dma_semaphore, #tpu.memory_space<semaphore_mem>>) src(%dma_wait3A_225 : memref<80xi32, #tpu.memory_space<hbm>>) dst(%arg11 : memref<80xi32, #tpu.memory_space<vmem>>)
      %dma_start3A_226 = arith.constant 0 : i32
      %dma_start3A_227 = arith.constant 0 : i32
      %dma_start3A_228 = tpu.memref_slice %arg2[%arg0, %dma_start3A_226, %dma_start3A_227] : memref<2x10000x128xf32, #tpu.memory_space<hbm>> -> memref<1x10000x128xf32, #tpu.memory_space<hbm>>
      %dma_start3A_229 = tpu.memref_squeeze %dma_start3A_228 : memref<1x10000x128xf32, #tpu.memory_space<hbm>> -> memref<10000x128xf32, #tpu.memory_space<hbm>>
      %dma_start3A_230 = arith.constant 0 : i32
      %dma_start3A_231 = arith.constant 0 : i32
      %dma_start3A_232 = tpu.memref_slice %dma_start3A_229[%dma_start3A_230, %dma_start3A_231] : memref<10000x128xf32, #tpu.memory_space<hbm>> -> memref<10000x128xf32, #tpu.memory_space<hbm>>
      tpu.enqueue_indirect_dma source(%dma_start3A_232 : memref<10000x128xf32, #tpu.memory_space<hbm>>) target(%arg16 : memref<80x128xf32, #tpu.memory_space<vmem>>) offsets(%arg10 : memref<80xi32, #tpu.memory_space<vmem>>) semaphore(%arg26 : memref<!tpu.dma_semaphore, #tpu.memory_space<semaphore_mem>>)
      %dma_wait3A_233 = arith.constant 0 : i32
      %dma_wait3A_234 = arith.constant 0 : i32
      %dma_wait3A_235 = tpu.memref_slice %arg2[%arg0, %dma_wait3A_233, %dma_wait3A_234] : memref<2x10000x128xf32, #tpu.memory_space<hbm>> -> memref<1x10000x128xf32, #tpu.memory_space<hbm>>
      %dma_wait3A_236 = tpu.memref_squeeze %dma_wait3A_235 : memref<1x10000x128xf32, #tpu.memory_space<hbm>> -> memref<10000x128xf32, #tpu.memory_space<hbm>>
      %dma_wait3A_237 = arith.constant 0 : i32
      %dma_wait3A_238 = arith.constant 0 : i32
      %dma_wait3A_239 = tpu.memref_slice %dma_wait3A_236[%dma_wait3A_237, %dma_wait3A_238] : memref<10000x128xf32, #tpu.memory_space<hbm>> -> memref<10000x128xf32, #tpu.memory_space<hbm>>
      tpu.wait_indirect_dma semaphore(%arg24 : memref<!tpu.dma_semaphore, #tpu.memory_space<semaphore_mem>>) src(%dma_wait3A_239 : memref<10000x128xf32, #tpu.memory_space<hbm>>) dst(%arg14 : memref<80x128xf32, #tpu.memory_space<vmem>>)
      "tpu.region"() ({
        %run_scoped3A = tpu.sem_alloc : memref<!tpu.dma_semaphore, #tpu.memory_space<semaphore_mem>>
        %dma_start3A_360 = arith.constant 0 : i32
        %dma_start3A_361 = arith.constant 0 : i32
        %dma_start3A_362 = tpu.memref_slice %arg19[%dma_start3A_360, %dma_start3A_361] : memref<10000x128xf32, #tpu.memory_space<vmem_shared>> -> memref<10000x128xf32, #tpu.memory_space<vmem_shared>>
        tpu.enqueue_indirect_dma source(%arg14 : memref<80x128xf32, #tpu.memory_space<vmem>>) target(%dma_start3A_362 : memref<10000x128xf32, #tpu.memory_space<vmem_shared>>) offsets(%arg7 : memref<80xi32, #tpu.memory_space<vmem>>) semaphore(%run_scoped3A : memref<!tpu.dma_semaphore, #tpu.memory_space<semaphore_mem>>) {add = true}
        %dma_wait3A_363 = arith.constant 0 : i32
        %dma_wait3A_364 = arith.constant 0 : i32
        %dma_wait3A_365 = tpu.memref_slice %arg19[%dma_wait3A_363, %dma_wait3A_364] : memref<10000x128xf32, #tpu.memory_space<vmem_shared>> -> memref<10000x128xf32, #tpu.memory_space<vmem_shared>>
        tpu.wait_indirect_dma semaphore(%run_scoped3A : memref<!tpu.dma_semaphore, #tpu.memory_space<semaphore_mem>>) src(%arg14 : memref<80x128xf32, #tpu.memory_space<vmem>>) dst(%dma_wait3A_365 : memref<10000x128xf32, #tpu.memory_space<vmem_shared>>)
        tpu.yield
      }) : () -> ()
      %add3A_240 = arith.constant 1 : i32
      %add3A_241 = arith.addi %add3A_199, %add3A_240 : i32
      %add3A_242 = arith.constant 3 : i32
      %add3A_243 = arith.addi %add3A_241, %add3A_242 : i32
      %mul3A_244 = arith.constant 20000 : i32
      %mul3A_245 = arith.muli %arg1, %mul3A_244 : i32
      %mul3A_246 = arith.constant 80 : i32
      %mul3A_247 = arith.muli %add3A_243, %mul3A_246 : i32
      %add3A_248 = arith.addi %mul3A_245, %mul3A_247 : i32
      %dma_start3A_249 = tpu.memref_slice %arg3[%add3A_248] : memref<320000xi32, #tpu.memory_space<hbm>> -> memref<80xi32, #tpu.memory_space<hbm>>
      %dma_start3A_250 = tpu.memref_slice %arg3[%add3A_248] : memref<320000xi32, #tpu.memory_space<hbm>> -> memref<80xi32, #tpu.memory_space<hbm>>
      tpu.enqueue_dma source(%dma_start3A_250 : memref<80xi32, #tpu.memory_space<hbm>>) target(%arg6 : memref<80xi32, #tpu.memory_space<vmem>>) target_semaphore(%arg20 : memref<!tpu.dma_semaphore, #tpu.memory_space<semaphore_mem>>)
      %dma_start3A_251 = tpu.memref_slice %arg4[%add3A_248] : memref<320000xi32, #tpu.memory_space<hbm>> -> memref<80xi32, #tpu.memory_space<hbm>>
      %dma_start3A_252 = tpu.memref_slice %arg4[%add3A_248] : memref<320000xi32, #tpu.memory_space<hbm>> -> memref<80xi32, #tpu.memory_space<hbm>>
      tpu.enqueue_dma source(%dma_start3A_252 : memref<80xi32, #tpu.memory_space<hbm>>) target(%arg7 : memref<80xi32, #tpu.memory_space<vmem>>) target_semaphore(%arg20 : memref<!tpu.dma_semaphore, #tpu.memory_space<semaphore_mem>>)
      %add3A_253 = arith.constant 1 : i32
      %add3A_254 = arith.addi %add3A_199, %add3A_253 : i32
      %add3A_255 = arith.constant 2 : i32
      %add3A_256 = arith.addi %add3A_254, %add3A_255 : i32
      %mul3A_257 = arith.constant 20000 : i32
      %mul3A_258 = arith.muli %arg1, %mul3A_257 : i32
      %mul3A_259 = arith.constant 80 : i32
      %mul3A_260 = arith.muli %add3A_256, %mul3A_259 : i32
      %add3A_261 = arith.addi %mul3A_258, %mul3A_260 : i32
      %dma_wait3A_262 = tpu.memref_slice %arg3[%add3A_261] : memref<320000xi32, #tpu.memory_space<hbm>> -> memref<80xi32, #tpu.memory_space<hbm>>
      %dma_wait3A_263 = tpu.memref_slice %arg3[%add3A_261] : memref<320000xi32, #tpu.memory_space<hbm>> -> memref<80xi32, #tpu.memory_space<hbm>>
      tpu.wait_dma2 semaphore(%arg23 : memref<!tpu.dma_semaphore, #tpu.memory_space<semaphore_mem>>) src(%dma_wait3A_263 : memref<80xi32, #tpu.memory_space<hbm>>) dst(%arg12 : memref<80xi32, #tpu.memory_space<vmem>>)
      %dma_wait3A_264 = tpu.memref_slice %arg4[%add3A_261] : memref<320000xi32, #tpu.memory_space<hbm>> -> memref<80xi32, #tpu.memory_space<hbm>>
      %dma_wait3A_265 = tpu.memref_slice %arg4[%add3A_261] : memref<320000xi32, #tpu.memory_space<hbm>> -> memref<80xi32, #tpu.memory_space<hbm>>
      tpu.wait_dma2 semaphore(%arg23 : memref<!tpu.dma_semaphore, #tpu.memory_space<semaphore_mem>>) src(%dma_wait3A_265 : memref<80xi32, #tpu.memory_space<hbm>>) dst(%arg13 : memref<80xi32, #tpu.memory_space<vmem>>)
      %dma_start3A_266 = arith.constant 0 : i32
      %dma_start3A_267 = arith.constant 0 : i32
      %dma_start3A_268 = tpu.memref_slice %arg2[%arg0, %dma_start3A_266, %dma_start3A_267] : memref<2x10000x128xf32, #tpu.memory_space<hbm>> -> memref<1x10000x128xf32, #tpu.memory_space<hbm>>
      %dma_start3A_269 = tpu.memref_squeeze %dma_start3A_268 : memref<1x10000x128xf32, #tpu.memory_space<hbm>> -> memref<10000x128xf32, #tpu.memory_space<hbm>>
      %dma_start3A_270 = arith.constant 0 : i32
      %dma_start3A_271 = arith.constant 0 : i32
      %dma_start3A_272 = tpu.memref_slice %dma_start3A_269[%dma_start3A_270, %dma_start3A_271] : memref<10000x128xf32, #tpu.memory_space<hbm>> -> memref<10000x128xf32, #tpu.memory_space<hbm>>
      tpu.enqueue_indirect_dma source(%dma_start3A_272 : memref<10000x128xf32, #tpu.memory_space<hbm>>) target(%arg17 : memref<80x128xf32, #tpu.memory_space<vmem>>) offsets(%arg12 : memref<80xi32, #tpu.memory_space<vmem>>) semaphore(%arg27 : memref<!tpu.dma_semaphore, #tpu.memory_space<semaphore_mem>>)
      %dma_wait3A_273 = arith.constant 0 : i32
      %dma_wait3A_274 = arith.constant 0 : i32
      %dma_wait3A_275 = tpu.memref_slice %arg2[%arg0, %dma_wait3A_273, %dma_wait3A_274] : memref<2x10000x128xf32, #tpu.memory_space<hbm>> -> memref<1x10000x128xf32, #tpu.memory_space<hbm>>
      %dma_wait3A_276 = tpu.memref_squeeze %dma_wait3A_275 : memref<1x10000x128xf32, #tpu.memory_space<hbm>> -> memref<10000x128xf32, #tpu.memory_space<hbm>>
      %dma_wait3A_277 = arith.constant 0 : i32
      %dma_wait3A_278 = arith.constant 0 : i32
      %dma_wait3A_279 = tpu.memref_slice %dma_wait3A_276[%dma_wait3A_277, %dma_wait3A_278] : memref<10000x128xf32, #tpu.memory_space<hbm>> -> memref<10000x128xf32, #tpu.memory_space<hbm>>
      tpu.wait_indirect_dma semaphore(%arg25 : memref<!tpu.dma_semaphore, #tpu.memory_space<semaphore_mem>>) src(%dma_wait3A_279 : memref<10000x128xf32, #tpu.memory_space<hbm>>) dst(%arg15 : memref<80x128xf32, #tpu.memory_space<vmem>>)
      "tpu.region"() ({
        %run_scoped3A = tpu.sem_alloc : memref<!tpu.dma_semaphore, #tpu.memory_space<semaphore_mem>>
        %dma_start3A_360 = arith.constant 0 : i32
        %dma_start3A_361 = arith.constant 0 : i32
        %dma_start3A_362 = tpu.memref_slice %arg19[%dma_start3A_360, %dma_start3A_361] : memref<10000x128xf32, #tpu.memory_space<vmem_shared>> -> memref<10000x128xf32, #tpu.memory_space<vmem_shared>>
        tpu.enqueue_indirect_dma source(%arg15 : memref<80x128xf32, #tpu.memory_space<vmem>>) target(%dma_start3A_362 : memref<10000x128xf32, #tpu.memory_space<vmem_shared>>) offsets(%arg9 : memref<80xi32, #tpu.memory_space<vmem>>) semaphore(%run_scoped3A : memref<!tpu.dma_semaphore, #tpu.memory_space<semaphore_mem>>) {add = true}
        %dma_wait3A_363 = arith.constant 0 : i32
        %dma_wait3A_364 = arith.constant 0 : i32
        %dma_wait3A_365 = tpu.memref_slice %arg19[%dma_wait3A_363, %dma_wait3A_364] : memref<10000x128xf32, #tpu.memory_space<vmem_shared>> -> memref<10000x128xf32, #tpu.memory_space<vmem_shared>>
        tpu.wait_indirect_dma semaphore(%run_scoped3A : memref<!tpu.dma_semaphore, #tpu.memory_space<semaphore_mem>>) src(%arg15 : memref<80x128xf32, #tpu.memory_space<vmem>>) dst(%dma_wait3A_365 : memref<10000x128xf32, #tpu.memory_space<vmem_shared>>)
        tpu.yield
      }) : () -> ()
      %add3A_280 = arith.constant 2 : i32
      %add3A_281 = arith.addi %add3A_199, %add3A_280 : i32
      %add3A_282 = arith.constant 3 : i32
      %add3A_283 = arith.addi %add3A_281, %add3A_282 : i32
      %mul3A_284 = arith.constant 20000 : i32
      %mul3A_285 = arith.muli %arg1, %mul3A_284 : i32
      %mul3A_286 = arith.constant 80 : i32
      %mul3A_287 = arith.muli %add3A_283, %mul3A_286 : i32
      %add3A_288 = arith.addi %mul3A_285, %mul3A_287 : i32
      %dma_start3A_289 = tpu.memref_slice %arg3[%add3A_288] : memref<320000xi32, #tpu.memory_space<hbm>> -> memref<80xi32, #tpu.memory_space<hbm>>
      %dma_start3A_290 = tpu.memref_slice %arg3[%add3A_288] : memref<320000xi32, #tpu.memory_space<hbm>> -> memref<80xi32, #tpu.memory_space<hbm>>
      tpu.enqueue_dma source(%dma_start3A_290 : memref<80xi32, #tpu.memory_space<hbm>>) target(%arg8 : memref<80xi32, #tpu.memory_space<vmem>>) target_semaphore(%arg21 : memref<!tpu.dma_semaphore, #tpu.memory_space<semaphore_mem>>)
      %dma_start3A_291 = tpu.memref_slice %arg4[%add3A_288] : memref<320000xi32, #tpu.memory_space<hbm>> -> memref<80xi32, #tpu.memory_space<hbm>>
      %dma_start3A_292 = tpu.memref_slice %arg4[%add3A_288] : memref<320000xi32, #tpu.memory_space<hbm>> -> memref<80xi32, #tpu.memory_space<hbm>>
      tpu.enqueue_dma source(%dma_start3A_292 : memref<80xi32, #tpu.memory_space<hbm>>) target(%arg9 : memref<80xi32, #tpu.memory_space<vmem>>) target_semaphore(%arg21 : memref<!tpu.dma_semaphore, #tpu.memory_space<semaphore_mem>>)
      %add3A_293 = arith.constant 2 : i32
      %add3A_294 = arith.addi %add3A_199, %add3A_293 : i32
      %add3A_295 = arith.constant 2 : i32
      %add3A_296 = arith.addi %add3A_294, %add3A_295 : i32
      %mul3A_297 = arith.constant 20000 : i32
      %mul3A_298 = arith.muli %arg1, %mul3A_297 : i32
      %mul3A_299 = arith.constant 80 : i32
      %mul3A_300 = arith.muli %add3A_296, %mul3A_299 : i32
      %add3A_301 = arith.addi %mul3A_298, %mul3A_300 : i32
      %dma_wait3A_302 = tpu.memref_slice %arg3[%add3A_301] : memref<320000xi32, #tpu.memory_space<hbm>> -> memref<80xi32, #tpu.memory_space<hbm>>
      %dma_wait3A_303 = tpu.memref_slice %arg3[%add3A_301] : memref<320000xi32, #tpu.memory_space<hbm>> -> memref<80xi32, #tpu.memory_space<hbm>>
      tpu.wait_dma2 semaphore(%arg20 : memref<!tpu.dma_semaphore, #tpu.memory_space<semaphore_mem>>) src(%dma_wait3A_303 : memref<80xi32, #tpu.memory_space<hbm>>) dst(%arg6 : memref<80xi32, #tpu.memory_space<vmem>>)
      %dma_wait3A_304 = tpu.memref_slice %arg4[%add3A_301] : memref<320000xi32, #tpu.memory_space<hbm>> -> memref<80xi32, #tpu.memory_space<hbm>>
      %dma_wait3A_305 = tpu.memref_slice %arg4[%add3A_301] : memref<320000xi32, #tpu.memory_space<hbm>> -> memref<80xi32, #tpu.memory_space<hbm>>
      tpu.wait_dma2 semaphore(%arg20 : memref<!tpu.dma_semaphore, #tpu.memory_space<semaphore_mem>>) src(%dma_wait3A_305 : memref<80xi32, #tpu.memory_space<hbm>>) dst(%arg7 : memref<80xi32, #tpu.memory_space<vmem>>)
      %dma_start3A_306 = arith.constant 0 : i32
      %dma_start3A_307 = arith.constant 0 : i32
      %dma_start3A_308 = tpu.memref_slice %arg2[%arg0, %dma_start3A_306, %dma_start3A_307] : memref<2x10000x128xf32, #tpu.memory_space<hbm>> -> memref<1x10000x128xf32, #tpu.memory_space<hbm>>
      %dma_start3A_309 = tpu.memref_squeeze %dma_start3A_308 : memref<1x10000x128xf32, #tpu.memory_space<hbm>> -> memref<10000x128xf32, #tpu.memory_space<hbm>>
      %dma_start3A_310 = arith.constant 0 : i32
      %dma_start3A_311 = arith.constant 0 : i32
      %dma_start3A_312 = tpu.memref_slice %dma_start3A_309[%dma_start3A_310, %dma_start3A_311] : memref<10000x128xf32, #tpu.memory_space<hbm>> -> memref<10000x128xf32, #tpu.memory_space<hbm>>
      tpu.enqueue_indirect_dma source(%dma_start3A_312 : memref<10000x128xf32, #tpu.memory_space<hbm>>) target(%arg14 : memref<80x128xf32, #tpu.memory_space<vmem>>) offsets(%arg6 : memref<80xi32, #tpu.memory_space<vmem>>) semaphore(%arg24 : memref<!tpu.dma_semaphore, #tpu.memory_space<semaphore_mem>>)
      %dma_wait3A_313 = arith.constant 0 : i32
      %dma_wait3A_314 = arith.constant 0 : i32
      %dma_wait3A_315 = tpu.memref_slice %arg2[%arg0, %dma_wait3A_313, %dma_wait3A_314] : memref<2x10000x128xf32, #tpu.memory_space<hbm>> -> memref<1x10000x128xf32, #tpu.memory_space<hbm>>
      %dma_wait3A_316 = tpu.memref_squeeze %dma_wait3A_315 : memref<1x10000x128xf32, #tpu.memory_space<hbm>> -> memref<10000x128xf32, #tpu.memory_space<hbm>>
      %dma_wait3A_317 = arith.constant 0 : i32
      %dma_wait3A_318 = arith.constant 0 : i32
      %dma_wait3A_319 = tpu.memref_slice %dma_wait3A_316[%dma_wait3A_317, %dma_wait3A_318] : memref<10000x128xf32, #tpu.memory_space<hbm>> -> memref<10000x128xf32, #tpu.memory_space<hbm>>
      tpu.wait_indirect_dma semaphore(%arg26 : memref<!tpu.dma_semaphore, #tpu.memory_space<semaphore_mem>>) src(%dma_wait3A_319 : memref<10000x128xf32, #tpu.memory_space<hbm>>) dst(%arg16 : memref<80x128xf32, #tpu.memory_space<vmem>>)
      "tpu.region"() ({
        %run_scoped3A = tpu.sem_alloc : memref<!tpu.dma_semaphore, #tpu.memory_space<semaphore_mem>>
        %dma_start3A_360 = arith.constant 0 : i32
        %dma_start3A_361 = arith.constant 0 : i32
        %dma_start3A_362 = tpu.memref_slice %arg19[%dma_start3A_360, %dma_start3A_361] : memref<10000x128xf32, #tpu.memory_space<vmem_shared>> -> memref<10000x128xf32, #tpu.memory_space<vmem_shared>>
        tpu.enqueue_indirect_dma source(%arg16 : memref<80x128xf32, #tpu.memory_space<vmem>>) target(%dma_start3A_362 : memref<10000x128xf32, #tpu.memory_space<vmem_shared>>) offsets(%arg11 : memref<80xi32, #tpu.memory_space<vmem>>) semaphore(%run_scoped3A : memref<!tpu.dma_semaphore, #tpu.memory_space<semaphore_mem>>) {add = true}
        %dma_wait3A_363 = arith.constant 0 : i32
        %dma_wait3A_364 = arith.constant 0 : i32
        %dma_wait3A_365 = tpu.memref_slice %arg19[%dma_wait3A_363, %dma_wait3A_364] : memref<10000x128xf32, #tpu.memory_space<vmem_shared>> -> memref<10000x128xf32, #tpu.memory_space<vmem_shared>>
        tpu.wait_indirect_dma semaphore(%run_scoped3A : memref<!tpu.dma_semaphore, #tpu.memory_space<semaphore_mem>>) src(%arg16 : memref<80x128xf32, #tpu.memory_space<vmem>>) dst(%dma_wait3A_365 : memref<10000x128xf32, #tpu.memory_space<vmem_shared>>)
        tpu.yield
      }) : () -> ()
      %add3A_320 = arith.constant 3 : i32
      %add3A_321 = arith.addi %add3A_199, %add3A_320 : i32
      %add3A_322 = arith.constant 3 : i32
      %add3A_323 = arith.addi %add3A_321, %add3A_322 : i32
      %mul3A_324 = arith.constant 20000 : i32
      %mul3A_325 = arith.muli %arg1, %mul3A_324 : i32
      %mul3A_326 = arith.constant 80 : i32
      %mul3A_327 = arith.muli %add3A_323, %mul3A_326 : i32
      %add3A_328 = arith.addi %mul3A_325, %mul3A_327 : i32
      %dma_start3A_329 = tpu.memref_slice %arg3[%add3A_328] : memref<320000xi32, #tpu.memory_space<hbm>> -> memref<80xi32, #tpu.memory_space<hbm>>
      %dma_start3A_330 = tpu.memref_slice %arg3[%add3A_328] : memref<320000xi32, #tpu.memory_space<hbm>> -> memref<80xi32, #tpu.memory_space<hbm>>
      tpu.enqueue_dma source(%dma_start3A_330 : memref<80xi32, #tpu.memory_space<hbm>>) target(%arg10 : memref<80xi32, #tpu.memory_space<vmem>>) target_semaphore(%arg22 : memref<!tpu.dma_semaphore, #tpu.memory_space<semaphore_mem>>)
      %dma_start3A_331 = tpu.memref_slice %arg4[%add3A_328] : memref<320000xi32, #tpu.memory_space<hbm>> -> memref<80xi32, #tpu.memory_space<hbm>>
      %dma_start3A_332 = tpu.memref_slice %arg4[%add3A_328] : memref<320000xi32, #tpu.memory_space<hbm>> -> memref<80xi32, #tpu.memory_space<hbm>>
      tpu.enqueue_dma source(%dma_start3A_332 : memref<80xi32, #tpu.memory_space<hbm>>) target(%arg11 : memref<80xi32, #tpu.memory_space<vmem>>) target_semaphore(%arg22 : memref<!tpu.dma_semaphore, #tpu.memory_space<semaphore_mem>>)
      %add3A_333 = arith.constant 3 : i32
      %add3A_334 = arith.addi %add3A_199, %add3A_333 : i32
      %add3A_335 = arith.constant 2 : i32
      %add3A_336 = arith.addi %add3A_334, %add3A_335 : i32
      %mul3A_337 = arith.constant 20000 : i32
      %mul3A_338 = arith.muli %arg1, %mul3A_337 : i32
      %mul3A_339 = arith.constant 80 : i32
      %mul3A_340 = arith.muli %add3A_336, %mul3A_339 : i32
      %add3A_341 = arith.addi %mul3A_338, %mul3A_340 : i32
      %dma_wait3A_342 = tpu.memref_slice %arg3[%add3A_341] : memref<320000xi32, #tpu.memory_space<hbm>> -> memref<80xi32, #tpu.memory_space<hbm>>
      %dma_wait3A_343 = tpu.memref_slice %arg3[%add3A_341] : memref<320000xi32, #tpu.memory_space<hbm>> -> memref<80xi32, #tpu.memory_space<hbm>>
      tpu.wait_dma2 semaphore(%arg21 : memref<!tpu.dma_semaphore, #tpu.memory_space<semaphore_mem>>) src(%dma_wait3A_343 : memref<80xi32, #tpu.memory_space<hbm>>) dst(%arg8 : memref<80xi32, #tpu.memory_space<vmem>>)
      %dma_wait3A_344 = tpu.memref_slice %arg4[%add3A_341] : memref<320000xi32, #tpu.memory_space<hbm>> -> memref<80xi32, #tpu.memory_space<hbm>>
      %dma_wait3A_345 = tpu.memref_slice %arg4[%add3A_341] : memref<320000xi32, #tpu.memory_space<hbm>> -> memref<80xi32, #tpu.memory_space<hbm>>
      tpu.wait_dma2 semaphore(%arg21 : memref<!tpu.dma_semaphore, #tpu.memory_space<semaphore_mem>>) src(%dma_wait3A_345 : memref<80xi32, #tpu.memory_space<hbm>>) dst(%arg9 : memref<80xi32, #tpu.memory_space<vmem>>)
      %dma_start3A_346 = arith.constant 0 : i32
      %dma_start3A_347 = arith.constant 0 : i32
      %dma_start3A_348 = tpu.memref_slice %arg2[%arg0, %dma_start3A_346, %dma_start3A_347] : memref<2x10000x128xf32, #tpu.memory_space<hbm>> -> memref<1x10000x128xf32, #tpu.memory_space<hbm>>
      %dma_start3A_349 = tpu.memref_squeeze %dma_start3A_348 : memref<1x10000x128xf32, #tpu.memory_space<hbm>> -> memref<10000x128xf32, #tpu.memory_space<hbm>>
      %dma_start3A_350 = arith.constant 0 : i32
      %dma_start3A_351 = arith.constant 0 : i32
      %dma_start3A_352 = tpu.memref_slice %dma_start3A_349[%dma_start3A_350, %dma_start3A_351] : memref<10000x128xf32, #tpu.memory_space<hbm>> -> memref<10000x128xf32, #tpu.memory_space<hbm>>
      tpu.enqueue_indirect_dma source(%dma_start3A_352 : memref<10000x128xf32, #tpu.memory_space<hbm>>) target(%arg15 : memref<80x128xf32, #tpu.memory_space<vmem>>) offsets(%arg8 : memref<80xi32, #tpu.memory_space<vmem>>) semaphore(%arg25 : memref<!tpu.dma_semaphore, #tpu.memory_space<semaphore_mem>>)
      %dma_wait3A_353 = arith.constant 0 : i32
      %dma_wait3A_354 = arith.constant 0 : i32
      %dma_wait3A_355 = tpu.memref_slice %arg2[%arg0, %dma_wait3A_353, %dma_wait3A_354] : memref<2x10000x128xf32, #tpu.memory_space<hbm>> -> memref<1x10000x128xf32, #tpu.memory_space<hbm>>
      %dma_wait3A_356 = tpu.memref_squeeze %dma_wait3A_355 : memref<1x10000x128xf32, #tpu.memory_space<hbm>> -> memref<10000x128xf32, #tpu.memory_space<hbm>>
      %dma_wait3A_357 = arith.constant 0 : i32
      %dma_wait3A_358 = arith.constant 0 : i32
      %dma_wait3A_359 = tpu.memref_slice %dma_wait3A_356[%dma_wait3A_357, %dma_wait3A_358] : memref<10000x128xf32, #tpu.memory_space<hbm>> -> memref<10000x128xf32, #tpu.memory_space<hbm>>
      tpu.wait_indirect_dma semaphore(%arg27 : memref<!tpu.dma_semaphore, #tpu.memory_space<semaphore_mem>>) src(%dma_wait3A_359 : memref<10000x128xf32, #tpu.memory_space<hbm>>) dst(%arg17 : memref<80x128xf32, #tpu.memory_space<vmem>>)
      "tpu.region"() ({
        %run_scoped3A = tpu.sem_alloc : memref<!tpu.dma_semaphore, #tpu.memory_space<semaphore_mem>>
        %dma_start3A_360 = arith.constant 0 : i32
        %dma_start3A_361 = arith.constant 0 : i32
        %dma_start3A_362 = tpu.memref_slice %arg19[%dma_start3A_360, %dma_start3A_361] : memref<10000x128xf32, #tpu.memory_space<vmem_shared>> -> memref<10000x128xf32, #tpu.memory_space<vmem_shared>>
        tpu.enqueue_indirect_dma source(%arg17 : memref<80x128xf32, #tpu.memory_space<vmem>>) target(%dma_start3A_362 : memref<10000x128xf32, #tpu.memory_space<vmem_shared>>) offsets(%arg13 : memref<80xi32, #tpu.memory_space<vmem>>) semaphore(%run_scoped3A : memref<!tpu.dma_semaphore, #tpu.memory_space<semaphore_mem>>) {add = true}
        %dma_wait3A_363 = arith.constant 0 : i32
        %dma_wait3A_364 = arith.constant 0 : i32
        %dma_wait3A_365 = tpu.memref_slice %arg19[%dma_wait3A_363, %dma_wait3A_364] : memref<10000x128xf32, #tpu.memory_space<vmem_shared>> -> memref<10000x128xf32, #tpu.memory_space<vmem_shared>>
        tpu.wait_indirect_dma semaphore(%run_scoped3A : memref<!tpu.dma_semaphore, #tpu.memory_space<semaphore_mem>>) src(%arg17 : memref<80x128xf32, #tpu.memory_space<vmem>>) dst(%dma_wait3A_365 : memref<10000x128xf32, #tpu.memory_space<vmem_shared>>)
        tpu.yield
      }) : () -> ()
    }
    %scan3A_63 = arith.constant 61 : i32
    %mul3A_64 = arith.constant 20000 : i32
    %mul3A_65 = arith.muli %arg1, %mul3A_64 : i32
    %add3A_66 = arith.constant 19760 : i32
    %add3A_67 = arith.addi %mul3A_65, %add3A_66 : i32
    %dma_start3A_68 = tpu.memref_slice %arg3[%add3A_67] : memref<320000xi32, #tpu.memory_space<hbm>> -> memref<80xi32, #tpu.memory_space<hbm>>
    %dma_start3A_69 = tpu.memref_slice %arg3[%add3A_67] : memref<320000xi32, #tpu.memory_space<hbm>> -> memref<80xi32, #tpu.memory_space<hbm>>
    tpu.enqueue_dma source(%dma_start3A_69 : memref<80xi32, #tpu.memory_space<hbm>>) target(%arg12 : memref<80xi32, #tpu.memory_space<vmem>>) target_semaphore(%arg23 : memref<!tpu.dma_semaphore, #tpu.memory_space<semaphore_mem>>)
    %dma_start3A_70 = tpu.memref_slice %arg4[%add3A_67] : memref<320000xi32, #tpu.memory_space<hbm>> -> memref<80xi32, #tpu.memory_space<hbm>>
    %dma_start3A_71 = tpu.memref_slice %arg4[%add3A_67] : memref<320000xi32, #tpu.memory_space<hbm>> -> memref<80xi32, #tpu.memory_space<hbm>>
    tpu.enqueue_dma source(%dma_start3A_71 : memref<80xi32, #tpu.memory_space<hbm>>) target(%arg13 : memref<80xi32, #tpu.memory_space<vmem>>) target_semaphore(%arg23 : memref<!tpu.dma_semaphore, #tpu.memory_space<semaphore_mem>>)
    %mul3A_72 = arith.constant 20000 : i32
    %mul3A_73 = arith.muli %arg1, %mul3A_72 : i32
    %add3A_74 = arith.constant 19680 : i32
    %add3A_75 = arith.addi %mul3A_73, %add3A_74 : i32
    %dma_wait3A_76 = tpu.memref_slice %arg3[%add3A_75] : memref<320000xi32, #tpu.memory_space<hbm>> -> memref<80xi32, #tpu.memory_space<hbm>>
    %dma_wait3A_77 = tpu.memref_slice %arg3[%add3A_75] : memref<320000xi32, #tpu.memory_space<hbm>> -> memref<80xi32, #tpu.memory_space<hbm>>
    tpu.wait_dma2 semaphore(%arg22 : memref<!tpu.dma_semaphore, #tpu.memory_space<semaphore_mem>>) src(%dma_wait3A_77 : memref<80xi32, #tpu.memory_space<hbm>>) dst(%arg10 : memref<80xi32, #tpu.memory_space<vmem>>)
    %dma_wait3A_78 = tpu.memref_slice %arg4[%add3A_75] : memref<320000xi32, #tpu.memory_space<hbm>> -> memref<80xi32, #tpu.memory_space<hbm>>
    %dma_wait3A_79 = tpu.memref_slice %arg4[%add3A_75] : memref<320000xi32, #tpu.memory_space<hbm>> -> memref<80xi32, #tpu.memory_space<hbm>>
    tpu.wait_dma2 semaphore(%arg22 : memref<!tpu.dma_semaphore, #tpu.memory_space<semaphore_mem>>) src(%dma_wait3A_79 : memref<80xi32, #tpu.memory_space<hbm>>) dst(%arg11 : memref<80xi32, #tpu.memory_space<vmem>>)
    %dma_start3A_80 = arith.constant 0 : i32
    %dma_start3A_81 = arith.constant 0 : i32
    %dma_start3A_82 = tpu.memref_slice %arg2[%arg0, %dma_start3A_80, %dma_start3A_81] : memref<2x10000x128xf32, #tpu.memory_space<hbm>> -> memref<1x10000x128xf32, #tpu.memory_space<hbm>>
    %dma_start3A_83 = tpu.memref_squeeze %dma_start3A_82 : memref<1x10000x128xf32, #tpu.memory_space<hbm>> -> memref<10000x128xf32, #tpu.memory_space<hbm>>
    %dma_start3A_84 = arith.constant 0 : i32
    %dma_start3A_85 = arith.constant 0 : i32
    %dma_start3A_86 = tpu.memref_slice %dma_start3A_83[%dma_start3A_84, %dma_start3A_85] : memref<10000x128xf32, #tpu.memory_space<hbm>> -> memref<10000x128xf32, #tpu.memory_space<hbm>>
    tpu.enqueue_indirect_dma source(%dma_start3A_86 : memref<10000x128xf32, #tpu.memory_space<hbm>>) target(%arg16 : memref<80x128xf32, #tpu.memory_space<vmem>>) offsets(%arg10 : memref<80xi32, #tpu.memory_space<vmem>>) semaphore(%arg26 : memref<!tpu.dma_semaphore, #tpu.memory_space<semaphore_mem>>)
    %dma_wait3A_87 = arith.constant 0 : i32
    %dma_wait3A_88 = arith.constant 0 : i32
    %dma_wait3A_89 = tpu.memref_slice %arg2[%arg0, %dma_wait3A_87, %dma_wait3A_88] : memref<2x10000x128xf32, #tpu.memory_space<hbm>> -> memref<1x10000x128xf32, #tpu.memory_space<hbm>>
    %dma_wait3A_90 = tpu.memref_squeeze %dma_wait3A_89 : memref<1x10000x128xf32, #tpu.memory_space<hbm>> -> memref<10000x128xf32, #tpu.memory_space<hbm>>
    %dma_wait3A_91 = arith.constant 0 : i32
    %dma_wait3A_92 = arith.constant 0 : i32
    %dma_wait3A_93 = tpu.memref_slice %dma_wait3A_90[%dma_wait3A_91, %dma_wait3A_92] : memref<10000x128xf32, #tpu.memory_space<hbm>> -> memref<10000x128xf32, #tpu.memory_space<hbm>>
    tpu.wait_indirect_dma semaphore(%arg24 : memref<!tpu.dma_semaphore, #tpu.memory_space<semaphore_mem>>) src(%dma_wait3A_93 : memref<10000x128xf32, #tpu.memory_space<hbm>>) dst(%arg14 : memref<80x128xf32, #tpu.memory_space<vmem>>)
    "tpu.region"() ({
      %run_scoped3A = tpu.sem_alloc : memref<!tpu.dma_semaphore, #tpu.memory_space<semaphore_mem>>
      %dma_start3A_195 = arith.constant 0 : i32
      %dma_start3A_196 = arith.constant 0 : i32
      %dma_start3A_197 = tpu.memref_slice %arg19[%dma_start3A_195, %dma_start3A_196] : memref<10000x128xf32, #tpu.memory_space<vmem_shared>> -> memref<10000x128xf32, #tpu.memory_space<vmem_shared>>
      tpu.enqueue_indirect_dma source(%arg14 : memref<80x128xf32, #tpu.memory_space<vmem>>) target(%dma_start3A_197 : memref<10000x128xf32, #tpu.memory_space<vmem_shared>>) offsets(%arg7 : memref<80xi32, #tpu.memory_space<vmem>>) semaphore(%run_scoped3A : memref<!tpu.dma_semaphore, #tpu.memory_space<semaphore_mem>>) {add = true}
      %dma_wait3A_198 = arith.constant 0 : i32
      %dma_wait3A_199 = arith.constant 0 : i32
      %dma_wait3A_200 = tpu.memref_slice %arg19[%dma_wait3A_198, %dma_wait3A_199] : memref<10000x128xf32, #tpu.memory_space<vmem_shared>> -> memref<10000x128xf32, #tpu.memory_space<vmem_shared>>
      tpu.wait_indirect_dma semaphore(%run_scoped3A : memref<!tpu.dma_semaphore, #tpu.memory_space<semaphore_mem>>) src(%arg14 : memref<80x128xf32, #tpu.memory_space<vmem>>) dst(%dma_wait3A_200 : memref<10000x128xf32, #tpu.memory_space<vmem_shared>>)
      tpu.yield
    }) : () -> ()
    %mul3A_94 = arith.constant 20000 : i32
    %mul3A_95 = arith.muli %arg1, %mul3A_94 : i32
    %add3A_96 = arith.constant 19840 : i32
    %add3A_97 = arith.addi %mul3A_95, %add3A_96 : i32
    %dma_start3A_98 = tpu.memref_slice %arg3[%add3A_97] : memref<320000xi32, #tpu.memory_space<hbm>> -> memref<80xi32, #tpu.memory_space<hbm>>
    %dma_start3A_99 = tpu.memref_slice %arg3[%add3A_97] : memref<320000xi32, #tpu.memory_space<hbm>> -> memref<80xi32, #tpu.memory_space<hbm>>
    tpu.enqueue_dma source(%dma_start3A_99 : memref<80xi32, #tpu.memory_space<hbm>>) target(%arg6 : memref<80xi32, #tpu.memory_space<vmem>>) target_semaphore(%arg20 : memref<!tpu.dma_semaphore, #tpu.memory_space<semaphore_mem>>)
    %dma_start3A_100 = tpu.memref_slice %arg4[%add3A_97] : memref<320000xi32, #tpu.memory_space<hbm>> -> memref<80xi32, #tpu.memory_space<hbm>>
    %dma_start3A_101 = tpu.memref_slice %arg4[%add3A_97] : memref<320000xi32, #tpu.memory_space<hbm>> -> memref<80xi32, #tpu.memory_space<hbm>>
    tpu.enqueue_dma source(%dma_start3A_101 : memref<80xi32, #tpu.memory_space<hbm>>) target(%arg7 : memref<80xi32, #tpu.memory_space<vmem>>) target_semaphore(%arg20 : memref<!tpu.dma_semaphore, #tpu.memory_space<semaphore_mem>>)
    %mul3A_102 = arith.constant 20000 : i32
    %mul3A_103 = arith.muli %arg1, %mul3A_102 : i32
    %add3A_104 = arith.constant 19760 : i32
    %add3A_105 = arith.addi %mul3A_103, %add3A_104 : i32
    %dma_wait3A_106 = tpu.memref_slice %arg3[%add3A_105] : memref<320000xi32, #tpu.memory_space<hbm>> -> memref<80xi32, #tpu.memory_space<hbm>>
    %dma_wait3A_107 = tpu.memref_slice %arg3[%add3A_105] : memref<320000xi32, #tpu.memory_space<hbm>> -> memref<80xi32, #tpu.memory_space<hbm>>
    tpu.wait_dma2 semaphore(%arg23 : memref<!tpu.dma_semaphore, #tpu.memory_space<semaphore_mem>>) src(%dma_wait3A_107 : memref<80xi32, #tpu.memory_space<hbm>>) dst(%arg12 : memref<80xi32, #tpu.memory_space<vmem>>)
    %dma_wait3A_108 = tpu.memref_slice %arg4[%add3A_105] : memref<320000xi32, #tpu.memory_space<hbm>> -> memref<80xi32, #tpu.memory_space<hbm>>
    %dma_wait3A_109 = tpu.memref_slice %arg4[%add3A_105] : memref<320000xi32, #tpu.memory_space<hbm>> -> memref<80xi32, #tpu.memory_space<hbm>>
    tpu.wait_dma2 semaphore(%arg23 : memref<!tpu.dma_semaphore, #tpu.memory_space<semaphore_mem>>) src(%dma_wait3A_109 : memref<80xi32, #tpu.memory_space<hbm>>) dst(%arg13 : memref<80xi32, #tpu.memory_space<vmem>>)
    %dma_start3A_110 = arith.constant 0 : i32
    %dma_start3A_111 = arith.constant 0 : i32
    %dma_start3A_112 = tpu.memref_slice %arg2[%arg0, %dma_start3A_110, %dma_start3A_111] : memref<2x10000x128xf32, #tpu.memory_space<hbm>> -> memref<1x10000x128xf32, #tpu.memory_space<hbm>>
    %dma_start3A_113 = tpu.memref_squeeze %dma_start3A_112 : memref<1x10000x128xf32, #tpu.memory_space<hbm>> -> memref<10000x128xf32, #tpu.memory_space<hbm>>
    %dma_start3A_114 = arith.constant 0 : i32
    %dma_start3A_115 = arith.constant 0 : i32
    %dma_start3A_116 = tpu.memref_slice %dma_start3A_113[%dma_start3A_114, %dma_start3A_115] : memref<10000x128xf32, #tpu.memory_space<hbm>> -> memref<10000x128xf32, #tpu.memory_space<hbm>>
    tpu.enqueue_indirect_dma source(%dma_start3A_116 : memref<10000x128xf32, #tpu.memory_space<hbm>>) target(%arg17 : memref<80x128xf32, #tpu.memory_space<vmem>>) offsets(%arg12 : memref<80xi32, #tpu.memory_space<vmem>>) semaphore(%arg27 : memref<!tpu.dma_semaphore, #tpu.memory_space<semaphore_mem>>)
    %dma_wait3A_117 = arith.constant 0 : i32
    %dma_wait3A_118 = arith.constant 0 : i32
    %dma_wait3A_119 = tpu.memref_slice %arg2[%arg0, %dma_wait3A_117, %dma_wait3A_118] : memref<2x10000x128xf32, #tpu.memory_space<hbm>> -> memref<1x10000x128xf32, #tpu.memory_space<hbm>>
    %dma_wait3A_120 = tpu.memref_squeeze %dma_wait3A_119 : memref<1x10000x128xf32, #tpu.memory_space<hbm>> -> memref<10000x128xf32, #tpu.memory_space<hbm>>
    %dma_wait3A_121 = arith.constant 0 : i32
    %dma_wait3A_122 = arith.constant 0 : i32
    %dma_wait3A_123 = tpu.memref_slice %dma_wait3A_120[%dma_wait3A_121, %dma_wait3A_122] : memref<10000x128xf32, #tpu.memory_space<hbm>> -> memref<10000x128xf32, #tpu.memory_space<hbm>>
    tpu.wait_indirect_dma semaphore(%arg25 : memref<!tpu.dma_semaphore, #tpu.memory_space<semaphore_mem>>) src(%dma_wait3A_123 : memref<10000x128xf32, #tpu.memory_space<hbm>>) dst(%arg15 : memref<80x128xf32, #tpu.memory_space<vmem>>)
    "tpu.region"() ({
      %run_scoped3A = tpu.sem_alloc : memref<!tpu.dma_semaphore, #tpu.memory_space<semaphore_mem>>
      %dma_start3A_195 = arith.constant 0 : i32
      %dma_start3A_196 = arith.constant 0 : i32
      %dma_start3A_197 = tpu.memref_slice %arg19[%dma_start3A_195, %dma_start3A_196] : memref<10000x128xf32, #tpu.memory_space<vmem_shared>> -> memref<10000x128xf32, #tpu.memory_space<vmem_shared>>
      tpu.enqueue_indirect_dma source(%arg15 : memref<80x128xf32, #tpu.memory_space<vmem>>) target(%dma_start3A_197 : memref<10000x128xf32, #tpu.memory_space<vmem_shared>>) offsets(%arg9 : memref<80xi32, #tpu.memory_space<vmem>>) semaphore(%run_scoped3A : memref<!tpu.dma_semaphore, #tpu.memory_space<semaphore_mem>>) {add = true}
      %dma_wait3A_198 = arith.constant 0 : i32
      %dma_wait3A_199 = arith.constant 0 : i32
      %dma_wait3A_200 = tpu.memref_slice %arg19[%dma_wait3A_198, %dma_wait3A_199] : memref<10000x128xf32, #tpu.memory_space<vmem_shared>> -> memref<10000x128xf32, #tpu.memory_space<vmem_shared>>
      tpu.wait_indirect_dma semaphore(%run_scoped3A : memref<!tpu.dma_semaphore, #tpu.memory_space<semaphore_mem>>) src(%arg15 : memref<80x128xf32, #tpu.memory_space<vmem>>) dst(%dma_wait3A_200 : memref<10000x128xf32, #tpu.memory_space<vmem_shared>>)
      tpu.yield
    }) : () -> ()
    %mul3A_124 = arith.constant 20000 : i32
    %mul3A_125 = arith.muli %arg1, %mul3A_124 : i32
    %add3A_126 = arith.constant 19920 : i32
    %add3A_127 = arith.addi %mul3A_125, %add3A_126 : i32
    %dma_start3A_128 = tpu.memref_slice %arg3[%add3A_127] : memref<320000xi32, #tpu.memory_space<hbm>> -> memref<80xi32, #tpu.memory_space<hbm>>
    %dma_start3A_129 = tpu.memref_slice %arg3[%add3A_127] : memref<320000xi32, #tpu.memory_space<hbm>> -> memref<80xi32, #tpu.memory_space<hbm>>
    tpu.enqueue_dma source(%dma_start3A_129 : memref<80xi32, #tpu.memory_space<hbm>>) target(%arg8 : memref<80xi32, #tpu.memory_space<vmem>>) target_semaphore(%arg21 : memref<!tpu.dma_semaphore, #tpu.memory_space<semaphore_mem>>)
    %dma_start3A_130 = tpu.memref_slice %arg4[%add3A_127] : memref<320000xi32, #tpu.memory_space<hbm>> -> memref<80xi32, #tpu.memory_space<hbm>>
    %dma_start3A_131 = tpu.memref_slice %arg4[%add3A_127] : memref<320000xi32, #tpu.memory_space<hbm>> -> memref<80xi32, #tpu.memory_space<hbm>>
    tpu.enqueue_dma source(%dma_start3A_131 : memref<80xi32, #tpu.memory_space<hbm>>) target(%arg9 : memref<80xi32, #tpu.memory_space<vmem>>) target_semaphore(%arg21 : memref<!tpu.dma_semaphore, #tpu.memory_space<semaphore_mem>>)
    %mul3A_132 = arith.constant 20000 : i32
    %mul3A_133 = arith.muli %arg1, %mul3A_132 : i32
    %add3A_134 = arith.constant 19840 : i32
    %add3A_135 = arith.addi %mul3A_133, %add3A_134 : i32
    %dma_wait3A_136 = tpu.memref_slice %arg3[%add3A_135] : memref<320000xi32, #tpu.memory_space<hbm>> -> memref<80xi32, #tpu.memory_space<hbm>>
    %dma_wait3A_137 = tpu.memref_slice %arg3[%add3A_135] : memref<320000xi32, #tpu.memory_space<hbm>> -> memref<80xi32, #tpu.memory_space<hbm>>
    tpu.wait_dma2 semaphore(%arg20 : memref<!tpu.dma_semaphore, #tpu.memory_space<semaphore_mem>>) src(%dma_wait3A_137 : memref<80xi32, #tpu.memory_space<hbm>>) dst(%arg6 : memref<80xi32, #tpu.memory_space<vmem>>)
    %dma_wait3A_138 = tpu.memref_slice %arg4[%add3A_135] : memref<320000xi32, #tpu.memory_space<hbm>> -> memref<80xi32, #tpu.memory_space<hbm>>
    %dma_wait3A_139 = tpu.memref_slice %arg4[%add3A_135] : memref<320000xi32, #tpu.memory_space<hbm>> -> memref<80xi32, #tpu.memory_space<hbm>>
    tpu.wait_dma2 semaphore(%arg20 : memref<!tpu.dma_semaphore, #tpu.memory_space<semaphore_mem>>) src(%dma_wait3A_139 : memref<80xi32, #tpu.memory_space<hbm>>) dst(%arg7 : memref<80xi32, #tpu.memory_space<vmem>>)
    %dma_start3A_140 = arith.constant 0 : i32
    %dma_start3A_141 = arith.constant 0 : i32
    %dma_start3A_142 = tpu.memref_slice %arg2[%arg0, %dma_start3A_140, %dma_start3A_141] : memref<2x10000x128xf32, #tpu.memory_space<hbm>> -> memref<1x10000x128xf32, #tpu.memory_space<hbm>>
    %dma_start3A_143 = tpu.memref_squeeze %dma_start3A_142 : memref<1x10000x128xf32, #tpu.memory_space<hbm>> -> memref<10000x128xf32, #tpu.memory_space<hbm>>
    %dma_start3A_144 = arith.constant 0 : i32
    %dma_start3A_145 = arith.constant 0 : i32
    %dma_start3A_146 = tpu.memref_slice %dma_start3A_143[%dma_start3A_144, %dma_start3A_145] : memref<10000x128xf32, #tpu.memory_space<hbm>> -> memref<10000x128xf32, #tpu.memory_space<hbm>>
    tpu.enqueue_indirect_dma source(%dma_start3A_146 : memref<10000x128xf32, #tpu.memory_space<hbm>>) target(%arg14 : memref<80x128xf32, #tpu.memory_space<vmem>>) offsets(%arg6 : memref<80xi32, #tpu.memory_space<vmem>>) semaphore(%arg24 : memref<!tpu.dma_semaphore, #tpu.memory_space<semaphore_mem>>)
    %dma_wait3A_147 = arith.constant 0 : i32
    %dma_wait3A_148 = arith.constant 0 : i32
    %dma_wait3A_149 = tpu.memref_slice %arg2[%arg0, %dma_wait3A_147, %dma_wait3A_148] : memref<2x10000x128xf32, #tpu.memory_space<hbm>> -> memref<1x10000x128xf32, #tpu.memory_space<hbm>>
    %dma_wait3A_150 = tpu.memref_squeeze %dma_wait3A_149 : memref<1x10000x128xf32, #tpu.memory_space<hbm>> -> memref<10000x128xf32, #tpu.memory_space<hbm>>
    %dma_wait3A_151 = arith.constant 0 : i32
    %dma_wait3A_152 = arith.constant 0 : i32
    %dma_wait3A_153 = tpu.memref_slice %dma_wait3A_150[%dma_wait3A_151, %dma_wait3A_152] : memref<10000x128xf32, #tpu.memory_space<hbm>> -> memref<10000x128xf32, #tpu.memory_space<hbm>>
    tpu.wait_indirect_dma semaphore(%arg26 : memref<!tpu.dma_semaphore, #tpu.memory_space<semaphore_mem>>) src(%dma_wait3A_153 : memref<10000x128xf32, #tpu.memory_space<hbm>>) dst(%arg16 : memref<80x128xf32, #tpu.memory_space<vmem>>)
    "tpu.region"() ({
      %run_scoped3A = tpu.sem_alloc : memref<!tpu.dma_semaphore, #tpu.memory_space<semaphore_mem>>
      %dma_start3A_195 = arith.constant 0 : i32
      %dma_start3A_196 = arith.constant 0 : i32
      %dma_start3A_197 = tpu.memref_slice %arg19[%dma_start3A_195, %dma_start3A_196] : memref<10000x128xf32, #tpu.memory_space<vmem_shared>> -> memref<10000x128xf32, #tpu.memory_space<vmem_shared>>
      tpu.enqueue_indirect_dma source(%arg16 : memref<80x128xf32, #tpu.memory_space<vmem>>) target(%dma_start3A_197 : memref<10000x128xf32, #tpu.memory_space<vmem_shared>>) offsets(%arg11 : memref<80xi32, #tpu.memory_space<vmem>>) semaphore(%run_scoped3A : memref<!tpu.dma_semaphore, #tpu.memory_space<semaphore_mem>>) {add = true}
      %dma_wait3A_198 = arith.constant 0 : i32
      %dma_wait3A_199 = arith.constant 0 : i32
      %dma_wait3A_200 = tpu.memref_slice %arg19[%dma_wait3A_198, %dma_wait3A_199] : memref<10000x128xf32, #tpu.memory_space<vmem_shared>> -> memref<10000x128xf32, #tpu.memory_space<vmem_shared>>
      tpu.wait_indirect_dma semaphore(%run_scoped3A : memref<!tpu.dma_semaphore, #tpu.memory_space<semaphore_mem>>) src(%arg16 : memref<80x128xf32, #tpu.memory_space<vmem>>) dst(%dma_wait3A_200 : memref<10000x128xf32, #tpu.memory_space<vmem_shared>>)
      tpu.yield
    }) : () -> ()
    %mul3A_154 = arith.constant 20000 : i32
    %mul3A_155 = arith.muli %arg1, %mul3A_154 : i32
    %add3A_156 = arith.constant 19920 : i32
    %add3A_157 = arith.addi %mul3A_155, %add3A_156 : i32
    %dma_wait3A_158 = tpu.memref_slice %arg3[%add3A_157] : memref<320000xi32, #tpu.memory_space<hbm>> -> memref<80xi32, #tpu.memory_space<hbm>>
    %dma_wait3A_159 = tpu.memref_slice %arg3[%add3A_157] : memref<320000xi32, #tpu.memory_space<hbm>> -> memref<80xi32, #tpu.memory_space<hbm>>
    tpu.wait_dma2 semaphore(%arg21 : memref<!tpu.dma_semaphore, #tpu.memory_space<semaphore_mem>>) src(%dma_wait3A_159 : memref<80xi32, #tpu.memory_space<hbm>>) dst(%arg8 : memref<80xi32, #tpu.memory_space<vmem>>)
    %dma_wait3A_160 = tpu.memref_slice %arg4[%add3A_157] : memref<320000xi32, #tpu.memory_space<hbm>> -> memref<80xi32, #tpu.memory_space<hbm>>
    %dma_wait3A_161 = tpu.memref_slice %arg4[%add3A_157] : memref<320000xi32, #tpu.memory_space<hbm>> -> memref<80xi32, #tpu.memory_space<hbm>>
    tpu.wait_dma2 semaphore(%arg21 : memref<!tpu.dma_semaphore, #tpu.memory_space<semaphore_mem>>) src(%dma_wait3A_161 : memref<80xi32, #tpu.memory_space<hbm>>) dst(%arg9 : memref<80xi32, #tpu.memory_space<vmem>>)
    %dma_start3A_162 = arith.constant 0 : i32
    %dma_start3A_163 = arith.constant 0 : i32
    %dma_start3A_164 = tpu.memref_slice %arg2[%arg0, %dma_start3A_162, %dma_start3A_163] : memref<2x10000x128xf32, #tpu.memory_space<hbm>> -> memref<1x10000x128xf32, #tpu.memory_space<hbm>>
    %dma_start3A_165 = tpu.memref_squeeze %dma_start3A_164 : memref<1x10000x128xf32, #tpu.memory_space<hbm>> -> memref<10000x128xf32, #tpu.memory_space<hbm>>
    %dma_start3A_166 = arith.constant 0 : i32
    %dma_start3A_167 = arith.constant 0 : i32
    %dma_start3A_168 = tpu.memref_slice %dma_start3A_165[%dma_start3A_166, %dma_start3A_167] : memref<10000x128xf32, #tpu.memory_space<hbm>> -> memref<10000x128xf32, #tpu.memory_space<hbm>>
    tpu.enqueue_indirect_dma source(%dma_start3A_168 : memref<10000x128xf32, #tpu.memory_space<hbm>>) target(%arg15 : memref<80x128xf32, #tpu.memory_space<vmem>>) offsets(%arg8 : memref<80xi32, #tpu.memory_space<vmem>>) semaphore(%arg25 : memref<!tpu.dma_semaphore, #tpu.memory_space<semaphore_mem>>)
    %dma_wait3A_169 = arith.constant 0 : i32
    %dma_wait3A_170 = arith.constant 0 : i32
    %dma_wait3A_171 = tpu.memref_slice %arg2[%arg0, %dma_wait3A_169, %dma_wait3A_170] : memref<2x10000x128xf32, #tpu.memory_space<hbm>> -> memref<1x10000x128xf32, #tpu.memory_space<hbm>>
    %dma_wait3A_172 = tpu.memref_squeeze %dma_wait3A_171 : memref<1x10000x128xf32, #tpu.memory_space<hbm>> -> memref<10000x128xf32, #tpu.memory_space<hbm>>
    %dma_wait3A_173 = arith.constant 0 : i32
    %dma_wait3A_174 = arith.constant 0 : i32
    %dma_wait3A_175 = tpu.memref_slice %dma_wait3A_172[%dma_wait3A_173, %dma_wait3A_174] : memref<10000x128xf32, #tpu.memory_space<hbm>> -> memref<10000x128xf32, #tpu.memory_space<hbm>>
    tpu.wait_indirect_dma semaphore(%arg27 : memref<!tpu.dma_semaphore, #tpu.memory_space<semaphore_mem>>) src(%dma_wait3A_175 : memref<10000x128xf32, #tpu.memory_space<hbm>>) dst(%arg17 : memref<80x128xf32, #tpu.memory_space<vmem>>)
    "tpu.region"() ({
      %run_scoped3A = tpu.sem_alloc : memref<!tpu.dma_semaphore, #tpu.memory_space<semaphore_mem>>
      %dma_start3A_195 = arith.constant 0 : i32
      %dma_start3A_196 = arith.constant 0 : i32
      %dma_start3A_197 = tpu.memref_slice %arg19[%dma_start3A_195, %dma_start3A_196] : memref<10000x128xf32, #tpu.memory_space<vmem_shared>> -> memref<10000x128xf32, #tpu.memory_space<vmem_shared>>
      tpu.enqueue_indirect_dma source(%arg17 : memref<80x128xf32, #tpu.memory_space<vmem>>) target(%dma_start3A_197 : memref<10000x128xf32, #tpu.memory_space<vmem_shared>>) offsets(%arg13 : memref<80xi32, #tpu.memory_space<vmem>>) semaphore(%run_scoped3A : memref<!tpu.dma_semaphore, #tpu.memory_space<semaphore_mem>>) {add = true}
      %dma_wait3A_198 = arith.constant 0 : i32
      %dma_wait3A_199 = arith.constant 0 : i32
      %dma_wait3A_200 = tpu.memref_slice %arg19[%dma_wait3A_198, %dma_wait3A_199] : memref<10000x128xf32, #tpu.memory_space<vmem_shared>> -> memref<10000x128xf32, #tpu.memory_space<vmem_shared>>
      tpu.wait_indirect_dma semaphore(%run_scoped3A : memref<!tpu.dma_semaphore, #tpu.memory_space<semaphore_mem>>) src(%arg17 : memref<80x128xf32, #tpu.memory_space<vmem>>) dst(%dma_wait3A_200 : memref<10000x128xf32, #tpu.memory_space<vmem_shared>>)
      tpu.yield
    }) : () -> ()
    %dma_wait3A_176 = arith.constant 0 : i32
    %dma_wait3A_177 = arith.constant 0 : i32
    %dma_wait3A_178 = tpu.memref_slice %arg2[%arg0, %dma_wait3A_176, %dma_wait3A_177] : memref<2x10000x128xf32, #tpu.memory_space<hbm>> -> memref<1x10000x128xf32, #tpu.memory_space<hbm>>
    %dma_wait3A_179 = tpu.memref_squeeze %dma_wait3A_178 : memref<1x10000x128xf32, #tpu.memory_space<hbm>> -> memref<10000x128xf32, #tpu.memory_space<hbm>>
    %dma_wait3A_180 = arith.constant 0 : i32
    %dma_wait3A_181 = arith.constant 0 : i32
    %dma_wait3A_182 = tpu.memref_slice %dma_wait3A_179[%dma_wait3A_180, %dma_wait3A_181] : memref<10000x128xf32, #tpu.memory_space<hbm>> -> memref<10000x128xf32, #tpu.memory_space<hbm>>
    tpu.wait_indirect_dma semaphore(%arg24 : memref<!tpu.dma_semaphore, #tpu.memory_space<semaphore_mem>>) src(%dma_wait3A_182 : memref<10000x128xf32, #tpu.memory_space<hbm>>) dst(%arg14 : memref<80x128xf32, #tpu.memory_space<vmem>>)
    "tpu.region"() ({
      %run_scoped3A = tpu.sem_alloc : memref<!tpu.dma_semaphore, #tpu.memory_space<semaphore_mem>>
      %dma_start3A_195 = arith.constant 0 : i32
      %dma_start3A_196 = arith.constant 0 : i32
      %dma_start3A_197 = tpu.memref_slice %arg19[%dma_start3A_195, %dma_start3A_196] : memref<10000x128xf32, #tpu.memory_space<vmem_shared>> -> memref<10000x128xf32, #tpu.memory_space<vmem_shared>>
      tpu.enqueue_indirect_dma source(%arg14 : memref<80x128xf32, #tpu.memory_space<vmem>>) target(%dma_start3A_197 : memref<10000x128xf32, #tpu.memory_space<vmem_shared>>) offsets(%arg7 : memref<80xi32, #tpu.memory_space<vmem>>) semaphore(%run_scoped3A : memref<!tpu.dma_semaphore, #tpu.memory_space<semaphore_mem>>) {add = true}
      %dma_wait3A_198 = arith.constant 0 : i32
      %dma_wait3A_199 = arith.constant 0 : i32
      %dma_wait3A_200 = tpu.memref_slice %arg19[%dma_wait3A_198, %dma_wait3A_199] : memref<10000x128xf32, #tpu.memory_space<vmem_shared>> -> memref<10000x128xf32, #tpu.memory_space<vmem_shared>>
      tpu.wait_indirect_dma semaphore(%run_scoped3A : memref<!tpu.dma_semaphore, #tpu.memory_space<semaphore_mem>>) src(%arg14 : memref<80x128xf32, #tpu.memory_space<vmem>>) dst(%dma_wait3A_200 : memref<10000x128xf32, #tpu.memory_space<vmem_shared>>)
      tpu.yield
    }) : () -> ()
    %dma_wait3A_183 = arith.constant 0 : i32
    %dma_wait3A_184 = arith.constant 0 : i32
    %dma_wait3A_185 = tpu.memref_slice %arg2[%arg0, %dma_wait3A_183, %dma_wait3A_184] : memref<2x10000x128xf32, #tpu.memory_space<hbm>> -> memref<1x10000x128xf32, #tpu.memory_space<hbm>>
    %dma_wait3A_186 = tpu.memref_squeeze %dma_wait3A_185 : memref<1x10000x128xf32, #tpu.memory_space<hbm>> -> memref<10000x128xf32, #tpu.memory_space<hbm>>
    %dma_wait3A_187 = arith.constant 0 : i32
    %dma_wait3A_188 = arith.constant 0 : i32
    %dma_wait3A_189 = tpu.memref_slice %dma_wait3A_186[%dma_wait3A_187, %dma_wait3A_188] : memref<10000x128xf32, #tpu.memory_space<hbm>> -> memref<10000x128xf32, #tpu.memory_space<hbm>>
    tpu.wait_indirect_dma semaphore(%arg25 : memref<!tpu.dma_semaphore, #tpu.memory_space<semaphore_mem>>) src(%dma_wait3A_189 : memref<10000x128xf32, #tpu.memory_space<hbm>>) dst(%arg15 : memref<80x128xf32, #tpu.memory_space<vmem>>)
    "tpu.region"() ({
      %run_scoped3A = tpu.sem_alloc : memref<!tpu.dma_semaphore, #tpu.memory_space<semaphore_mem>>
      %dma_start3A_195 = arith.constant 0 : i32
      %dma_start3A_196 = arith.constant 0 : i32
      %dma_start3A_197 = tpu.memref_slice %arg19[%dma_start3A_195, %dma_start3A_196] : memref<10000x128xf32, #tpu.memory_space<vmem_shared>> -> memref<10000x128xf32, #tpu.memory_space<vmem_shared>>
      tpu.enqueue_indirect_dma source(%arg15 : memref<80x128xf32, #tpu.memory_space<vmem>>) target(%dma_start3A_197 : memref<10000x128xf32, #tpu.memory_space<vmem_shared>>) offsets(%arg9 : memref<80xi32, #tpu.memory_space<vmem>>) semaphore(%run_scoped3A : memref<!tpu.dma_semaphore, #tpu.memory_space<semaphore_mem>>) {add = true}
      %dma_wait3A_198 = arith.constant 0 : i32
      %dma_wait3A_199 = arith.constant 0 : i32
      %dma_wait3A_200 = tpu.memref_slice %arg19[%dma_wait3A_198, %dma_wait3A_199] : memref<10000x128xf32, #tpu.memory_space<vmem_shared>> -> memref<10000x128xf32, #tpu.memory_space<vmem_shared>>
      tpu.wait_indirect_dma semaphore(%run_scoped3A : memref<!tpu.dma_semaphore, #tpu.memory_space<semaphore_mem>>) src(%arg15 : memref<80x128xf32, #tpu.memory_space<vmem>>) dst(%dma_wait3A_200 : memref<10000x128xf32, #tpu.memory_space<vmem_shared>>)
      tpu.yield
    }) : () -> ()
    %barrier3A_190 = arith.constant 0 : index
    tpu.barrier barrier_id(%barrier3A_190)
    %mul3A_191 = arith.constant 625 : i32
    %mul3A_192 = arith.muli %arg1, %mul3A_191 : i32
    %mul3A_193 = arith.constant 625 : i32
    %mul3A_194 = arith.muli %arg1, %mul3A_193 : i32
    "tpu.region"() ({
      %run_scoped3A = tpu.sem_alloc : memref<!tpu.dma_semaphore, #tpu.memory_space<semaphore_mem>>
      %dma_start3A_195 = arith.constant 0 : i32
      %dma_start3A_196 = tpu.memref_slice %arg5[%arg0, %mul3A_194, %dma_start3A_195] : memref<2x10000x128xf32, #tpu.memory_space<hbm>> -> memref<1x625x128xf32, #tpu.memory_space<hbm>>
      %dma_start3A_197 = tpu.memref_squeeze %dma_start3A_196 : memref<1x625x128xf32, #tpu.memory_space<hbm>> -> memref<625x128xf32, #tpu.memory_space<hbm>>
      %dma_start3A_198 = arith.constant 0 : i32
      %dma_start3A_199 = tpu.memref_slice %arg19[%mul3A_192, %dma_start3A_198] : memref<10000x128xf32, #tpu.memory_space<vmem_shared>> -> memref<625x128xf32, #tpu.memory_space<vmem_shared>>
      tpu.enqueue_dma source(%dma_start3A_199 : memref<625x128xf32, #tpu.memory_space<vmem_shared>>) target(%dma_start3A_197 : memref<625x128xf32, #tpu.memory_space<hbm>>) target_semaphore(%run_scoped3A : memref<!tpu.dma_semaphore, #tpu.memory_space<semaphore_mem>>)
      %dma_wait3A_200 = arith.constant 0 : i32
      %dma_wait3A_201 = tpu.memref_slice %arg5[%arg0, %mul3A_194, %dma_wait3A_200] : memref<2x10000x128xf32, #tpu.memory_space<hbm>> -> memref<1x625x128xf32, #tpu.memory_space<hbm>>
      %dma_wait3A_202 = tpu.memref_squeeze %dma_wait3A_201 : memref<1x625x128xf32, #tpu.memory_space<hbm>> -> memref<625x128xf32, #tpu.memory_space<hbm>>
      %dma_wait3A_203 = arith.constant 0 : i32
      %dma_wait3A_204 = tpu.memref_slice %arg19[%mul3A_192, %dma_wait3A_203] : memref<10000x128xf32, #tpu.memory_space<vmem_shared>> -> memref<625x128xf32, #tpu.memory_space<vmem_shared>>
      tpu.wait_dma2 semaphore(%run_scoped3A : memref<!tpu.dma_semaphore, #tpu.memory_space<semaphore_mem>>) src(%dma_wait3A_204 : memref<625x128xf32, #tpu.memory_space<vmem_shared>>) dst(%dma_wait3A_202 : memref<625x128xf32, #tpu.memory_space<hbm>>)
      tpu.yield
    }) : () -> ()
    return
  }
}

#map = affine_map<(d0, d1) -> (0, 0, 0)>
#map1 = affine_map<(d0, d1) -> (0)>
module attributes {stable_mosaic.version = 14 : i64} {
  func.func @_agg_body(%arg0: i32, %arg1: i32, %arg2: memref<2x10000x128xf32, #tpu.memory_space<hbm>>, %arg3: memref<320000xi32, #tpu.memory_space<hbm>>, %arg4: memref<320000xi32, #tpu.memory_space<hbm>>, %arg5: memref<2x10000x128xf32, #tpu.memory_space<hbm>>, %arg6: memref<80xi32, #tpu.memory_space<vmem>>, %arg7: memref<80xi32, #tpu.memory_space<vmem>>, %arg8: memref<80xi32, #tpu.memory_space<vmem>>, %arg9: memref<80xi32, #tpu.memory_space<vmem>>, %arg10: memref<80xi32, #tpu.memory_space<vmem>>, %arg11: memref<80xi32, #tpu.memory_space<vmem>>, %arg12: memref<80xi32, #tpu.memory_space<vmem>>, %arg13: memref<80xi32, #tpu.memory_space<vmem>>, %arg14: memref<80x128xf32, #tpu.memory_space<vmem>>, %arg15: memref<80x128xf32, #tpu.memory_space<vmem>>, %arg16: memref<80x128xf32, #tpu.memory_space<vmem>>, %arg17: memref<80x128xf32, #tpu.memory_space<vmem>>, %arg18: memref<25x128xf32, #tpu.memory_space<vmem>>, %arg19: memref<10000x128xf32, #tpu.memory_space<vmem_shared>>, %arg20: memref<!tpu.dma_semaphore, #tpu.memory_space<semaphore_mem>>, %arg21: memref<!tpu.dma_semaphore, #tpu.memory_space<semaphore_mem>>, %arg22: memref<!tpu.dma_semaphore, #tpu.memory_space<semaphore_mem>>, %arg23: memref<!tpu.dma_semaphore, #tpu.memory_space<semaphore_mem>>, %arg24: memref<!tpu.dma_semaphore, #tpu.memory_space<semaphore_mem>>, %arg25: memref<!tpu.dma_semaphore, #tpu.memory_space<semaphore_mem>>, %arg26: memref<!tpu.dma_semaphore, #tpu.memory_space<semaphore_mem>>, %arg27: memref<!tpu.dma_semaphore, #tpu.memory_space<semaphore_mem>>) attributes {dimension_semantics = [#tpu.dimension_semantics<core_parallel>, #tpu.dimension_semantics<subcore_parallel>], iteration_bounds = array<i64: 2, 16>, scalar_prefetch = 0 : i64, scratch_operands = 22 : i64, tpu.core_type = #tpu.core_type<sc_vector_subcore>, window_params = [{transform_indices = #map}, {transform_indices = #map1}, {transform_indices = #map1}, {transform_indices = #map}]} {
    %scan3A = arith.constant 0 : i32
    %scan3A_0 = arith.constant 25 : i32
    %scan3A_1 = arith.addi %scan3A, %scan3A_0 : i32
    %scan3A_2 = arith.constant 1 : i32
    scf.for %scan3A_195 = %scan3A to %scan3A_1 step %scan3A_2  : i32 {
      %mul3A_196 = arith.constant 1 : i32
      %mul3A_197 = arith.muli %scan3A_195, %mul3A_196 : i32
      %add3A_198 = arith.constant 0 : i32
      %add3A_199 = arith.addi %add3A_198, %mul3A_197 : i32
      %broadcast_in_dim3A = arith.constant 0.000000e+00 : f32
      %broadcast_in_dim3A_200 = vector.broadcast %broadcast_in_dim3A : f32 to vector<16xf32>
      %swap3A = arith.index_cast %add3A_199 : i32 to index
      %swap3A_201 = arith.constant 0 : index
      %swap3A_202 = tpu.vector_load %arg18[%swap3A, %swap3A_201] {strides = array<i32>} : memref<25x128xf32, #tpu.memory_space<vmem>>, vector<1x16xf32>,
      %swap3A_203 = vector.shape_cast %swap3A_202 : vector<1x16xf32> to vector<16xf32>
      %swap3A_204 = vector.shape_cast %broadcast_in_dim3A_200 : vector<16xf32> to vector<1x16xf32>
      tpu.vector_store %arg18[%swap3A, %swap3A_201], %swap3A_204 {strides = array<i32>} : memref<25x128xf32, #tpu.memory_space<vmem>>, vector<1x16xf32>,
      %broadcast_in_dim3A_205 = arith.constant 0.000000e+00 : f32
      %broadcast_in_dim3A_206 = vector.broadcast %broadcast_in_dim3A_205 : f32 to vector<16xf32>
      %swap3A_207 = arith.index_cast %add3A_199 : i32 to index
      %swap3A_208 = arith.constant 16 : index
      %swap3A_209 = tpu.vector_load %arg18[%swap3A_207, %swap3A_208] {strides = array<i32>} : memref<25x128xf32, #tpu.memory_space<vmem>>, vector<1x16xf32>,
      %swap3A_210 = vector.shape_cast %swap3A_209 : vector<1x16xf32> to vector<16xf32>
      %swap3A_211 = vector.shape_cast %broadcast_in_dim3A_206 : vector<16xf32> to vector<1x16xf32>
      tpu.vector_store %arg18[%swap3A_207, %swap3A_208], %swap3A_211 {strides = array<i32>} : memref<25x128xf32, #tpu.memory_space<vmem>>, vector<1x16xf32>,
      %broadcast_in_dim3A_212 = arith.constant 0.000000e+00 : f32
      %broadcast_in_dim3A_213 = vector.broadcast %broadcast_in_dim3A_212 : f32 to vector<16xf32>
      %swap3A_214 = arith.index_cast %add3A_199 : i32 to index
      %swap3A_215 = arith.constant 32 : index
      %swap3A_216 = tpu.vector_load %arg18[%swap3A_214, %swap3A_215] {strides = array<i32>} : memref<25x128xf32, #tpu.memory_space<vmem>>, vector<1x16xf32>,
      %swap3A_217 = vector.shape_cast %swap3A_216 : vector<1x16xf32> to vector<16xf32>
      %swap3A_218 = vector.shape_cast %broadcast_in_dim3A_213 : vector<16xf32> to vector<1x16xf32>
      tpu.vector_store %arg18[%swap3A_214, %swap3A_215], %swap3A_218 {strides = array<i32>} : memref<25x128xf32, #tpu.memory_space<vmem>>, vector<1x16xf32>,
      %broadcast_in_dim3A_219 = arith.constant 0.000000e+00 : f32
      %broadcast_in_dim3A_220 = vector.broadcast %broadcast_in_dim3A_219 : f32 to vector<16xf32>
      %swap3A_221 = arith.index_cast %add3A_199 : i32 to index
      %swap3A_222 = arith.constant 48 : index
      %swap3A_223 = tpu.vector_load %arg18[%swap3A_221, %swap3A_222] {strides = array<i32>} : memref<25x128xf32, #tpu.memory_space<vmem>>, vector<1x16xf32>,
      %swap3A_224 = vector.shape_cast %swap3A_223 : vector<1x16xf32> to vector<16xf32>
      %swap3A_225 = vector.shape_cast %broadcast_in_dim3A_220 : vector<16xf32> to vector<1x16xf32>
      tpu.vector_store %arg18[%swap3A_221, %swap3A_222], %swap3A_225 {strides = array<i32>} : memref<25x128xf32, #tpu.memory_space<vmem>>, vector<1x16xf32>,
      %broadcast_in_dim3A_226 = arith.constant 0.000000e+00 : f32
      %broadcast_in_dim3A_227 = vector.broadcast %broadcast_in_dim3A_226 : f32 to vector<16xf32>
      %swap3A_228 = arith.index_cast %add3A_199 : i32 to index
      %swap3A_229 = arith.constant 64 : index
      %swap3A_230 = tpu.vector_load %arg18[%swap3A_228, %swap3A_229] {strides = array<i32>} : memref<25x128xf32, #tpu.memory_space<vmem>>, vector<1x16xf32>,
      %swap3A_231 = vector.shape_cast %swap3A_230 : vector<1x16xf32> to vector<16xf32>
      %swap3A_232 = vector.shape_cast %broadcast_in_dim3A_227 : vector<16xf32> to vector<1x16xf32>
      tpu.vector_store %arg18[%swap3A_228, %swap3A_229], %swap3A_232 {strides = array<i32>} : memref<25x128xf32, #tpu.memory_space<vmem>>, vector<1x16xf32>,
      %broadcast_in_dim3A_233 = arith.constant 0.000000e+00 : f32
      %broadcast_in_dim3A_234 = vector.broadcast %broadcast_in_dim3A_233 : f32 to vector<16xf32>
      %swap3A_235 = arith.index_cast %add3A_199 : i32 to index
      %swap3A_236 = arith.constant 80 : index
      %swap3A_237 = tpu.vector_load %arg18[%swap3A_235, %swap3A_236] {strides = array<i32>} : memref<25x128xf32, #tpu.memory_space<vmem>>, vector<1x16xf32>,
      %swap3A_238 = vector.shape_cast %swap3A_237 : vector<1x16xf32> to vector<16xf32>
      %swap3A_239 = vector.shape_cast %broadcast_in_dim3A_234 : vector<16xf32> to vector<1x16xf32>
      tpu.vector_store %arg18[%swap3A_235, %swap3A_236], %swap3A_239 {strides = array<i32>} : memref<25x128xf32, #tpu.memory_space<vmem>>, vector<1x16xf32>,
      %broadcast_in_dim3A_240 = arith.constant 0.000000e+00 : f32
      %broadcast_in_dim3A_241 = vector.broadcast %broadcast_in_dim3A_240 : f32 to vector<16xf32>
      %swap3A_242 = arith.index_cast %add3A_199 : i32 to index
      %swap3A_243 = arith.constant 96 : index
      %swap3A_244 = tpu.vector_load %arg18[%swap3A_242, %swap3A_243] {strides = array<i32>} : memref<25x128xf32, #tpu.memory_space<vmem>>, vector<1x16xf32>,
      %swap3A_245 = vector.shape_cast %swap3A_244 : vector<1x16xf32> to vector<16xf32>
      %swap3A_246 = vector.shape_cast %broadcast_in_dim3A_241 : vector<16xf32> to vector<1x16xf32>
      tpu.vector_store %arg18[%swap3A_242, %swap3A_243], %swap3A_246 {strides = array<i32>} : memref<25x128xf32, #tpu.memory_space<vmem>>, vector<1x16xf32>,
      %broadcast_in_dim3A_247 = arith.constant 0.000000e+00 : f32
      %broadcast_in_dim3A_248 = vector.broadcast %broadcast_in_dim3A_247 : f32 to vector<16xf32>
      %swap3A_249 = arith.index_cast %add3A_199 : i32 to index
      %swap3A_250 = arith.constant 112 : index
      %swap3A_251 = tpu.vector_load %arg18[%swap3A_249, %swap3A_250] {strides = array<i32>} : memref<25x128xf32, #tpu.memory_space<vmem>>, vector<1x16xf32>,
      %swap3A_252 = vector.shape_cast %swap3A_251 : vector<1x16xf32> to vector<16xf32>
      %swap3A_253 = vector.shape_cast %broadcast_in_dim3A_248 : vector<16xf32> to vector<1x16xf32>
      tpu.vector_store %arg18[%swap3A_249, %swap3A_250], %swap3A_253 {strides = array<i32>} : memref<25x128xf32, #tpu.memory_space<vmem>>, vector<1x16xf32>,
    }
    %scan3A_3 = arith.constant 25 : i32
    %scan3A_4 = arith.constant 0 : i32
    %scan3A_5 = arith.constant 25 : i32
    %scan3A_6 = arith.addi %scan3A_4, %scan3A_5 : i32
    %scan3A_7 = arith.constant 1 : i32
    scf.for %scan3A_195 = %scan3A_4 to %scan3A_6 step %scan3A_7  : i32 {
      %mul3A_196 = arith.constant 1 : i32
      %mul3A_197 = arith.muli %scan3A_195, %mul3A_196 : i32
      %add3A_198 = arith.constant 0 : i32
      %add3A_199 = arith.addi %add3A_198, %mul3A_197 : i32
      %mul3A_200 = arith.constant 625 : i32
      %mul3A_201 = arith.muli %arg1, %mul3A_200 : i32
      %mul3A_202 = arith.constant 25 : i32
      %mul3A_203 = arith.muli %add3A_199, %mul3A_202 : i32
      %add3A_204 = arith.addi %mul3A_201, %mul3A_203 : i32
      "tpu.region"() ({
        %run_scoped3A = tpu.sem_alloc : memref<!tpu.dma_semaphore, #tpu.memory_space<semaphore_mem>>
        %dma_start3A_205 = arith.constant 0 : i32
        %dma_start3A_206 = tpu.memref_slice %arg19[%add3A_204, %dma_start3A_205] : memref<10000x128xf32, #tpu.memory_space<vmem_shared>> -> memref<25x128xf32, #tpu.memory_space<vmem_shared>>
        %dma_start3A_207 = arith.constant 0 : i32
        %dma_start3A_208 = tpu.memref_slice %arg19[%add3A_204, %dma_start3A_207] : memref<10000x128xf32, #tpu.memory_space<vmem_shared>> -> memref<25x128xf32, #tpu.memory_space<vmem_shared>>
        tpu.enqueue_dma source(%arg18 : memref<25x128xf32, #tpu.memory_space<vmem>>) target(%dma_start3A_208 : memref<25x128xf32, #tpu.memory_space<vmem_shared>>) target_semaphore(%run_scoped3A : memref<!tpu.dma_semaphore, #tpu.memory_space<semaphore_mem>>)
        %dma_wait3A_209 = arith.constant 0 : i32
        %dma_wait3A_210 = tpu.memref_slice %arg19[%add3A_204, %dma_wait3A_209] : memref<10000x128xf32, #tpu.memory_space<vmem_shared>> -> memref<25x128xf32, #tpu.memory_space<vmem_shared>>
        %dma_wait3A_211 = arith.constant 0 : i32
        %dma_wait3A_212 = tpu.memref_slice %arg19[%add3A_204, %dma_wait3A_211] : memref<10000x128xf32, #tpu.memory_space<vmem_shared>> -> memref<25x128xf32, #tpu.memory_space<vmem_shared>>
        tpu.wait_dma2 semaphore(%run_scoped3A : memref<!tpu.dma_semaphore, #tpu.memory_space<semaphore_mem>>) src(%arg18 : memref<25x128xf32, #tpu.memory_space<vmem>>) dst(%dma_wait3A_212 : memref<25x128xf32, #tpu.memory_space<vmem_shared>>)
        tpu.yield
      }) : () -> ()
    }
    %scan3A_8 = arith.constant 25 : i32
    %barrier3A = arith.constant 0 : index
    tpu.barrier barrier_id(%barrier3A)
    %mul3A = arith.constant 20000 : i32
    %mul3A_9 = arith.muli %arg1, %mul3A : i32
    %add3A = arith.constant 0 : i32
    %add3A_10 = arith.addi %mul3A_9, %add3A : i32
    %dma_start3A = tpu.memref_slice %arg3[%add3A_10] : memref<320000xi32, #tpu.memory_space<hbm>> -> memref<80xi32, #tpu.memory_space<hbm>>
    %dma_start3A_11 = tpu.memref_slice %arg3[%add3A_10] : memref<320000xi32, #tpu.memory_space<hbm>> -> memref<80xi32, #tpu.memory_space<hbm>>
    tpu.enqueue_dma source(%dma_start3A_11 : memref<80xi32, #tpu.memory_space<hbm>>) target(%arg6 : memref<80xi32, #tpu.memory_space<vmem>>) target_semaphore(%arg20 : memref<!tpu.dma_semaphore, #tpu.memory_space<semaphore_mem>>)
    %dma_start3A_12 = tpu.memref_slice %arg4[%add3A_10] : memref<320000xi32, #tpu.memory_space<hbm>> -> memref<80xi32, #tpu.memory_space<hbm>>
    %dma_start3A_13 = tpu.memref_slice %arg4[%add3A_10] : memref<320000xi32, #tpu.memory_space<hbm>> -> memref<80xi32, #tpu.memory_space<hbm>>
    tpu.enqueue_dma source(%dma_start3A_13 : memref<80xi32, #tpu.memory_space<hbm>>) target(%arg7 : memref<80xi32, #tpu.memory_space<vmem>>) target_semaphore(%arg20 : memref<!tpu.dma_semaphore, #tpu.memory_space<semaphore_mem>>)
    %mul3A_14 = arith.constant 20000 : i32
    %mul3A_15 = arith.muli %arg1, %mul3A_14 : i32
    %add3A_16 = arith.constant 80 : i32
    %add3A_17 = arith.addi %mul3A_15, %add3A_16 : i32
    %dma_start3A_18 = tpu.memref_slice %arg3[%add3A_17] : memref<320000xi32, #tpu.memory_space<hbm>> -> memref<80xi32, #tpu.memory_space<hbm>>
    %dma_start3A_19 = tpu.memref_slice %arg3[%add3A_17] : memref<320000xi32, #tpu.memory_space<hbm>> -> memref<80xi32, #tpu.memory_space<hbm>>
    tpu.enqueue_dma source(%dma_start3A_19 : memref<80xi32, #tpu.memory_space<hbm>>) target(%arg8 : memref<80xi32, #tpu.memory_space<vmem>>) target_semaphore(%arg21 : memref<!tpu.dma_semaphore, #tpu.memory_space<semaphore_mem>>)
    %dma_start3A_20 = tpu.memref_slice %arg4[%add3A_17] : memref<320000xi32, #tpu.memory_space<hbm>> -> memref<80xi32, #tpu.memory_space<hbm>>
    %dma_start3A_21 = tpu.memref_slice %arg4[%add3A_17] : memref<320000xi32, #tpu.memory_space<hbm>> -> memref<80xi32, #tpu.memory_space<hbm>>
    tpu.enqueue_dma source(%dma_start3A_21 : memref<80xi32, #tpu.memory_space<hbm>>) target(%arg9 : memref<80xi32, #tpu.memory_space<vmem>>) target_semaphore(%arg21 : memref<!tpu.dma_semaphore, #tpu.memory_space<semaphore_mem>>)
    %mul3A_22 = arith.constant 20000 : i32
    %mul3A_23 = arith.muli %arg1, %mul3A_22 : i32
    %add3A_24 = arith.constant 160 : i32
    %add3A_25 = arith.addi %mul3A_23, %add3A_24 : i32
    %dma_start3A_26 = tpu.memref_slice %arg3[%add3A_25] : memref<320000xi32, #tpu.memory_space<hbm>> -> memref<80xi32, #tpu.memory_space<hbm>>
    %dma_start3A_27 = tpu.memref_slice %arg3[%add3A_25] : memref<320000xi32, #tpu.memory_space<hbm>> -> memref<80xi32, #tpu.memory_space<hbm>>
    tpu.enqueue_dma source(%dma_start3A_27 : memref<80xi32, #tpu.memory_space<hbm>>) target(%arg10 : memref<80xi32, #tpu.memory_space<vmem>>) target_semaphore(%arg22 : memref<!tpu.dma_semaphore, #tpu.memory_space<semaphore_mem>>)
    %dma_start3A_28 = tpu.memref_slice %arg4[%add3A_25] : memref<320000xi32, #tpu.memory_space<hbm>> -> memref<80xi32, #tpu.memory_space<hbm>>
    %dma_start3A_29 = tpu.memref_slice %arg4[%add3A_25] : memref<320000xi32, #tpu.memory_space<hbm>> -> memref<80xi32, #tpu.memory_space<hbm>>
    tpu.enqueue_dma source(%dma_start3A_29 : memref<80xi32, #tpu.memory_space<hbm>>) target(%arg11 : memref<80xi32, #tpu.memory_space<vmem>>) target_semaphore(%arg22 : memref<!tpu.dma_semaphore, #tpu.memory_space<semaphore_mem>>)
    %mul3A_30 = arith.constant 20000 : i32
    %mul3A_31 = arith.muli %arg1, %mul3A_30 : i32
    %add3A_32 = arith.constant 0 : i32
    %add3A_33 = arith.addi %mul3A_31, %add3A_32 : i32
    %dma_wait3A = tpu.memref_slice %arg3[%add3A_33] : memref<320000xi32, #tpu.memory_space<hbm>> -> memref<80xi32, #tpu.memory_space<hbm>>
    %dma_wait3A_34 = tpu.memref_slice %arg3[%add3A_33] : memref<320000xi32, #tpu.memory_space<hbm>> -> memref<80xi32, #tpu.memory_space<hbm>>
    tpu.wait_dma2 semaphore(%arg20 : memref<!tpu.dma_semaphore, #tpu.memory_space<semaphore_mem>>) src(%dma_wait3A_34 : memref<80xi32, #tpu.memory_space<hbm>>) dst(%arg6 : memref<80xi32, #tpu.memory_space<vmem>>)
    %dma_wait3A_35 = tpu.memref_slice %arg4[%add3A_33] : memref<320000xi32, #tpu.memory_space<hbm>> -> memref<80xi32, #tpu.memory_space<hbm>>
    %dma_wait3A_36 = tpu.memref_slice %arg4[%add3A_33] : memref<320000xi32, #tpu.memory_space<hbm>> -> memref<80xi32, #tpu.memory_space<hbm>>
    tpu.wait_dma2 semaphore(%arg20 : memref<!tpu.dma_semaphore, #tpu.memory_space<semaphore_mem>>) src(%dma_wait3A_36 : memref<80xi32, #tpu.memory_space<hbm>>) dst(%arg7 : memref<80xi32, #tpu.memory_space<vmem>>)
    %dma_start3A_37 = arith.constant 0 : i32
    %dma_start3A_38 = arith.constant 0 : i32
    %dma_start3A_39 = tpu.memref_slice %arg2[%arg0, %dma_start3A_37, %dma_start3A_38] : memref<2x10000x128xf32, #tpu.memory_space<hbm>> -> memref<1x10000x128xf32, #tpu.memory_space<hbm>>
    %dma_start3A_40 = tpu.memref_squeeze %dma_start3A_39 : memref<1x10000x128xf32, #tpu.memory_space<hbm>> -> memref<10000x128xf32, #tpu.memory_space<hbm>>
    %dma_start3A_41 = arith.constant 0 : i32
    %dma_start3A_42 = arith.constant 0 : i32
    %dma_start3A_43 = tpu.memref_slice %dma_start3A_40[%dma_start3A_41, %dma_start3A_42] : memref<10000x128xf32, #tpu.memory_space<hbm>> -> memref<10000x128xf32, #tpu.memory_space<hbm>>
    tpu.enqueue_indirect_dma source(%dma_start3A_43 : memref<10000x128xf32, #tpu.memory_space<hbm>>) target(%arg14 : memref<80x128xf32, #tpu.memory_space<vmem>>) offsets(%arg6 : memref<80xi32, #tpu.memory_space<vmem>>) semaphore(%arg24 : memref<!tpu.dma_semaphore, #tpu.memory_space<semaphore_mem>>)
    %mul3A_44 = arith.constant 20000 : i32
    %mul3A_45 = arith.muli %arg1, %mul3A_44 : i32
    %add3A_46 = arith.constant 80 : i32
    %add3A_47 = arith.addi %mul3A_45, %add3A_46 : i32
    %dma_wait3A_48 = tpu.memref_slice %arg3[%add3A_47] : memref<320000xi32, #tpu.memory_space<hbm>> -> memref<80xi32, #tpu.memory_space<hbm>>
    %dma_wait3A_49 = tpu.memref_slice %arg3[%add3A_47] : memref<320000xi32, #tpu.memory_space<hbm>> -> memref<80xi32, #tpu.memory_space<hbm>>
    tpu.wait_dma2 semaphore(%arg21 : memref<!tpu.dma_semaphore, #tpu.memory_space<semaphore_mem>>) src(%dma_wait3A_49 : memref<80xi32, #tpu.memory_space<hbm>>) dst(%arg8 : memref<80xi32, #tpu.memory_space<vmem>>)
    %dma_wait3A_50 = tpu.memref_slice %arg4[%add3A_47] : memref<320000xi32, #tpu.memory_space<hbm>> -> memref<80xi32, #tpu.memory_space<hbm>>
    %dma_wait3A_51 = tpu.memref_slice %arg4[%add3A_47] : memref<320000xi32, #tpu.memory_space<hbm>> -> memref<80xi32, #tpu.memory_space<hbm>>
    tpu.wait_dma2 semaphore(%arg21 : memref<!tpu.dma_semaphore, #tpu.memory_space<semaphore_mem>>) src(%dma_wait3A_51 : memref<80xi32, #tpu.memory_space<hbm>>) dst(%arg9 : memref<80xi32, #tpu.memory_space<vmem>>)
    %dma_start3A_52 = arith.constant 0 : i32
    %dma_start3A_53 = arith.constant 0 : i32
    %dma_start3A_54 = tpu.memref_slice %arg2[%arg0, %dma_start3A_52, %dma_start3A_53] : memref<2x10000x128xf32, #tpu.memory_space<hbm>> -> memref<1x10000x128xf32, #tpu.memory_space<hbm>>
    %dma_start3A_55 = tpu.memref_squeeze %dma_start3A_54 : memref<1x10000x128xf32, #tpu.memory_space<hbm>> -> memref<10000x128xf32, #tpu.memory_space<hbm>>
    %dma_start3A_56 = arith.constant 0 : i32
    %dma_start3A_57 = arith.constant 0 : i32
    %dma_start3A_58 = tpu.memref_slice %dma_start3A_55[%dma_start3A_56, %dma_start3A_57] : memref<10000x128xf32, #tpu.memory_space<hbm>> -> memref<10000x128xf32, #tpu.memory_space<hbm>>
    tpu.enqueue_indirect_dma source(%dma_start3A_58 : memref<10000x128xf32, #tpu.memory_space<hbm>>) target(%arg15 : memref<80x128xf32, #tpu.memory_space<vmem>>) offsets(%arg8 : memref<80xi32, #tpu.memory_space<vmem>>) semaphore(%arg25 : memref<!tpu.dma_semaphore, #tpu.memory_space<semaphore_mem>>)
    %scan3A_59 = arith.constant 0 : i32
    %scan3A_60 = arith.constant 61 : i32
    %scan3A_61 = arith.addi %scan3A_59, %scan3A_60 : i32
    %scan3A_62 = arith.constant 1 : i32
    scf.for %scan3A_195 = %scan3A_59 to %scan3A_61 step %scan3A_62  : i32 {
      %mul3A_196 = arith.constant 4 : i32
      %mul3A_197 = arith.muli %scan3A_195, %mul3A_196 : i32
      %add3A_198 = arith.constant 0 : i32
      %add3A_199 = arith.addi %add3A_198, %mul3A_197 : i32
      %add3A_200 = arith.constant 0 : i32
      %add3A_201 = arith.addi %add3A_199, %add3A_200 : i32
      %add3A_202 = arith.constant 3 : i32
      %add3A_203 = arith.addi %add3A_201, %add3A_202 : i32
      %mul3A_204 = arith.constant 20000 : i32
      %mul3A_205 = arith.muli %arg1, %mul3A_204 : i32
      %mul3A_206 = arith.constant 80 : i32
      %mul3A_207 = arith.muli %add3A_203, %mul3A_206 : i32
      %add3A_208 = arith.addi %mul3A_205, %mul3A_207 : i32
      %dma_start3A_209 = tpu.memref_slice %arg3[%add3A_208] : memref<320000xi32, #tpu.memory_space<hbm>> -> memref<80xi32, #tpu.memory_space<hbm>>
      %dma_start3A_210 = tpu.memref_slice %arg3[%add3A_208] : memref<320000xi32, #tpu.memory_space<hbm>> -> memref<80xi32, #tpu.memory_space<hbm>>
      tpu.enqueue_dma source(%dma_start3A_210 : memref<80xi32, #tpu.memory_space<hbm>>) target(%arg12 : memref<80xi32, #tpu.memory_space<vmem>>) target_semaphore(%arg23 : memref<!tpu.dma_semaphore, #tpu.memory_space<semaphore_mem>>)
      %dma_start3A_211 = tpu.memref_slice %arg4[%add3A_208] : memref<320000xi32, #tpu.memory_space<hbm>> -> memref<80xi32, #tpu.memory_space<hbm>>
      %dma_start3A_212 = tpu.memref_slice %arg4[%add3A_208] : memref<320000xi32, #tpu.memory_space<hbm>> -> memref<80xi32, #tpu.memory_space<hbm>>
      tpu.enqueue_dma source(%dma_start3A_212 : memref<80xi32, #tpu.memory_space<hbm>>) target(%arg13 : memref<80xi32, #tpu.memory_space<vmem>>) target_semaphore(%arg23 : memref<!tpu.dma_semaphore, #tpu.memory_space<semaphore_mem>>)
      %add3A_213 = arith.constant 0 : i32
      %add3A_214 = arith.addi %add3A_199, %add3A_213 : i32
      %add3A_215 = arith.constant 2 : i32
      %add3A_216 = arith.addi %add3A_214, %add3A_215 : i32
      %mul3A_217 = arith.constant 20000 : i32
      %mul3A_218 = arith.muli %arg1, %mul3A_217 : i32
      %mul3A_219 = arith.constant 80 : i32
      %mul3A_220 = arith.muli %add3A_216, %mul3A_219 : i32
      %add3A_221 = arith.addi %mul3A_218, %mul3A_220 : i32
      %dma_wait3A_222 = tpu.memref_slice %arg3[%add3A_221] : memref<320000xi32, #tpu.memory_space<hbm>> -> memref<80xi32, #tpu.memory_space<hbm>>
      %dma_wait3A_223 = tpu.memref_slice %arg3[%add3A_221] : memref<320000xi32, #tpu.memory_space<hbm>> -> memref<80xi32, #tpu.memory_space<hbm>>
      tpu.wait_dma2 semaphore(%arg22 : memref<!tpu.dma_semaphore, #tpu.memory_space<semaphore_mem>>) src(%dma_wait3A_223 : memref<80xi32, #tpu.memory_space<hbm>>) dst(%arg10 : memref<80xi32, #tpu.memory_space<vmem>>)
      %dma_wait3A_224 = tpu.memref_slice %arg4[%add3A_221] : memref<320000xi32, #tpu.memory_space<hbm>> -> memref<80xi32, #tpu.memory_space<hbm>>
      %dma_wait3A_225 = tpu.memref_slice %arg4[%add3A_221] : memref<320000xi32, #tpu.memory_space<hbm>> -> memref<80xi32, #tpu.memory_space<hbm>>
      tpu.wait_dma2 semaphore(%arg22 : memref<!tpu.dma_semaphore, #tpu.memory_space<semaphore_mem>>) src(%dma_wait3A_225 : memref<80xi32, #tpu.memory_space<hbm>>) dst(%arg11 : memref<80xi32, #tpu.memory_space<vmem>>)
      %dma_start3A_226 = arith.constant 0 : i32
      %dma_start3A_227 = arith.constant 0 : i32
      %dma_start3A_228 = tpu.memref_slice %arg2[%arg0, %dma_start3A_226, %dma_start3A_227] : memref<2x10000x128xf32, #tpu.memory_space<hbm>> -> memref<1x10000x128xf32, #tpu.memory_space<hbm>>
      %dma_start3A_229 = tpu.memref_squeeze %dma_start3A_228 : memref<1x10000x128xf32, #tpu.memory_space<hbm>> -> memref<10000x128xf32, #tpu.memory_space<hbm>>
      %dma_start3A_230 = arith.constant 0 : i32
      %dma_start3A_231 = arith.constant 0 : i32
      %dma_start3A_232 = tpu.memref_slice %dma_start3A_229[%dma_start3A_230, %dma_start3A_231] : memref<10000x128xf32, #tpu.memory_space<hbm>> -> memref<10000x128xf32, #tpu.memory_space<hbm>>
      tpu.enqueue_indirect_dma source(%dma_start3A_232 : memref<10000x128xf32, #tpu.memory_space<hbm>>) target(%arg16 : memref<80x128xf32, #tpu.memory_space<vmem>>) offsets(%arg10 : memref<80xi32, #tpu.memory_space<vmem>>) semaphore(%arg26 : memref<!tpu.dma_semaphore, #tpu.memory_space<semaphore_mem>>)
      %dma_wait3A_233 = arith.constant 0 : i32
      %dma_wait3A_234 = arith.constant 0 : i32
      %dma_wait3A_235 = tpu.memref_slice %arg2[%arg0, %dma_wait3A_233, %dma_wait3A_234] : memref<2x10000x128xf32, #tpu.memory_space<hbm>> -> memref<1x10000x128xf32, #tpu.memory_space<hbm>>
      %dma_wait3A_236 = tpu.memref_squeeze %dma_wait3A_235 : memref<1x10000x128xf32, #tpu.memory_space<hbm>> -> memref<10000x128xf32, #tpu.memory_space<hbm>>
      %dma_wait3A_237 = arith.constant 0 : i32
      %dma_wait3A_238 = arith.constant 0 : i32
      %dma_wait3A_239 = tpu.memref_slice %dma_wait3A_236[%dma_wait3A_237, %dma_wait3A_238] : memref<10000x128xf32, #tpu.memory_space<hbm>> -> memref<10000x128xf32, #tpu.memory_space<hbm>>
      tpu.wait_indirect_dma semaphore(%arg24 : memref<!tpu.dma_semaphore, #tpu.memory_space<semaphore_mem>>) src(%dma_wait3A_239 : memref<10000x128xf32, #tpu.memory_space<hbm>>) dst(%arg14 : memref<80x128xf32, #tpu.memory_space<vmem>>)
      "tpu.region"() ({
        %run_scoped3A = tpu.sem_alloc : memref<!tpu.dma_semaphore, #tpu.memory_space<semaphore_mem>>
        %dma_start3A_360 = arith.constant 0 : i32
        %dma_start3A_361 = arith.constant 0 : i32
        %dma_start3A_362 = tpu.memref_slice %arg19[%dma_start3A_360, %dma_start3A_361] : memref<10000x128xf32, #tpu.memory_space<vmem_shared>> -> memref<10000x128xf32, #tpu.memory_space<vmem_shared>>
        tpu.enqueue_indirect_dma source(%arg14 : memref<80x128xf32, #tpu.memory_space<vmem>>) target(%dma_start3A_362 : memref<10000x128xf32, #tpu.memory_space<vmem_shared>>) offsets(%arg7 : memref<80xi32, #tpu.memory_space<vmem>>) semaphore(%run_scoped3A : memref<!tpu.dma_semaphore, #tpu.memory_space<semaphore_mem>>) {add = true}
        %dma_wait3A_363 = arith.constant 0 : i32
        %dma_wait3A_364 = arith.constant 0 : i32
        %dma_wait3A_365 = tpu.memref_slice %arg19[%dma_wait3A_363, %dma_wait3A_364] : memref<10000x128xf32, #tpu.memory_space<vmem_shared>> -> memref<10000x128xf32, #tpu.memory_space<vmem_shared>>
        tpu.wait_indirect_dma semaphore(%run_scoped3A : memref<!tpu.dma_semaphore, #tpu.memory_space<semaphore_mem>>) src(%arg14 : memref<80x128xf32, #tpu.memory_space<vmem>>) dst(%dma_wait3A_365 : memref<10000x128xf32, #tpu.memory_space<vmem_shared>>)
        tpu.yield
      }) : () -> ()
      %add3A_240 = arith.constant 1 : i32
      %add3A_241 = arith.addi %add3A_199, %add3A_240 : i32
      %add3A_242 = arith.constant 3 : i32
      %add3A_243 = arith.addi %add3A_241, %add3A_242 : i32
      %mul3A_244 = arith.constant 20000 : i32
      %mul3A_245 = arith.muli %arg1, %mul3A_244 : i32
      %mul3A_246 = arith.constant 80 : i32
      %mul3A_247 = arith.muli %add3A_243, %mul3A_246 : i32
      %add3A_248 = arith.addi %mul3A_245, %mul3A_247 : i32
      %dma_start3A_249 = tpu.memref_slice %arg3[%add3A_248] : memref<320000xi32, #tpu.memory_space<hbm>> -> memref<80xi32, #tpu.memory_space<hbm>>
      %dma_start3A_250 = tpu.memref_slice %arg3[%add3A_248] : memref<320000xi32, #tpu.memory_space<hbm>> -> memref<80xi32, #tpu.memory_space<hbm>>
      tpu.enqueue_dma source(%dma_start3A_250 : memref<80xi32, #tpu.memory_space<hbm>>) target(%arg6 : memref<80xi32, #tpu.memory_space<vmem>>) target_semaphore(%arg20 : memref<!tpu.dma_semaphore, #tpu.memory_space<semaphore_mem>>)
      %dma_start3A_251 = tpu.memref_slice %arg4[%add3A_248] : memref<320000xi32, #tpu.memory_space<hbm>> -> memref<80xi32, #tpu.memory_space<hbm>>
      %dma_start3A_252 = tpu.memref_slice %arg4[%add3A_248] : memref<320000xi32, #tpu.memory_space<hbm>> -> memref<80xi32, #tpu.memory_space<hbm>>
      tpu.enqueue_dma source(%dma_start3A_252 : memref<80xi32, #tpu.memory_space<hbm>>) target(%arg7 : memref<80xi32, #tpu.memory_space<vmem>>) target_semaphore(%arg20 : memref<!tpu.dma_semaphore, #tpu.memory_space<semaphore_mem>>)
      %add3A_253 = arith.constant 1 : i32
      %add3A_254 = arith.addi %add3A_199, %add3A_253 : i32
      %add3A_255 = arith.constant 2 : i32
      %add3A_256 = arith.addi %add3A_254, %add3A_255 : i32
      %mul3A_257 = arith.constant 20000 : i32
      %mul3A_258 = arith.muli %arg1, %mul3A_257 : i32
      %mul3A_259 = arith.constant 80 : i32
      %mul3A_260 = arith.muli %add3A_256, %mul3A_259 : i32
      %add3A_261 = arith.addi %mul3A_258, %mul3A_260 : i32
      %dma_wait3A_262 = tpu.memref_slice %arg3[%add3A_261] : memref<320000xi32, #tpu.memory_space<hbm>> -> memref<80xi32, #tpu.memory_space<hbm>>
      %dma_wait3A_263 = tpu.memref_slice %arg3[%add3A_261] : memref<320000xi32, #tpu.memory_space<hbm>> -> memref<80xi32, #tpu.memory_space<hbm>>
      tpu.wait_dma2 semaphore(%arg23 : memref<!tpu.dma_semaphore, #tpu.memory_space<semaphore_mem>>) src(%dma_wait3A_263 : memref<80xi32, #tpu.memory_space<hbm>>) dst(%arg12 : memref<80xi32, #tpu.memory_space<vmem>>)
      %dma_wait3A_264 = tpu.memref_slice %arg4[%add3A_261] : memref<320000xi32, #tpu.memory_space<hbm>> -> memref<80xi32, #tpu.memory_space<hbm>>
      %dma_wait3A_265 = tpu.memref_slice %arg4[%add3A_261] : memref<320000xi32, #tpu.memory_space<hbm>> -> memref<80xi32, #tpu.memory_space<hbm>>
      tpu.wait_dma2 semaphore(%arg23 : memref<!tpu.dma_semaphore, #tpu.memory_space<semaphore_mem>>) src(%dma_wait3A_265 : memref<80xi32, #tpu.memory_space<hbm>>) dst(%arg13 : memref<80xi32, #tpu.memory_space<vmem>>)
      %dma_start3A_266 = arith.constant 0 : i32
      %dma_start3A_267 = arith.constant 0 : i32
      %dma_start3A_268 = tpu.memref_slice %arg2[%arg0, %dma_start3A_266, %dma_start3A_267] : memref<2x10000x128xf32, #tpu.memory_space<hbm>> -> memref<1x10000x128xf32, #tpu.memory_space<hbm>>
      %dma_start3A_269 = tpu.memref_squeeze %dma_start3A_268 : memref<1x10000x128xf32, #tpu.memory_space<hbm>> -> memref<10000x128xf32, #tpu.memory_space<hbm>>
      %dma_start3A_270 = arith.constant 0 : i32
      %dma_start3A_271 = arith.constant 0 : i32
      %dma_start3A_272 = tpu.memref_slice %dma_start3A_269[%dma_start3A_270, %dma_start3A_271] : memref<10000x128xf32, #tpu.memory_space<hbm>> -> memref<10000x128xf32, #tpu.memory_space<hbm>>
      tpu.enqueue_indirect_dma source(%dma_start3A_272 : memref<10000x128xf32, #tpu.memory_space<hbm>>) target(%arg17 : memref<80x128xf32, #tpu.memory_space<vmem>>) offsets(%arg12 : memref<80xi32, #tpu.memory_space<vmem>>) semaphore(%arg27 : memref<!tpu.dma_semaphore, #tpu.memory_space<semaphore_mem>>)
      %dma_wait3A_273 = arith.constant 0 : i32
      %dma_wait3A_274 = arith.constant 0 : i32
      %dma_wait3A_275 = tpu.memref_slice %arg2[%arg0, %dma_wait3A_273, %dma_wait3A_274] : memref<2x10000x128xf32, #tpu.memory_space<hbm>> -> memref<1x10000x128xf32, #tpu.memory_space<hbm>>
      %dma_wait3A_276 = tpu.memref_squeeze %dma_wait3A_275 : memref<1x10000x128xf32, #tpu.memory_space<hbm>> -> memref<10000x128xf32, #tpu.memory_space<hbm>>
      %dma_wait3A_277 = arith.constant 0 : i32
      %dma_wait3A_278 = arith.constant 0 : i32
      %dma_wait3A_279 = tpu.memref_slice %dma_wait3A_276[%dma_wait3A_277, %dma_wait3A_278] : memref<10000x128xf32, #tpu.memory_space<hbm>> -> memref<10000x128xf32, #tpu.memory_space<hbm>>
      tpu.wait_indirect_dma semaphore(%arg25 : memref<!tpu.dma_semaphore, #tpu.memory_space<semaphore_mem>>) src(%dma_wait3A_279 : memref<10000x128xf32, #tpu.memory_space<hbm>>) dst(%arg15 : memref<80x128xf32, #tpu.memory_space<vmem>>)
      "tpu.region"() ({
        %run_scoped3A = tpu.sem_alloc : memref<!tpu.dma_semaphore, #tpu.memory_space<semaphore_mem>>
        %dma_start3A_360 = arith.constant 0 : i32
        %dma_start3A_361 = arith.constant 0 : i32
        %dma_start3A_362 = tpu.memref_slice %arg19[%dma_start3A_360, %dma_start3A_361] : memref<10000x128xf32, #tpu.memory_space<vmem_shared>> -> memref<10000x128xf32, #tpu.memory_space<vmem_shared>>
        tpu.enqueue_indirect_dma source(%arg15 : memref<80x128xf32, #tpu.memory_space<vmem>>) target(%dma_start3A_362 : memref<10000x128xf32, #tpu.memory_space<vmem_shared>>) offsets(%arg9 : memref<80xi32, #tpu.memory_space<vmem>>) semaphore(%run_scoped3A : memref<!tpu.dma_semaphore, #tpu.memory_space<semaphore_mem>>) {add = true}
        %dma_wait3A_363 = arith.constant 0 : i32
        %dma_wait3A_364 = arith.constant 0 : i32
        %dma_wait3A_365 = tpu.memref_slice %arg19[%dma_wait3A_363, %dma_wait3A_364] : memref<10000x128xf32, #tpu.memory_space<vmem_shared>> -> memref<10000x128xf32, #tpu.memory_space<vmem_shared>>
        tpu.wait_indirect_dma semaphore(%run_scoped3A : memref<!tpu.dma_semaphore, #tpu.memory_space<semaphore_mem>>) src(%arg15 : memref<80x128xf32, #tpu.memory_space<vmem>>) dst(%dma_wait3A_365 : memref<10000x128xf32, #tpu.memory_space<vmem_shared>>)
        tpu.yield
      }) : () -> ()
      %add3A_280 = arith.constant 2 : i32
      %add3A_281 = arith.addi %add3A_199, %add3A_280 : i32
      %add3A_282 = arith.constant 3 : i32
      %add3A_283 = arith.addi %add3A_281, %add3A_282 : i32
      %mul3A_284 = arith.constant 20000 : i32
      %mul3A_285 = arith.muli %arg1, %mul3A_284 : i32
      %mul3A_286 = arith.constant 80 : i32
      %mul3A_287 = arith.muli %add3A_283, %mul3A_286 : i32
      %add3A_288 = arith.addi %mul3A_285, %mul3A_287 : i32
      %dma_start3A_289 = tpu.memref_slice %arg3[%add3A_288] : memref<320000xi32, #tpu.memory_space<hbm>> -> memref<80xi32, #tpu.memory_space<hbm>>
      %dma_start3A_290 = tpu.memref_slice %arg3[%add3A_288] : memref<320000xi32, #tpu.memory_space<hbm>> -> memref<80xi32, #tpu.memory_space<hbm>>
      tpu.enqueue_dma source(%dma_start3A_290 : memref<80xi32, #tpu.memory_space<hbm>>) target(%arg8 : memref<80xi32, #tpu.memory_space<vmem>>) target_semaphore(%arg21 : memref<!tpu.dma_semaphore, #tpu.memory_space<semaphore_mem>>)
      %dma_start3A_291 = tpu.memref_slice %arg4[%add3A_288] : memref<320000xi32, #tpu.memory_space<hbm>> -> memref<80xi32, #tpu.memory_space<hbm>>
      %dma_start3A_292 = tpu.memref_slice %arg4[%add3A_288] : memref<320000xi32, #tpu.memory_space<hbm>> -> memref<80xi32, #tpu.memory_space<hbm>>
      tpu.enqueue_dma source(%dma_start3A_292 : memref<80xi32, #tpu.memory_space<hbm>>) target(%arg9 : memref<80xi32, #tpu.memory_space<vmem>>) target_semaphore(%arg21 : memref<!tpu.dma_semaphore, #tpu.memory_space<semaphore_mem>>)
      %add3A_293 = arith.constant 2 : i32
      %add3A_294 = arith.addi %add3A_199, %add3A_293 : i32
      %add3A_295 = arith.constant 2 : i32
      %add3A_296 = arith.addi %add3A_294, %add3A_295 : i32
      %mul3A_297 = arith.constant 20000 : i32
      %mul3A_298 = arith.muli %arg1, %mul3A_297 : i32
      %mul3A_299 = arith.constant 80 : i32
      %mul3A_300 = arith.muli %add3A_296, %mul3A_299 : i32
      %add3A_301 = arith.addi %mul3A_298, %mul3A_300 : i32
      %dma_wait3A_302 = tpu.memref_slice %arg3[%add3A_301] : memref<320000xi32, #tpu.memory_space<hbm>> -> memref<80xi32, #tpu.memory_space<hbm>>
      %dma_wait3A_303 = tpu.memref_slice %arg3[%add3A_301] : memref<320000xi32, #tpu.memory_space<hbm>> -> memref<80xi32, #tpu.memory_space<hbm>>
      tpu.wait_dma2 semaphore(%arg20 : memref<!tpu.dma_semaphore, #tpu.memory_space<semaphore_mem>>) src(%dma_wait3A_303 : memref<80xi32, #tpu.memory_space<hbm>>) dst(%arg6 : memref<80xi32, #tpu.memory_space<vmem>>)
      %dma_wait3A_304 = tpu.memref_slice %arg4[%add3A_301] : memref<320000xi32, #tpu.memory_space<hbm>> -> memref<80xi32, #tpu.memory_space<hbm>>
      %dma_wait3A_305 = tpu.memref_slice %arg4[%add3A_301] : memref<320000xi32, #tpu.memory_space<hbm>> -> memref<80xi32, #tpu.memory_space<hbm>>
      tpu.wait_dma2 semaphore(%arg20 : memref<!tpu.dma_semaphore, #tpu.memory_space<semaphore_mem>>) src(%dma_wait3A_305 : memref<80xi32, #tpu.memory_space<hbm>>) dst(%arg7 : memref<80xi32, #tpu.memory_space<vmem>>)
      %dma_start3A_306 = arith.constant 0 : i32
      %dma_start3A_307 = arith.constant 0 : i32
      %dma_start3A_308 = tpu.memref_slice %arg2[%arg0, %dma_start3A_306, %dma_start3A_307] : memref<2x10000x128xf32, #tpu.memory_space<hbm>> -> memref<1x10000x128xf32, #tpu.memory_space<hbm>>
      %dma_start3A_309 = tpu.memref_squeeze %dma_start3A_308 : memref<1x10000x128xf32, #tpu.memory_space<hbm>> -> memref<10000x128xf32, #tpu.memory_space<hbm>>
      %dma_start3A_310 = arith.constant 0 : i32
      %dma_start3A_311 = arith.constant 0 : i32
      %dma_start3A_312 = tpu.memref_slice %dma_start3A_309[%dma_start3A_310, %dma_start3A_311] : memref<10000x128xf32, #tpu.memory_space<hbm>> -> memref<10000x128xf32, #tpu.memory_space<hbm>>
      tpu.enqueue_indirect_dma source(%dma_start3A_312 : memref<10000x128xf32, #tpu.memory_space<hbm>>) target(%arg14 : memref<80x128xf32, #tpu.memory_space<vmem>>) offsets(%arg6 : memref<80xi32, #tpu.memory_space<vmem>>) semaphore(%arg24 : memref<!tpu.dma_semaphore, #tpu.memory_space<semaphore_mem>>)
      %dma_wait3A_313 = arith.constant 0 : i32
      %dma_wait3A_314 = arith.constant 0 : i32
      %dma_wait3A_315 = tpu.memref_slice %arg2[%arg0, %dma_wait3A_313, %dma_wait3A_314] : memref<2x10000x128xf32, #tpu.memory_space<hbm>> -> memref<1x10000x128xf32, #tpu.memory_space<hbm>>
      %dma_wait3A_316 = tpu.memref_squeeze %dma_wait3A_315 : memref<1x10000x128xf32, #tpu.memory_space<hbm>> -> memref<10000x128xf32, #tpu.memory_space<hbm>>
      %dma_wait3A_317 = arith.constant 0 : i32
      %dma_wait3A_318 = arith.constant 0 : i32
      %dma_wait3A_319 = tpu.memref_slice %dma_wait3A_316[%dma_wait3A_317, %dma_wait3A_318] : memref<10000x128xf32, #tpu.memory_space<hbm>> -> memref<10000x128xf32, #tpu.memory_space<hbm>>
      tpu.wait_indirect_dma semaphore(%arg26 : memref<!tpu.dma_semaphore, #tpu.memory_space<semaphore_mem>>) src(%dma_wait3A_319 : memref<10000x128xf32, #tpu.memory_space<hbm>>) dst(%arg16 : memref<80x128xf32, #tpu.memory_space<vmem>>)
      "tpu.region"() ({
        %run_scoped3A = tpu.sem_alloc : memref<!tpu.dma_semaphore, #tpu.memory_space<semaphore_mem>>
        %dma_start3A_360 = arith.constant 0 : i32
        %dma_start3A_361 = arith.constant 0 : i32
        %dma_start3A_362 = tpu.memref_slice %arg19[%dma_start3A_360, %dma_start3A_361] : memref<10000x128xf32, #tpu.memory_space<vmem_shared>> -> memref<10000x128xf32, #tpu.memory_space<vmem_shared>>
        tpu.enqueue_indirect_dma source(%arg16 : memref<80x128xf32, #tpu.memory_space<vmem>>) target(%dma_start3A_362 : memref<10000x128xf32, #tpu.memory_space<vmem_shared>>) offsets(%arg11 : memref<80xi32, #tpu.memory_space<vmem>>) semaphore(%run_scoped3A : memref<!tpu.dma_semaphore, #tpu.memory_space<semaphore_mem>>) {add = true}
        %dma_wait3A_363 = arith.constant 0 : i32
        %dma_wait3A_364 = arith.constant 0 : i32
        %dma_wait3A_365 = tpu.memref_slice %arg19[%dma_wait3A_363, %dma_wait3A_364] : memref<10000x128xf32, #tpu.memory_space<vmem_shared>> -> memref<10000x128xf32, #tpu.memory_space<vmem_shared>>
        tpu.wait_indirect_dma semaphore(%run_scoped3A : memref<!tpu.dma_semaphore, #tpu.memory_space<semaphore_mem>>) src(%arg16 : memref<80x128xf32, #tpu.memory_space<vmem>>) dst(%dma_wait3A_365 : memref<10000x128xf32, #tpu.memory_space<vmem_shared>>)
        tpu.yield
      }) : () -> ()
      %add3A_320 = arith.constant 3 : i32
      %add3A_321 = arith.addi %add3A_199, %add3A_320 : i32
      %add3A_322 = arith.constant 3 : i32
      %add3A_323 = arith.addi %add3A_321, %add3A_322 : i32
      %mul3A_324 = arith.constant 20000 : i32
      %mul3A_325 = arith.muli %arg1, %mul3A_324 : i32
      %mul3A_326 = arith.constant 80 : i32
      %mul3A_327 = arith.muli %add3A_323, %mul3A_326 : i32
      %add3A_328 = arith.addi %mul3A_325, %mul3A_327 : i32
      %dma_start3A_329 = tpu.memref_slice %arg3[%add3A_328] : memref<320000xi32, #tpu.memory_space<hbm>> -> memref<80xi32, #tpu.memory_space<hbm>>
      %dma_start3A_330 = tpu.memref_slice %arg3[%add3A_328] : memref<320000xi32, #tpu.memory_space<hbm>> -> memref<80xi32, #tpu.memory_space<hbm>>
      tpu.enqueue_dma source(%dma_start3A_330 : memref<80xi32, #tpu.memory_space<hbm>>) target(%arg10 : memref<80xi32, #tpu.memory_space<vmem>>) target_semaphore(%arg22 : memref<!tpu.dma_semaphore, #tpu.memory_space<semaphore_mem>>)
      %dma_start3A_331 = tpu.memref_slice %arg4[%add3A_328] : memref<320000xi32, #tpu.memory_space<hbm>> -> memref<80xi32, #tpu.memory_space<hbm>>
      %dma_start3A_332 = tpu.memref_slice %arg4[%add3A_328] : memref<320000xi32, #tpu.memory_space<hbm>> -> memref<80xi32, #tpu.memory_space<hbm>>
      tpu.enqueue_dma source(%dma_start3A_332 : memref<80xi32, #tpu.memory_space<hbm>>) target(%arg11 : memref<80xi32, #tpu.memory_space<vmem>>) target_semaphore(%arg22 : memref<!tpu.dma_semaphore, #tpu.memory_space<semaphore_mem>>)
      %add3A_333 = arith.constant 3 : i32
      %add3A_334 = arith.addi %add3A_199, %add3A_333 : i32
      %add3A_335 = arith.constant 2 : i32
      %add3A_336 = arith.addi %add3A_334, %add3A_335 : i32
      %mul3A_337 = arith.constant 20000 : i32
      %mul3A_338 = arith.muli %arg1, %mul3A_337 : i32
      %mul3A_339 = arith.constant 80 : i32
      %mul3A_340 = arith.muli %add3A_336, %mul3A_339 : i32
      %add3A_341 = arith.addi %mul3A_338, %mul3A_340 : i32
      %dma_wait3A_342 = tpu.memref_slice %arg3[%add3A_341] : memref<320000xi32, #tpu.memory_space<hbm>> -> memref<80xi32, #tpu.memory_space<hbm>>
      %dma_wait3A_343 = tpu.memref_slice %arg3[%add3A_341] : memref<320000xi32, #tpu.memory_space<hbm>> -> memref<80xi32, #tpu.memory_space<hbm>>
      tpu.wait_dma2 semaphore(%arg21 : memref<!tpu.dma_semaphore, #tpu.memory_space<semaphore_mem>>) src(%dma_wait3A_343 : memref<80xi32, #tpu.memory_space<hbm>>) dst(%arg8 : memref<80xi32, #tpu.memory_space<vmem>>)
      %dma_wait3A_344 = tpu.memref_slice %arg4[%add3A_341] : memref<320000xi32, #tpu.memory_space<hbm>> -> memref<80xi32, #tpu.memory_space<hbm>>
      %dma_wait3A_345 = tpu.memref_slice %arg4[%add3A_341] : memref<320000xi32, #tpu.memory_space<hbm>> -> memref<80xi32, #tpu.memory_space<hbm>>
      tpu.wait_dma2 semaphore(%arg21 : memref<!tpu.dma_semaphore, #tpu.memory_space<semaphore_mem>>) src(%dma_wait3A_345 : memref<80xi32, #tpu.memory_space<hbm>>) dst(%arg9 : memref<80xi32, #tpu.memory_space<vmem>>)
      %dma_start3A_346 = arith.constant 0 : i32
      %dma_start3A_347 = arith.constant 0 : i32
      %dma_start3A_348 = tpu.memref_slice %arg2[%arg0, %dma_start3A_346, %dma_start3A_347] : memref<2x10000x128xf32, #tpu.memory_space<hbm>> -> memref<1x10000x128xf32, #tpu.memory_space<hbm>>
      %dma_start3A_349 = tpu.memref_squeeze %dma_start3A_348 : memref<1x10000x128xf32, #tpu.memory_space<hbm>> -> memref<10000x128xf32, #tpu.memory_space<hbm>>
      %dma_start3A_350 = arith.constant 0 : i32
      %dma_start3A_351 = arith.constant 0 : i32
      %dma_start3A_352 = tpu.memref_slice %dma_start3A_349[%dma_start3A_350, %dma_start3A_351] : memref<10000x128xf32, #tpu.memory_space<hbm>> -> memref<10000x128xf32, #tpu.memory_space<hbm>>
      tpu.enqueue_indirect_dma source(%dma_start3A_352 : memref<10000x128xf32, #tpu.memory_space<hbm>>) target(%arg15 : memref<80x128xf32, #tpu.memory_space<vmem>>) offsets(%arg8 : memref<80xi32, #tpu.memory_space<vmem>>) semaphore(%arg25 : memref<!tpu.dma_semaphore, #tpu.memory_space<semaphore_mem>>)
      %dma_wait3A_353 = arith.constant 0 : i32
      %dma_wait3A_354 = arith.constant 0 : i32
      %dma_wait3A_355 = tpu.memref_slice %arg2[%arg0, %dma_wait3A_353, %dma_wait3A_354] : memref<2x10000x128xf32, #tpu.memory_space<hbm>> -> memref<1x10000x128xf32, #tpu.memory_space<hbm>>
      %dma_wait3A_356 = tpu.memref_squeeze %dma_wait3A_355 : memref<1x10000x128xf32, #tpu.memory_space<hbm>> -> memref<10000x128xf32, #tpu.memory_space<hbm>>
      %dma_wait3A_357 = arith.constant 0 : i32
      %dma_wait3A_358 = arith.constant 0 : i32
      %dma_wait3A_359 = tpu.memref_slice %dma_wait3A_356[%dma_wait3A_357, %dma_wait3A_358] : memref<10000x128xf32, #tpu.memory_space<hbm>> -> memref<10000x128xf32, #tpu.memory_space<hbm>>
      tpu.wait_indirect_dma semaphore(%arg27 : memref<!tpu.dma_semaphore, #tpu.memory_space<semaphore_mem>>) src(%dma_wait3A_359 : memref<10000x128xf32, #tpu.memory_space<hbm>>) dst(%arg17 : memref<80x128xf32, #tpu.memory_space<vmem>>)
      "tpu.region"() ({
        %run_scoped3A = tpu.sem_alloc : memref<!tpu.dma_semaphore, #tpu.memory_space<semaphore_mem>>
        %dma_start3A_360 = arith.constant 0 : i32
        %dma_start3A_361 = arith.constant 0 : i32
        %dma_start3A_362 = tpu.memref_slice %arg19[%dma_start3A_360, %dma_start3A_361] : memref<10000x128xf32, #tpu.memory_space<vmem_shared>> -> memref<10000x128xf32, #tpu.memory_space<vmem_shared>>
        tpu.enqueue_indirect_dma source(%arg17 : memref<80x128xf32, #tpu.memory_space<vmem>>) target(%dma_start3A_362 : memref<10000x128xf32, #tpu.memory_space<vmem_shared>>) offsets(%arg13 : memref<80xi32, #tpu.memory_space<vmem>>) semaphore(%run_scoped3A : memref<!tpu.dma_semaphore, #tpu.memory_space<semaphore_mem>>) {add = true}
        %dma_wait3A_363 = arith.constant 0 : i32
        %dma_wait3A_364 = arith.constant 0 : i32
        %dma_wait3A_365 = tpu.memref_slice %arg19[%dma_wait3A_363, %dma_wait3A_364] : memref<10000x128xf32, #tpu.memory_space<vmem_shared>> -> memref<10000x128xf32, #tpu.memory_space<vmem_shared>>
        tpu.wait_indirect_dma semaphore(%run_scoped3A : memref<!tpu.dma_semaphore, #tpu.memory_space<semaphore_mem>>) src(%arg17 : memref<80x128xf32, #tpu.memory_space<vmem>>) dst(%dma_wait3A_365 : memref<10000x128xf32, #tpu.memory_space<vmem_shared>>)
        tpu.yield
      }) : () -> ()
    }
    %scan3A_63 = arith.constant 61 : i32
    %mul3A_64 = arith.constant 20000 : i32
    %mul3A_65 = arith.muli %arg1, %mul3A_64 : i32
    %add3A_66 = arith.constant 19760 : i32
    %add3A_67 = arith.addi %mul3A_65, %add3A_66 : i32
    %dma_start3A_68 = tpu.memref_slice %arg3[%add3A_67] : memref<320000xi32, #tpu.memory_space<hbm>> -> memref<80xi32, #tpu.memory_space<hbm>>
    %dma_start3A_69 = tpu.memref_slice %arg3[%add3A_67] : memref<320000xi32, #tpu.memory_space<hbm>> -> memref<80xi32, #tpu.memory_space<hbm>>
    tpu.enqueue_dma source(%dma_start3A_69 : memref<80xi32, #tpu.memory_space<hbm>>) target(%arg12 : memref<80xi32, #tpu.memory_space<vmem>>) target_semaphore(%arg23 : memref<!tpu.dma_semaphore, #tpu.memory_space<semaphore_mem>>)
    %dma_start3A_70 = tpu.memref_slice %arg4[%add3A_67] : memref<320000xi32, #tpu.memory_space<hbm>> -> memref<80xi32, #tpu.memory_space<hbm>>
    %dma_start3A_71 = tpu.memref_slice %arg4[%add3A_67] : memref<320000xi32, #tpu.memory_space<hbm>> -> memref<80xi32, #tpu.memory_space<hbm>>
    tpu.enqueue_dma source(%dma_start3A_71 : memref<80xi32, #tpu.memory_space<hbm>>) target(%arg13 : memref<80xi32, #tpu.memory_space<vmem>>) target_semaphore(%arg23 : memref<!tpu.dma_semaphore, #tpu.memory_space<semaphore_mem>>)
    %mul3A_72 = arith.constant 20000 : i32
    %mul3A_73 = arith.muli %arg1, %mul3A_72 : i32
    %add3A_74 = arith.constant 19680 : i32
    %add3A_75 = arith.addi %mul3A_73, %add3A_74 : i32
    %dma_wait3A_76 = tpu.memref_slice %arg3[%add3A_75] : memref<320000xi32, #tpu.memory_space<hbm>> -> memref<80xi32, #tpu.memory_space<hbm>>
    %dma_wait3A_77 = tpu.memref_slice %arg3[%add3A_75] : memref<320000xi32, #tpu.memory_space<hbm>> -> memref<80xi32, #tpu.memory_space<hbm>>
    tpu.wait_dma2 semaphore(%arg22 : memref<!tpu.dma_semaphore, #tpu.memory_space<semaphore_mem>>) src(%dma_wait3A_77 : memref<80xi32, #tpu.memory_space<hbm>>) dst(%arg10 : memref<80xi32, #tpu.memory_space<vmem>>)
    %dma_wait3A_78 = tpu.memref_slice %arg4[%add3A_75] : memref<320000xi32, #tpu.memory_space<hbm>> -> memref<80xi32, #tpu.memory_space<hbm>>
    %dma_wait3A_79 = tpu.memref_slice %arg4[%add3A_75] : memref<320000xi32, #tpu.memory_space<hbm>> -> memref<80xi32, #tpu.memory_space<hbm>>
    tpu.wait_dma2 semaphore(%arg22 : memref<!tpu.dma_semaphore, #tpu.memory_space<semaphore_mem>>) src(%dma_wait3A_79 : memref<80xi32, #tpu.memory_space<hbm>>) dst(%arg11 : memref<80xi32, #tpu.memory_space<vmem>>)
    %dma_start3A_80 = arith.constant 0 : i32
    %dma_start3A_81 = arith.constant 0 : i32
    %dma_start3A_82 = tpu.memref_slice %arg2[%arg0, %dma_start3A_80, %dma_start3A_81] : memref<2x10000x128xf32, #tpu.memory_space<hbm>> -> memref<1x10000x128xf32, #tpu.memory_space<hbm>>
    %dma_start3A_83 = tpu.memref_squeeze %dma_start3A_82 : memref<1x10000x128xf32, #tpu.memory_space<hbm>> -> memref<10000x128xf32, #tpu.memory_space<hbm>>
    %dma_start3A_84 = arith.constant 0 : i32
    %dma_start3A_85 = arith.constant 0 : i32
    %dma_start3A_86 = tpu.memref_slice %dma_start3A_83[%dma_start3A_84, %dma_start3A_85] : memref<10000x128xf32, #tpu.memory_space<hbm>> -> memref<10000x128xf32, #tpu.memory_space<hbm>>
    tpu.enqueue_indirect_dma source(%dma_start3A_86 : memref<10000x128xf32, #tpu.memory_space<hbm>>) target(%arg16 : memref<80x128xf32, #tpu.memory_space<vmem>>) offsets(%arg10 : memref<80xi32, #tpu.memory_space<vmem>>) semaphore(%arg26 : memref<!tpu.dma_semaphore, #tpu.memory_space<semaphore_mem>>)
    %dma_wait3A_87 = arith.constant 0 : i32
    %dma_wait3A_88 = arith.constant 0 : i32
    %dma_wait3A_89 = tpu.memref_slice %arg2[%arg0, %dma_wait3A_87, %dma_wait3A_88] : memref<2x10000x128xf32, #tpu.memory_space<hbm>> -> memref<1x10000x128xf32, #tpu.memory_space<hbm>>
    %dma_wait3A_90 = tpu.memref_squeeze %dma_wait3A_89 : memref<1x10000x128xf32, #tpu.memory_space<hbm>> -> memref<10000x128xf32, #tpu.memory_space<hbm>>
    %dma_wait3A_91 = arith.constant 0 : i32
    %dma_wait3A_92 = arith.constant 0 : i32
    %dma_wait3A_93 = tpu.memref_slice %dma_wait3A_90[%dma_wait3A_91, %dma_wait3A_92] : memref<10000x128xf32, #tpu.memory_space<hbm>> -> memref<10000x128xf32, #tpu.memory_space<hbm>>
    tpu.wait_indirect_dma semaphore(%arg24 : memref<!tpu.dma_semaphore, #tpu.memory_space<semaphore_mem>>) src(%dma_wait3A_93 : memref<10000x128xf32, #tpu.memory_space<hbm>>) dst(%arg14 : memref<80x128xf32, #tpu.memory_space<vmem>>)
    "tpu.region"() ({
      %run_scoped3A = tpu.sem_alloc : memref<!tpu.dma_semaphore, #tpu.memory_space<semaphore_mem>>
      %dma_start3A_195 = arith.constant 0 : i32
      %dma_start3A_196 = arith.constant 0 : i32
      %dma_start3A_197 = tpu.memref_slice %arg19[%dma_start3A_195, %dma_start3A_196] : memref<10000x128xf32, #tpu.memory_space<vmem_shared>> -> memref<10000x128xf32, #tpu.memory_space<vmem_shared>>
      tpu.enqueue_indirect_dma source(%arg14 : memref<80x128xf32, #tpu.memory_space<vmem>>) target(%dma_start3A_197 : memref<10000x128xf32, #tpu.memory_space<vmem_shared>>) offsets(%arg7 : memref<80xi32, #tpu.memory_space<vmem>>) semaphore(%run_scoped3A : memref<!tpu.dma_semaphore, #tpu.memory_space<semaphore_mem>>) {add = true}
      %dma_wait3A_198 = arith.constant 0 : i32
      %dma_wait3A_199 = arith.constant 0 : i32
      %dma_wait3A_200 = tpu.memref_slice %arg19[%dma_wait3A_198, %dma_wait3A_199] : memref<10000x128xf32, #tpu.memory_space<vmem_shared>> -> memref<10000x128xf32, #tpu.memory_space<vmem_shared>>
      tpu.wait_indirect_dma semaphore(%run_scoped3A : memref<!tpu.dma_semaphore, #tpu.memory_space<semaphore_mem>>) src(%arg14 : memref<80x128xf32, #tpu.memory_space<vmem>>) dst(%dma_wait3A_200 : memref<10000x128xf32, #tpu.memory_space<vmem_shared>>)
      tpu.yield
    }) : () -> ()
    %mul3A_94 = arith.constant 20000 : i32
    %mul3A_95 = arith.muli %arg1, %mul3A_94 : i32
    %add3A_96 = arith.constant 19840 : i32
    %add3A_97 = arith.addi %mul3A_95, %add3A_96 : i32
    %dma_start3A_98 = tpu.memref_slice %arg3[%add3A_97] : memref<320000xi32, #tpu.memory_space<hbm>> -> memref<80xi32, #tpu.memory_space<hbm>>
    %dma_start3A_99 = tpu.memref_slice %arg3[%add3A_97] : memref<320000xi32, #tpu.memory_space<hbm>> -> memref<80xi32, #tpu.memory_space<hbm>>
    tpu.enqueue_dma source(%dma_start3A_99 : memref<80xi32, #tpu.memory_space<hbm>>) target(%arg6 : memref<80xi32, #tpu.memory_space<vmem>>) target_semaphore(%arg20 : memref<!tpu.dma_semaphore, #tpu.memory_space<semaphore_mem>>)
    %dma_start3A_100 = tpu.memref_slice %arg4[%add3A_97] : memref<320000xi32, #tpu.memory_space<hbm>> -> memref<80xi32, #tpu.memory_space<hbm>>
    %dma_start3A_101 = tpu.memref_slice %arg4[%add3A_97] : memref<320000xi32, #tpu.memory_space<hbm>> -> memref<80xi32, #tpu.memory_space<hbm>>
    tpu.enqueue_dma source(%dma_start3A_101 : memref<80xi32, #tpu.memory_space<hbm>>) target(%arg7 : memref<80xi32, #tpu.memory_space<vmem>>) target_semaphore(%arg20 : memref<!tpu.dma_semaphore, #tpu.memory_space<semaphore_mem>>)
    %mul3A_102 = arith.constant 20000 : i32
    %mul3A_103 = arith.muli %arg1, %mul3A_102 : i32
    %add3A_104 = arith.constant 19760 : i32
    %add3A_105 = arith.addi %mul3A_103, %add3A_104 : i32
    %dma_wait3A_106 = tpu.memref_slice %arg3[%add3A_105] : memref<320000xi32, #tpu.memory_space<hbm>> -> memref<80xi32, #tpu.memory_space<hbm>>
    %dma_wait3A_107 = tpu.memref_slice %arg3[%add3A_105] : memref<320000xi32, #tpu.memory_space<hbm>> -> memref<80xi32, #tpu.memory_space<hbm>>
    tpu.wait_dma2 semaphore(%arg23 : memref<!tpu.dma_semaphore, #tpu.memory_space<semaphore_mem>>) src(%dma_wait3A_107 : memref<80xi32, #tpu.memory_space<hbm>>) dst(%arg12 : memref<80xi32, #tpu.memory_space<vmem>>)
    %dma_wait3A_108 = tpu.memref_slice %arg4[%add3A_105] : memref<320000xi32, #tpu.memory_space<hbm>> -> memref<80xi32, #tpu.memory_space<hbm>>
    %dma_wait3A_109 = tpu.memref_slice %arg4[%add3A_105] : memref<320000xi32, #tpu.memory_space<hbm>> -> memref<80xi32, #tpu.memory_space<hbm>>
    tpu.wait_dma2 semaphore(%arg23 : memref<!tpu.dma_semaphore, #tpu.memory_space<semaphore_mem>>) src(%dma_wait3A_109 : memref<80xi32, #tpu.memory_space<hbm>>) dst(%arg13 : memref<80xi32, #tpu.memory_space<vmem>>)
    %dma_start3A_110 = arith.constant 0 : i32
    %dma_start3A_111 = arith.constant 0 : i32
    %dma_start3A_112 = tpu.memref_slice %arg2[%arg0, %dma_start3A_110, %dma_start3A_111] : memref<2x10000x128xf32, #tpu.memory_space<hbm>> -> memref<1x10000x128xf32, #tpu.memory_space<hbm>>
    %dma_start3A_113 = tpu.memref_squeeze %dma_start3A_112 : memref<1x10000x128xf32, #tpu.memory_space<hbm>> -> memref<10000x128xf32, #tpu.memory_space<hbm>>
    %dma_start3A_114 = arith.constant 0 : i32
    %dma_start3A_115 = arith.constant 0 : i32
    %dma_start3A_116 = tpu.memref_slice %dma_start3A_113[%dma_start3A_114, %dma_start3A_115] : memref<10000x128xf32, #tpu.memory_space<hbm>> -> memref<10000x128xf32, #tpu.memory_space<hbm>>
    tpu.enqueue_indirect_dma source(%dma_start3A_116 : memref<10000x128xf32, #tpu.memory_space<hbm>>) target(%arg17 : memref<80x128xf32, #tpu.memory_space<vmem>>) offsets(%arg12 : memref<80xi32, #tpu.memory_space<vmem>>) semaphore(%arg27 : memref<!tpu.dma_semaphore, #tpu.memory_space<semaphore_mem>>)
    %dma_wait3A_117 = arith.constant 0 : i32
    %dma_wait3A_118 = arith.constant 0 : i32
    %dma_wait3A_119 = tpu.memref_slice %arg2[%arg0, %dma_wait3A_117, %dma_wait3A_118] : memref<2x10000x128xf32, #tpu.memory_space<hbm>> -> memref<1x10000x128xf32, #tpu.memory_space<hbm>>
    %dma_wait3A_120 = tpu.memref_squeeze %dma_wait3A_119 : memref<1x10000x128xf32, #tpu.memory_space<hbm>> -> memref<10000x128xf32, #tpu.memory_space<hbm>>
    %dma_wait3A_121 = arith.constant 0 : i32
    %dma_wait3A_122 = arith.constant 0 : i32
    %dma_wait3A_123 = tpu.memref_slice %dma_wait3A_120[%dma_wait3A_121, %dma_wait3A_122] : memref<10000x128xf32, #tpu.memory_space<hbm>> -> memref<10000x128xf32, #tpu.memory_space<hbm>>
    tpu.wait_indirect_dma semaphore(%arg25 : memref<!tpu.dma_semaphore, #tpu.memory_space<semaphore_mem>>) src(%dma_wait3A_123 : memref<10000x128xf32, #tpu.memory_space<hbm>>) dst(%arg15 : memref<80x128xf32, #tpu.memory_space<vmem>>)
    "tpu.region"() ({
      %run_scoped3A = tpu.sem_alloc : memref<!tpu.dma_semaphore, #tpu.memory_space<semaphore_mem>>
      %dma_start3A_195 = arith.constant 0 : i32
      %dma_start3A_196 = arith.constant 0 : i32
      %dma_start3A_197 = tpu.memref_slice %arg19[%dma_start3A_195, %dma_start3A_196] : memref<10000x128xf32, #tpu.memory_space<vmem_shared>> -> memref<10000x128xf32, #tpu.memory_space<vmem_shared>>
      tpu.enqueue_indirect_dma source(%arg15 : memref<80x128xf32, #tpu.memory_space<vmem>>) target(%dma_start3A_197 : memref<10000x128xf32, #tpu.memory_space<vmem_shared>>) offsets(%arg9 : memref<80xi32, #tpu.memory_space<vmem>>) semaphore(%run_scoped3A : memref<!tpu.dma_semaphore, #tpu.memory_space<semaphore_mem>>) {add = true}
      %dma_wait3A_198 = arith.constant 0 : i32
      %dma_wait3A_199 = arith.constant 0 : i32
      %dma_wait3A_200 = tpu.memref_slice %arg19[%dma_wait3A_198, %dma_wait3A_199] : memref<10000x128xf32, #tpu.memory_space<vmem_shared>> -> memref<10000x128xf32, #tpu.memory_space<vmem_shared>>
      tpu.wait_indirect_dma semaphore(%run_scoped3A : memref<!tpu.dma_semaphore, #tpu.memory_space<semaphore_mem>>) src(%arg15 : memref<80x128xf32, #tpu.memory_space<vmem>>) dst(%dma_wait3A_200 : memref<10000x128xf32, #tpu.memory_space<vmem_shared>>)
      tpu.yield
    }) : () -> ()
    %mul3A_124 = arith.constant 20000 : i32
    %mul3A_125 = arith.muli %arg1, %mul3A_124 : i32
    %add3A_126 = arith.constant 19920 : i32
    %add3A_127 = arith.addi %mul3A_125, %add3A_126 : i32
    %dma_start3A_128 = tpu.memref_slice %arg3[%add3A_127] : memref<320000xi32, #tpu.memory_space<hbm>> -> memref<80xi32, #tpu.memory_space<hbm>>
    %dma_start3A_129 = tpu.memref_slice %arg3[%add3A_127] : memref<320000xi32, #tpu.memory_space<hbm>> -> memref<80xi32, #tpu.memory_space<hbm>>
    tpu.enqueue_dma source(%dma_start3A_129 : memref<80xi32, #tpu.memory_space<hbm>>) target(%arg8 : memref<80xi32, #tpu.memory_space<vmem>>) target_semaphore(%arg21 : memref<!tpu.dma_semaphore, #tpu.memory_space<semaphore_mem>>)
    %dma_start3A_130 = tpu.memref_slice %arg4[%add3A_127] : memref<320000xi32, #tpu.memory_space<hbm>> -> memref<80xi32, #tpu.memory_space<hbm>>
    %dma_start3A_131 = tpu.memref_slice %arg4[%add3A_127] : memref<320000xi32, #tpu.memory_space<hbm>> -> memref<80xi32, #tpu.memory_space<hbm>>
    tpu.enqueue_dma source(%dma_start3A_131 : memref<80xi32, #tpu.memory_space<hbm>>) target(%arg9 : memref<80xi32, #tpu.memory_space<vmem>>) target_semaphore(%arg21 : memref<!tpu.dma_semaphore, #tpu.memory_space<semaphore_mem>>)
    %mul3A_132 = arith.constant 20000 : i32
    %mul3A_133 = arith.muli %arg1, %mul3A_132 : i32
    %add3A_134 = arith.constant 19840 : i32
    %add3A_135 = arith.addi %mul3A_133, %add3A_134 : i32
    %dma_wait3A_136 = tpu.memref_slice %arg3[%add3A_135] : memref<320000xi32, #tpu.memory_space<hbm>> -> memref<80xi32, #tpu.memory_space<hbm>>
    %dma_wait3A_137 = tpu.memref_slice %arg3[%add3A_135] : memref<320000xi32, #tpu.memory_space<hbm>> -> memref<80xi32, #tpu.memory_space<hbm>>
    tpu.wait_dma2 semaphore(%arg20 : memref<!tpu.dma_semaphore, #tpu.memory_space<semaphore_mem>>) src(%dma_wait3A_137 : memref<80xi32, #tpu.memory_space<hbm>>) dst(%arg6 : memref<80xi32, #tpu.memory_space<vmem>>)
    %dma_wait3A_138 = tpu.memref_slice %arg4[%add3A_135] : memref<320000xi32, #tpu.memory_space<hbm>> -> memref<80xi32, #tpu.memory_space<hbm>>
    %dma_wait3A_139 = tpu.memref_slice %arg4[%add3A_135] : memref<320000xi32, #tpu.memory_space<hbm>> -> memref<80xi32, #tpu.memory_space<hbm>>
    tpu.wait_dma2 semaphore(%arg20 : memref<!tpu.dma_semaphore, #tpu.memory_space<semaphore_mem>>) src(%dma_wait3A_139 : memref<80xi32, #tpu.memory_space<hbm>>) dst(%arg7 : memref<80xi32, #tpu.memory_space<vmem>>)
    %dma_start3A_140 = arith.constant 0 : i32
    %dma_start3A_141 = arith.constant 0 : i32
    %dma_start3A_142 = tpu.memref_slice %arg2[%arg0, %dma_start3A_140, %dma_start3A_141] : memref<2x10000x128xf32, #tpu.memory_space<hbm>> -> memref<1x10000x128xf32, #tpu.memory_space<hbm>>
    %dma_start3A_143 = tpu.memref_squeeze %dma_start3A_142 : memref<1x10000x128xf32, #tpu.memory_space<hbm>> -> memref<10000x128xf32, #tpu.memory_space<hbm>>
    %dma_start3A_144 = arith.constant 0 : i32
    %dma_start3A_145 = arith.constant 0 : i32
    %dma_start3A_146 = tpu.memref_slice %dma_start3A_143[%dma_start3A_144, %dma_start3A_145] : memref<10000x128xf32, #tpu.memory_space<hbm>> -> memref<10000x128xf32, #tpu.memory_space<hbm>>
    tpu.enqueue_indirect_dma source(%dma_start3A_146 : memref<10000x128xf32, #tpu.memory_space<hbm>>) target(%arg14 : memref<80x128xf32, #tpu.memory_space<vmem>>) offsets(%arg6 : memref<80xi32, #tpu.memory_space<vmem>>) semaphore(%arg24 : memref<!tpu.dma_semaphore, #tpu.memory_space<semaphore_mem>>)
    %dma_wait3A_147 = arith.constant 0 : i32
    %dma_wait3A_148 = arith.constant 0 : i32
    %dma_wait3A_149 = tpu.memref_slice %arg2[%arg0, %dma_wait3A_147, %dma_wait3A_148] : memref<2x10000x128xf32, #tpu.memory_space<hbm>> -> memref<1x10000x128xf32, #tpu.memory_space<hbm>>
    %dma_wait3A_150 = tpu.memref_squeeze %dma_wait3A_149 : memref<1x10000x128xf32, #tpu.memory_space<hbm>> -> memref<10000x128xf32, #tpu.memory_space<hbm>>
    %dma_wait3A_151 = arith.constant 0 : i32
    %dma_wait3A_152 = arith.constant 0 : i32
    %dma_wait3A_153 = tpu.memref_slice %dma_wait3A_150[%dma_wait3A_151, %dma_wait3A_152] : memref<10000x128xf32, #tpu.memory_space<hbm>> -> memref<10000x128xf32, #tpu.memory_space<hbm>>
    tpu.wait_indirect_dma semaphore(%arg26 : memref<!tpu.dma_semaphore, #tpu.memory_space<semaphore_mem>>) src(%dma_wait3A_153 : memref<10000x128xf32, #tpu.memory_space<hbm>>) dst(%arg16 : memref<80x128xf32, #tpu.memory_space<vmem>>)
    "tpu.region"() ({
      %run_scoped3A = tpu.sem_alloc : memref<!tpu.dma_semaphore, #tpu.memory_space<semaphore_mem>>
      %dma_start3A_195 = arith.constant 0 : i32
      %dma_start3A_196 = arith.constant 0 : i32
      %dma_start3A_197 = tpu.memref_slice %arg19[%dma_start3A_195, %dma_start3A_196] : memref<10000x128xf32, #tpu.memory_space<vmem_shared>> -> memref<10000x128xf32, #tpu.memory_space<vmem_shared>>
      tpu.enqueue_indirect_dma source(%arg16 : memref<80x128xf32, #tpu.memory_space<vmem>>) target(%dma_start3A_197 : memref<10000x128xf32, #tpu.memory_space<vmem_shared>>) offsets(%arg11 : memref<80xi32, #tpu.memory_space<vmem>>) semaphore(%run_scoped3A : memref<!tpu.dma_semaphore, #tpu.memory_space<semaphore_mem>>) {add = true}
      %dma_wait3A_198 = arith.constant 0 : i32
      %dma_wait3A_199 = arith.constant 0 : i32
      %dma_wait3A_200 = tpu.memref_slice %arg19[%dma_wait3A_198, %dma_wait3A_199] : memref<10000x128xf32, #tpu.memory_space<vmem_shared>> -> memref<10000x128xf32, #tpu.memory_space<vmem_shared>>
      tpu.wait_indirect_dma semaphore(%run_scoped3A : memref<!tpu.dma_semaphore, #tpu.memory_space<semaphore_mem>>) src(%arg16 : memref<80x128xf32, #tpu.memory_space<vmem>>) dst(%dma_wait3A_200 : memref<10000x128xf32, #tpu.memory_space<vmem_shared>>)
      tpu.yield
    }) : () -> ()
    %mul3A_154 = arith.constant 20000 : i32
    %mul3A_155 = arith.muli %arg1, %mul3A_154 : i32
    %add3A_156 = arith.constant 19920 : i32
    %add3A_157 = arith.addi %mul3A_155, %add3A_156 : i32
    %dma_wait3A_158 = tpu.memref_slice %arg3[%add3A_157] : memref<320000xi32, #tpu.memory_space<hbm>> -> memref<80xi32, #tpu.memory_space<hbm>>
    %dma_wait3A_159 = tpu.memref_slice %arg3[%add3A_157] : memref<320000xi32, #tpu.memory_space<hbm>> -> memref<80xi32, #tpu.memory_space<hbm>>
    tpu.wait_dma2 semaphore(%arg21 : memref<!tpu.dma_semaphore, #tpu.memory_space<semaphore_mem>>) src(%dma_wait3A_159 : memref<80xi32, #tpu.memory_space<hbm>>) dst(%arg8 : memref<80xi32, #tpu.memory_space<vmem>>)
    %dma_wait3A_160 = tpu.memref_slice %arg4[%add3A_157] : memref<320000xi32, #tpu.memory_space<hbm>> -> memref<80xi32, #tpu.memory_space<hbm>>
    %dma_wait3A_161 = tpu.memref_slice %arg4[%add3A_157] : memref<320000xi32, #tpu.memory_space<hbm>> -> memref<80xi32, #tpu.memory_space<hbm>>
    tpu.wait_dma2 semaphore(%arg21 : memref<!tpu.dma_semaphore, #tpu.memory_space<semaphore_mem>>) src(%dma_wait3A_161 : memref<80xi32, #tpu.memory_space<hbm>>) dst(%arg9 : memref<80xi32, #tpu.memory_space<vmem>>)
    %dma_start3A_162 = arith.constant 0 : i32
    %dma_start3A_163 = arith.constant 0 : i32
    %dma_start3A_164 = tpu.memref_slice %arg2[%arg0, %dma_start3A_162, %dma_start3A_163] : memref<2x10000x128xf32, #tpu.memory_space<hbm>> -> memref<1x10000x128xf32, #tpu.memory_space<hbm>>
    %dma_start3A_165 = tpu.memref_squeeze %dma_start3A_164 : memref<1x10000x128xf32, #tpu.memory_space<hbm>> -> memref<10000x128xf32, #tpu.memory_space<hbm>>
    %dma_start3A_166 = arith.constant 0 : i32
    %dma_start3A_167 = arith.constant 0 : i32
    %dma_start3A_168 = tpu.memref_slice %dma_start3A_165[%dma_start3A_166, %dma_start3A_167] : memref<10000x128xf32, #tpu.memory_space<hbm>> -> memref<10000x128xf32, #tpu.memory_space<hbm>>
    tpu.enqueue_indirect_dma source(%dma_start3A_168 : memref<10000x128xf32, #tpu.memory_space<hbm>>) target(%arg15 : memref<80x128xf32, #tpu.memory_space<vmem>>) offsets(%arg8 : memref<80xi32, #tpu.memory_space<vmem>>) semaphore(%arg25 : memref<!tpu.dma_semaphore, #tpu.memory_space<semaphore_mem>>)
    %dma_wait3A_169 = arith.constant 0 : i32
    %dma_wait3A_170 = arith.constant 0 : i32
    %dma_wait3A_171 = tpu.memref_slice %arg2[%arg0, %dma_wait3A_169, %dma_wait3A_170] : memref<2x10000x128xf32, #tpu.memory_space<hbm>> -> memref<1x10000x128xf32, #tpu.memory_space<hbm>>
    %dma_wait3A_172 = tpu.memref_squeeze %dma_wait3A_171 : memref<1x10000x128xf32, #tpu.memory_space<hbm>> -> memref<10000x128xf32, #tpu.memory_space<hbm>>
    %dma_wait3A_173 = arith.constant 0 : i32
    %dma_wait3A_174 = arith.constant 0 : i32
    %dma_wait3A_175 = tpu.memref_slice %dma_wait3A_172[%dma_wait3A_173, %dma_wait3A_174] : memref<10000x128xf32, #tpu.memory_space<hbm>> -> memref<10000x128xf32, #tpu.memory_space<hbm>>
    tpu.wait_indirect_dma semaphore(%arg27 : memref<!tpu.dma_semaphore, #tpu.memory_space<semaphore_mem>>) src(%dma_wait3A_175 : memref<10000x128xf32, #tpu.memory_space<hbm>>) dst(%arg17 : memref<80x128xf32, #tpu.memory_space<vmem>>)
    "tpu.region"() ({
      %run_scoped3A = tpu.sem_alloc : memref<!tpu.dma_semaphore, #tpu.memory_space<semaphore_mem>>
      %dma_start3A_195 = arith.constant 0 : i32
      %dma_start3A_196 = arith.constant 0 : i32
      %dma_start3A_197 = tpu.memref_slice %arg19[%dma_start3A_195, %dma_start3A_196] : memref<10000x128xf32, #tpu.memory_space<vmem_shared>> -> memref<10000x128xf32, #tpu.memory_space<vmem_shared>>
      tpu.enqueue_indirect_dma source(%arg17 : memref<80x128xf32, #tpu.memory_space<vmem>>) target(%dma_start3A_197 : memref<10000x128xf32, #tpu.memory_space<vmem_shared>>) offsets(%arg13 : memref<80xi32, #tpu.memory_space<vmem>>) semaphore(%run_scoped3A : memref<!tpu.dma_semaphore, #tpu.memory_space<semaphore_mem>>) {add = true}
      %dma_wait3A_198 = arith.constant 0 : i32
      %dma_wait3A_199 = arith.constant 0 : i32
      %dma_wait3A_200 = tpu.memref_slice %arg19[%dma_wait3A_198, %dma_wait3A_199] : memref<10000x128xf32, #tpu.memory_space<vmem_shared>> -> memref<10000x128xf32, #tpu.memory_space<vmem_shared>>
      tpu.wait_indirect_dma semaphore(%run_scoped3A : memref<!tpu.dma_semaphore, #tpu.memory_space<semaphore_mem>>) src(%arg17 : memref<80x128xf32, #tpu.memory_space<vmem>>) dst(%dma_wait3A_200 : memref<10000x128xf32, #tpu.memory_space<vmem_shared>>)
      tpu.yield
    }) : () -> ()
    %dma_wait3A_176 = arith.constant 0 : i32
    %dma_wait3A_177 = arith.constant 0 : i32
    %dma_wait3A_178 = tpu.memref_slice %arg2[%arg0, %dma_wait3A_176, %dma_wait3A_177] : memref<2x10000x128xf32, #tpu.memory_space<hbm>> -> memref<1x10000x128xf32, #tpu.memory_space<hbm>>
    %dma_wait3A_179 = tpu.memref_squeeze %dma_wait3A_178 : memref<1x10000x128xf32, #tpu.memory_space<hbm>> -> memref<10000x128xf32, #tpu.memory_space<hbm>>
    %dma_wait3A_180 = arith.constant 0 : i32
    %dma_wait3A_181 = arith.constant 0 : i32
    %dma_wait3A_182 = tpu.memref_slice %dma_wait3A_179[%dma_wait3A_180, %dma_wait3A_181] : memref<10000x128xf32, #tpu.memory_space<hbm>> -> memref<10000x128xf32, #tpu.memory_space<hbm>>
    tpu.wait_indirect_dma semaphore(%arg24 : memref<!tpu.dma_semaphore, #tpu.memory_space<semaphore_mem>>) src(%dma_wait3A_182 : memref<10000x128xf32, #tpu.memory_space<hbm>>) dst(%arg14 : memref<80x128xf32, #tpu.memory_space<vmem>>)
    "tpu.region"() ({
      %run_scoped3A = tpu.sem_alloc : memref<!tpu.dma_semaphore, #tpu.memory_space<semaphore_mem>>
      %dma_start3A_195 = arith.constant 0 : i32
      %dma_start3A_196 = arith.constant 0 : i32
      %dma_start3A_197 = tpu.memref_slice %arg19[%dma_start3A_195, %dma_start3A_196] : memref<10000x128xf32, #tpu.memory_space<vmem_shared>> -> memref<10000x128xf32, #tpu.memory_space<vmem_shared>>
      tpu.enqueue_indirect_dma source(%arg14 : memref<80x128xf32, #tpu.memory_space<vmem>>) target(%dma_start3A_197 : memref<10000x128xf32, #tpu.memory_space<vmem_shared>>) offsets(%arg7 : memref<80xi32, #tpu.memory_space<vmem>>) semaphore(%run_scoped3A : memref<!tpu.dma_semaphore, #tpu.memory_space<semaphore_mem>>) {add = true}
      %dma_wait3A_198 = arith.constant 0 : i32
      %dma_wait3A_199 = arith.constant 0 : i32
      %dma_wait3A_200 = tpu.memref_slice %arg19[%dma_wait3A_198, %dma_wait3A_199] : memref<10000x128xf32, #tpu.memory_space<vmem_shared>> -> memref<10000x128xf32, #tpu.memory_space<vmem_shared>>
      tpu.wait_indirect_dma semaphore(%run_scoped3A : memref<!tpu.dma_semaphore, #tpu.memory_space<semaphore_mem>>) src(%arg14 : memref<80x128xf32, #tpu.memory_space<vmem>>) dst(%dma_wait3A_200 : memref<10000x128xf32, #tpu.memory_space<vmem_shared>>)
      tpu.yield
    }) : () -> ()
    %dma_wait3A_183 = arith.constant 0 : i32
    %dma_wait3A_184 = arith.constant 0 : i32
    %dma_wait3A_185 = tpu.memref_slice %arg2[%arg0, %dma_wait3A_183, %dma_wait3A_184] : memref<2x10000x128xf32, #tpu.memory_space<hbm>> -> memref<1x10000x128xf32, #tpu.memory_space<hbm>>
    %dma_wait3A_186 = tpu.memref_squeeze %dma_wait3A_185 : memref<1x10000x128xf32, #tpu.memory_space<hbm>> -> memref<10000x128xf32, #tpu.memory_space<hbm>>
    %dma_wait3A_187 = arith.constant 0 : i32
    %dma_wait3A_188 = arith.constant 0 : i32
    %dma_wait3A_189 = tpu.memref_slice %dma_wait3A_186[%dma_wait3A_187, %dma_wait3A_188] : memref<10000x128xf32, #tpu.memory_space<hbm>> -> memref<10000x128xf32, #tpu.memory_space<hbm>>
    tpu.wait_indirect_dma semaphore(%arg25 : memref<!tpu.dma_semaphore, #tpu.memory_space<semaphore_mem>>) src(%dma_wait3A_189 : memref<10000x128xf32, #tpu.memory_space<hbm>>) dst(%arg15 : memref<80x128xf32, #tpu.memory_space<vmem>>)
    "tpu.region"() ({
      %run_scoped3A = tpu.sem_alloc : memref<!tpu.dma_semaphore, #tpu.memory_space<semaphore_mem>>
      %dma_start3A_195 = arith.constant 0 : i32
      %dma_start3A_196 = arith.constant 0 : i32
      %dma_start3A_197 = tpu.memref_slice %arg19[%dma_start3A_195, %dma_start3A_196] : memref<10000x128xf32, #tpu.memory_space<vmem_shared>> -> memref<10000x128xf32, #tpu.memory_space<vmem_shared>>
      tpu.enqueue_indirect_dma source(%arg15 : memref<80x128xf32, #tpu.memory_space<vmem>>) target(%dma_start3A_197 : memref<10000x128xf32, #tpu.memory_space<vmem_shared>>) offsets(%arg9 : memref<80xi32, #tpu.memory_space<vmem>>) semaphore(%run_scoped3A : memref<!tpu.dma_semaphore, #tpu.memory_space<semaphore_mem>>) {add = true}
      %dma_wait3A_198 = arith.constant 0 : i32
      %dma_wait3A_199 = arith.constant 0 : i32
      %dma_wait3A_200 = tpu.memref_slice %arg19[%dma_wait3A_198, %dma_wait3A_199] : memref<10000x128xf32, #tpu.memory_space<vmem_shared>> -> memref<10000x128xf32, #tpu.memory_space<vmem_shared>>
      tpu.wait_indirect_dma semaphore(%run_scoped3A : memref<!tpu.dma_semaphore, #tpu.memory_space<semaphore_mem>>) src(%arg15 : memref<80x128xf32, #tpu.memory_space<vmem>>) dst(%dma_wait3A_200 : memref<10000x128xf32, #tpu.memory_space<vmem_shared>>)
      tpu.yield
    }) : () -> ()
    %barrier3A_190 = arith.constant 0 : index
    tpu.barrier barrier_id(%barrier3A_190)
    %mul3A_191 = arith.constant 625 : i32
    %mul3A_192 = arith.muli %arg1, %mul3A_191 : i32
    %mul3A_193 = arith.constant 625 : i32
    %mul3A_194 = arith.muli %arg1, %mul3A_193 : i32
    "tpu.region"() ({
      %run_scoped3A = tpu.sem_alloc : memref<!tpu.dma_semaphore, #tpu.memory_space<semaphore_mem>>
      %dma_start3A_195 = arith.constant 0 : i32
      %dma_start3A_196 = tpu.memref_slice %arg5[%arg0, %mul3A_194, %dma_start3A_195] : memref<2x10000x128xf32, #tpu.memory_space<hbm>> -> memref<1x625x128xf32, #tpu.memory_space<hbm>>
      %dma_start3A_197 = tpu.memref_squeeze %dma_start3A_196 : memref<1x625x128xf32, #tpu.memory_space<hbm>> -> memref<625x128xf32, #tpu.memory_space<hbm>>
      %dma_start3A_198 = arith.constant 0 : i32
      %dma_start3A_199 = tpu.memref_slice %arg19[%mul3A_192, %dma_start3A_198] : memref<10000x128xf32, #tpu.memory_space<vmem_shared>> -> memref<625x128xf32, #tpu.memory_space<vmem_shared>>
      tpu.enqueue_dma source(%dma_start3A_199 : memref<625x128xf32, #tpu.memory_space<vmem_shared>>) target(%dma_start3A_197 : memref<625x128xf32, #tpu.memory_space<hbm>>) target_semaphore(%run_scoped3A : memref<!tpu.dma_semaphore, #tpu.memory_space<semaphore_mem>>)
      %dma_wait3A_200 = arith.constant 0 : i32
      %dma_wait3A_201 = tpu.memref_slice %arg5[%arg0, %mul3A_194, %dma_wait3A_200] : memref<2x10000x128xf32, #tpu.memory_space<hbm>> -> memref<1x625x128xf32, #tpu.memory_space<hbm>>
      %dma_wait3A_202 = tpu.memref_squeeze %dma_wait3A_201 : memref<1x625x128xf32, #tpu.memory_space<hbm>> -> memref<625x128xf32, #tpu.memory_space<hbm>>
      %dma_wait3A_203 = arith.constant 0 : i32
      %dma_wait3A_204 = tpu.memref_slice %arg19[%mul3A_192, %dma_wait3A_203] : memref<10000x128xf32, #tpu.memory_space<vmem_shared>> -> memref<625x128xf32, #tpu.memory_space<vmem_shared>>
      tpu.wait_dma2 semaphore(%run_scoped3A : memref<!tpu.dma_semaphore, #tpu.memory_space<semaphore_mem>>) src(%dma_wait3A_204 : memref<625x128xf32, #tpu.memory_space<vmem_shared>>) dst(%dma_wait3A_202 : memref<625x128xf32, #tpu.memory_space<hbm>>)
      tpu.yield
    }) : () -> ()
    return
  }
}

module attributes {stable_mosaic.version = 14 : i64} {
  func.func @_scale_kernel(%arg0: i32, %arg1: memref<2000x2xf32, #tpu.memory_space<vmem>>, %arg2: memref<2000x128xf32, #tpu.memory_space<vmem>>, %arg3: memref<2000x1xf32, #tpu.memory_space<vmem>>, %arg4: memref<2x2000x64xf32, #tpu.memory_space<vmem>>) attributes {dimension_semantics = [#tpu.dimension_semantics<arbitrary>], iteration_bounds = array<i64: 5>, scalar_prefetch = 0 : i64, scratch_operands = 0 : i64, tpu.core_type = #tpu.core_type<tc>, window_params = [{transform_indices = @transform_0, window_bounds = array<i64: 2000, 2>}, {transform_indices = @transform_1, window_bounds = array<i64: 2000, 128>}, {transform_indices = @transform_2, window_bounds = array<i64: 2000, 1>}, {transform_indices = @transform_3, window_bounds = array<i64: 2, 2000, 64>}]} {
    %get3A = arith.constant 0 : index
    %get3A_0 = arith.constant 0 : index
    %get3A_1 = vector.load %arg1[%get3A, %get3A_0] : memref<2000x2xf32, #tpu.memory_space<vmem>>, vector<2000x1xf32>
    %get3A_2 = vector.shape_cast %get3A_1 : vector<2000x1xf32> to vector<2000xf32>
    %get3A_3 = arith.constant 0 : index
    %get3A_4 = arith.constant 1 : index
    %get3A_5 = vector.load %arg1[%get3A_3, %get3A_4] : memref<2000x2xf32, #tpu.memory_space<vmem>>, vector<2000x1xf32>
    %get3A_6 = vector.shape_cast %get3A_5 : vector<2000x1xf32> to vector<2000xf32>
    %add3A = arith.addf %get3A_2, %get3A_6 : vector<2000xf32>
    %add3A_7 = arith.constant 1.000000e+00 : f32
    %add3A_8 = vector.broadcast %add3A_7 : f32 to vector<2000xf32>
    %add3A_9 = arith.addf %add3A, %add3A_8 : vector<2000xf32>
    %rsqrt3A = math.rsqrt %add3A_9 : vector<2000xf32>
    %broadcast_in_dim3A = vector.shape_cast %rsqrt3A : vector<2000xf32> to vector<2000x1xf32>
    %swap3A = arith.constant 0 : index
    %swap3A_10 = arith.constant 0 : index
    %swap3A_11 = vector.load %arg3[%swap3A, %swap3A_10] : memref<2000x1xf32, #tpu.memory_space<vmem>>, vector<2000x1xf32>
    tpu.vector_store %arg3[%swap3A, %swap3A_10], %broadcast_in_dim3A {strides = array<i32>} : memref<2000x1xf32, #tpu.memory_space<vmem>>, vector<2000x1xf32>,
    %get3A_12 = arith.constant 0 : index
    %get3A_13 = arith.constant 0 : index
    %get3A_14 = vector.load %arg2[%get3A_12, %get3A_13] : memref<2000x128xf32, #tpu.memory_space<vmem>>, vector<2000x128xf32>
    %broadcast_in_dim3A_15 = vector.shape_cast %rsqrt3A : vector<2000xf32> to vector<2000x1xf32>
    %mul3A = vector.broadcast %broadcast_in_dim3A_15 : vector<2000x1xf32> to vector<2000x128xf32>
    %mul3A_16 = arith.mulf %get3A_14, %mul3A : vector<2000x128xf32>
    %slice3A = vector.extract_strided_slice %mul3A_16 {offsets = [0, 0], sizes = [2000, 64], strides = [1, 1]} : vector<2000x128xf32> to vector<2000x64xf32>
    %swap3A_17 = arith.constant 0 : index
    %swap3A_18 = arith.constant 0 : index
    %swap3A_19 = arith.constant 0 : index
    %swap3A_20 = vector.load %arg4[%swap3A_17, %swap3A_18, %swap3A_19] : memref<2x2000x64xf32, #tpu.memory_space<vmem>>, vector<1x2000x64xf32>
    %swap3A_21 = vector.shape_cast %swap3A_20 : vector<1x2000x64xf32> to vector<2000x64xf32>
    %swap3A_22 = vector.shape_cast %slice3A : vector<2000x64xf32> to vector<1x2000x64xf32>
    tpu.vector_store %arg4[%swap3A_17, %swap3A_18, %swap3A_19], %swap3A_22 {strides = array<i32>} : memref<2x2000x64xf32, #tpu.memory_space<vmem>>, vector<1x2000x64xf32>,
    %slice3A_23 = vector.extract_strided_slice %mul3A_16 {offsets = [0, 64], sizes = [2000, 64], strides = [1, 1]} : vector<2000x128xf32> to vector<2000x64xf32>
    %swap3A_24 = arith.constant 1 : index
    %swap3A_25 = arith.constant 0 : index
    %swap3A_26 = arith.constant 0 : index
    %swap3A_27 = vector.load %arg4[%swap3A_24, %swap3A_25, %swap3A_26] : memref<2x2000x64xf32, #tpu.memory_space<vmem>>, vector<1x2000x64xf32>
    %swap3A_28 = vector.shape_cast %swap3A_27 : vector<1x2000x64xf32> to vector<2000x64xf32>
    %swap3A_29 = vector.shape_cast %slice3A_23 : vector<2000x64xf32> to vector<1x2000x64xf32>
    tpu.vector_store %arg4[%swap3A_24, %swap3A_25, %swap3A_26], %swap3A_29 {strides = array<i32>} : memref<2x2000x64xf32, #tpu.memory_space<vmem>>, vector<1x2000x64xf32>,
    return
  }
  func.func @transform_0(%arg0: i32) -> (i32, i32) {
    %c0_i32 = arith.constant 0 : i32
    %c0_i32_0 = arith.constant 0 : i32
    return %arg0, %c0_i32 : i32, i32
  }
  func.func @transform_1(%arg0: i32) -> (i32, i32) {
    %c0_i32 = arith.constant 0 : i32
    %c0_i32_0 = arith.constant 0 : i32
    return %arg0, %c0_i32 : i32, i32
  }
  func.func @transform_2(%arg0: i32) -> (i32, i32) {
    %c0_i32 = arith.constant 0 : i32
    %c0_i32_0 = arith.constant 0 : i32
    return %arg0, %c0_i32 : i32, i32
  }
  func.func @transform_3(%arg0: i32) -> (i32, i32, i32) {
    %c0_i32 = arith.constant 0 : i32
    %c0_i32_0 = arith.constant 0 : i32
    %c0_i32_1 = arith.constant 0 : i32
    return %c0_i32, %arg0, %c0_i32_0 : i32, i32, i32
  }
}

module attributes {stable_mosaic.version = 14 : i64} {
  func.func @_mm_kernel(%arg0: i32, %arg1: memref<2x2000x64xf32, #tpu.memory_space<vmem>>, %arg2: memref<2x2000x64xf32, #tpu.memory_space<vmem>>, %arg3: memref<2000x1xf32, #tpu.memory_space<vmem>>, %arg4: memref<128x256xf32, #tpu.memory_space<vmem>>, %arg5: memref<2x2000x128xf32, #tpu.memory_space<vmem>>) attributes {dimension_semantics = [#tpu.dimension_semantics<arbitrary>], iteration_bounds = array<i64: 5>, scalar_prefetch = 0 : i64, scratch_operands = 0 : i64, tpu.core_type = #tpu.core_type<tc>, window_params = [{transform_indices = @transform_0, window_bounds = array<i64: 2, 2000, 64>}, {transform_indices = @transform_1, window_bounds = array<i64: 2, 2000, 64>}, {transform_indices = @transform_2, window_bounds = array<i64: 2000, 1>}, {pipeline_mode = #tpu.pipeline_mode<synchronous>, transform_indices = @transform_3, window_bounds = array<i64: 128, 256>}, {transform_indices = @transform_4, window_bounds = array<i64: 2, 2000, 128>}]} {
    %get3A = arith.constant 0 : index
    %get3A_0 = arith.constant 0 : index
    %get3A_1 = vector.load %arg3[%get3A, %get3A_0] : memref<2000x1xf32, #tpu.memory_space<vmem>>, vector<2000x1xf32>
    %get3A_2 = arith.constant 0 : index
    %get3A_3 = arith.constant 0 : index
    %get3A_4 = arith.constant 0 : index
    %get3A_5 = vector.load %arg1[%get3A_2, %get3A_3, %get3A_4] : memref<2x2000x64xf32, #tpu.memory_space<vmem>>, vector<1x2000x64xf32>
    %get3A_6 = vector.shape_cast %get3A_5 : vector<1x2000x64xf32> to vector<2000x64xf32>
    %get3A_7 = arith.constant 0 : index
    %get3A_8 = arith.constant 0 : index
    %get3A_9 = arith.constant 0 : index
    %get3A_10 = vector.load %arg2[%get3A_7, %get3A_8, %get3A_9] : memref<2x2000x64xf32, #tpu.memory_space<vmem>>, vector<1x2000x64xf32>
    %get3A_11 = vector.shape_cast %get3A_10 : vector<1x2000x64xf32> to vector<2000x64xf32>
    %add3A = arith.addf %get3A_6, %get3A_11 : vector<2000x64xf32>
    %mul3A = vector.broadcast %get3A_1 : vector<2000x1xf32> to vector<2000x64xf32>
    %mul3A_12 = arith.mulf %add3A, %mul3A : vector<2000x64xf32>
    %get3A_13 = arith.constant 1 : index
    %get3A_14 = arith.constant 0 : index
    %get3A_15 = arith.constant 0 : index
    %get3A_16 = vector.load %arg1[%get3A_13, %get3A_14, %get3A_15] : memref<2x2000x64xf32, #tpu.memory_space<vmem>>, vector<1x2000x64xf32>
    %get3A_17 = vector.shape_cast %get3A_16 : vector<1x2000x64xf32> to vector<2000x64xf32>
    %get3A_18 = arith.constant 1 : index
    %get3A_19 = arith.constant 0 : index
    %get3A_20 = arith.constant 0 : index
    %get3A_21 = vector.load %arg2[%get3A_18, %get3A_19, %get3A_20] : memref<2x2000x64xf32, #tpu.memory_space<vmem>>, vector<1x2000x64xf32>
    %get3A_22 = vector.shape_cast %get3A_21 : vector<1x2000x64xf32> to vector<2000x64xf32>
    %add3A_23 = arith.addf %get3A_17, %get3A_22 : vector<2000x64xf32>
    %mul3A_24 = vector.broadcast %get3A_1 : vector<2000x1xf32> to vector<2000x64xf32>
    %mul3A_25 = arith.mulf %add3A_23, %mul3A_24 : vector<2000x64xf32>
    %get3A_26 = arith.constant 0 : index
    %get3A_27 = arith.constant 0 : index
    %get3A_28 = vector.load %arg4[%get3A_26, %get3A_27] : memref<128x256xf32, #tpu.memory_space<vmem>>, vector<64x256xf32>
    %dot_general3A = arith.constant dense<0.000000e+00> : vector<2000x256xf32>
    %dot_general3A_29 = tpu.matmul %mul3A_12, %get3A_28, %dot_general3A {dimension_numbers = #tpu.dot_dimension_numbers<[1], [0], [0], [1], [0, 0, 1, 1], [], []>, transpose_lhs_hint = false} : vector<2000x64xf32>, vector<64x256xf32>, vector<2000x256xf32> -> vector<2000x256xf32>
    %get3A_30 = arith.constant 64 : index
    %get3A_31 = arith.constant 0 : index
    %get3A_32 = vector.load %arg4[%get3A_30, %get3A_31] : memref<128x256xf32, #tpu.memory_space<vmem>>, vector<64x256xf32>
    %dot_general3A_33 = arith.constant dense<0.000000e+00> : vector<2000x256xf32>
    %dot_general3A_34 = tpu.matmul %mul3A_25, %get3A_32, %dot_general3A_33 {dimension_numbers = #tpu.dot_dimension_numbers<[1], [0], [0], [1], [0, 0, 1, 1], [], []>, transpose_lhs_hint = false} : vector<2000x64xf32>, vector<64x256xf32>, vector<2000x256xf32> -> vector<2000x256xf32>
    %add3A_35 = arith.addf %dot_general3A_29, %dot_general3A_34 : vector<2000x256xf32>
    %max3A = arith.constant 0.000000e+00 : f32
    %max3A_36 = vector.broadcast %max3A : f32 to vector<2000x256xf32>
    %max3A_37 = arith.maximumf %add3A_35, %max3A_36 : vector<2000x256xf32>
    %slice3A = vector.extract_strided_slice %max3A_37 {offsets = [0, 0], sizes = [2000, 128], strides = [1, 1]} : vector<2000x256xf32> to vector<2000x128xf32>
    %mul3A_38 = vector.broadcast %get3A_1 : vector<2000x1xf32> to vector<2000x128xf32>
    %mul3A_39 = arith.mulf %slice3A, %mul3A_38 : vector<2000x128xf32>
    %swap3A = arith.constant 0 : index
    %swap3A_40 = arith.constant 0 : index
    %swap3A_41 = arith.constant 0 : index
    %swap3A_42 = vector.load %arg5[%swap3A, %swap3A_40, %swap3A_41] : memref<2x2000x128xf32, #tpu.memory_space<vmem>>, vector<1x2000x128xf32>
    %swap3A_43 = vector.shape_cast %swap3A_42 : vector<1x2000x128xf32> to vector<2000x128xf32>
    %swap3A_44 = vector.shape_cast %mul3A_39 : vector<2000x128xf32> to vector<1x2000x128xf32>
    tpu.vector_store %arg5[%swap3A, %swap3A_40, %swap3A_41], %swap3A_44 {strides = array<i32>} : memref<2x2000x128xf32, #tpu.memory_space<vmem>>, vector<1x2000x128xf32>,
    %slice3A_45 = vector.extract_strided_slice %max3A_37 {offsets = [0, 128], sizes = [2000, 128], strides = [1, 1]} : vector<2000x256xf32> to vector<2000x128xf32>
    %mul3A_46 = vector.broadcast %get3A_1 : vector<2000x1xf32> to vector<2000x128xf32>
    %mul3A_47 = arith.mulf %slice3A_45, %mul3A_46 : vector<2000x128xf32>
    %swap3A_48 = arith.constant 1 : index
    %swap3A_49 = arith.constant 0 : index
    %swap3A_50 = arith.constant 0 : index
    %swap3A_51 = vector.load %arg5[%swap3A_48, %swap3A_49, %swap3A_50] : memref<2x2000x128xf32, #tpu.memory_space<vmem>>, vector<1x2000x128xf32>
    %swap3A_52 = vector.shape_cast %swap3A_51 : vector<1x2000x128xf32> to vector<2000x128xf32>
    %swap3A_53 = vector.shape_cast %mul3A_47 : vector<2000x128xf32> to vector<1x2000x128xf32>
    tpu.vector_store %arg5[%swap3A_48, %swap3A_49, %swap3A_50], %swap3A_53 {strides = array<i32>} : memref<2x2000x128xf32, #tpu.memory_space<vmem>>, vector<1x2000x128xf32>,
    return
  }
  func.func @transform_0(%arg0: i32) -> (i32, i32, i32) {
    %c0_i32 = arith.constant 0 : i32
    %c0_i32_0 = arith.constant 0 : i32
    %c0_i32_1 = arith.constant 0 : i32
    return %c0_i32, %arg0, %c0_i32_0 : i32, i32, i32
  }
  func.func @transform_1(%arg0: i32) -> (i32, i32, i32) {
    %c0_i32 = arith.constant 0 : i32
    %c0_i32_0 = arith.constant 0 : i32
    %c0_i32_1 = arith.constant 0 : i32
    return %c0_i32, %arg0, %c0_i32_0 : i32, i32, i32
  }
  func.func @transform_2(%arg0: i32) -> (i32, i32) {
    %c0_i32 = arith.constant 0 : i32
    %c0_i32_0 = arith.constant 0 : i32
    return %arg0, %c0_i32 : i32, i32
  }
  func.func @transform_3(%arg0: i32) -> (i32, i32) {
    %c0_i32 = arith.constant 0 : i32
    %c0_i32_0 = arith.constant 0 : i32
    %c0_i32_1 = arith.constant 0 : i32
    return %c0_i32, %c0_i32_0 : i32, i32
  }
  func.func @transform_4(%arg0: i32) -> (i32, i32, i32) {
    %c0_i32 = arith.constant 0 : i32
    %c0_i32_0 = arith.constant 0 : i32
    %c0_i32_1 = arith.constant 0 : i32
    return %c0_i32, %arg0, %c0_i32_0 : i32, i32, i32
  }
}

module attributes {stable_mosaic.version = 14 : i64} {
  func.func @_mm_kernel(%arg0: i32, %arg1: memref<2x2000x128xf32, #tpu.memory_space<vmem>>, %arg2: memref<2x2000x128xf32, #tpu.memory_space<vmem>>, %arg3: memref<2000x1xf32, #tpu.memory_space<vmem>>, %arg4: memref<256x256xf32, #tpu.memory_space<vmem>>, %arg5: memref<2x2000x128xf32, #tpu.memory_space<vmem>>) attributes {dimension_semantics = [#tpu.dimension_semantics<arbitrary>], iteration_bounds = array<i64: 5>, scalar_prefetch = 0 : i64, scratch_operands = 0 : i64, tpu.core_type = #tpu.core_type<tc>, window_params = [{transform_indices = @transform_0, window_bounds = array<i64: 2, 2000, 128>}, {transform_indices = @transform_1, window_bounds = array<i64: 2, 2000, 128>}, {transform_indices = @transform_2, window_bounds = array<i64: 2000, 1>}, {pipeline_mode = #tpu.pipeline_mode<synchronous>, transform_indices = @transform_3, window_bounds = array<i64: 256, 256>}, {transform_indices = @transform_4, window_bounds = array<i64: 2, 2000, 128>}]} {
    %get3A = arith.constant 0 : index
    %get3A_0 = arith.constant 0 : index
    %get3A_1 = vector.load %arg3[%get3A, %get3A_0] : memref<2000x1xf32, #tpu.memory_space<vmem>>, vector<2000x1xf32>
    %get3A_2 = arith.constant 0 : index
    %get3A_3 = arith.constant 0 : index
    %get3A_4 = arith.constant 0 : index
    %get3A_5 = vector.load %arg1[%get3A_2, %get3A_3, %get3A_4] : memref<2x2000x128xf32, #tpu.memory_space<vmem>>, vector<1x2000x128xf32>
    %get3A_6 = vector.shape_cast %get3A_5 : vector<1x2000x128xf32> to vector<2000x128xf32>
    %get3A_7 = arith.constant 0 : index
    %get3A_8 = arith.constant 0 : index
    %get3A_9 = arith.constant 0 : index
    %get3A_10 = vector.load %arg2[%get3A_7, %get3A_8, %get3A_9] : memref<2x2000x128xf32, #tpu.memory_space<vmem>>, vector<1x2000x128xf32>
    %get3A_11 = vector.shape_cast %get3A_10 : vector<1x2000x128xf32> to vector<2000x128xf32>
    %add3A = arith.addf %get3A_6, %get3A_11 : vector<2000x128xf32>
    %mul3A = vector.broadcast %get3A_1 : vector<2000x1xf32> to vector<2000x128xf32>
    %mul3A_12 = arith.mulf %add3A, %mul3A : vector<2000x128xf32>
    %get3A_13 = arith.constant 1 : index
    %get3A_14 = arith.constant 0 : index
    %get3A_15 = arith.constant 0 : index
    %get3A_16 = vector.load %arg1[%get3A_13, %get3A_14, %get3A_15] : memref<2x2000x128xf32, #tpu.memory_space<vmem>>, vector<1x2000x128xf32>
    %get3A_17 = vector.shape_cast %get3A_16 : vector<1x2000x128xf32> to vector<2000x128xf32>
    %get3A_18 = arith.constant 1 : index
    %get3A_19 = arith.constant 0 : index
    %get3A_20 = arith.constant 0 : index
    %get3A_21 = vector.load %arg2[%get3A_18, %get3A_19, %get3A_20] : memref<2x2000x128xf32, #tpu.memory_space<vmem>>, vector<1x2000x128xf32>
    %get3A_22 = vector.shape_cast %get3A_21 : vector<1x2000x128xf32> to vector<2000x128xf32>
    %add3A_23 = arith.addf %get3A_17, %get3A_22 : vector<2000x128xf32>
    %mul3A_24 = vector.broadcast %get3A_1 : vector<2000x1xf32> to vector<2000x128xf32>
    %mul3A_25 = arith.mulf %add3A_23, %mul3A_24 : vector<2000x128xf32>
    %get3A_26 = arith.constant 0 : index
    %get3A_27 = arith.constant 0 : index
    %get3A_28 = vector.load %arg4[%get3A_26, %get3A_27] : memref<256x256xf32, #tpu.memory_space<vmem>>, vector<128x256xf32>
    %dot_general3A = arith.constant dense<0.000000e+00> : vector<2000x256xf32>
    %dot_general3A_29 = tpu.matmul %mul3A_12, %get3A_28, %dot_general3A {dimension_numbers = #tpu.dot_dimension_numbers<[1], [0], [0], [1], [0, 0, 1, 1], [], []>, transpose_lhs_hint = false} : vector<2000x128xf32>, vector<128x256xf32>, vector<2000x256xf32> -> vector<2000x256xf32>
    %get3A_30 = arith.constant 128 : index
    %get3A_31 = arith.constant 0 : index
    %get3A_32 = vector.load %arg4[%get3A_30, %get3A_31] : memref<256x256xf32, #tpu.memory_space<vmem>>, vector<128x256xf32>
    %dot_general3A_33 = arith.constant dense<0.000000e+00> : vector<2000x256xf32>
    %dot_general3A_34 = tpu.matmul %mul3A_25, %get3A_32, %dot_general3A_33 {dimension_numbers = #tpu.dot_dimension_numbers<[1], [0], [0], [1], [0, 0, 1, 1], [], []>, transpose_lhs_hint = false} : vector<2000x128xf32>, vector<128x256xf32>, vector<2000x256xf32> -> vector<2000x256xf32>
    %add3A_35 = arith.addf %dot_general3A_29, %dot_general3A_34 : vector<2000x256xf32>
    %max3A = arith.constant 0.000000e+00 : f32
    %max3A_36 = vector.broadcast %max3A : f32 to vector<2000x256xf32>
    %max3A_37 = arith.maximumf %add3A_35, %max3A_36 : vector<2000x256xf32>
    %slice3A = vector.extract_strided_slice %max3A_37 {offsets = [0, 0], sizes = [2000, 128], strides = [1, 1]} : vector<2000x256xf32> to vector<2000x128xf32>
    %mul3A_38 = vector.broadcast %get3A_1 : vector<2000x1xf32> to vector<2000x128xf32>
    %mul3A_39 = arith.mulf %slice3A, %mul3A_38 : vector<2000x128xf32>
    %swap3A = arith.constant 0 : index
    %swap3A_40 = arith.constant 0 : index
    %swap3A_41 = arith.constant 0 : index
    %swap3A_42 = vector.load %arg5[%swap3A, %swap3A_40, %swap3A_41] : memref<2x2000x128xf32, #tpu.memory_space<vmem>>, vector<1x2000x128xf32>
    %swap3A_43 = vector.shape_cast %swap3A_42 : vector<1x2000x128xf32> to vector<2000x128xf32>
    %swap3A_44 = vector.shape_cast %mul3A_39 : vector<2000x128xf32> to vector<1x2000x128xf32>
    tpu.vector_store %arg5[%swap3A, %swap3A_40, %swap3A_41], %swap3A_44 {strides = array<i32>} : memref<2x2000x128xf32, #tpu.memory_space<vmem>>, vector<1x2000x128xf32>,
    %slice3A_45 = vector.extract_strided_slice %max3A_37 {offsets = [0, 128], sizes = [2000, 128], strides = [1, 1]} : vector<2000x256xf32> to vector<2000x128xf32>
    %mul3A_46 = vector.broadcast %get3A_1 : vector<2000x1xf32> to vector<2000x128xf32>
    %mul3A_47 = arith.mulf %slice3A_45, %mul3A_46 : vector<2000x128xf32>
    %swap3A_48 = arith.constant 1 : index
    %swap3A_49 = arith.constant 0 : index
    %swap3A_50 = arith.constant 0 : index
    %swap3A_51 = vector.load %arg5[%swap3A_48, %swap3A_49, %swap3A_50] : memref<2x2000x128xf32, #tpu.memory_space<vmem>>, vector<1x2000x128xf32>
    %swap3A_52 = vector.shape_cast %swap3A_51 : vector<1x2000x128xf32> to vector<2000x128xf32>
    %swap3A_53 = vector.shape_cast %mul3A_47 : vector<2000x128xf32> to vector<1x2000x128xf32>
    tpu.vector_store %arg5[%swap3A_48, %swap3A_49, %swap3A_50], %swap3A_53 {strides = array<i32>} : memref<2x2000x128xf32, #tpu.memory_space<vmem>>, vector<1x2000x128xf32>,
    return
  }
  func.func @transform_0(%arg0: i32) -> (i32, i32, i32) {
    %c0_i32 = arith.constant 0 : i32
    %c0_i32_0 = arith.constant 0 : i32
    %c0_i32_1 = arith.constant 0 : i32
    return %c0_i32, %arg0, %c0_i32_0 : i32, i32, i32
  }
  func.func @transform_1(%arg0: i32) -> (i32, i32, i32) {
    %c0_i32 = arith.constant 0 : i32
    %c0_i32_0 = arith.constant 0 : i32
    %c0_i32_1 = arith.constant 0 : i32
    return %c0_i32, %arg0, %c0_i32_0 : i32, i32, i32
  }
  func.func @transform_2(%arg0: i32) -> (i32, i32) {
    %c0_i32 = arith.constant 0 : i32
    %c0_i32_0 = arith.constant 0 : i32
    return %arg0, %c0_i32 : i32, i32
  }
  func.func @transform_3(%arg0: i32) -> (i32, i32) {
    %c0_i32 = arith.constant 0 : i32
    %c0_i32_0 = arith.constant 0 : i32
    %c0_i32_1 = arith.constant 0 : i32
    return %c0_i32, %c0_i32_0 : i32, i32
  }
  func.func @transform_4(%arg0: i32) -> (i32, i32, i32) {
    %c0_i32 = arith.constant 0 : i32
    %c0_i32_0 = arith.constant 0 : i32
    %c0_i32_1 = arith.constant 0 : i32
    return %c0_i32, %arg0, %c0_i32_0 : i32, i32, i32
  }
}

module attributes {stable_mosaic.version = 14 : i64} {
  func.func @_mm_kernel(%arg0: i32, %arg1: memref<2x2000x128xf32, #tpu.memory_space<vmem>>, %arg2: memref<2x2000x128xf32, #tpu.memory_space<vmem>>, %arg3: memref<2000x1xf32, #tpu.memory_space<vmem>>, %arg4: memref<256x256xf32, #tpu.memory_space<vmem>>, %arg5: memref<2000x256xf32, #tpu.memory_space<vmem>>) attributes {dimension_semantics = [#tpu.dimension_semantics<arbitrary>], iteration_bounds = array<i64: 5>, scalar_prefetch = 0 : i64, scratch_operands = 0 : i64, tpu.core_type = #tpu.core_type<tc>, window_params = [{transform_indices = @transform_0, window_bounds = array<i64: 2, 2000, 128>}, {transform_indices = @transform_1, window_bounds = array<i64: 2, 2000, 128>}, {transform_indices = @transform_2, window_bounds = array<i64: 2000, 1>}, {pipeline_mode = #tpu.pipeline_mode<synchronous>, transform_indices = @transform_3, window_bounds = array<i64: 256, 256>}, {transform_indices = @transform_4, window_bounds = array<i64: 2000, 256>}]} {
    %get3A = arith.constant 0 : index
    %get3A_0 = arith.constant 0 : index
    %get3A_1 = vector.load %arg3[%get3A, %get3A_0] : memref<2000x1xf32, #tpu.memory_space<vmem>>, vector<2000x1xf32>
    %get3A_2 = arith.constant 0 : index
    %get3A_3 = arith.constant 0 : index
    %get3A_4 = arith.constant 0 : index
    %get3A_5 = vector.load %arg1[%get3A_2, %get3A_3, %get3A_4] : memref<2x2000x128xf32, #tpu.memory_space<vmem>>, vector<1x2000x128xf32>
    %get3A_6 = vector.shape_cast %get3A_5 : vector<1x2000x128xf32> to vector<2000x128xf32>
    %get3A_7 = arith.constant 0 : index
    %get3A_8 = arith.constant 0 : index
    %get3A_9 = arith.constant 0 : index
    %get3A_10 = vector.load %arg2[%get3A_7, %get3A_8, %get3A_9] : memref<2x2000x128xf32, #tpu.memory_space<vmem>>, vector<1x2000x128xf32>
    %get3A_11 = vector.shape_cast %get3A_10 : vector<1x2000x128xf32> to vector<2000x128xf32>
    %add3A = arith.addf %get3A_6, %get3A_11 : vector<2000x128xf32>
    %mul3A = vector.broadcast %get3A_1 : vector<2000x1xf32> to vector<2000x128xf32>
    %mul3A_12 = arith.mulf %add3A, %mul3A : vector<2000x128xf32>
    %get3A_13 = arith.constant 1 : index
    %get3A_14 = arith.constant 0 : index
    %get3A_15 = arith.constant 0 : index
    %get3A_16 = vector.load %arg1[%get3A_13, %get3A_14, %get3A_15] : memref<2x2000x128xf32, #tpu.memory_space<vmem>>, vector<1x2000x128xf32>
    %get3A_17 = vector.shape_cast %get3A_16 : vector<1x2000x128xf32> to vector<2000x128xf32>
    %get3A_18 = arith.constant 1 : index
    %get3A_19 = arith.constant 0 : index
    %get3A_20 = arith.constant 0 : index
    %get3A_21 = vector.load %arg2[%get3A_18, %get3A_19, %get3A_20] : memref<2x2000x128xf32, #tpu.memory_space<vmem>>, vector<1x2000x128xf32>
    %get3A_22 = vector.shape_cast %get3A_21 : vector<1x2000x128xf32> to vector<2000x128xf32>
    %add3A_23 = arith.addf %get3A_17, %get3A_22 : vector<2000x128xf32>
    %mul3A_24 = vector.broadcast %get3A_1 : vector<2000x1xf32> to vector<2000x128xf32>
    %mul3A_25 = arith.mulf %add3A_23, %mul3A_24 : vector<2000x128xf32>
    %get3A_26 = arith.constant 0 : index
    %get3A_27 = arith.constant 0 : index
    %get3A_28 = vector.load %arg4[%get3A_26, %get3A_27] : memref<256x256xf32, #tpu.memory_space<vmem>>, vector<128x256xf32>
    %dot_general3A = arith.constant dense<0.000000e+00> : vector<2000x256xf32>
    %dot_general3A_29 = tpu.matmul %mul3A_12, %get3A_28, %dot_general3A {dimension_numbers = #tpu.dot_dimension_numbers<[1], [0], [0], [1], [0, 0, 1, 1], [], []>, transpose_lhs_hint = false} : vector<2000x128xf32>, vector<128x256xf32>, vector<2000x256xf32> -> vector<2000x256xf32>
    %get3A_30 = arith.constant 128 : index
    %get3A_31 = arith.constant 0 : index
    %get3A_32 = vector.load %arg4[%get3A_30, %get3A_31] : memref<256x256xf32, #tpu.memory_space<vmem>>, vector<128x256xf32>
    %dot_general3A_33 = arith.constant dense<0.000000e+00> : vector<2000x256xf32>
    %dot_general3A_34 = tpu.matmul %mul3A_25, %get3A_32, %dot_general3A_33 {dimension_numbers = #tpu.dot_dimension_numbers<[1], [0], [0], [1], [0, 0, 1, 1], [], []>, transpose_lhs_hint = false} : vector<2000x128xf32>, vector<128x256xf32>, vector<2000x256xf32> -> vector<2000x256xf32>
    %add3A_35 = arith.addf %dot_general3A_29, %dot_general3A_34 : vector<2000x256xf32>
    %swap3A = arith.constant 0 : index
    %swap3A_36 = arith.constant 0 : index
    %swap3A_37 = vector.load %arg5[%swap3A, %swap3A_36] : memref<2000x256xf32, #tpu.memory_space<vmem>>, vector<2000x256xf32>
    tpu.vector_store %arg5[%swap3A, %swap3A_36], %add3A_35 {strides = array<i32>} : memref<2000x256xf32, #tpu.memory_space<vmem>>, vector<2000x256xf32>,
    return
  }
  func.func @transform_0(%arg0: i32) -> (i32, i32, i32) {
    %c0_i32 = arith.constant 0 : i32
    %c0_i32_0 = arith.constant 0 : i32
    %c0_i32_1 = arith.constant 0 : i32
    return %c0_i32, %arg0, %c0_i32_0 : i32, i32, i32
  }
  func.func @transform_1(%arg0: i32) -> (i32, i32, i32) {
    %c0_i32 = arith.constant 0 : i32
    %c0_i32_0 = arith.constant 0 : i32
    %c0_i32_1 = arith.constant 0 : i32
    return %c0_i32, %arg0, %c0_i32_0 : i32, i32, i32
  }
  func.func @transform_2(%arg0: i32) -> (i32, i32) {
    %c0_i32 = arith.constant 0 : i32
    %c0_i32_0 = arith.constant 0 : i32
    return %arg0, %c0_i32 : i32, i32
  }
  func.func @transform_3(%arg0: i32) -> (i32, i32) {
    %c0_i32 = arith.constant 0 : i32
    %c0_i32_0 = arith.constant 0 : i32
    %c0_i32_1 = arith.constant 0 : i32
    return %c0_i32, %c0_i32_0 : i32, i32
  }
  func.func @transform_4(%arg0: i32) -> (i32, i32) {
    %c0_i32 = arith.constant 0 : i32
    %c0_i32_0 = arith.constant 0 : i32
    return %arg0, %c0_i32 : i32, i32
  }
}

</mosaic_0001>

<sc_bundles>
// kernel: kernel.10.cloned.1.call-start
scs
__scs_entry_jumppad:
0x0: {  	(pc) =	sbr.rel $0x88, $3  }
0x1: {  	(tag) =	ssettag $0x0;
	lr =	simm.s32 $0x1  }
0x2: {  	[smem:$0x3F9C] =	sst lr;
	_ =	strace $0xD0000000  }
0x3: {  	_ = 	snop  }
0x4: {  	_ = 	snop  }
0x5: {  	_ = 	snop  }
0x6: {  	_ = 	snop  }
0x7: {  	_ = 	snop  }
__scs_overlays_trampoline_lowered:
0x8: {  	[smem:$0x3FAB] =	sst s0  }
0x9: {  	[smem:$0x3FAC] =	sst s1  }
0xa: {  	[smem:$0x3FAD] =	sst s2  }
0xb: {  	[smem:$0x3FAE] =	sst s3  }
0xc: {  	[smem:$0x3FAF] =	sst s4  }
0xd: {  	[smem:$0x3FB0] =	sst s5  }
0xe: {  	[smem:$0x3FB1] =	sst s6  }
0xf: {  	[smem:$0x3FB2] =	sst s7  }
0x10: {  	[smem:$0x3FB3] =	sst s8  }
0x11: {  	[smem:$0x3FB4] =	sst s9;
	s0 =	simm.s32 @!p0 $0x0  }
0x12: {  	s1 =	sld [smem:$0x3F9A];
	s0 =	simm.s32 @p0 $0x1  }
0x13: {  	[smem:$0x3FB5] =	sst s0;
	s0 =	simm.s32 @!p1 $0x0  }
0x14: {  	s2 =	sld [smem:$0x3F99];
	s0 =	simm.s32 @p1 $0x1  }
0x15: {  	[smem:$0x3FB6] =	sst s0;
	s0 =	simm.s32 @!p2 $0x0  }
0x16: {  	s3 =	sld [smem:$0x3FDB];
	s0 =	simm.s32 @p2 $0x1  }
0x17: {  	s4 =	simm.s32 $0x1BF5;
	[smem:$0x3FB8] =	sst s0  }
0x18: {  	s0 =	sld [smem:$0x3F9B];
	_ =	swait.ge [sflag:s4], $0x0  }
0x19: {  	s7 =	sld [smem:$0x3F9C]  }
0x1a: {  	s8 =	sadd.s32 $0xFFFFE003, lr  }
0x1b: {  	s9 =	sadd.s32 $0xFFFFFEF7, lr;
	s5 =	simm.s32 $0xFFFFFFFF;
	p2 =	slt.u32 s8, $0xFFFFF086  }
0x1c: {  	p1 =	slt.u32 s9, $0xF7A;
	s5 =	simm.s32 @!p2 $0x0  }
0x1d: {  	s5 =	simm.s32 @p1 $0x1;
	p0 =	seq.s32 s7, s2  }
0x1e: {  	s7 =	smul.u32 @!p0 $0xF7A, s2;
	p2 =	seq.s32 @!p0 s5, $0x0  }
0x1f: {  	s9 =	smul.u32 $0xF7A, s1;
	s8 =	simm.s32 @!p0 $0x1BF5;
	p2 =	por !p2, p0  }
0x20: {  	[sflag:s8] =	ssyncset.s32 @!p0 $0xFFFFF086;
	s6 =	sadd.s32 @!p0 s3, s7;
	s7 =	simm.s32 @!p0 $0x108  }
0x21: {  	s3 =	sadd.s32 s3, s9;
	s6 =	sadd.s32 @!p0 $0x88, s6;
	s7 =	simm.s32 @p2 $0x1082  }
0x22: {  	[simem:s7], [sflag:s8] =	dma.local @!p0 [hbm:s6], $0xF7A  }
0x23: {  	s9 =	sor.u32 $0xD0000000, s2;
	s6 =	simm.s32 $0x108;
	_ =	swait.ge @!p0 [sflag:s8], $0x0  }
0x24: {  	s3 =	sadd.s32 $0x88, s3;
	s6 =	simm.s32 @!p1 $0x1082;
	[sflag:s4] =	ssyncset.s32 $0xFFFFF086  }
0x25: {  	[simem:s6], [sflag:s4] =	dma.local [hbm:s3], $0xF7A  }
0x26: {  	[smem:$0x3F9C] =	sst s1;
	(tag) =	ssettag s2;
	_ =	strace s9  }
0x27: {  	s1 =	sld [smem:$0x3FAC]  }
0x28: {  	s2 =	sld [smem:$0x3FAD]  }
0x29: {  	s4 =	sld [smem:$0x3FAF]  }
0x2a: {  	p0 =	seq.s32 s5, $0x0;
	s5 =	sld [smem:$0x3FB0]  }
0x2b: {  	s6 =	sld [smem:$0x3FB1]  }
0x2c: {  	s7 =	sld [smem:$0x3FB2]  }
0x2d: {  	s3 =	simm.s32 $0x108;
	s8 =	sld [smem:$0x3FB3]  }
0x2e: {  	s3 =	simm.s32 @!p0 $0x1082;
	s9 =	sld [smem:$0x3FB4]  }
0x2f: {  	lr =	sadd.s32 s0, s3;
	s0 =	sld [smem:$0x3FAB]  }
0x30: {  	s3 =	sld [smem:$0x3FAE]  }
0x31: {  	[smem:$0x3FB7] =	sst s10  }
0x32: {  	s10 =	sld [smem:$0x3FB5];
	_ =	sdelay $0x3  }
0x33: {  	p0 =	seq.s32 s10, $0x1;
	s10 =	sld [smem:$0x3FB7];
	_ =	sdelay $0x3  }
0x34: {  	[smem:$0x3FB7] =	sst s10  }
0x35: {  	s10 =	sld [smem:$0x3FB6];
	_ =	sdelay $0x3  }
0x36: {  	p1 =	seq.s32 s10, $0x1;
	s10 =	sld [smem:$0x3FB7];
	_ =	sdelay $0x3  }
0x37: {  	[smem:$0x3FB7] =	sst s10  }
0x38: {  	s10 =	sld [smem:$0x3FB8]  }
0x39: {  	_ = 	snop;
	(pc) =	sbr.ind lr, $3  }
0x3a: {  	_ = 	snop  }
0x3b: {  	_ = 	snop  }
0x3c: {  	p2 =	seq.s32 s10, $0x1;
	s10 =	sld [smem:$0x3FB7]  }
0x3d: {  	_ =	shalt  }
0x3e: {  	_ =	shalt  }
0x3f: {  	_ =	shalt  }
0x40: {  	_ =	shalt  }
0x41: {  	_ =	shalt  }
0x42: {  	_ =	shalt  }
0x43: {  	_ =	shalt  }
0x44: {  	_ =	shalt  }
0x45: {  	_ =	shalt  }
0x46: {  	_ =	shalt  }
0x47: {  	_ =	shalt  }
0x48: {  	_ =	shalt  }
0x49: {  	_ =	shalt  }
0x4a: {  	_ =	shalt  }
0x4b: {  	_ =	shalt  }
0x4c: {  	_ =	shalt  }
0x4d: {  	_ =	shalt  }
0x4e: {  	_ =	shalt  }
0x4f: {  	_ =	shalt  }
0x50: {  	_ =	shalt  }
0x51: {  	_ =	shalt  }
0x52: {  	_ =	shalt  }
0x53: {  	_ =	shalt  }
0x54: {  	_ =	shalt  }
0x55: {  	_ =	shalt  }
0x56: {  	_ =	shalt  }
0x57: {  	_ =	shalt  }
0x58: {  	_ =	shalt  }
0x59: {  	_ =	shalt  }
0x5a: {  	_ =	shalt  }
0x5b: {  	_ =	shalt  }
0x5c: {  	_ =	shalt  }
0x5d: {  	_ =	shalt  }
0x5e: {  	_ =	shalt  }
0x5f: {  	_ =	shalt  }
0x60: {  	_ =	shalt  }
0x61: {  	_ =	shalt  }
0x62: {  	_ =	shalt  }
0x63: {  	_ =	shalt  }
0x64: {  	_ =	shalt  }
0x65: {  	_ =	shalt  }
0x66: {  	_ =	shalt  }
0x67: {  	_ =	shalt  }
0x68: {  	_ =	shalt  }
0x69: {  	_ =	shalt  }
0x6a: {  	_ =	shalt  }
0x6b: {  	_ =	shalt  }
0x6c: {  	_ =	shalt  }
0x6d: {  	_ =	shalt  }
0x6e: {  	_ =	shalt  }
0x6f: {  	_ =	shalt  }
0x70: {  	_ =	shalt  }
0x71: {  	_ =	shalt  }
0x72: {  	_ =	shalt  }
0x73: {  	_ =	shalt  }
0x74: {  	_ =	shalt  }
0x75: {  	_ =	shalt  }
0x76: {  	_ =	shalt  }
0x77: {  	_ =	shalt  }
0x78: {  	_ =	shalt  }
0x79: {  	_ =	shalt  }
0x7a: {  	_ =	shalt  }
0x7b: {  	_ =	shalt  }
0x7c: {  	_ =	shalt  }
0x7d: {  	_ =	shalt  }
0x7e: {  	_ =	shalt  }
0x7f: {  	_ =	shalt  }
0x80: {  	_ =	shalt  }
0x81: {  	_ =	shalt  }
0x82: {  	_ =	shalt  }
0x83: {  	_ =	shalt  }
0x84: {  	_ =	shalt  }
0x85: {  	_ =	shalt  }
0x86: {  	_ =	shalt  }
0x87: {  	_ =	shalt  }
.Lfunc_end0:
.L_simem_size_0:
called_computation_lowered:
.L_overlay_start_0:
0x88: {  	s2 =	sld [smem:$0x3FD9]  }
0x89: {  	s3 =	sld [smem:$0x3FFE];
	_ =	sdelay $0x1  }
0x8a: {  	s1 =	srdreg.scid  }
0x8b: {  	s0 =	sand.u32 $0x1, s1  }
0x8c: {  	s17 =	sshll.u32 s0, $0xA;
	s2 =	sadd.s32 s3, s2  }
0x8d: {  	s2 =	sadd.s32 s2, s17  }
0x8e: {  	[smem:$0x3FC3] =	sst s2  }
0x8f: {  	_ = 	snop  }
0x90: {  	s2 =	sld [smem:$0x3FD0];
	(tm) =	ssettm $0x1  }
0x91: {  	s18 =	sld [smem:$0x3FFB];
	_ =	sdelay $0x3  }
0x92: {  	_ =	strace s18  }
0x93: {  	s3 =	sld [smem:$0x3FFC];
	_ =	sdelay $0x3  }
0x94: {  	_ =	strace s3  }
0x95: {  	s3 =	sld [smem:$0x3FFD];
	_ =	sdelay $0x3  }
0x96: {  	_ =	strace s3  }
0x97: {  	_ =	strace $0x8FFFFFFF  }
0x98: {  	s19 =	sld [smem:$0x3FDB];
	_ =	sdelay $0x1  }
0x99: {  	s4 =	simm.s32 $_scs_section_size  }
0x9a: {  	s5 =	simm.s32 $_size__tile_overlayer_lowered;
	s6 =	simm.s32 $_tile_overlayer_lowered  }
0x9b: {  	s22 =	simm.s32 $0x1BFF;
	s21 =	sshll.u32 s6, $0x1;
	s3 =	sadd.s32 s4, s19  }
0x9c: {  	s7 =	simm.s32 $0x0;
	s20 =	sshll.u32 s5, $0x1;
	s5 =	sadd.s32 s21, s3  }
0x9d: {  	[timem:s7], [sflag:s22] =	dma.local [hbm:s5], s20  }
0x9e: {  	_ =	swait.ge [sflag:s22], s20  }
0x9f: {  	s4 =	ssub.s32 $0x0, s20;
	[sflag:s22] =	ssyncset.done $0x0  }
0xa0: {  	[sflag:s22] =	ssyncadd.s32 s4;
	_ =	sdelay $0x1  }
0xa1: {  	s23 =	simm.s32 $0x1B8B  }
0xa2: {  	_ =	swait.ge [sflag:s23], $0x1  }
0xa3: {  	[sflag:s23] =	ssyncset.done $0x0  }
0xa4: {  	s25 =	simm.s32 $0x1B8E;
	s24 =	sld [smem:$0x3FFE];
	[sflag:s23] =	ssyncadd.s32 $0xFFFFFFFF  }
0xa5: {  	s26 =	simm.s32 $execute0_lowered;
	[smem:$0x3FD2] =	sst s25  }
0xa6: {  	s5 =	sshll.u32 s26, $0x1;
	_ =	strace $0x80000046;
	[dreg:$0x1] =	wrdreg $0xFFFFFFFF  }
0xa7: {  	s28 =	simm.s32 $_size_execute0_lowered;
	s3 =	sadd.s32 s3, s5;
	[dreg:$0x0] =	wrdreg $0x0  }
0xa8: {  	s5 =	sshll.u32 s28, $0x1;
	[dreg:$0x2] =	wrdreg s3  }
0xa9: {  	[dreg:$0x3] =	wrdreg s5  }
0xaa: {  	[dreg:$0x4] =	wrdreg $0xC0  }
0xab: {  	_ =	task [dreg:s7], $0x5FFFF  }
0xac: {  	[dreg:$0x1] =	wrdreg $0xFFFFFFFF  }
0xad: {  	[dreg:$0x0] =	wrdreg $0x60  }
0xae: {  	[dreg:$0x2] =	wrdreg s24  }
0xaf: {  	[dreg:$0x3] =	wrdreg s2  }
0xb0: {  	[dreg:$0x4] =	wrdreg $0x8C00  }
0xb1: {  	[dreg:$0x5] =	wrdreg $0x9  }
0xb2: {  	_ =	task.clear_ibuf [dreg:s7], $0x6FFFF;
	_ =	strace $0x90000046  }
0xb3: {  	s29 =	simm.s32 $0x9;
	_ =	strace $0x80000048  }
0xb4: {  	_ =	swait.ge [sflag:s29], $0x1  }
0xb5: {  	[sflag:s29] =	ssyncadd.s32 $0xFFFFFFFF  }
0xb6: {  	_ =	strace $0x90000048  }
0xb7: {  	_ =	sfence  }
0xb8: {  	s30 =	sld [smem:$0x0];
	_ =	sdelay $0x2  }
0xb9: {  	s31 =	sshll.u32 s1, $0xD;
	s1 =	sshrl.u32 s1, $0x2  }
0xba: {  	s3 =	sand.u32 $0x4000, s31;
	s1 =	sadd.s32 s1, s30  }
0xbb: {  	s0 =	sor.u32 s3, s0;
	s1 =	sshll.u32 s1, $0x11  }
0xbc: {  	s0 =	sor.u32 s1, s0  }
0xbd: {  	s0 =	sadd.s32 $0x8F2B, s0  }
0xbe: {  	[sflag:s0] =	ssyncadd.remote.s32 $0x1  }
0xbf: {  	_ =	sfence.sel $0xFFFF  }
0xc0: {  	[dreg:$0x0] =	wrdreg $0xFFFFFFFF;
	(pc) =	sbr.abs _section_cstart, $3  }
0xc1: {  	[dreg:$0x1] =	wrdreg $0xFFFFFFFF  }
0xc2: {  	_ =	task.clear_ibuf [dreg:s7], $0x2FFFF;
	_ =	strace $0x9FFFFFFF  }
0xc3: {  	(tm) =	ssettm $0x7FFFFFFF  }
tec
execute0_lowered:
.L_overlay_start_1:
0x0: {  	(tag) =	ssettag $0x1  }
0x1: {  	s4 =	rddreg [dreg:$0x0]  }
0x2: {  	s6 =	rddreg [dreg:$0x1]  }
0x3: {  	s0 =	srdreg.scid;
	s2 =	rddreg [dreg:$0x2]  }
0x4: {  	s3 =	simm.s32 $0x0;
	s14 =	simm.s32 $0xF0;
	s15 =	simm.s32 $0x3  }
0x5: {  	s16 =	simm.s32 $0x50;
	s17 =	simm.s32 $0x1;
	s18 =	simm.s32 $0xA0  }
0x6: {  	s19 =	simm.s32 $0x2;
	s5 =	sand.u32 $0x1, s0;
	s0 =	stileid.u32  }
0x7: {  	s22 =	simm.s32 $0x0;
	[smem:$0x7FF] =	sst s3;
	s8 =	smul.u32 $0x4E2, s5  }
0x8: {  	s4 =	sadd.s32 $0xBC00, s4;
	s21 =	sshrl.u32 s2, $0x3;
	s10 =	smul.u32 $0x27100, s5  }
0x9: {  	s1 =	sshll.u32 s5, $0x4;
	s9 =	ssub.s32 $0x2, s5;
	s11 =	smul.u32 $0x2710, s0  }
0xa: {  	s20 =	sshll.u32 s0, $0x6;
	s7 =	sor.u32 s0, s1;
	s1 =	rddreg [dreg:$0x3]  }
0xb: {  	s31 =	sshrl.u32 s9, $0x1;
	_ =	strace $0x80000047;
	s20 =	sor.u32 $0x1C03, s20  }
0xc: {  	s7 =	smul.u32 $0x2710, s7;
	s9 =	ssub.s32 s9, s31;
	s6 =	sadd.s32 s6, s8  }
0xd: {  	s12 =	sadd.s32 s11, s10;
	s8 =	sadd.s32 $0x7D0, s2;
	s10 =	sadd.s32 $0x1770, s2  }
0xe: {  	s11 =	sadd.s32 $0x1F40, s2;
	s13 =	sadd.s32 $0x50, s12;
	s7 =	sshrl.u32 s7, $0x3  }
0xf: {  	s12 =	sadd.s32 $0xA0, s12;
	s13 =	sshrl.u32 s13, $0x3;
	s5 =	sadd.s32 s4, s7  }
0x10: {  	v0 =	vimm.f32 $0.0e+00;
	v1 =	vimm.f32 $1.000000000e+00;
	s7 =	smax.u32 s9, $0x1;
	s9 =	sadd.s32 $0xFA0, s2;
	s13 =	sadd.s32 s13, s4  }
.LBB2_1:
0x11: {  	s23 =	simm.s32 $0x40;
	s24 =	simm.s32 $0x0  }
.LBB2_2:
0x12: {  	p0 =	sne.s32 s23, $0x1F00;
	[tilespmem:s24+$0xF0] =	vst v0;
	s24 =	smov.u32 s23;
	s23 =	sadd.s32 $0x40, s23  }
.Ltmp0:
0x13: {  	(pc) =	sbr.rel @p0 .LBB2_2-.Ltmp0, $2  }
0x14: {  	_ =	sdelay $0x2  }
0x15: {  	s24 =	sshra.s32 s24, $0x2  }
0x16: {  	[tilespmem:s24+$0xF0] =	vst v0  }
0x17: {  	[spmem:s2] =	stream.linear.scatter [tilespmem:s14], [sflag:$0x3], $0x7D0, $0x38;
	[tilespmem:$0xB38] =	vst v63  }
0x18: {  	_ =	swait.ge [sflag:s15], $0x7D0  }
0x19: {  	[sflag:s15] =	ssyncset.done $0x0  }
0x1a: {  	[sflag:s15] =	ssyncadd.s32 $0xFFFFF830  }
0x1b: {  	[spmem:s8] =	stream.linear.scatter [tilespmem:s14], [sflag:$0x3], $0x7D0, $0x38;
	[tilespmem:$0xB38] =	vst v63  }
0x1c: {  	_ =	swait.ge [sflag:s15], $0x7D0  }
0x1d: {  	[sflag:s15] =	ssyncset.done $0x0  }
0x1e: {  	[sflag:s15] =	ssyncadd.s32 $0xFFFFF830  }
0x1f: {  	[spmem:s9] =	stream.linear.scatter [tilespmem:s14], [sflag:$0x3], $0x7D0, $0x38;
	[tilespmem:$0xB38] =	vst v63  }
0x20: {  	_ =	swait.ge [sflag:s15], $0x7D0  }
0x21: {  	[sflag:s15] =	ssyncset.done $0x0  }
0x22: {  	[sflag:s15] =	ssyncadd.s32 $0xFFFFF830  }
0x23: {  	[spmem:s10] =	stream.linear.scatter [tilespmem:s14], [sflag:$0x3], $0x7D0, $0x38;
	[tilespmem:$0xB38] =	vst v63  }
0x24: {  	_ =	swait.ge [sflag:s15], $0x7D0  }
0x25: {  	[sflag:s15] =	ssyncset.done $0x0  }
0x26: {  	[sflag:s15] =	ssyncadd.s32 $0xFFFFF830  }
0x27: {  	[spmem:s11] =	stream.linear.scatter [tilespmem:s14], [sflag:$0x3], $0x7D0, $0x38;
	[tilespmem:$0xB38] =	vst v63  }
0x28: {  	_ =	swait.ge [sflag:s15], $0x7D0  }
0x29: {  	[sflag:s15] =	ssyncset.done $0x0  }
0x2a: {  	[sflag:s15] =	ssyncadd.s32 $0xFFFFF830  }
0x2b: {  	[tilespmem:$0xA0] =	vst v1  }
0x2c: {  	[tilespmem:$0xB0] =	vst v1  }
0x2d: {  	[tilespmem:$0xC0] =	vst v1  }
0x2e: {  	[tilespmem:$0xD0] =	vst v1  }
0x2f: {  	[tilespmem:$0xE0] =	vst v1  }
0x30: {  	s23 =	simm.s32 $0x0;
	[bflag:$0x0] =	sbarrier.arrive $0xFFFF  }
0x31: {  	[tilespmem:s23], [sflag:$0x1] =	stream.linear.gather [hbm4b:s5+s23], $0x50, $0x38;
	[tilespmem:$0xB38] =	vst v63  }
0x32: {  	s30 =	sadd.s32 $0x0, s13  }
0x33: {  	[tilespmem:s16], [sflag:$0x2] =	stream.linear.gather [hbm4b:s30+s3], $0x50, $0x38;
	[tilespmem:$0xB38] =	vst v63  }
0x34: {  	_ =	swait.ge [sflag:s17], $0x50  }
0x35: {  	[sflag:s17] =	ssyncset.done $0x0  }
0x36: {  	[sflag:s17] =	ssyncadd.s32 $0xFFFFFFB0  }
0x37: {  	[spmem:s2] =	stream.indirect.scatter.add.f32 [tilespmem:s18], [sflag:$0x3], $0x1, s3, s16, $0xb8;
	[tilespmem:$0xB38] =	vst v63  }
0x38: {  	_ =	swait.ge [sflag:s15], $0x50  }
0x39: {  	s31 =	sshrl.u32 s12, $0x3;
	[sflag:s15] =	ssyncset.done $0x0  }
0x3a: {  	s23 =	sadd.s32 s4, s31;
	[sflag:s15] =	ssyncadd.s32 $0xFFFFFFB0  }
0x3b: {  	[tilespmem:s3], [sflag:$0x1] =	stream.linear.gather [hbm4b:s23+s3], $0x50, $0x38;
	[tilespmem:$0xB38] =	vst v63  }
0x3c: {  	_ =	swait.ge [sflag:s19], $0x50  }
0x3d: {  	[sflag:s19] =	ssyncset.done $0x0  }
0x3e: {  	[sflag:s19] =	ssyncadd.s32 $0xFFFFFFB0  }
0x3f: {  	[spmem:s2] =	stream.indirect.scatter.add.f32 [tilespmem:s18], [sflag:$0x3], $0x1, s16, s16, $0xb8;
	[tilespmem:$0xB38] =	vst v63  }
0x40: {  	s24 =	simm.s32 $0x14;
	_ =	swait.ge [sflag:s15], $0x50  }
0x41: {  	s25 =	simm.s32 $0x28;
	s23 =	sadd.s32 $0xA0, s12;
	[sflag:s15] =	ssyncset.done $0x0  }
.LBB2_4:
0x42: {  	s26 =	sadd.s32 s24, s13  }
0x43: {  	[sflag:s15] =	ssyncadd.s32 $0xFFFFFFB0;
	s24 =	smov.u32 s25;
	s28 =	sadd.s32 $0x14, s25  }
0x44: {  	[tilespmem:s16], [sflag:$0x2] =	stream.linear.gather [hbm4b:s26+s3], $0x50, $0x38;
	[tilespmem:$0xB38] =	vst v63  }
0x45: {  	p0 =	sne.s32 s25, $0x4C4;
	_ =	swait.ge [sflag:s17], $0x50  }
0x46: {  	[sflag:s17] =	ssyncset.done $0x0  }
0x47: {  	[sflag:s17] =	ssyncadd.s32 $0xFFFFFFB0  }
0x48: {  	[spmem:s2] =	stream.indirect.scatter.add.f32 [tilespmem:s18], [sflag:$0x3], $0x1, s3, s16, $0xb8;
	[tilespmem:$0xB38] =	vst v63  }
0x49: {  	_ =	swait.ge [sflag:s15], $0x50  }
0x4a: {  	s25 =	sshrl.u32 s23, $0x3;
	[sflag:s15] =	ssyncset.done $0x0  }
0x4b: {  	s25 =	sadd.s32 s4, s25;
	[sflag:s15] =	ssyncadd.s32 $0xFFFFFFB0  }
0x4c: {  	[tilespmem:s3], [sflag:$0x1] =	stream.linear.gather [hbm4b:s25+s3], $0x50, $0x38;
	[tilespmem:$0xB38] =	vst v63  }
0x4d: {  	_ =	swait.ge [sflag:s19], $0x50  }
.Ltmp1:
0x4e: {  	[sflag:s19] =	ssyncset.done $0x0;
	(pc) =	sbr.rel @p0 .LBB2_4-.Ltmp1, $4  }
0x4f: {  	[sflag:s19] =	ssyncadd.s32 $0xFFFFFFB0  }
0x50: {  	[spmem:s2] =	stream.indirect.scatter.add.f32 [tilespmem:s18], [sflag:$0x3], $0x1, s16, s16, $0xb8;
	[tilespmem:$0xB38] =	vst v63  }
0x51: {  	_ =	swait.ge [sflag:s15], $0x50  }
0x52: {  	s23 =	sadd.s32 $0xA0, s23;
	s25 =	smov.u32 s28;
	[sflag:s15] =	ssyncset.done $0x0  }
0x53: {  	s24 =	sadd.s32 s24, s13;
	[sflag:s15] =	ssyncadd.s32 $0xFFFFFFB0  }
0x54: {  	[tilespmem:s16], [sflag:$0x2] =	stream.linear.gather [hbm4b:s24+s3], $0x50, $0x38;
	[tilespmem:$0xB38] =	vst v63  }
0x55: {  	_ =	swait.ge [sflag:s17], $0x50  }
0x56: {  	[sflag:s17] =	ssyncset.done $0x0  }
0x57: {  	[sflag:s17] =	ssyncadd.s32 $0xFFFFFFB0  }
0x58: {  	[spmem:s2] =	stream.indirect.scatter.add.f32 [tilespmem:s18], [sflag:$0x3], $0x1, s3, s16, $0xb8;
	[tilespmem:$0xB38] =	vst v63  }
0x59: {  	_ =	swait.ge [sflag:s15], $0x50  }
0x5a: {  	s23 =	sshrl.u32 s23, $0x3;
	[sflag:s15] =	ssyncset.done $0x0  }
0x5b: {  	s23 =	sadd.s32 s4, s23;
	[sflag:s15] =	ssyncadd.s32 $0xFFFFFFB0  }
0x5c: {  	[tilespmem:s3], [sflag:$0x1] =	stream.linear.gather [hbm4b:s23+s3], $0x50, $0x38;
	[tilespmem:$0xB38] =	vst v63  }
0x5d: {  	_ =	swait.ge [sflag:s19], $0x50  }
0x5e: {  	[sflag:s19] =	ssyncset.done $0x0  }
0x5f: {  	[sflag:s19] =	ssyncadd.s32 $0xFFFFFFB0  }
0x60: {  	[spmem:s2] =	stream.indirect.scatter.add.f32 [tilespmem:s18], [sflag:$0x3], $0x1, s16, s16, $0xb8;
	[tilespmem:$0xB38] =	vst v63  }
0x61: {  	_ =	swait.ge [sflag:s15], $0x50  }
0x62: {  	[sflag:s15] =	ssyncset.done $0x0  }
0x63: {  	[sflag:s15] =	ssyncadd.s32 $0xFFFFFFB0  }
0x64: {  	_ =	swait.ge [sflag:s17], $0x50  }
0x65: {  	[sflag:s17] =	ssyncset.done $0x0  }
0x66: {  	[sflag:s17] =	ssyncadd.s32 $0xFFFFFFB0  }
0x67: {  	[spmem:s2] =	stream.indirect.scatter.add.f32 [tilespmem:s18], [sflag:$0x3], $0x1, s3, s16, $0xb8;
	[tilespmem:$0xB38] =	vst v63  }
0x68: {  	_ =	swait.ge [sflag:s15], $0x50  }
0x69: {  	s22 =	sadd.s32 $0x1, s22;
	[sflag:s15] =	ssyncset.done $0x0  }
0x6a: {  	p0 =	sne.s32 s22, s7;
	[sflag:s15] =	ssyncadd.s32 $0xFFFFFFB0  }
.Ltmp2:
0x6b: {  	[bflag:$0x0] =	sbarrier.arrive $0xFFFF;
	(pc) =	sbr.rel @p0 .LBB2_1-.Ltmp2, $4  }
0x6c: {  	[hbm:s6], [sflag:s20] =	dma.local [spmem:s21], $0x4E2  }
0x6d: {  	_ =	swait.ge [sflag:s15], $0x4E2  }
0x6e: {  	[sflag:s15] =	ssyncset.done $0x0  }
0x6f: {  	[sflag:s15] =	ssyncadd.s32 $0xFFFFFB1E  }
0x70: {  	_ =	sfence.sel $0x180000  }
0x71: {  	[bflag:$0x0] =	sbarrier.arrive $0xFFFF  }
0x72: {  	p0 =	sne.s32 s0, $0x0;
	_ =	strace $0x90000047  }
0x73: {  	s0 =	sadd.s32 @!p0 $0x100000, s1;
	[bflag:$0x2] =	sbarrier.arrive $0xFFFF  }
0x74: {  	[sflag:s0] =	ssyncadd.tile.s32 @!p0 $0x1;
	_ =	shalt  }
.Lfunc_end2:
_tile_overlayer_lowered:
.L_overlay_start_2:
0x75: {  	(tag) =	ssettag $0x2  }
0x76: {  	s0 =	rddreg [dreg:$0x0];
	s2 =	stileid.u32  }
0x77: {  	s1 =	rddreg [dreg:$0x1];
	p0 =	sne.s32 s2, $0x0  }
0x78: {  	s3 =	rddreg [dreg:$0x2];
	[bflag:$0x3] =	sbarrier.arrive $0xFFFF;
	s2 =	simm.s32 @!p0 $0x1C03  }
0x79: {  	[timem:s3], [sflag:s2] =	dma.local @!p0 [hbm:s0], s1  }
0x7a: {  	s0 =	simm.s32 @!p0 $0x3  }
0x7b: {  	_ =	swait.ge @!p0 [sflag:s0], s1  }
0x7c: {  	s1 =	ssub.s32 @!p0 $0x0, s1;
	[sflag:s0] =	ssyncset.done @!p0 $0x0  }
0x7d: {  	[sflag:s0] =	ssyncadd.s32 @!p0 s1  }
0x7e: {  	[bflag:$0x3] =	sbarrier.arrive $0xFFFF  }
0x7f: {  	_ =	shalt  }

// kernel: kernel.13.cloned.1.call-start
scs
__scs_entry_jumppad:
0x0: {  	(pc) =	sbr.rel $0x88, $3  }
0x1: {  	(tag) =	ssettag $0x0;
	lr =	simm.s32 $0x1  }
0x2: {  	[smem:$0x3F9C] =	sst lr;
	_ =	strace $0xD0000000  }
0x3: {  	_ = 	snop  }
0x4: {  	_ = 	snop  }
0x5: {  	_ = 	snop  }
0x6: {  	_ = 	snop  }
0x7: {  	_ = 	snop  }
__scs_overlays_trampoline_lowered:
0x8: {  	[smem:$0x3FAB] =	sst s0  }
0x9: {  	[smem:$0x3FAC] =	sst s1  }
0xa: {  	[smem:$0x3FAD] =	sst s2  }
0xb: {  	[smem:$0x3FAE] =	sst s3  }
0xc: {  	[smem:$0x3FAF] =	sst s4  }
0xd: {  	[smem:$0x3FB0] =	sst s5  }
0xe: {  	[smem:$0x3FB1] =	sst s6  }
0xf: {  	[smem:$0x3FB2] =	sst s7  }
0x10: {  	[smem:$0x3FB3] =	sst s8  }
0x11: {  	[smem:$0x3FB4] =	sst s9;
	s0 =	simm.s32 @!p0 $0x0  }
0x12: {  	s1 =	sld [smem:$0x3F9A];
	s0 =	simm.s32 @p0 $0x1  }
0x13: {  	[smem:$0x3FB5] =	sst s0;
	s0 =	simm.s32 @!p1 $0x0  }
0x14: {  	s2 =	sld [smem:$0x3F99];
	s0 =	simm.s32 @p1 $0x1  }
0x15: {  	[smem:$0x3FB6] =	sst s0;
	s0 =	simm.s32 @!p2 $0x0  }
0x16: {  	s3 =	sld [smem:$0x3FDB];
	s0 =	simm.s32 @p2 $0x1  }
0x17: {  	s4 =	simm.s32 $0x1BF5;
	[smem:$0x3FB8] =	sst s0  }
0x18: {  	s0 =	sld [smem:$0x3F9B];
	_ =	swait.ge [sflag:s4], $0x0  }
0x19: {  	s7 =	sld [smem:$0x3F9C]  }
0x1a: {  	s8 =	sadd.s32 $0xFFFFE003, lr  }
0x1b: {  	s9 =	sadd.s32 $0xFFFFFEF7, lr;
	s5 =	simm.s32 $0xFFFFFFFF;
	p2 =	slt.u32 s8, $0xFFFFF086  }
0x1c: {  	p1 =	slt.u32 s9, $0xF7A;
	s5 =	simm.s32 @!p2 $0x0  }
0x1d: {  	s5 =	simm.s32 @p1 $0x1;
	p0 =	seq.s32 s7, s2  }
0x1e: {  	s7 =	smul.u32 @!p0 $0xF7A, s2;
	p2 =	seq.s32 @!p0 s5, $0x0  }
0x1f: {  	s9 =	smul.u32 $0xF7A, s1;
	s8 =	simm.s32 @!p0 $0x1BF5;
	p2 =	por !p2, p0  }
0x20: {  	[sflag:s8] =	ssyncset.s32 @!p0 $0xFFFFF086;
	s6 =	sadd.s32 @!p0 s3, s7;
	s7 =	simm.s32 @!p0 $0x108  }
0x21: {  	s3 =	sadd.s32 s3, s9;
	s6 =	sadd.s32 @!p0 $0x88, s6;
	s7 =	simm.s32 @p2 $0x1082  }
0x22: {  	[simem:s7], [sflag:s8] =	dma.local @!p0 [hbm:s6], $0xF7A  }
0x23: {  	s9 =	sor.u32 $0xD0000000, s2;
	s6 =	simm.s32 $0x108;
	_ =	swait.ge @!p0 [sflag:s8], $0x0  }
0x24: {  	s3 =	sadd.s32 $0x88, s3;
	s6 =	simm.s32 @!p1 $0x1082;
	[sflag:s4] =	ssyncset.s32 $0xFFFFF086  }
0x25: {  	[simem:s6], [sflag:s4] =	dma.local [hbm:s3], $0xF7A  }
0x26: {  	[smem:$0x3F9C] =	sst s1;
	(tag) =	ssettag s2;
	_ =	strace s9  }
0x27: {  	s1 =	sld [smem:$0x3FAC]  }
0x28: {  	s2 =	sld [smem:$0x3FAD]  }
0x29: {  	s4 =	sld [smem:$0x3FAF]  }
0x2a: {  	p0 =	seq.s32 s5, $0x0;
	s5 =	sld [smem:$0x3FB0]  }
0x2b: {  	s6 =	sld [smem:$0x3FB1]  }
0x2c: {  	s7 =	sld [smem:$0x3FB2]  }
0x2d: {  	s3 =	simm.s32 $0x108;
	s8 =	sld [smem:$0x3FB3]  }
0x2e: {  	s3 =	simm.s32 @!p0 $0x1082;
	s9 =	sld [smem:$0x3FB4]  }
0x2f: {  	lr =	sadd.s32 s0, s3;
	s0 =	sld [smem:$0x3FAB]  }
0x30: {  	s3 =	sld [smem:$0x3FAE]  }
0x31: {  	[smem:$0x3FB7] =	sst s10  }
0x32: {  	s10 =	sld [smem:$0x3FB5];
	_ =	sdelay $0x3  }
0x33: {  	p0 =	seq.s32 s10, $0x1;
	s10 =	sld [smem:$0x3FB7];
	_ =	sdelay $0x3  }
0x34: {  	[smem:$0x3FB7] =	sst s10  }
0x35: {  	s10 =	sld [smem:$0x3FB6];
	_ =	sdelay $0x3  }
0x36: {  	p1 =	seq.s32 s10, $0x1;
	s10 =	sld [smem:$0x3FB7];
	_ =	sdelay $0x3  }
0x37: {  	[smem:$0x3FB7] =	sst s10  }
0x38: {  	s10 =	sld [smem:$0x3FB8]  }
0x39: {  	_ = 	snop;
	(pc) =	sbr.ind lr, $3  }
0x3a: {  	_ = 	snop  }
0x3b: {  	_ = 	snop  }
0x3c: {  	p2 =	seq.s32 s10, $0x1;
	s10 =	sld [smem:$0x3FB7]  }
0x3d: {  	_ =	shalt  }
0x3e: {  	_ =	shalt  }
0x3f: {  	_ =	shalt  }
0x40: {  	_ =	shalt  }
0x41: {  	_ =	shalt  }
0x42: {  	_ =	shalt  }
0x43: {  	_ =	shalt  }
0x44: {  	_ =	shalt  }
0x45: {  	_ =	shalt  }
0x46: {  	_ =	shalt  }
0x47: {  	_ =	shalt  }
0x48: {  	_ =	shalt  }
0x49: {  	_ =	shalt  }
0x4a: {  	_ =	shalt  }
0x4b: {  	_ =	shalt  }
0x4c: {  	_ =	shalt  }
0x4d: {  	_ =	shalt  }
0x4e: {  	_ =	shalt  }
0x4f: {  	_ =	shalt  }
0x50: {  	_ =	shalt  }
0x51: {  	_ =	shalt  }
0x52: {  	_ =	shalt  }
0x53: {  	_ =	shalt  }
0x54: {  	_ =	shalt  }
0x55: {  	_ =	shalt  }
0x56: {  	_ =	shalt  }
0x57: {  	_ =	shalt  }
0x58: {  	_ =	shalt  }
0x59: {  	_ =	shalt  }
0x5a: {  	_ =	shalt  }
0x5b: {  	_ =	shalt  }
0x5c: {  	_ =	shalt  }
0x5d: {  	_ =	shalt  }
0x5e: {  	_ =	shalt  }
0x5f: {  	_ =	shalt  }
0x60: {  	_ =	shalt  }
0x61: {  	_ =	shalt  }
0x62: {  	_ =	shalt  }
0x63: {  	_ =	shalt  }
0x64: {  	_ =	shalt  }
0x65: {  	_ =	shalt  }
0x66: {  	_ =	shalt  }
0x67: {  	_ =	shalt  }
0x68: {  	_ =	shalt  }
0x69: {  	_ =	shalt  }
0x6a: {  	_ =	shalt  }
0x6b: {  	_ =	shalt  }
0x6c: {  	_ =	shalt  }
0x6d: {  	_ =	shalt  }
0x6e: {  	_ =	shalt  }
0x6f: {  	_ =	shalt  }
0x70: {  	_ =	shalt  }
0x71: {  	_ =	shalt  }
0x72: {  	_ =	shalt  }
0x73: {  	_ =	shalt  }
0x74: {  	_ =	shalt  }
0x75: {  	_ =	shalt  }
0x76: {  	_ =	shalt  }
0x77: {  	_ =	shalt  }
0x78: {  	_ =	shalt  }
0x79: {  	_ =	shalt  }
0x7a: {  	_ =	shalt  }
0x7b: {  	_ =	shalt  }
0x7c: {  	_ =	shalt  }
0x7d: {  	_ =	shalt  }
0x7e: {  	_ =	shalt  }
0x7f: {  	_ =	shalt  }
0x80: {  	_ =	shalt  }
0x81: {  	_ =	shalt  }
0x82: {  	_ =	shalt  }
0x83: {  	_ =	shalt  }
0x84: {  	_ =	shalt  }
0x85: {  	_ =	shalt  }
0x86: {  	_ =	shalt  }
0x87: {  	_ =	shalt  }
.Lfunc_end0:
.L_simem_size_0:
called_computation.1_lowered:
.L_overlay_start_0:
0x88: {  	s2 =	sld [smem:$0x3FD9]  }
0x89: {  	s3 =	sld [smem:$0x3FFE];
	_ =	sdelay $0x1  }
0x8a: {  	s1 =	srdreg.scid  }
0x8b: {  	s0 =	sand.u32 $0x1, s1  }
0x8c: {  	s16 =	sshll.u32 s0, $0xA;
	s2 =	sadd.s32 s3, s2  }
0x8d: {  	s2 =	sadd.s32 s2, s16  }
0x8e: {  	[smem:$0x3FC3] =	sst s2  }
0x8f: {  	_ = 	snop  }
0x90: {  	(tm) =	ssettm $0x1  }
0x91: {  	s17 =	sld [smem:$0x3FFB];
	_ =	sdelay $0x3  }
0x92: {  	_ =	strace s17  }
0x93: {  	s2 =	sld [smem:$0x3FFC];
	_ =	sdelay $0x3  }
0x94: {  	_ =	strace s2  }
0x95: {  	s2 =	sld [smem:$0x3FFD];
	_ =	sdelay $0x3  }
0x96: {  	_ =	strace s2  }
0x97: {  	_ =	strace $0x8FFFFFFF  }
0x98: {  	s18 =	sld [smem:$0x3FDB];
	_ =	sdelay $0x1  }
0x99: {  	s19 =	simm.s32 $_scs_section_size  }
0x9a: {  	s4 =	simm.s32 $_size__tile_overlayer_lowered;
	s5 =	simm.s32 $_tile_overlayer_lowered  }
0x9b: {  	s22 =	simm.s32 $0x1BFF;
	s21 =	sshll.u32 s5, $0x1;
	s2 =	sadd.s32 s19, s18  }
0x9c: {  	s6 =	simm.s32 $0x0;
	s20 =	sshll.u32 s4, $0x1;
	s4 =	sadd.s32 s21, s2  }
0x9d: {  	[timem:s6], [sflag:s22] =	dma.local [hbm:s4], s20  }
0x9e: {  	_ =	swait.ge [sflag:s22], s20  }
0x9f: {  	s3 =	ssub.s32 $0x0, s20;
	[sflag:s22] =	ssyncset.done $0x0  }
0xa0: {  	[sflag:s22] =	ssyncadd.s32 s3;
	_ =	sdelay $0x1  }
0xa1: {  	s23 =	simm.s32 $0x1B8B  }
0xa2: {  	_ =	swait.ge [sflag:s23], $0x1  }
0xa3: {  	[sflag:s23] =	ssyncset.done $0x0  }
0xa4: {  	s25 =	simm.s32 $0x1B8E;
	s24 =	sld [smem:$0x3FFE];
	[sflag:s23] =	ssyncadd.s32 $0xFFFFFFFF  }
0xa5: {  	s26 =	simm.s32 $execute0_lowered;
	[smem:$0x3FD2] =	sst s25  }
0xa6: {  	s4 =	sshll.u32 s26, $0x1;
	_ =	strace $0x80000049;
	[dreg:$0x1] =	wrdreg $0xFFFFFFFF  }
0xa7: {  	s28 =	simm.s32 $_size_execute0_lowered;
	s2 =	sadd.s32 s2, s4;
	[dreg:$0x0] =	wrdreg $0x0  }
0xa8: {  	s4 =	sshll.u32 s28, $0x1;
	[dreg:$0x2] =	wrdreg s2  }
0xa9: {  	[dreg:$0x3] =	wrdreg s4  }
0xaa: {  	[dreg:$0x4] =	wrdreg $0xC0  }
0xab: {  	_ =	task [dreg:s6], $0x5FFFF  }
0xac: {  	[dreg:$0x1] =	wrdreg $0xFFFFFFFF  }
0xad: {  	[dreg:$0x0] =	wrdreg $0x60  }
0xae: {  	[dreg:$0x2] =	wrdreg s24  }
0xaf: {  	[dreg:$0x3] =	wrdreg $0x58C00  }
0xb0: {  	[dreg:$0x4] =	wrdreg $0x9  }
0xb1: {  	_ =	task.clear_ibuf [dreg:s6], $0x5FFFF;
	_ =	strace $0x90000049  }
0xb2: {  	s29 =	simm.s32 $0x9;
	_ =	strace $0x8000004B  }
0xb3: {  	_ =	swait.ge [sflag:s29], $0x1  }
0xb4: {  	[sflag:s29] =	ssyncadd.s32 $0xFFFFFFFF  }
0xb5: {  	_ =	strace $0x9000004B  }
0xb6: {  	_ =	sfence  }
0xb7: {  	s30 =	sld [smem:$0x0];
	_ =	sdelay $0x2  }
0xb8: {  	s31 =	sshll.u32 s1, $0xD;
	s1 =	sshrl.u32 s1, $0x2  }
0xb9: {  	s3 =	sand.u32 $0x4000, s31;
	s1 =	sadd.s32 s1, s30  }
0xba: {  	s0 =	sor.u32 s3, s0;
	s1 =	sshll.u32 s1, $0x11  }
0xbb: {  	s0 =	sor.u32 s1, s0  }
0xbc: {  	s0 =	sadd.s32 $0x8F2B, s0  }
0xbd: {  	[sflag:s0] =	ssyncadd.remote.s32 $0x1  }
0xbe: {  	_ =	sfence.sel $0xFFFF  }
0xbf: {  	[dreg:$0x0] =	wrdreg $0xFFFFFFFF;
	(pc) =	sbr.abs _section_cstart, $3  }
0xc0: {  	[dreg:$0x1] =	wrdreg $0xFFFFFFFF  }
0xc1: {  	_ =	task.clear_ibuf [dreg:s6], $0x2FFFF;
	_ =	strace $0x9FFFFFFF  }
0xc2: {  	(tm) =	ssettm $0x7FFFFFFF  }
0xc3: {  	_ =	shalt  }
tec
execute0_lowered:
.L_overlay_start_1:
0x0: {  	(tag) =	ssettag $0x1  }
0x1: {  	s0 =	rddreg [dreg:$0x0];
	s2 =	srdreg.scid  }
0x2: {  	s1 =	rddreg [dreg:$0x1];
	s3 =	simm.s32 $0x0;
	s11 =	stileid.u32  }
0x3: {  	s28 =	simm.s32 $0x190;
	s29 =	simm.s32 $0x1;
	s6 =	smul.u32 $0x9C40, s11  }
0x4: {  	s30 =	simm.s32 $0x280;
	s31 =	simm.s32 $0x2;
	s8 =	smul.u32 $0x4E20, s11  }
0x5: {  	s2 =	sand.u32 $0x1, s2;
	[smem:$0x7FF] =	sst s3;
	s15 =	smul.u32 $0x27100, s11  }
0x6: {  	s7 =	sadd.s32 $0x1E00, s0;
	s9 =	sadd.s32 $0xBC00, s0;
	s17 =	smul.u32 $0x9C4, s11  }
0x7: {  	s11 =	simm.s32 $0x6;
	s4 =	smul.u32 $0x9C400, s2;
	s2 =	ssub.s32 $0x2, s2  }
0x8: {  	_ =	strace $0x8000004A;
	s10 =	sshrl.u32 s2, $0x1;
	s8 =	sshrl.u32 s8, $0x3  }
0x9: {  	s18 =	sadd.s32 s6, s1;
	s5 =	sshrl.u32 s4, $0x3;
	s4 =	sadd.s32 s6, s4  }
0xa: {  	s2 =	ssub.s32 s2, s10;
	s19 =	sadd.s32 s7, s8;
	s20 =	sadd.s32 s9, s8  }
0xb: {  	s21 =	sadd.s32 $0xA, s8;
	s22 =	sadd.s32 $0x14, s8;
	s25 =	sadd.s32 $0x9A6, s8  }
0xc: {  	s14 =	sadd.s32 $0x9BA, s8;
	s6 =	simm.s32 $0x2A80;
	[dreg:$0x5] =	wrdreg s19  }
0xd: {  	s5 =	sadd.s32 s5, s0;
	s4 =	sshrl.u32 s4, $0x3;
	[dreg:$0x6] =	wrdreg s20  }
0xe: {  	s12 =	sadd.s32 s7, s21;
	s23 =	sadd.s32 s7, s22;
	s24 =	sadd.s32 s9, s22  }
0xf: {  	s26 =	sadd.s32 s7, s25;
	s16 =	sadd.s32 s7, s14;
	[dreg:$0x7] =	wrdreg s12  }
0x10: {  	s2 =	smax.u32 s2, $0x1;
	s20 =	simm.s32 $0x5280;
	[dreg:$0x9] =	wrdreg s23  }
0x11: {  	s22 =	simm.s32 $0x50;
	s0 =	sadd.s32 s4, s0;
	[dreg:$0xa] =	wrdreg s24  }
0x12: {  	s4 =	sadd.s32 s9, s21;
	s10 =	sadd.s32 $0x15A00, s5;
	[dreg:$0xb] =	wrdreg s26  }
0x13: {  	s12 =	sadd.s32 $0x9B0, s8;
	[dreg:$0xf] =	wrdreg s16;
	s5 =	sadd.s32 s9, s14  }
0x14: {  	[dreg:$0x12] =	wrdreg s2;
	s24 =	sshrl.u32 s15, $0x2;
	s26 =	sadd.s32 s17, s7  }
0x15: {  	s21 =	simm.s32 $0x9;
	s23 =	simm.s32 $0xA0;
	s2 =	simm.s32 $0x1E0  }
0x16: {  	s8 =	simm.s32 $0x4;
	s14 =	simm.s32 $0x0;
	[dreg:$0x8] =	wrdreg s4  }
0x17: {  	s4 =	sadd.s32 s9, s25;
	s13 =	sadd.s32 s7, s12;
	[dreg:$0x10] =	wrdreg s5  }
0x18: {  	s0 =	sadd.s32 $0x3CC00, s0;
	s25 =	sadd.s32 s17, s9;
	[dreg:$0x4] =	wrdreg s26  }
0x19: {  	s19 =	sadd.s32 s24, s1;
	s24 =	simm.s32 $0xF0;
	[dreg:$0xc] =	wrdreg s4  }
0x1a: {  	s26 =	simm.s32 $0x140;
	s5 =	simm.s32 $0x3;
	[dreg:$0xd] =	wrdreg s13  }
0x1b: {  	s7 =	simm.s32 $0x5;
	s4 =	sadd.s32 s9, s12;
	[dreg:$0x11] =	wrdreg s0  }
0x1c: {  	[dreg:$0x3] =	wrdreg s25;
	s0 =	sshrl.u32 s18, $0x3;
	s9 =	simm.s32 $0x3E80  }
0x1d: {  	s12 =	simm.s32 $0x7;
	s13 =	simm.s32 $0x8;
	[dreg:$0xe] =	wrdreg s4  }
0x1e: {  	v0 =	vimm.f32 $0.0e+00;
	[dreg:$0x13] =	wrdreg s0;
	s0 =	simm.s32 $0x1680;
	s4 =	simm.s32 $0x230  }
.LBB2_1:
0x1f: {  	s15 =	simm.s32 $0x0  }
.LBB2_2:
0x20: {  	p0 =	sne.s32 s15, $0x1800  }
.Ltmp0:
0x21: {  	s16 =	sshra.s32 s15, $0x2;
	(pc) =	sbr.rel @p0 .LBB2_2-.Ltmp0, $4  }
0x22: {  	[tilespmem:s16+$0x5280] =	vst v0  }
0x23: {  	[tilespmem:s16+$0x5290] =	vst v0  }
0x24: {  	[tilespmem:s16+$0x52A0] =	vst v0  }
0x25: {  	s15 =	sadd.s32 $0x100, s15;
	[tilespmem:s16+$0x52B0] =	vst v0  }
0x26: {  	s15 =	sadd.s32 $0x0, s19  }
0x27: {  	[spmem:s15] =	stream.linear.scatter [tilespmem:s20], [sflag:$0x9], $0x640, $0x38;
	[tilespmem:$0xF500] =	vst v63  }
0x28: {  	s15 =	simm.s32 $0x1900;
	_ =	swait.ge [sflag:s21], $0x640  }
.LBB2_4:
0x29: {  	s16 =	sshra.s32 s15, $0x2;
	[sflag:s21] =	ssyncset.done $0x0;
	p0 =	sne.s32 s15, $0x25800  }
.Ltmp1:
0x2a: {  	s16 =	sadd.s32 s16, s19;
	[sflag:s21] =	ssyncadd.s32 $0xFFFFF9C0;
	(pc) =	sbr.rel @p0 .LBB2_4-.Ltmp1, $3  }
0x2b: {  	[spmem:s16] =	stream.linear.scatter [tilespmem:s20], [sflag:$0x9], $0x640, $0x38;
	[tilespmem:$0xF500] =	vst v63  }
0x2c: {  	s15 =	sadd.s32 $0x1900, s15;
	_ =	sdelay $0x1  }
0x2d: {  	_ =	swait.ge [sflag:s21], $0x640  }
0x2e: {  	[sflag:s21] =	ssyncset.done $0x0  }
0x2f: {  	[sflag:s21] =	ssyncadd.s32 $0xFFFFF9C0  }
0x30: {  	[bflag:$0x0] =	sbarrier.arrive $0xFFFF  }
0x31: {  	s15 =	simm.s32 $0x0;
	s16 =	rddreg [dreg:$0x5]  }
0x32: {  	[tilespmem:s15], [sflag:$0x1] =	stream.linear.gather [hbm4b:s16+s15], $0x50, $0x38;
	[tilespmem:$0xF500] =	vst v63  }
0x33: {  	s25 =	rddreg [dreg:$0x6]  }
0x34: {  	[tilespmem:s22], [sflag:$0x1] =	stream.linear.gather [hbm4b:s25+s15], $0x50, $0x38;
	[tilespmem:$0xF500] =	vst v63  }
0x35: {  	s17 =	rddreg [dreg:$0x7]  }
0x36: {  	[tilespmem:s23], [sflag:$0x2] =	stream.linear.gather [hbm4b:s17+s15], $0x50, $0x38;
	[tilespmem:$0xF500] =	vst v63  }
0x37: {  	s18 =	rddreg [dreg:$0x8]  }
0x38: {  	[tilespmem:s24], [sflag:$0x2] =	stream.linear.gather [hbm4b:s18+s15], $0x50, $0x38;
	[tilespmem:$0xF500] =	vst v63  }
0x39: {  	s25 =	rddreg [dreg:$0x9]  }
0x3a: {  	[tilespmem:s26], [sflag:$0x3] =	stream.linear.gather [hbm4b:s25+s15], $0x50, $0x38;
	[tilespmem:$0xF500] =	vst v63  }
0x3b: {  	s17 =	rddreg [dreg:$0xa]  }
0x3c: {  	[tilespmem:s28], [sflag:$0x3] =	stream.linear.gather [hbm4b:s17+s15], $0x50, $0x38;
	[tilespmem:$0xF500] =	vst v63  }
0x3d: {  	_ =	swait.ge [sflag:s29], $0x50  }
0x3e: {  	[sflag:s29] =	ssyncset.done $0x0  }
0x3f: {  	[sflag:s29] =	ssyncadd.s32 $0xFFFFFFB0  }
0x40: {  	_ =	swait.ge [sflag:s29], $0x50  }
0x41: {  	[sflag:s29] =	ssyncset.done $0x0  }
0x42: {  	[sflag:s29] =	ssyncadd.s32 $0xFFFFFFB0  }
0x43: {  	[tilespmem:s30], [sflag:$0x5] =	stream.indirect.gather [hbm4b:s10+s22], $0x40, s15, s22, $0xb8;
	[tilespmem:$0xF500] =	vst v63  }
0x44: {  	_ =	swait.ge [sflag:s31], $0x50  }
0x45: {  	[sflag:s31] =	ssyncset.done $0x0  }
0x46: {  	[sflag:s31] =	ssyncadd.s32 $0xFFFFFFB0  }
0x47: {  	_ =	swait.ge [sflag:s31], $0x50  }
0x48: {  	[sflag:s31] =	ssyncset.done $0x0;
	s18 =	rddreg [dreg:$0x4]  }
0x49: {  	s25 =	rddreg [dreg:$0x3];
	[sflag:s31] =	ssyncadd.s32 $0xFFFFFFB0;
	s15 =	sadd.s32 $0x0, s18  }
0x4a: {  	[tilespmem:s0], [sflag:$0x6] =	stream.indirect.gather [hbm4b:s10+s22], $0x40, s23, s22, $0xb8;
	[tilespmem:$0xF500] =	vst v63  }
0x4b: {  	s16 =	sadd.s32 $0x0, s25;
	s17 =	sadd.s32 $0x1E, s15  }
0x4c: {  	[tilespmem:s2], [sflag:$0x4] =	stream.linear.gather [hbm4b:s17+s3], $0x50, $0x38;
	[tilespmem:$0xF500] =	vst v63  }
0x4d: {  	s18 =	sadd.s32 $0x1E, s16  }
0x4e: {  	[tilespmem:s4], [sflag:$0x4] =	stream.linear.gather [hbm4b:s18+s3], $0x50, $0x38;
	[tilespmem:$0xF500] =	vst v63  }
0x4f: {  	_ =	swait.ge [sflag:s5], $0x50  }
0x50: {  	[sflag:s5] =	ssyncset.done $0x0  }
0x51: {  	[sflag:s5] =	ssyncadd.s32 $0xFFFFFFB0  }
0x52: {  	_ =	swait.ge [sflag:s5], $0x50  }
0x53: {  	[sflag:s5] =	ssyncset.done $0x0  }
0x54: {  	[sflag:s5] =	ssyncadd.s32 $0xFFFFFFB0  }
0x55: {  	[tilespmem:s6], [sflag:$0x7] =	stream.indirect.gather [hbm4b:s10+s22], $0x40, s26, s22, $0xb8;
	[tilespmem:$0xF500] =	vst v63  }
0x56: {  	_ =	swait.ge [sflag:s7], $0x1400  }
0x57: {  	[sflag:s7] =	ssyncset.done $0x0  }
0x58: {  	[sflag:s7] =	ssyncadd.s32 $0xFFFFEC00  }
0x59: {  	[spmem:s1] =	stream.indirect.scatter.add.f32 [tilespmem:s30], [sflag:$0x9], $0x40, s22, s22, $0xb8;
	[tilespmem:$0xF500] =	vst v63  }
0x5a: {  	_ =	swait.ge [sflag:s21], $0x1400  }
0x5b: {  	[sflag:s21] =	ssyncset.done $0x0  }
0x5c: {  	s25 =	sadd.s32 $0x28, s15;
	[sflag:s21] =	ssyncadd.s32 $0xFFFFEC00  }
0x5d: {  	[tilespmem:s3], [sflag:$0x1] =	stream.linear.gather [hbm4b:s25+s3], $0x50, $0x38;
	[tilespmem:$0xF500] =	vst v63  }
0x5e: {  	s18 =	sadd.s32 $0x28, s16  }
0x5f: {  	[tilespmem:s22], [sflag:$0x1] =	stream.linear.gather [hbm4b:s18+s3], $0x50, $0x38;
	[tilespmem:$0xF500] =	vst v63  }
0x60: {  	_ =	swait.ge [sflag:s8], $0x50  }
0x61: {  	[sflag:s8] =	ssyncset.done $0x0  }
0x62: {  	[sflag:s8] =	ssyncadd.s32 $0xFFFFFFB0  }
0x63: {  	_ =	swait.ge [sflag:s8], $0x50  }
0x64: {  	[sflag:s8] =	ssyncset.done $0x0  }
0x65: {  	[sflag:s8] =	ssyncadd.s32 $0xFFFFFFB0  }
0x66: {  	[tilespmem:s9], [sflag:$0x8] =	stream.indirect.gather [hbm4b:s10+s22], $0x40, s2, s22, $0xb8;
	[tilespmem:$0xF500] =	vst v63  }
0x67: {  	_ =	swait.ge [sflag:s11], $0x1400  }
0x68: {  	[sflag:s11] =	ssyncset.done $0x0  }
0x69: {  	[sflag:s11] =	ssyncadd.s32 $0xFFFFEC00  }
0x6a: {  	[spmem:s1] =	stream.indirect.scatter.add.f32 [tilespmem:s0], [sflag:$0x9], $0x40, s24, s22, $0xb8;
	[tilespmem:$0xF500] =	vst v63  }
0x6b: {  	_ =	swait.ge [sflag:s21], $0x1400  }
0x6c: {  	[sflag:s21] =	ssyncset.done $0x0  }
0x6d: {  	s25 =	sadd.s32 $0x32, s15;
	[sflag:s21] =	ssyncadd.s32 $0xFFFFEC00  }
0x6e: {  	[tilespmem:s23], [sflag:$0x2] =	stream.linear.gather [hbm4b:s25+s3], $0x50, $0x38;
	[tilespmem:$0xF500] =	vst v63  }
0x6f: {  	s18 =	sadd.s32 $0x32, s16  }
0x70: {  	[tilespmem:s24], [sflag:$0x2] =	stream.linear.gather [hbm4b:s18+s3], $0x50, $0x38;
	[tilespmem:$0xF500] =	vst v63  }
0x71: {  	_ =	swait.ge [sflag:s29], $0x50  }
0x72: {  	[sflag:s29] =	ssyncset.done $0x0  }
0x73: {  	[sflag:s29] =	ssyncadd.s32 $0xFFFFFFB0  }
0x74: {  	_ =	swait.ge [sflag:s29], $0x50  }
0x75: {  	[sflag:s29] =	ssyncset.done $0x0  }
0x76: {  	[sflag:s29] =	ssyncadd.s32 $0xFFFFFFB0  }
0x77: {  	[tilespmem:s30], [sflag:$0x5] =	stream.indirect.gather [hbm4b:s10+s22], $0x40, s3, s22, $0xb8;
	[tilespmem:$0xF500] =	vst v63  }
0x78: {  	_ =	swait.ge [sflag:s12], $0x1400  }
0x79: {  	[sflag:s12] =	ssyncset.done $0x0  }
0x7a: {  	[sflag:s12] =	ssyncadd.s32 $0xFFFFEC00  }
0x7b: {  	[spmem:s1] =	stream.indirect.scatter.add.f32 [tilespmem:s6], [sflag:$0x9], $0x40, s28, s22, $0xb8;
	[tilespmem:$0xF500] =	vst v63  }
0x7c: {  	_ =	swait.ge [sflag:s21], $0x1400  }
0x7d: {  	[sflag:s21] =	ssyncset.done $0x0  }
0x7e: {  	s15 =	sadd.s32 $0x3C, s15;
	[sflag:s21] =	ssyncadd.s32 $0xFFFFEC00  }
0x7f: {  	[tilespmem:s26], [sflag:$0x3] =	stream.linear.gather [hbm4b:s15+s3], $0x50, $0x38;
	[tilespmem:$0xF500] =	vst v63  }
0x80: {  	s25 =	sadd.s32 $0x3C, s16  }
0x81: {  	[tilespmem:s28], [sflag:$0x3] =	stream.linear.gather [hbm4b:s25+s3], $0x50, $0x38;
	[tilespmem:$0xF500] =	vst v63  }
0x82: {  	_ =	swait.ge [sflag:s31], $0x50  }
0x83: {  	[sflag:s31] =	ssyncset.done $0x0  }
0x84: {  	[sflag:s31] =	ssyncadd.s32 $0xFFFFFFB0  }
0x85: {  	_ =	swait.ge [sflag:s31], $0x50  }
0x86: {  	[sflag:s31] =	ssyncset.done $0x0  }
0x87: {  	[sflag:s31] =	ssyncadd.s32 $0xFFFFFFB0  }
0x88: {  	[tilespmem:s0], [sflag:$0x6] =	stream.indirect.gather [hbm4b:s10+s22], $0x40, s23, s22, $0xb8;
	[tilespmem:$0xF500] =	vst v63  }
0x89: {  	_ =	swait.ge [sflag:s13], $0x1400  }
0x8a: {  	[sflag:s13] =	ssyncset.done $0x0  }
0x8b: {  	[sflag:s13] =	ssyncadd.s32 $0xFFFFEC00  }
0x8c: {  	[spmem:s1] =	stream.indirect.scatter.add.f32 [tilespmem:s9], [sflag:$0x9], $0x40, s4, s22, $0xb8;
	[tilespmem:$0xF500] =	vst v63  }
0x8d: {  	s15 =	simm.s32 $0x28;
	_ =	swait.ge [sflag:s21], $0x1400  }
.LBB2_6:
0x8e: {  	s16 =	rddreg [dreg:$0x4];
	s17 =	smov.u32 s15  }
0x8f: {  	s18 =	rddreg [dreg:$0x3];
	[sflag:s21] =	ssyncset.done $0x0;
	s16 =	sadd.s32 s17, s16  }
0x90: {  	s17 =	sadd.s32 s17, s18;
	[sflag:s21] =	ssyncadd.s32 $0xFFFFEC00;
	s25 =	sadd.s32 $0x1E, s16  }
0x91: {  	[tilespmem:s2], [sflag:$0x4] =	stream.linear.gather [hbm4b:s25+s3], $0x50, $0x38;
	[tilespmem:$0xF500] =	vst v63  }
0x92: {  	s18 =	sadd.s32 $0x1E, s17  }
0x93: {  	[tilespmem:s4], [sflag:$0x4] =	stream.linear.gather [hbm4b:s18+s3], $0x50, $0x38;
	[tilespmem:$0xF500] =	vst v63  }
0x94: {  	_ =	swait.ge [sflag:s5], $0x50  }
0x95: {  	[sflag:s5] =	ssyncset.done $0x0  }
0x96: {  	[sflag:s5] =	ssyncadd.s32 $0xFFFFFFB0  }
0x97: {  	_ =	swait.ge [sflag:s5], $0x50  }
0x98: {  	[sflag:s5] =	ssyncset.done $0x0  }
0x99: {  	[sflag:s5] =	ssyncadd.s32 $0xFFFFFFB0  }
0x9a: {  	[tilespmem:s6], [sflag:$0x7] =	stream.indirect.gather [hbm4b:s10+s22], $0x40, s26, s22, $0xb8;
	[tilespmem:$0xF500] =	vst v63  }
0x9b: {  	_ =	swait.ge [sflag:s7], $0x1400  }
0x9c: {  	[sflag:s7] =	ssyncset.done $0x0  }
0x9d: {  	[sflag:s7] =	ssyncadd.s32 $0xFFFFEC00  }
0x9e: {  	[spmem:s1] =	stream.indirect.scatter.add.f32 [tilespmem:s30], [sflag:$0x9], $0x40, s22, s22, $0xb8;
	[tilespmem:$0xF500] =	vst v63  }
0x9f: {  	_ =	swait.ge [sflag:s21], $0x1400  }
0xa0: {  	[sflag:s21] =	ssyncset.done $0x0  }
0xa1: {  	s25 =	sadd.s32 $0x28, s16;
	[sflag:s21] =	ssyncadd.s32 $0xFFFFEC00  }
0xa2: {  	[tilespmem:s3], [sflag:$0x1] =	stream.linear.gather [hbm4b:s25+s3], $0x50, $0x38;
	[tilespmem:$0xF500] =	vst v63  }
0xa3: {  	s25 =	sadd.s32 $0x28, s17  }
0xa4: {  	[tilespmem:s22], [sflag:$0x1] =	stream.linear.gather [hbm4b:s25+s3], $0x50, $0x38;
	[tilespmem:$0xF500] =	vst v63  }
0xa5: {  	_ =	swait.ge [sflag:s8], $0x50  }
0xa6: {  	[sflag:s8] =	ssyncset.done $0x0  }
0xa7: {  	[sflag:s8] =	ssyncadd.s32 $0xFFFFFFB0  }
0xa8: {  	_ =	swait.ge [sflag:s8], $0x50  }
0xa9: {  	[sflag:s8] =	ssyncset.done $0x0  }
0xaa: {  	[sflag:s8] =	ssyncadd.s32 $0xFFFFFFB0  }
0xab: {  	[tilespmem:s9], [sflag:$0x8] =	stream.indirect.gather [hbm4b:s10+s22], $0x40, s2, s22, $0xb8;
	[tilespmem:$0xF500] =	vst v63  }
0xac: {  	_ =	swait.ge [sflag:s11], $0x1400  }
0xad: {  	[sflag:s11] =	ssyncset.done $0x0  }
0xae: {  	[sflag:s11] =	ssyncadd.s32 $0xFFFFEC00  }
0xaf: {  	[spmem:s1] =	stream.indirect.scatter.add.f32 [tilespmem:s0], [sflag:$0x9], $0x40, s24, s22, $0xb8;
	[tilespmem:$0xF500] =	vst v63  }
0xb0: {  	_ =	swait.ge [sflag:s21], $0x1400  }
0xb1: {  	[sflag:s21] =	ssyncset.done $0x0  }
0xb2: {  	s25 =	sadd.s32 $0x32, s16;
	[sflag:s21] =	ssyncadd.s32 $0xFFFFEC00  }
0xb3: {  	[tilespmem:s23], [sflag:$0x2] =	stream.linear.gather [hbm4b:s25+s3], $0x50, $0x38;
	[tilespmem:$0xF500] =	vst v63  }
0xb4: {  	s25 =	sadd.s32 $0x32, s17  }
0xb5: {  	[tilespmem:s24], [sflag:$0x2] =	stream.linear.gather [hbm4b:s25+s3], $0x50, $0x38;
	[tilespmem:$0xF500] =	vst v63  }
0xb6: {  	_ =	swait.ge [sflag:s29], $0x50  }
0xb7: {  	[sflag:s29] =	ssyncset.done $0x0  }
0xb8: {  	[sflag:s29] =	ssyncadd.s32 $0xFFFFFFB0  }
0xb9: {  	_ =	swait.ge [sflag:s29], $0x50  }
0xba: {  	[sflag:s29] =	ssyncset.done $0x0  }
0xbb: {  	[sflag:s29] =	ssyncadd.s32 $0xFFFFFFB0  }
0xbc: {  	[tilespmem:s30], [sflag:$0x5] =	stream.indirect.gather [hbm4b:s10+s22], $0x40, s3, s22, $0xb8;
	[tilespmem:$0xF500] =	vst v63  }
0xbd: {  	_ =	swait.ge [sflag:s12], $0x1400  }
0xbe: {  	[sflag:s12] =	ssyncset.done $0x0  }
0xbf: {  	[sflag:s12] =	ssyncadd.s32 $0xFFFFEC00  }
0xc0: {  	[spmem:s1] =	stream.indirect.scatter.add.f32 [tilespmem:s6], [sflag:$0x9], $0x40, s28, s22, $0xb8;
	[tilespmem:$0xF500] =	vst v63  }
0xc1: {  	_ =	swait.ge [sflag:s21], $0x1400  }
0xc2: {  	[sflag:s21] =	ssyncset.done $0x0  }
0xc3: {  	s16 =	sadd.s32 $0x3C, s16;
	[sflag:s21] =	ssyncadd.s32 $0xFFFFEC00  }
0xc4: {  	[tilespmem:s26], [sflag:$0x3] =	stream.linear.gather [hbm4b:s16+s3], $0x50, $0x38;
	[tilespmem:$0xF500] =	vst v63  }
0xc5: {  	s25 =	sadd.s32 $0x3C, s17  }
0xc6: {  	[tilespmem:s28], [sflag:$0x3] =	stream.linear.gather [hbm4b:s25+s3], $0x50, $0x38;
	[tilespmem:$0xF500] =	vst v63  }
0xc7: {  	_ =	swait.ge [sflag:s31], $0x50  }
0xc8: {  	[sflag:s31] =	ssyncset.done $0x0  }
0xc9: {  	[sflag:s31] =	ssyncadd.s32 $0xFFFFFFB0  }
0xca: {  	_ =	swait.ge [sflag:s31], $0x50  }
0xcb: {  	[sflag:s31] =	ssyncset.done $0x0  }
0xcc: {  	p0 =	sne.s32 s15, $0x960;
	[sflag:s31] =	ssyncadd.s32 $0xFFFFFFB0  }
0xcd: {  	[tilespmem:s0], [sflag:$0x6] =	stream.indirect.gather [hbm4b:s10+s22], $0x40, s23, s22, $0xb8;
	[tilespmem:$0xF500] =	vst v63  }
.Ltmp2:
0xce: {  	_ =	swait.ge [sflag:s13], $0x1400;
	(pc) =	sbr.rel @p0 .LBB2_6-.Ltmp2, $4  }
0xcf: {  	[sflag:s13] =	ssyncset.done $0x0  }
0xd0: {  	[sflag:s13] =	ssyncadd.s32 $0xFFFFEC00  }
0xd1: {  	[spmem:s1] =	stream.indirect.scatter.add.f32 [tilespmem:s9], [sflag:$0x9], $0x40, s4, s22, $0xb8;
	[tilespmem:$0xF500] =	vst v63  }
0xd2: {  	s15 =	sadd.s32 $0x28, s15;
	_ =	swait.ge [sflag:s21], $0x1400  }
0xd3: {  	[sflag:s21] =	ssyncset.done $0x0  }
0xd4: {  	s15 =	rddreg [dreg:$0xb];
	[sflag:s21] =	ssyncadd.s32 $0xFFFFEC00  }
0xd5: {  	[tilespmem:s2], [sflag:$0x4] =	stream.linear.gather [hbm4b:s15+s3], $0x50, $0x38;
	[tilespmem:$0xF500] =	vst v63  }
0xd6: {  	s17 =	rddreg [dreg:$0xc]  }
0xd7: {  	[tilespmem:s4], [sflag:$0x4] =	stream.linear.gather [hbm4b:s17+s3], $0x50, $0x38;
	[tilespmem:$0xF500] =	vst v63  }
0xd8: {  	_ =	swait.ge [sflag:s5], $0x50  }
0xd9: {  	[sflag:s5] =	ssyncset.done $0x0  }
0xda: {  	[sflag:s5] =	ssyncadd.s32 $0xFFFFFFB0  }
0xdb: {  	_ =	swait.ge [sflag:s5], $0x50  }
0xdc: {  	[sflag:s5] =	ssyncset.done $0x0  }
0xdd: {  	[sflag:s5] =	ssyncadd.s32 $0xFFFFFFB0  }
0xde: {  	[tilespmem:s6], [sflag:$0x7] =	stream.indirect.gather [hbm4b:s10+s22], $0x40, s26, s22, $0xb8;
	[tilespmem:$0xF500] =	vst v63  }
0xdf: {  	_ =	swait.ge [sflag:s7], $0x1400  }
0xe0: {  	[sflag:s7] =	ssyncset.done $0x0  }
0xe1: {  	[sflag:s7] =	ssyncadd.s32 $0xFFFFEC00  }
0xe2: {  	[spmem:s1] =	stream.indirect.scatter.add.f32 [tilespmem:s30], [sflag:$0x9], $0x40, s22, s22, $0xb8;
	[tilespmem:$0xF500] =	vst v63  }
0xe3: {  	_ =	swait.ge [sflag:s21], $0x1400  }
0xe4: {  	[sflag:s21] =	ssyncset.done $0x0  }
0xe5: {  	s18 =	rddreg [dreg:$0xd];
	[sflag:s21] =	ssyncadd.s32 $0xFFFFEC00  }
0xe6: {  	[tilespmem:s3], [sflag:$0x1] =	stream.linear.gather [hbm4b:s18+s3], $0x50, $0x38;
	[tilespmem:$0xF500] =	vst v63  }
0xe7: {  	s25 =	rddreg [dreg:$0xe]  }
0xe8: {  	[tilespmem:s22], [sflag:$0x1] =	stream.linear.gather [hbm4b:s25+s3], $0x50, $0x38;
	[tilespmem:$0xF500] =	vst v63  }
0xe9: {  	_ =	swait.ge [sflag:s8], $0x50  }
0xea: {  	[sflag:s8] =	ssyncset.done $0x0  }
0xeb: {  	[sflag:s8] =	ssyncadd.s32 $0xFFFFFFB0  }
0xec: {  	_ =	swait.ge [sflag:s8], $0x50  }
0xed: {  	[sflag:s8] =	ssyncset.done $0x0  }
0xee: {  	[sflag:s8] =	ssyncadd.s32 $0xFFFFFFB0  }
0xef: {  	[tilespmem:s9], [sflag:$0x8] =	stream.indirect.gather [hbm4b:s10+s22], $0x40, s2, s22, $0xb8;
	[tilespmem:$0xF500] =	vst v63  }
0xf0: {  	_ =	swait.ge [sflag:s11], $0x1400  }
0xf1: {  	[sflag:s11] =	ssyncset.done $0x0  }
0xf2: {  	[sflag:s11] =	ssyncadd.s32 $0xFFFFEC00  }
0xf3: {  	[spmem:s1] =	stream.indirect.scatter.add.f32 [tilespmem:s0], [sflag:$0x9], $0x40, s24, s22, $0xb8;
	[tilespmem:$0xF500] =	vst v63  }
0xf4: {  	_ =	swait.ge [sflag:s21], $0x1400  }
0xf5: {  	[sflag:s21] =	ssyncset.done $0x0  }
0xf6: {  	s16 =	rddreg [dreg:$0xf];
	[sflag:s21] =	ssyncadd.s32 $0xFFFFEC00  }
0xf7: {  	[tilespmem:s23], [sflag:$0x2] =	stream.linear.gather [hbm4b:s16+s3], $0x50, $0x38;
	[tilespmem:$0xF500] =	vst v63  }
0xf8: {  	s17 =	rddreg [dreg:$0x10]  }
0xf9: {  	[tilespmem:s24], [sflag:$0x2] =	stream.linear.gather [hbm4b:s17+s3], $0x50, $0x38;
	[tilespmem:$0xF500] =	vst v63  }
0xfa: {  	_ =	swait.ge [sflag:s29], $0x50  }
0xfb: {  	[sflag:s29] =	ssyncset.done $0x0  }
0xfc: {  	[sflag:s29] =	ssyncadd.s32 $0xFFFFFFB0  }
0xfd: {  	_ =	swait.ge [sflag:s29], $0x50  }
0xfe: {  	[sflag:s29] =	ssyncset.done $0x0  }
0xff: {  	[sflag:s29] =	ssyncadd.s32 $0xFFFFFFB0  }
0x100: {  	[tilespmem:s30], [sflag:$0x5] =	stream.indirect.gather [hbm4b:s10+s22], $0x40, s3, s22, $0xb8;
	[tilespmem:$0xF500] =	vst v63  }
0x101: {  	_ =	swait.ge [sflag:s12], $0x1400  }
0x102: {  	[sflag:s12] =	ssyncset.done $0x0  }
0x103: {  	[sflag:s12] =	ssyncadd.s32 $0xFFFFEC00  }
0x104: {  	[spmem:s1] =	stream.indirect.scatter.add.f32 [tilespmem:s6], [sflag:$0x9], $0x40, s28, s22, $0xb8;
	[tilespmem:$0xF500] =	vst v63  }
0x105: {  	_ =	swait.ge [sflag:s21], $0x1400  }
0x106: {  	[sflag:s21] =	ssyncset.done $0x0  }
0x107: {  	[sflag:s21] =	ssyncadd.s32 $0xFFFFEC00  }
0x108: {  	_ =	swait.ge [sflag:s31], $0x50  }
0x109: {  	[sflag:s31] =	ssyncset.done $0x0  }
0x10a: {  	[sflag:s31] =	ssyncadd.s32 $0xFFFFFFB0  }
0x10b: {  	_ =	swait.ge [sflag:s31], $0x50  }
0x10c: {  	[sflag:s31] =	ssyncset.done $0x0  }
0x10d: {  	[sflag:s31] =	ssyncadd.s32 $0xFFFFFFB0  }
0x10e: {  	[tilespmem:s0], [sflag:$0x6] =	stream.indirect.gather [hbm4b:s10+s22], $0x40, s23, s22, $0xb8;
	[tilespmem:$0xF500] =	vst v63  }
0x10f: {  	_ =	swait.ge [sflag:s13], $0x1400  }
0x110: {  	[sflag:s13] =	ssyncset.done $0x0  }
0x111: {  	[sflag:s13] =	ssyncadd.s32 $0xFFFFEC00  }
0x112: {  	[spmem:s1] =	stream.indirect.scatter.add.f32 [tilespmem:s9], [sflag:$0x9], $0x40, s4, s22, $0xb8;
	[tilespmem:$0xF500] =	vst v63  }
0x113: {  	_ =	swait.ge [sflag:s21], $0x1400  }
0x114: {  	[sflag:s21] =	ssyncset.done $0x0  }
0x115: {  	[sflag:s21] =	ssyncadd.s32 $0xFFFFEC00  }
0x116: {  	_ =	swait.ge [sflag:s7], $0x1400  }
0x117: {  	[sflag:s7] =	ssyncset.done $0x0  }
0x118: {  	[sflag:s7] =	ssyncadd.s32 $0xFFFFEC00  }
0x119: {  	[spmem:s1] =	stream.indirect.scatter.add.f32 [tilespmem:s30], [sflag:$0x9], $0x40, s22, s22, $0xb8;
	[tilespmem:$0xF500] =	vst v63  }
0x11a: {  	_ =	swait.ge [sflag:s21], $0x1400  }
0x11b: {  	[sflag:s21] =	ssyncset.done $0x0  }
0x11c: {  	[sflag:s21] =	ssyncadd.s32 $0xFFFFEC00  }
0x11d: {  	_ =	swait.ge [sflag:s11], $0x1400  }
0x11e: {  	[sflag:s11] =	ssyncset.done $0x0  }
0x11f: {  	[sflag:s11] =	ssyncadd.s32 $0xFFFFEC00  }
0x120: {  	[spmem:s1] =	stream.indirect.scatter.add.f32 [tilespmem:s0], [sflag:$0x9], $0x40, s24, s22, $0xb8;
	[tilespmem:$0xF500] =	vst v63  }
0x121: {  	_ =	swait.ge [sflag:s21], $0x1400  }
0x122: {  	[sflag:s21] =	ssyncset.done $0x0  }
0x123: {  	[sflag:s21] =	ssyncadd.s32 $0xFFFFEC00  }
0x124: {  	s18 =	stileid.u32;
	[bflag:$0x0] =	sbarrier.arrive $0xFFFF  }
0x125: {  	s15 =	sshll.u32 s18, $0x6;
	s16 =	rddreg [dreg:$0x11]  }
0x126: {  	s15 =	sor.u32 $0x1C09, s15;
	s17 =	rddreg [dreg:$0x13]  }
0x127: {  	[hbm:s16], [sflag:s15] =	dma.local [spmem:s17], $0x1388  }
0x128: {  	_ =	swait.ge [sflag:s21], $0x1388  }
0x129: {  	s14 =	sadd.s32 $0x1, s14;
	s25 =	rddreg [dreg:$0x12]  }
0x12a: {  	p0 =	sne.s32 s14, s25  }
.Ltmp3:
0x12b: {  	_ = 	snop;
	(pc) =	sbr.rel @p0 .LBB2_1-.Ltmp3, $3  }
0x12c: {  	_ =	sdelay $0x1  }
0x12d: {  	[sflag:s21] =	ssyncset.done $0x0  }
0x12e: {  	[sflag:s21] =	ssyncadd.s32 $0xFFFFEC78  }
0x12f: {  	_ =	sfence.sel $0x180000  }
0x130: {  	[bflag:$0x0] =	sbarrier.arrive $0xFFFF  }
0x131: {  	_ =	strace $0x9000004A  }
0x132: {  	s0 =	stileid.u32;
	[bflag:$0x2] =	sbarrier.arrive $0xFFFF  }
0x133: {  	p0 =	sne.s32 s0, $0x0;
	s0 =	rddreg [dreg:$0x2]  }
0x134: {  	s0 =	sadd.s32 @!p0 $0x100000, s0  }
0x135: {  	[sflag:s0] =	ssyncadd.tile.s32 @!p0 $0x1;
	_ =	shalt  }
.Lfunc_end2:
_tile_overlayer_lowered:
.L_overlay_start_2:
0x136: {  	(tag) =	ssettag $0x2  }
0x137: {  	s0 =	rddreg [dreg:$0x0];
	s2 =	stileid.u32  }
0x138: {  	s1 =	rddreg [dreg:$0x1];
	p0 =	sne.s32 s2, $0x0  }
0x139: {  	s3 =	rddreg [dreg:$0x2];
	[bflag:$0x3] =	sbarrier.arrive $0xFFFF;
	s2 =	simm.s32 @!p0 $0x1C09  }
0x13a: {  	[timem:s3], [sflag:s2] =	dma.local @!p0 [hbm:s0], s1  }
0x13b: {  	s0 =	simm.s32 @!p0 $0x9  }
0x13c: {  	_ =	swait.ge @!p0 [sflag:s0], s1  }
0x13d: {  	s1 =	ssub.s32 @!p0 $0x0, s1;
	[sflag:s0] =	ssyncset.done @!p0 $0x0  }
0x13e: {  	[sflag:s0] =	ssyncadd.s32 @!p0 s1  }
0x13f: {  	[bflag:$0x3] =	sbarrier.arrive $0xFFFF  }
0x140: {  	_ =	shalt  }

// kernel: kernel.16.cloned.1.call-start
scs
__scs_entry_jumppad:
0x0: {  	(pc) =	sbr.rel $0x88, $3  }
0x1: {  	(tag) =	ssettag $0x0;
	lr =	simm.s32 $0x1  }
0x2: {  	[smem:$0x3F9C] =	sst lr;
	_ =	strace $0xD0000000  }
0x3: {  	_ = 	snop  }
0x4: {  	_ = 	snop  }
0x5: {  	_ = 	snop  }
0x6: {  	_ = 	snop  }
0x7: {  	_ = 	snop  }
__scs_overlays_trampoline_lowered:
0x8: {  	[smem:$0x3FAB] =	sst s0  }
0x9: {  	[smem:$0x3FAC] =	sst s1  }
0xa: {  	[smem:$0x3FAD] =	sst s2  }
0xb: {  	[smem:$0x3FAE] =	sst s3  }
0xc: {  	[smem:$0x3FAF] =	sst s4  }
0xd: {  	[smem:$0x3FB0] =	sst s5  }
0xe: {  	[smem:$0x3FB1] =	sst s6  }
0xf: {  	[smem:$0x3FB2] =	sst s7  }
0x10: {  	[smem:$0x3FB3] =	sst s8  }
0x11: {  	[smem:$0x3FB4] =	sst s9;
	s0 =	simm.s32 @!p0 $0x0  }
0x12: {  	s1 =	sld [smem:$0x3F9A];
	s0 =	simm.s32 @p0 $0x1  }
0x13: {  	[smem:$0x3FB5] =	sst s0;
	s0 =	simm.s32 @!p1 $0x0  }
0x14: {  	s2 =	sld [smem:$0x3F99];
	s0 =	simm.s32 @p1 $0x1  }
0x15: {  	[smem:$0x3FB6] =	sst s0;
	s0 =	simm.s32 @!p2 $0x0  }
0x16: {  	s3 =	sld [smem:$0x3FDB];
	s0 =	simm.s32 @p2 $0x1  }
0x17: {  	s4 =	simm.s32 $0x1BF5;
	[smem:$0x3FB8] =	sst s0  }
0x18: {  	s0 =	sld [smem:$0x3F9B];
	_ =	swait.ge [sflag:s4], $0x0  }
0x19: {  	s7 =	sld [smem:$0x3F9C]  }
0x1a: {  	s8 =	sadd.s32 $0xFFFFE003, lr  }
0x1b: {  	s9 =	sadd.s32 $0xFFFFFEF7, lr;
	s5 =	simm.s32 $0xFFFFFFFF;
	p2 =	slt.u32 s8, $0xFFFFF086  }
0x1c: {  	p1 =	slt.u32 s9, $0xF7A;
	s5 =	simm.s32 @!p2 $0x0  }
0x1d: {  	s5 =	simm.s32 @p1 $0x1;
	p0 =	seq.s32 s7, s2  }
0x1e: {  	s7 =	smul.u32 @!p0 $0xF7A, s2;
	p2 =	seq.s32 @!p0 s5, $0x0  }
0x1f: {  	s9 =	smul.u32 $0xF7A, s1;
	s8 =	simm.s32 @!p0 $0x1BF5;
	p2 =	por !p2, p0  }
0x20: {  	[sflag:s8] =	ssyncset.s32 @!p0 $0xFFFFF086;
	s6 =	sadd.s32 @!p0 s3, s7;
	s7 =	simm.s32 @!p0 $0x108  }
0x21: {  	s3 =	sadd.s32 s3, s9;
	s6 =	sadd.s32 @!p0 $0x88, s6;
	s7 =	simm.s32 @p2 $0x1082  }
0x22: {  	[simem:s7], [sflag:s8] =	dma.local @!p0 [hbm:s6], $0xF7A  }
0x23: {  	s9 =	sor.u32 $0xD0000000, s2;
	s6 =	simm.s32 $0x108;
	_ =	swait.ge @!p0 [sflag:s8], $0x0  }
0x24: {  	s3 =	sadd.s32 $0x88, s3;
	s6 =	simm.s32 @!p1 $0x1082;
	[sflag:s4] =	ssyncset.s32 $0xFFFFF086  }
0x25: {  	[simem:s6], [sflag:s4] =	dma.local [hbm:s3], $0xF7A  }
0x26: {  	[smem:$0x3F9C] =	sst s1;
	(tag) =	ssettag s2;
	_ =	strace s9  }
0x27: {  	s1 =	sld [smem:$0x3FAC]  }
0x28: {  	s2 =	sld [smem:$0x3FAD]  }
0x29: {  	s4 =	sld [smem:$0x3FAF]  }
0x2a: {  	p0 =	seq.s32 s5, $0x0;
	s5 =	sld [smem:$0x3FB0]  }
0x2b: {  	s6 =	sld [smem:$0x3FB1]  }
0x2c: {  	s7 =	sld [smem:$0x3FB2]  }
0x2d: {  	s3 =	simm.s32 $0x108;
	s8 =	sld [smem:$0x3FB3]  }
0x2e: {  	s3 =	simm.s32 @!p0 $0x1082;
	s9 =	sld [smem:$0x3FB4]  }
0x2f: {  	lr =	sadd.s32 s0, s3;
	s0 =	sld [smem:$0x3FAB]  }
0x30: {  	s3 =	sld [smem:$0x3FAE]  }
0x31: {  	[smem:$0x3FB7] =	sst s10  }
0x32: {  	s10 =	sld [smem:$0x3FB5];
	_ =	sdelay $0x3  }
0x33: {  	p0 =	seq.s32 s10, $0x1;
	s10 =	sld [smem:$0x3FB7];
	_ =	sdelay $0x3  }
0x34: {  	[smem:$0x3FB7] =	sst s10  }
0x35: {  	s10 =	sld [smem:$0x3FB6];
	_ =	sdelay $0x3  }
0x36: {  	p1 =	seq.s32 s10, $0x1;
	s10 =	sld [smem:$0x3FB7];
	_ =	sdelay $0x3  }
0x37: {  	[smem:$0x3FB7] =	sst s10  }
0x38: {  	s10 =	sld [smem:$0x3FB8]  }
0x39: {  	_ = 	snop;
	(pc) =	sbr.ind lr, $3  }
0x3a: {  	_ = 	snop  }
0x3b: {  	_ = 	snop  }
0x3c: {  	p2 =	seq.s32 s10, $0x1;
	s10 =	sld [smem:$0x3FB7]  }
0x3d: {  	_ =	shalt  }
0x3e: {  	_ =	shalt  }
0x3f: {  	_ =	shalt  }
0x40: {  	_ =	shalt  }
0x41: {  	_ =	shalt  }
0x42: {  	_ =	shalt  }
0x43: {  	_ =	shalt  }
0x44: {  	_ =	shalt  }
0x45: {  	_ =	shalt  }
0x46: {  	_ =	shalt  }
0x47: {  	_ =	shalt  }
0x48: {  	_ =	shalt  }
0x49: {  	_ =	shalt  }
0x4a: {  	_ =	shalt  }
0x4b: {  	_ =	shalt  }
0x4c: {  	_ =	shalt  }
0x4d: {  	_ =	shalt  }
0x4e: {  	_ =	shalt  }
0x4f: {  	_ =	shalt  }
0x50: {  	_ =	shalt  }
0x51: {  	_ =	shalt  }
0x52: {  	_ =	shalt  }
0x53: {  	_ =	shalt  }
0x54: {  	_ =	shalt  }
0x55: {  	_ =	shalt  }
0x56: {  	_ =	shalt  }
0x57: {  	_ =	shalt  }
0x58: {  	_ =	shalt  }
0x59: {  	_ =	shalt  }
0x5a: {  	_ =	shalt  }
0x5b: {  	_ =	shalt  }
0x5c: {  	_ =	shalt  }
0x5d: {  	_ =	shalt  }
0x5e: {  	_ =	shalt  }
0x5f: {  	_ =	shalt  }
0x60: {  	_ =	shalt  }
0x61: {  	_ =	shalt  }
0x62: {  	_ =	shalt  }
0x63: {  	_ =	shalt  }
0x64: {  	_ =	shalt  }
0x65: {  	_ =	shalt  }
0x66: {  	_ =	shalt  }
0x67: {  	_ =	shalt  }
0x68: {  	_ =	shalt  }
0x69: {  	_ =	shalt  }
0x6a: {  	_ =	shalt  }
0x6b: {  	_ =	shalt  }
0x6c: {  	_ =	shalt  }
0x6d: {  	_ =	shalt  }
0x6e: {  	_ =	shalt  }
0x6f: {  	_ =	shalt  }
0x70: {  	_ =	shalt  }
0x71: {  	_ =	shalt  }
0x72: {  	_ =	shalt  }
0x73: {  	_ =	shalt  }
0x74: {  	_ =	shalt  }
0x75: {  	_ =	shalt  }
0x76: {  	_ =	shalt  }
0x77: {  	_ =	shalt  }
0x78: {  	_ =	shalt  }
0x79: {  	_ =	shalt  }
0x7a: {  	_ =	shalt  }
0x7b: {  	_ =	shalt  }
0x7c: {  	_ =	shalt  }
0x7d: {  	_ =	shalt  }
0x7e: {  	_ =	shalt  }
0x7f: {  	_ =	shalt  }
0x80: {  	_ =	shalt  }
0x81: {  	_ =	shalt  }
0x82: {  	_ =	shalt  }
0x83: {  	_ =	shalt  }
0x84: {  	_ =	shalt  }
0x85: {  	_ =	shalt  }
0x86: {  	_ =	shalt  }
0x87: {  	_ =	shalt  }
.Lfunc_end0:
.L_simem_size_0:
called_computation.2_lowered:
.L_overlay_start_0:
0x88: {  	s2 =	sld [smem:$0x3FD9]  }
0x89: {  	s3 =	sld [smem:$0x3FFE];
	_ =	sdelay $0x1  }
0x8a: {  	s1 =	srdreg.scid  }
0x8b: {  	s0 =	sand.u32 $0x1, s1  }
0x8c: {  	s17 =	sshll.u32 s0, $0xA;
	s2 =	sadd.s32 s3, s2  }
0x8d: {  	s2 =	sadd.s32 s2, s17  }
0x8e: {  	[smem:$0x3FC3] =	sst s2  }
0x8f: {  	_ = 	snop  }
0x90: {  	s2 =	sld [smem:$0x3FD0];
	(tm) =	ssettm $0x1  }
0x91: {  	s18 =	sld [smem:$0x3FFB];
	_ =	sdelay $0x3  }
0x92: {  	_ =	strace s18  }
0x93: {  	s3 =	sld [smem:$0x3FFC];
	_ =	sdelay $0x3  }
0x94: {  	_ =	strace s3  }
0x95: {  	s3 =	sld [smem:$0x3FFD];
	_ =	sdelay $0x3  }
0x96: {  	_ =	strace s3  }
0x97: {  	_ =	strace $0x8FFFFFFF  }
0x98: {  	s19 =	sld [smem:$0x3FDB];
	_ =	sdelay $0x1  }
0x99: {  	s4 =	simm.s32 $_scs_section_size  }
0x9a: {  	s5 =	simm.s32 $_size__tile_overlayer_lowered;
	s6 =	simm.s32 $_tile_overlayer_lowered  }
0x9b: {  	s22 =	simm.s32 $0x1BFF;
	s21 =	sshll.u32 s6, $0x1;
	s3 =	sadd.s32 s4, s19  }
0x9c: {  	s7 =	simm.s32 $0x0;
	s20 =	sshll.u32 s5, $0x1;
	s5 =	sadd.s32 s21, s3  }
0x9d: {  	[timem:s7], [sflag:s22] =	dma.local [hbm:s5], s20  }
0x9e: {  	_ =	swait.ge [sflag:s22], s20  }
0x9f: {  	s4 =	ssub.s32 $0x0, s20;
	[sflag:s22] =	ssyncset.done $0x0  }
0xa0: {  	[sflag:s22] =	ssyncadd.s32 s4;
	_ =	sdelay $0x1  }
0xa1: {  	s23 =	simm.s32 $0x1B8B  }
0xa2: {  	_ =	swait.ge [sflag:s23], $0x1  }
0xa3: {  	[sflag:s23] =	ssyncset.done $0x0  }
0xa4: {  	s25 =	simm.s32 $0x1B8E;
	s24 =	sld [smem:$0x3FFE];
	[sflag:s23] =	ssyncadd.s32 $0xFFFFFFFF  }
0xa5: {  	s26 =	simm.s32 $execute0_lowered;
	[smem:$0x3FD2] =	sst s25  }
0xa6: {  	s5 =	sshll.u32 s26, $0x1;
	_ =	strace $0x8000004C;
	[dreg:$0x1] =	wrdreg $0xFFFFFFFF  }
0xa7: {  	s28 =	simm.s32 $_size_execute0_lowered;
	s3 =	sadd.s32 s3, s5;
	[dreg:$0x0] =	wrdreg $0x0  }
0xa8: {  	s5 =	sshll.u32 s28, $0x1;
	[dreg:$0x2] =	wrdreg s3  }
0xa9: {  	[dreg:$0x3] =	wrdreg s5  }
0xaa: {  	[dreg:$0x4] =	wrdreg $0xC0  }
0xab: {  	_ =	task [dreg:s7], $0x5FFFF  }
0xac: {  	[dreg:$0x1] =	wrdreg $0xFFFFFFFF  }
0xad: {  	[dreg:$0x0] =	wrdreg $0x60  }
0xae: {  	[dreg:$0x2] =	wrdreg s2  }
0xaf: {  	[dreg:$0x3] =	wrdreg s24  }
0xb0: {  	[dreg:$0x4] =	wrdreg $0xAF000  }
0xb1: {  	[dreg:$0x5] =	wrdreg $0x9  }
0xb2: {  	_ =	task.clear_ibuf [dreg:s7], $0x6FFFF;
	_ =	strace $0x9000004C  }
0xb3: {  	s29 =	simm.s32 $0x9;
	_ =	strace $0x8000004E  }
0xb4: {  	_ =	swait.ge [sflag:s29], $0x1  }
0xb5: {  	[sflag:s29] =	ssyncadd.s32 $0xFFFFFFFF  }
0xb6: {  	_ =	strace $0x9000004E  }
0xb7: {  	_ =	sfence  }
0xb8: {  	s30 =	sld [smem:$0x0];
	_ =	sdelay $0x2  }
0xb9: {  	s31 =	sshll.u32 s1, $0xD;
	s1 =	sshrl.u32 s1, $0x2  }
0xba: {  	s3 =	sand.u32 $0x4000, s31;
	s1 =	sadd.s32 s1, s30  }
0xbb: {  	s0 =	sor.u32 s3, s0;
	s1 =	sshll.u32 s1, $0x11  }
0xbc: {  	s0 =	sor.u32 s1, s0  }
0xbd: {  	s0 =	sadd.s32 $0x8F2B, s0  }
0xbe: {  	[sflag:s0] =	ssyncadd.remote.s32 $0x1  }
0xbf: {  	_ =	sfence.sel $0xFFFF  }
0xc0: {  	[dreg:$0x0] =	wrdreg $0xFFFFFFFF;
	(pc) =	sbr.abs _section_cstart, $3  }
0xc1: {  	[dreg:$0x1] =	wrdreg $0xFFFFFFFF  }
0xc2: {  	_ =	task.clear_ibuf [dreg:s7], $0x2FFFF;
	_ =	strace $0x9FFFFFFF  }
0xc3: {  	(tm) =	ssettm $0x7FFFFFFF  }
tec
execute0_lowered:
.L_overlay_start_1:
0x0: {  	(tag) =	ssettag $0x1  }
0x1: {  	s0 =	rddreg [dreg:$0x0]  }
0x2: {  	s2 =	rddreg [dreg:$0x1]  }
0x3: {  	s1 =	rddreg [dreg:$0x2]  }
0x4: {  	s3 =	srdreg.scid;
	s12 =	stileid.u32  }
0x5: {  	s28 =	simm.s32 $0x190;
	s29 =	simm.s32 $0x1;
	s6 =	smul.u32 $0x13880, s12  }
0x6: {  	s30 =	simm.s32 $0x280;
	s31 =	simm.s32 $0x2;
	s9 =	smul.u32 $0x4E20, s12  }
0x7: {  	s4 =	sand.u32 $0x1, s3;
	s3 =	simm.s32 $0x0;
	s15 =	smul.u32 $0x4E200, s12  }
0x8: {  	s7 =	sadd.s32 $0x1E00, s2;
	s11 =	sadd.s32 $0xBC00, s2;
	s17 =	smul.u32 $0x9C4, s12  }
0x9: {  	s5 =	smul.u32 $0x138800, s4;
	[smem:$0x7FF] =	sst s3;
	s4 =	ssub.s32 $0x2, s4  }
0xa: {  	s12 =	simm.s32 $0x7;
	_ =	strace $0x8000004D;
	s18 =	sshrl.u32 s4, $0x1  }
0xb: {  	s9 =	sshrl.u32 s9, $0x3;
	s8 =	sadd.s32 s6, s5;
	s4 =	ssub.s32 s4, s18  }
0xc: {  	s19 =	sadd.s32 s7, s9;
	s20 =	sadd.s32 $0xA, s9;
	s10 =	sadd.s32 s11, s9  }
0xd: {  	s22 =	sadd.s32 $0x14, s9;
	s5 =	sshrl.u32 s5, $0x3;
	[dreg:$0x6] =	wrdreg s19  }
0xe: {  	s25 =	sadd.s32 $0x9A6, s9;
	[dreg:$0x7] =	wrdreg s10;
	s21 =	sadd.s32 s7, s20  }
0xf: {  	s14 =	sadd.s32 $0x9BA, s9;
	s23 =	sadd.s32 s7, s22;
	[dreg:$0x8] =	wrdreg s21  }
0x10: {  	s18 =	sadd.s32 s6, s1;
	s24 =	sadd.s32 s11, s22;
	[dreg:$0xa] =	wrdreg s23  }
0x11: {  	s6 =	simm.s32 $0x5280;
	s26 =	sadd.s32 s7, s25;
	[dreg:$0xb] =	wrdreg s24  }
0x12: {  	s10 =	sadd.s32 s0, s5;
	s0 =	sadd.s32 s11, s25;
	[dreg:$0xc] =	wrdreg s26  }
0x13: {  	s8 =	sshrl.u32 s8, $0x3;
	s16 =	sadd.s32 s7, s14;
	[dreg:$0xd] =	wrdreg s0  }
0x14: {  	s5 =	sadd.s32 s11, s14;
	s4 =	smax.u32 s4, $0x1;
	[dreg:$0x10] =	wrdreg s16  }
0x15: {  	s25 =	sadd.s32 s17, s11;
	s22 =	simm.s32 $0x50;
	[dreg:$0x11] =	wrdreg s5  }
0x16: {  	s14 =	simm.s32 $0x0;
	s2 =	sadd.s32 s8, s2;
	[dreg:$0x13] =	wrdreg s4  }
0x17: {  	s8 =	sadd.s32 s11, s20;
	s24 =	sshrl.u32 s15, $0x2;
	[dreg:$0x4] =	wrdreg s25  }
0x18: {  	s20 =	simm.s32 $0xA280;
	s21 =	simm.s32 $0x9;
	s23 =	simm.s32 $0xA0  }
0x19: {  	s26 =	sshrl.u32 s18, $0x3;
	s4 =	simm.s32 $0x230;
	s5 =	simm.s32 $0x3  }
0x1a: {  	[dreg:$0x9] =	wrdreg s8;
	s8 =	sadd.s32 $0x9B0, s9;
	s2 =	sadd.s32 $0x15A00, s2  }
0x1b: {  	s19 =	sadd.s32 s24, s1;
	s24 =	simm.s32 $0xF0;
	[dreg:$0x14] =	wrdreg s26  }
0x1c: {  	s26 =	simm.s32 $0x140;
	s9 =	simm.s32 $0x7A80;
	s13 =	sadd.s32 s7, s8  }
0x1d: {  	s0 =	sadd.s32 s11, s8;
	[dreg:$0x12] =	wrdreg s2;
	s2 =	simm.s32 $0x1E0  }
0x1e: {  	s8 =	simm.s32 $0x4;
	s11 =	simm.s32 $0x6;
	[dreg:$0xe] =	wrdreg s13  }
0x1f: {  	[dreg:$0xf] =	wrdreg s0;
	s0 =	sadd.s32 s17, s7;
	s7 =	simm.s32 $0x5  }
0x20: {  	v0 =	vimm.f32 $0.0e+00;
	s13 =	simm.s32 $0x8;
	[dreg:$0x5] =	wrdreg s0;
	s0 =	simm.s32 $0x2A80  }
.LBB2_1:
0x21: {  	s15 =	simm.s32 $0x0;
	s16 =	simm.s32 $0x200  }
.LBB2_2:
0x22: {  	p0 =	sne.s32 s16, $0x3000;
	[tilespmem:s15+$0xA2F0] =	vst v0  }
0x23: {  	[tilespmem:s15+$0xA280] =	vst v0  }
0x24: {  	[tilespmem:s15+$0xA290] =	vst v0  }
.Ltmp0:
0x25: {  	[tilespmem:s15+$0xA2A0] =	vst v0;
	(pc) =	sbr.rel @p0 .LBB2_2-.Ltmp0, $4  }
0x26: {  	[tilespmem:s15+$0xA2B0] =	vst v0  }
0x27: {  	[tilespmem:s15+$0xA2C0] =	vst v0  }
0x28: {  	[tilespmem:s15+$0xA2D0] =	vst v0  }
0x29: {  	[tilespmem:s15+$0xA2E0] =	vst v0;
	s15 =	sshra.s32 s16, $0x2;
	s16 =	sadd.s32 $0x200, s16  }
0x2a: {  	[tilespmem:s15+$0xA2F0] =	vst v0  }
0x2b: {  	[tilespmem:s15+$0xA280] =	vst v0  }
0x2c: {  	[tilespmem:s15+$0xA290] =	vst v0  }
0x2d: {  	[tilespmem:s15+$0xA2A0] =	vst v0  }
0x2e: {  	[tilespmem:s15+$0xA2B0] =	vst v0  }
0x2f: {  	[tilespmem:s15+$0xA2C0] =	vst v0  }
0x30: {  	[tilespmem:s15+$0xA2D0] =	vst v0  }
0x31: {  	[tilespmem:s15+$0xA2E0] =	vst v0;
	s25 =	sadd.s32 $0x0, s19  }
0x32: {  	[spmem:s25] =	stream.linear.scatter [tilespmem:s20], [sflag:$0x9], $0xC80, $0x38;
	[tilespmem:$0x1E780] =	vst v63  }
0x33: {  	s15 =	simm.s32 $0x3200;
	_ =	swait.ge [sflag:s21], $0xC80  }
.LBB2_4:
0x34: {  	s16 =	sshra.s32 s15, $0x2;
	[sflag:s21] =	ssyncset.done $0x0;
	p0 =	sne.s32 s15, $0x4B000  }
.Ltmp1:
0x35: {  	s16 =	sadd.s32 s16, s19;
	[sflag:s21] =	ssyncadd.s32 $0xFFFFF380;
	(pc) =	sbr.rel @p0 .LBB2_4-.Ltmp1, $3  }
0x36: {  	[spmem:s16] =	stream.linear.scatter [tilespmem:s20], [sflag:$0x9], $0xC80, $0x38;
	[tilespmem:$0x1E780] =	vst v63  }
0x37: {  	s15 =	sadd.s32 $0x3200, s15;
	_ =	sdelay $0x1  }
0x38: {  	_ =	swait.ge [sflag:s21], $0xC80  }
0x39: {  	[sflag:s21] =	ssyncset.done $0x0  }
0x3a: {  	[sflag:s21] =	ssyncadd.s32 $0xFFFFF380  }
0x3b: {  	[bflag:$0x0] =	sbarrier.arrive $0xFFFF  }
0x3c: {  	s15 =	simm.s32 $0x0;
	s16 =	rddreg [dreg:$0x6]  }
0x3d: {  	[tilespmem:s15], [sflag:$0x1] =	stream.linear.gather [hbm4b:s16+s15], $0x50, $0x38;
	[tilespmem:$0x1E780] =	vst v63  }
0x3e: {  	s25 =	rddreg [dreg:$0x7]  }
0x3f: {  	[tilespmem:s22], [sflag:$0x1] =	stream.linear.gather [hbm4b:s25+s15], $0x50, $0x38;
	[tilespmem:$0x1E780] =	vst v63  }
0x40: {  	s17 =	rddreg [dreg:$0x8]  }
0x41: {  	[tilespmem:s23], [sflag:$0x2] =	stream.linear.gather [hbm4b:s17+s15], $0x50, $0x38;
	[tilespmem:$0x1E780] =	vst v63  }
0x42: {  	s18 =	rddreg [dreg:$0x9]  }
0x43: {  	[tilespmem:s24], [sflag:$0x2] =	stream.linear.gather [hbm4b:s18+s15], $0x50, $0x38;
	[tilespmem:$0x1E780] =	vst v63  }
0x44: {  	s25 =	rddreg [dreg:$0xa]  }
0x45: {  	[tilespmem:s26], [sflag:$0x3] =	stream.linear.gather [hbm4b:s25+s15], $0x50, $0x38;
	[tilespmem:$0x1E780] =	vst v63  }
0x46: {  	s17 =	rddreg [dreg:$0xb]  }
0x47: {  	[tilespmem:s28], [sflag:$0x3] =	stream.linear.gather [hbm4b:s17+s15], $0x50, $0x38;
	[tilespmem:$0x1E780] =	vst v63  }
0x48: {  	_ =	swait.ge [sflag:s29], $0x50  }
0x49: {  	[sflag:s29] =	ssyncset.done $0x0  }
0x4a: {  	[sflag:s29] =	ssyncadd.s32 $0xFFFFFFB0  }
0x4b: {  	_ =	swait.ge [sflag:s29], $0x50  }
0x4c: {  	[sflag:s29] =	ssyncset.done $0x0  }
0x4d: {  	[sflag:s29] =	ssyncadd.s32 $0xFFFFFFB0  }
0x4e: {  	[tilespmem:s30], [sflag:$0x5] =	stream.indirect.gather [hbm4b:s10+s22], $0x80, s15, s22, $0xb8;
	[tilespmem:$0x1E780] =	vst v63  }
0x4f: {  	_ =	swait.ge [sflag:s31], $0x50  }
0x50: {  	[sflag:s31] =	ssyncset.done $0x0  }
0x51: {  	[sflag:s31] =	ssyncadd.s32 $0xFFFFFFB0  }
0x52: {  	_ =	swait.ge [sflag:s31], $0x50  }
0x53: {  	[sflag:s31] =	ssyncset.done $0x0;
	s18 =	rddreg [dreg:$0x5]  }
0x54: {  	s25 =	rddreg [dreg:$0x4];
	[sflag:s31] =	ssyncadd.s32 $0xFFFFFFB0;
	s15 =	sadd.s32 $0x0, s18  }
0x55: {  	[tilespmem:s0], [sflag:$0x6] =	stream.indirect.gather [hbm4b:s10+s22], $0x80, s23, s22, $0xb8;
	[tilespmem:$0x1E780] =	vst v63  }
0x56: {  	s16 =	sadd.s32 $0x0, s25;
	s17 =	sadd.s32 $0x1E, s15  }
0x57: {  	[tilespmem:s2], [sflag:$0x4] =	stream.linear.gather [hbm4b:s17+s3], $0x50, $0x38;
	[tilespmem:$0x1E780] =	vst v63  }
0x58: {  	s18 =	sadd.s32 $0x1E, s16  }
0x59: {  	[tilespmem:s4], [sflag:$0x4] =	stream.linear.gather [hbm4b:s18+s3], $0x50, $0x38;
	[tilespmem:$0x1E780] =	vst v63  }
0x5a: {  	_ =	swait.ge [sflag:s5], $0x50  }
0x5b: {  	[sflag:s5] =	ssyncset.done $0x0  }
0x5c: {  	[sflag:s5] =	ssyncadd.s32 $0xFFFFFFB0  }
0x5d: {  	_ =	swait.ge [sflag:s5], $0x50  }
0x5e: {  	[sflag:s5] =	ssyncset.done $0x0  }
0x5f: {  	[sflag:s5] =	ssyncadd.s32 $0xFFFFFFB0  }
0x60: {  	[tilespmem:s6], [sflag:$0x7] =	stream.indirect.gather [hbm4b:s10+s22], $0x80, s26, s22, $0xb8;
	[tilespmem:$0x1E780] =	vst v63  }
0x61: {  	_ =	swait.ge [sflag:s7], $0x2800  }
0x62: {  	[sflag:s7] =	ssyncset.done $0x0  }
0x63: {  	[sflag:s7] =	ssyncadd.s32 $0xFFFFD800  }
0x64: {  	[spmem:s1] =	stream.indirect.scatter.add.f32 [tilespmem:s30], [sflag:$0x9], $0x80, s22, s22, $0xb8;
	[tilespmem:$0x1E780] =	vst v63  }
0x65: {  	_ =	swait.ge [sflag:s21], $0x2800  }
0x66: {  	[sflag:s21] =	ssyncset.done $0x0  }
0x67: {  	s25 =	sadd.s32 $0x28, s15;
	[sflag:s21] =	ssyncadd.s32 $0xFFFFD800  }
0x68: {  	[tilespmem:s3], [sflag:$0x1] =	stream.linear.gather [hbm4b:s25+s3], $0x50, $0x38;
	[tilespmem:$0x1E780] =	vst v63  }
0x69: {  	s18 =	sadd.s32 $0x28, s16  }
0x6a: {  	[tilespmem:s22], [sflag:$0x1] =	stream.linear.gather [hbm4b:s18+s3], $0x50, $0x38;
	[tilespmem:$0x1E780] =	vst v63  }
0x6b: {  	_ =	swait.ge [sflag:s8], $0x50  }
0x6c: {  	[sflag:s8] =	ssyncset.done $0x0  }
0x6d: {  	[sflag:s8] =	ssyncadd.s32 $0xFFFFFFB0  }
0x6e: {  	_ =	swait.ge [sflag:s8], $0x50  }
0x6f: {  	[sflag:s8] =	ssyncset.done $0x0  }
0x70: {  	[sflag:s8] =	ssyncadd.s32 $0xFFFFFFB0  }
0x71: {  	[tilespmem:s9], [sflag:$0x8] =	stream.indirect.gather [hbm4b:s10+s22], $0x80, s2, s22, $0xb8;
	[tilespmem:$0x1E780] =	vst v63  }
0x72: {  	_ =	swait.ge [sflag:s11], $0x2800  }
0x73: {  	[sflag:s11] =	ssyncset.done $0x0  }
0x74: {  	[sflag:s11] =	ssyncadd.s32 $0xFFFFD800  }
0x75: {  	[spmem:s1] =	stream.indirect.scatter.add.f32 [tilespmem:s0], [sflag:$0x9], $0x80, s24, s22, $0xb8;
	[tilespmem:$0x1E780] =	vst v63  }
0x76: {  	_ =	swait.ge [sflag:s21], $0x2800  }
0x77: {  	[sflag:s21] =	ssyncset.done $0x0  }
0x78: {  	s25 =	sadd.s32 $0x32, s15;
	[sflag:s21] =	ssyncadd.s32 $0xFFFFD800  }
0x79: {  	[tilespmem:s23], [sflag:$0x2] =	stream.linear.gather [hbm4b:s25+s3], $0x50, $0x38;
	[tilespmem:$0x1E780] =	vst v63  }
0x7a: {  	s18 =	sadd.s32 $0x32, s16  }
0x7b: {  	[tilespmem:s24], [sflag:$0x2] =	stream.linear.gather [hbm4b:s18+s3], $0x50, $0x38;
	[tilespmem:$0x1E780] =	vst v63  }
0x7c: {  	_ =	swait.ge [sflag:s29], $0x50  }
0x7d: {  	[sflag:s29] =	ssyncset.done $0x0  }
0x7e: {  	[sflag:s29] =	ssyncadd.s32 $0xFFFFFFB0  }
0x7f: {  	_ =	swait.ge [sflag:s29], $0x50  }
0x80: {  	[sflag:s29] =	ssyncset.done $0x0  }
0x81: {  	[sflag:s29] =	ssyncadd.s32 $0xFFFFFFB0  }
0x82: {  	[tilespmem:s30], [sflag:$0x5] =	stream.indirect.gather [hbm4b:s10+s22], $0x80, s3, s22, $0xb8;
	[tilespmem:$0x1E780] =	vst v63  }
0x83: {  	_ =	swait.ge [sflag:s12], $0x2800  }
0x84: {  	[sflag:s12] =	ssyncset.done $0x0  }
0x85: {  	[sflag:s12] =	ssyncadd.s32 $0xFFFFD800  }
0x86: {  	[spmem:s1] =	stream.indirect.scatter.add.f32 [tilespmem:s6], [sflag:$0x9], $0x80, s28, s22, $0xb8;
	[tilespmem:$0x1E780] =	vst v63  }
0x87: {  	_ =	swait.ge [sflag:s21], $0x2800  }
0x88: {  	[sflag:s21] =	ssyncset.done $0x0  }
0x89: {  	s15 =	sadd.s32 $0x3C, s15;
	[sflag:s21] =	ssyncadd.s32 $0xFFFFD800  }
0x8a: {  	[tilespmem:s26], [sflag:$0x3] =	stream.linear.gather [hbm4b:s15+s3], $0x50, $0x38;
	[tilespmem:$0x1E780] =	vst v63  }
0x8b: {  	s25 =	sadd.s32 $0x3C, s16  }
0x8c: {  	[tilespmem:s28], [sflag:$0x3] =	stream.linear.gather [hbm4b:s25+s3], $0x50, $0x38;
	[tilespmem:$0x1E780] =	vst v63  }
0x8d: {  	_ =	swait.ge [sflag:s31], $0x50  }
0x8e: {  	[sflag:s31] =	ssyncset.done $0x0  }
0x8f: {  	[sflag:s31] =	ssyncadd.s32 $0xFFFFFFB0  }
0x90: {  	_ =	swait.ge [sflag:s31], $0x50  }
0x91: {  	[sflag:s31] =	ssyncset.done $0x0  }
0x92: {  	[sflag:s31] =	ssyncadd.s32 $0xFFFFFFB0  }
0x93: {  	[tilespmem:s0], [sflag:$0x6] =	stream.indirect.gather [hbm4b:s10+s22], $0x80, s23, s22, $0xb8;
	[tilespmem:$0x1E780] =	vst v63  }
0x94: {  	_ =	swait.ge [sflag:s13], $0x2800  }
0x95: {  	[sflag:s13] =	ssyncset.done $0x0  }
0x96: {  	[sflag:s13] =	ssyncadd.s32 $0xFFFFD800  }
0x97: {  	[spmem:s1] =	stream.indirect.scatter.add.f32 [tilespmem:s9], [sflag:$0x9], $0x80, s4, s22, $0xb8;
	[tilespmem:$0x1E780] =	vst v63  }
0x98: {  	s15 =	simm.s32 $0x28;
	_ =	swait.ge [sflag:s21], $0x2800  }
.LBB2_6:
0x99: {  	s16 =	rddreg [dreg:$0x5];
	s17 =	smov.u32 s15  }
0x9a: {  	s18 =	rddreg [dreg:$0x4];
	[sflag:s21] =	ssyncset.done $0x0;
	s16 =	sadd.s32 s17, s16  }
0x9b: {  	s17 =	sadd.s32 s17, s18;
	[sflag:s21] =	ssyncadd.s32 $0xFFFFD800;
	s25 =	sadd.s32 $0x1E, s16  }
0x9c: {  	[tilespmem:s2], [sflag:$0x4] =	stream.linear.gather [hbm4b:s25+s3], $0x50, $0x38;
	[tilespmem:$0x1E780] =	vst v63  }
0x9d: {  	s18 =	sadd.s32 $0x1E, s17  }
0x9e: {  	[tilespmem:s4], [sflag:$0x4] =	stream.linear.gather [hbm4b:s18+s3], $0x50, $0x38;
	[tilespmem:$0x1E780] =	vst v63  }
0x9f: {  	_ =	swait.ge [sflag:s5], $0x50  }
0xa0: {  	[sflag:s5] =	ssyncset.done $0x0  }
0xa1: {  	[sflag:s5] =	ssyncadd.s32 $0xFFFFFFB0  }
0xa2: {  	_ =	swait.ge [sflag:s5], $0x50  }
0xa3: {  	[sflag:s5] =	ssyncset.done $0x0  }
0xa4: {  	[sflag:s5] =	ssyncadd.s32 $0xFFFFFFB0  }
0xa5: {  	[tilespmem:s6], [sflag:$0x7] =	stream.indirect.gather [hbm4b:s10+s22], $0x80, s26, s22, $0xb8;
	[tilespmem:$0x1E780] =	vst v63  }
0xa6: {  	_ =	swait.ge [sflag:s7], $0x2800  }
0xa7: {  	[sflag:s7] =	ssyncset.done $0x0  }
0xa8: {  	[sflag:s7] =	ssyncadd.s32 $0xFFFFD800  }
0xa9: {  	[spmem:s1] =	stream.indirect.scatter.add.f32 [tilespmem:s30], [sflag:$0x9], $0x80, s22, s22, $0xb8;
	[tilespmem:$0x1E780] =	vst v63  }
0xaa: {  	_ =	swait.ge [sflag:s21], $0x2800  }
0xab: {  	[sflag:s21] =	ssyncset.done $0x0  }
0xac: {  	s25 =	sadd.s32 $0x28, s16;
	[sflag:s21] =	ssyncadd.s32 $0xFFFFD800  }
0xad: {  	[tilespmem:s3], [sflag:$0x1] =	stream.linear.gather [hbm4b:s25+s3], $0x50, $0x38;
	[tilespmem:$0x1E780] =	vst v63  }
0xae: {  	s25 =	sadd.s32 $0x28, s17  }
0xaf: {  	[tilespmem:s22], [sflag:$0x1] =	stream.linear.gather [hbm4b:s25+s3], $0x50, $0x38;
	[tilespmem:$0x1E780] =	vst v63  }
0xb0: {  	_ =	swait.ge [sflag:s8], $0x50  }
0xb1: {  	[sflag:s8] =	ssyncset.done $0x0  }
0xb2: {  	[sflag:s8] =	ssyncadd.s32 $0xFFFFFFB0  }
0xb3: {  	_ =	swait.ge [sflag:s8], $0x50  }
0xb4: {  	[sflag:s8] =	ssyncset.done $0x0  }
0xb5: {  	[sflag:s8] =	ssyncadd.s32 $0xFFFFFFB0  }
0xb6: {  	[tilespmem:s9], [sflag:$0x8] =	stream.indirect.gather [hbm4b:s10+s22], $0x80, s2, s22, $0xb8;
	[tilespmem:$0x1E780] =	vst v63  }
0xb7: {  	_ =	swait.ge [sflag:s11], $0x2800  }
0xb8: {  	[sflag:s11] =	ssyncset.done $0x0  }
0xb9: {  	[sflag:s11] =	ssyncadd.s32 $0xFFFFD800  }
0xba: {  	[spmem:s1] =	stream.indirect.scatter.add.f32 [tilespmem:s0], [sflag:$0x9], $0x80, s24, s22, $0xb8;
	[tilespmem:$0x1E780] =	vst v63  }
0xbb: {  	_ =	swait.ge [sflag:s21], $0x2800  }
0xbc: {  	[sflag:s21] =	ssyncset.done $0x0  }
0xbd: {  	s25 =	sadd.s32 $0x32, s16;
	[sflag:s21] =	ssyncadd.s32 $0xFFFFD800  }
0xbe: {  	[tilespmem:s23], [sflag:$0x2] =	stream.linear.gather [hbm4b:s25+s3], $0x50, $0x38;
	[tilespmem:$0x1E780] =	vst v63  }
0xbf: {  	s25 =	sadd.s32 $0x32, s17  }
0xc0: {  	[tilespmem:s24], [sflag:$0x2] =	stream.linear.gather [hbm4b:s25+s3], $0x50, $0x38;
	[tilespmem:$0x1E780] =	vst v63  }
0xc1: {  	_ =	swait.ge [sflag:s29], $0x50  }
0xc2: {  	[sflag:s29] =	ssyncset.done $0x0  }
0xc3: {  	[sflag:s29] =	ssyncadd.s32 $0xFFFFFFB0  }
0xc4: {  	_ =	swait.ge [sflag:s29], $0x50  }
0xc5: {  	[sflag:s29] =	ssyncset.done $0x0  }
0xc6: {  	[sflag:s29] =	ssyncadd.s32 $0xFFFFFFB0  }
0xc7: {  	[tilespmem:s30], [sflag:$0x5] =	stream.indirect.gather [hbm4b:s10+s22], $0x80, s3, s22, $0xb8;
	[tilespmem:$0x1E780] =	vst v63  }
0xc8: {  	_ =	swait.ge [sflag:s12], $0x2800  }
0xc9: {  	[sflag:s12] =	ssyncset.done $0x0  }
0xca: {  	[sflag:s12] =	ssyncadd.s32 $0xFFFFD800  }
0xcb: {  	[spmem:s1] =	stream.indirect.scatter.add.f32 [tilespmem:s6], [sflag:$0x9], $0x80, s28, s22, $0xb8;
	[tilespmem:$0x1E780] =	vst v63  }
0xcc: {  	_ =	swait.ge [sflag:s21], $0x2800  }
0xcd: {  	[sflag:s21] =	ssyncset.done $0x0  }
0xce: {  	s16 =	sadd.s32 $0x3C, s16;
	[sflag:s21] =	ssyncadd.s32 $0xFFFFD800  }
0xcf: {  	[tilespmem:s26], [sflag:$0x3] =	stream.linear.gather [hbm4b:s16+s3], $0x50, $0x38;
	[tilespmem:$0x1E780] =	vst v63  }
0xd0: {  	s25 =	sadd.s32 $0x3C, s17  }
0xd1: {  	[tilespmem:s28], [sflag:$0x3] =	stream.linear.gather [hbm4b:s25+s3], $0x50, $0x38;
	[tilespmem:$0x1E780] =	vst v63  }
0xd2: {  	_ =	swait.ge [sflag:s31], $0x50  }
0xd3: {  	[sflag:s31] =	ssyncset.done $0x0  }
0xd4: {  	[sflag:s31] =	ssyncadd.s32 $0xFFFFFFB0  }
0xd5: {  	_ =	swait.ge [sflag:s31], $0x50  }
0xd6: {  	[sflag:s31] =	ssyncset.done $0x0  }
0xd7: {  	p0 =	sne.s32 s15, $0x960;
	[sflag:s31] =	ssyncadd.s32 $0xFFFFFFB0  }
0xd8: {  	[tilespmem:s0], [sflag:$0x6] =	stream.indirect.gather [hbm4b:s10+s22], $0x80, s23, s22, $0xb8;
	[tilespmem:$0x1E780] =	vst v63  }
.Ltmp2:
0xd9: {  	_ =	swait.ge [sflag:s13], $0x2800;
	(pc) =	sbr.rel @p0 .LBB2_6-.Ltmp2, $4  }
0xda: {  	[sflag:s13] =	ssyncset.done $0x0  }
0xdb: {  	[sflag:s13] =	ssyncadd.s32 $0xFFFFD800  }
0xdc: {  	[spmem:s1] =	stream.indirect.scatter.add.f32 [tilespmem:s9], [sflag:$0x9], $0x80, s4, s22, $0xb8;
	[tilespmem:$0x1E780] =	vst v63  }
0xdd: {  	s15 =	sadd.s32 $0x28, s15;
	_ =	swait.ge [sflag:s21], $0x2800  }
0xde: {  	[sflag:s21] =	ssyncset.done $0x0  }
0xdf: {  	s15 =	rddreg [dreg:$0xc];
	[sflag:s21] =	ssyncadd.s32 $0xFFFFD800  }
0xe0: {  	[tilespmem:s2], [sflag:$0x4] =	stream.linear.gather [hbm4b:s15+s3], $0x50, $0x38;
	[tilespmem:$0x1E780] =	vst v63  }
0xe1: {  	s17 =	rddreg [dreg:$0xd]  }
0xe2: {  	[tilespmem:s4], [sflag:$0x4] =	stream.linear.gather [hbm4b:s17+s3], $0x50, $0x38;
	[tilespmem:$0x1E780] =	vst v63  }
0xe3: {  	_ =	swait.ge [sflag:s5], $0x50  }
0xe4: {  	[sflag:s5] =	ssyncset.done $0x0  }
0xe5: {  	[sflag:s5] =	ssyncadd.s32 $0xFFFFFFB0  }
0xe6: {  	_ =	swait.ge [sflag:s5], $0x50  }
0xe7: {  	[sflag:s5] =	ssyncset.done $0x0  }
0xe8: {  	[sflag:s5] =	ssyncadd.s32 $0xFFFFFFB0  }
0xe9: {  	[tilespmem:s6], [sflag:$0x7] =	stream.indirect.gather [hbm4b:s10+s22], $0x80, s26, s22, $0xb8;
	[tilespmem:$0x1E780] =	vst v63  }
0xea: {  	_ =	swait.ge [sflag:s7], $0x2800  }
0xeb: {  	[sflag:s7] =	ssyncset.done $0x0  }
0xec: {  	[sflag:s7] =	ssyncadd.s32 $0xFFFFD800  }
0xed: {  	[spmem:s1] =	stream.indirect.scatter.add.f32 [tilespmem:s30], [sflag:$0x9], $0x80, s22, s22, $0xb8;
	[tilespmem:$0x1E780] =	vst v63  }
0xee: {  	_ =	swait.ge [sflag:s21], $0x2800  }
0xef: {  	[sflag:s21] =	ssyncset.done $0x0  }
0xf0: {  	s18 =	rddreg [dreg:$0xe];
	[sflag:s21] =	ssyncadd.s32 $0xFFFFD800  }
0xf1: {  	[tilespmem:s3], [sflag:$0x1] =	stream.linear.gather [hbm4b:s18+s3], $0x50, $0x38;
	[tilespmem:$0x1E780] =	vst v63  }
0xf2: {  	s25 =	rddreg [dreg:$0xf]  }
0xf3: {  	[tilespmem:s22], [sflag:$0x1] =	stream.linear.gather [hbm4b:s25+s3], $0x50, $0x38;
	[tilespmem:$0x1E780] =	vst v63  }
0xf4: {  	_ =	swait.ge [sflag:s8], $0x50  }
0xf5: {  	[sflag:s8] =	ssyncset.done $0x0  }
0xf6: {  	[sflag:s8] =	ssyncadd.s32 $0xFFFFFFB0  }
0xf7: {  	_ =	swait.ge [sflag:s8], $0x50  }
0xf8: {  	[sflag:s8] =	ssyncset.done $0x0  }
0xf9: {  	[sflag:s8] =	ssyncadd.s32 $0xFFFFFFB0  }
0xfa: {  	[tilespmem:s9], [sflag:$0x8] =	stream.indirect.gather [hbm4b:s10+s22], $0x80, s2, s22, $0xb8;
	[tilespmem:$0x1E780] =	vst v63  }
0xfb: {  	_ =	swait.ge [sflag:s11], $0x2800  }
0xfc: {  	[sflag:s11] =	ssyncset.done $0x0  }
0xfd: {  	[sflag:s11] =	ssyncadd.s32 $0xFFFFD800  }
0xfe: {  	[spmem:s1] =	stream.indirect.scatter.add.f32 [tilespmem:s0], [sflag:$0x9], $0x80, s24, s22, $0xb8;
	[tilespmem:$0x1E780] =	vst v63  }
0xff: {  	_ =	swait.ge [sflag:s21], $0x2800  }
0x100: {  	[sflag:s21] =	ssyncset.done $0x0  }
0x101: {  	s16 =	rddreg [dreg:$0x10];
	[sflag:s21] =	ssyncadd.s32 $0xFFFFD800  }
0x102: {  	[tilespmem:s23], [sflag:$0x2] =	stream.linear.gather [hbm4b:s16+s3], $0x50, $0x38;
	[tilespmem:$0x1E780] =	vst v63  }
0x103: {  	s17 =	rddreg [dreg:$0x11]  }
0x104: {  	[tilespmem:s24], [sflag:$0x2] =	stream.linear.gather [hbm4b:s17+s3], $0x50, $0x38;
	[tilespmem:$0x1E780] =	vst v63  }
0x105: {  	_ =	swait.ge [sflag:s29], $0x50  }
0x106: {  	[sflag:s29] =	ssyncset.done $0x0  }
0x107: {  	[sflag:s29] =	ssyncadd.s32 $0xFFFFFFB0  }
0x108: {  	_ =	swait.ge [sflag:s29], $0x50  }
0x109: {  	[sflag:s29] =	ssyncset.done $0x0  }
0x10a: {  	[sflag:s29] =	ssyncadd.s32 $0xFFFFFFB0  }
0x10b: {  	[tilespmem:s30], [sflag:$0x5] =	stream.indirect.gather [hbm4b:s10+s22], $0x80, s3, s22, $0xb8;
	[tilespmem:$0x1E780] =	vst v63  }
0x10c: {  	_ =	swait.ge [sflag:s12], $0x2800  }
0x10d: {  	[sflag:s12] =	ssyncset.done $0x0  }
0x10e: {  	[sflag:s12] =	ssyncadd.s32 $0xFFFFD800  }
0x10f: {  	[spmem:s1] =	stream.indirect.scatter.add.f32 [tilespmem:s6], [sflag:$0x9], $0x80, s28, s22, $0xb8;
	[tilespmem:$0x1E780] =	vst v63  }
0x110: {  	_ =	swait.ge [sflag:s21], $0x2800  }
0x111: {  	[sflag:s21] =	ssyncset.done $0x0  }
0x112: {  	[sflag:s21] =	ssyncadd.s32 $0xFFFFD800  }
0x113: {  	_ =	swait.ge [sflag:s31], $0x50  }
0x114: {  	[sflag:s31] =	ssyncset.done $0x0  }
0x115: {  	[sflag:s31] =	ssyncadd.s32 $0xFFFFFFB0  }
0x116: {  	_ =	swait.ge [sflag:s31], $0x50  }
0x117: {  	[sflag:s31] =	ssyncset.done $0x0  }
0x118: {  	[sflag:s31] =	ssyncadd.s32 $0xFFFFFFB0  }
0x119: {  	[tilespmem:s0], [sflag:$0x6] =	stream.indirect.gather [hbm4b:s10+s22], $0x80, s23, s22, $0xb8;
	[tilespmem:$0x1E780] =	vst v63  }
0x11a: {  	_ =	swait.ge [sflag:s13], $0x2800  }
0x11b: {  	[sflag:s13] =	ssyncset.done $0x0  }
0x11c: {  	[sflag:s13] =	ssyncadd.s32 $0xFFFFD800  }
0x11d: {  	[spmem:s1] =	stream.indirect.scatter.add.f32 [tilespmem:s9], [sflag:$0x9], $0x80, s4, s22, $0xb8;
	[tilespmem:$0x1E780] =	vst v63  }
0x11e: {  	_ =	swait.ge [sflag:s21], $0x2800  }
0x11f: {  	[sflag:s21] =	ssyncset.done $0x0  }
0x120: {  	[sflag:s21] =	ssyncadd.s32 $0xFFFFD800  }
0x121: {  	_ =	swait.ge [sflag:s7], $0x2800  }
0x122: {  	[sflag:s7] =	ssyncset.done $0x0  }
0x123: {  	[sflag:s7] =	ssyncadd.s32 $0xFFFFD800  }
0x124: {  	[spmem:s1] =	stream.indirect.scatter.add.f32 [tilespmem:s30], [sflag:$0x9], $0x80, s22, s22, $0xb8;
	[tilespmem:$0x1E780] =	vst v63  }
0x125: {  	_ =	swait.ge [sflag:s21], $0x2800  }
0x126: {  	[sflag:s21] =	ssyncset.done $0x0  }
0x127: {  	[sflag:s21] =	ssyncadd.s32 $0xFFFFD800  }
0x128: {  	_ =	swait.ge [sflag:s11], $0x2800  }
0x129: {  	[sflag:s11] =	ssyncset.done $0x0  }
0x12a: {  	[sflag:s11] =	ssyncadd.s32 $0xFFFFD800  }
0x12b: {  	[spmem:s1] =	stream.indirect.scatter.add.f32 [tilespmem:s0], [sflag:$0x9], $0x80, s24, s22, $0xb8;
	[tilespmem:$0x1E780] =	vst v63  }
0x12c: {  	_ =	swait.ge [sflag:s21], $0x2800  }
0x12d: {  	[sflag:s21] =	ssyncset.done $0x0  }
0x12e: {  	[sflag:s21] =	ssyncadd.s32 $0xFFFFD800  }
0x12f: {  	s18 =	stileid.u32;
	[bflag:$0x0] =	sbarrier.arrive $0xFFFF  }
0x130: {  	s15 =	sshll.u32 s18, $0x6;
	s16 =	rddreg [dreg:$0x12]  }
0x131: {  	s15 =	sor.u32 $0x1C09, s15;
	s17 =	rddreg [dreg:$0x14]  }
0x132: {  	[hbm:s16], [sflag:s15] =	dma.local [spmem:s17], $0x2710  }
0x133: {  	_ =	swait.ge [sflag:s21], $0x2710  }
0x134: {  	s14 =	sadd.s32 $0x1, s14;
	s25 =	rddreg [dreg:$0x13]  }
0x135: {  	p0 =	sne.s32 s14, s25  }
.Ltmp3:
0x136: {  	_ = 	snop;
	(pc) =	sbr.rel @p0 .LBB2_1-.Ltmp3, $3  }
0x137: {  	_ =	sdelay $0x1  }
0x138: {  	[sflag:s21] =	ssyncset.done $0x0  }
0x139: {  	[sflag:s21] =	ssyncadd.s32 $0xFFFFD8F0  }
0x13a: {  	_ =	sfence.sel $0x180000  }
0x13b: {  	[bflag:$0x0] =	sbarrier.arrive $0xFFFF  }
0x13c: {  	_ =	strace $0x9000004D  }
0x13d: {  	s0 =	stileid.u32;
	[bflag:$0x2] =	sbarrier.arrive $0xFFFF  }
0x13e: {  	p0 =	sne.s32 s0, $0x0;
	s0 =	rddreg [dreg:$0x3]  }
0x13f: {  	s0 =	sadd.s32 @!p0 $0x100000, s0  }
0x140: {  	[sflag:s0] =	ssyncadd.tile.s32 @!p0 $0x1;
	_ =	shalt  }
.Lfunc_end2:
_tile_overlayer_lowered:
.L_overlay_start_2:
0x141: {  	(tag) =	ssettag $0x2  }
0x142: {  	s0 =	rddreg [dreg:$0x0];
	s2 =	stileid.u32  }
0x143: {  	s1 =	rddreg [dreg:$0x1];
	p0 =	sne.s32 s2, $0x0  }
0x144: {  	s3 =	rddreg [dreg:$0x2];
	[bflag:$0x3] =	sbarrier.arrive $0xFFFF;
	s2 =	simm.s32 @!p0 $0x1C09  }
0x145: {  	[timem:s3], [sflag:s2] =	dma.local @!p0 [hbm:s0], s1  }
0x146: {  	s0 =	simm.s32 @!p0 $0x9  }
0x147: {  	_ =	swait.ge @!p0 [sflag:s0], s1  }
0x148: {  	s1 =	ssub.s32 @!p0 $0x0, s1;
	[sflag:s0] =	ssyncset.done @!p0 $0x0  }
0x149: {  	[sflag:s0] =	ssyncadd.s32 @!p0 s1  }
0x14a: {  	[bflag:$0x3] =	sbarrier.arrive $0xFFFF  }
0x14b: {  	_ =	shalt  }

// kernel: kernel.19.cloned.1.call-start
scs
__scs_entry_jumppad:
0x0: {  	(pc) =	sbr.rel $0x88, $3  }
0x1: {  	(tag) =	ssettag $0x0;
	lr =	simm.s32 $0x1  }
0x2: {  	[smem:$0x3F9C] =	sst lr;
	_ =	strace $0xD0000000  }
0x3: {  	_ = 	snop  }
0x4: {  	_ = 	snop  }
0x5: {  	_ = 	snop  }
0x6: {  	_ = 	snop  }
0x7: {  	_ = 	snop  }
__scs_overlays_trampoline_lowered:
0x8: {  	[smem:$0x3FAB] =	sst s0  }
0x9: {  	[smem:$0x3FAC] =	sst s1  }
0xa: {  	[smem:$0x3FAD] =	sst s2  }
0xb: {  	[smem:$0x3FAE] =	sst s3  }
0xc: {  	[smem:$0x3FAF] =	sst s4  }
0xd: {  	[smem:$0x3FB0] =	sst s5  }
0xe: {  	[smem:$0x3FB1] =	sst s6  }
0xf: {  	[smem:$0x3FB2] =	sst s7  }
0x10: {  	[smem:$0x3FB3] =	sst s8  }
0x11: {  	[smem:$0x3FB4] =	sst s9;
	s0 =	simm.s32 @!p0 $0x0  }
0x12: {  	s1 =	sld [smem:$0x3F9A];
	s0 =	simm.s32 @p0 $0x1  }
0x13: {  	[smem:$0x3FB5] =	sst s0;
	s0 =	simm.s32 @!p1 $0x0  }
0x14: {  	s2 =	sld [smem:$0x3F99];
	s0 =	simm.s32 @p1 $0x1  }
0x15: {  	[smem:$0x3FB6] =	sst s0;
	s0 =	simm.s32 @!p2 $0x0  }
0x16: {  	s3 =	sld [smem:$0x3FDB];
	s0 =	simm.s32 @p2 $0x1  }
0x17: {  	s4 =	simm.s32 $0x1BF5;
	[smem:$0x3FB8] =	sst s0  }
0x18: {  	s0 =	sld [smem:$0x3F9B];
	_ =	swait.ge [sflag:s4], $0x0  }
0x19: {  	s7 =	sld [smem:$0x3F9C]  }
0x1a: {  	s8 =	sadd.s32 $0xFFFFE003, lr  }
0x1b: {  	s9 =	sadd.s32 $0xFFFFFEF7, lr;
	s5 =	simm.s32 $0xFFFFFFFF;
	p2 =	slt.u32 s8, $0xFFFFF086  }
0x1c: {  	p1 =	slt.u32 s9, $0xF7A;
	s5 =	simm.s32 @!p2 $0x0  }
0x1d: {  	s5 =	simm.s32 @p1 $0x1;
	p0 =	seq.s32 s7, s2  }
0x1e: {  	s7 =	smul.u32 @!p0 $0xF7A, s2;
	p2 =	seq.s32 @!p0 s5, $0x0  }
0x1f: {  	s9 =	smul.u32 $0xF7A, s1;
	s8 =	simm.s32 @!p0 $0x1BF5;
	p2 =	por !p2, p0  }
0x20: {  	[sflag:s8] =	ssyncset.s32 @!p0 $0xFFFFF086;
	s6 =	sadd.s32 @!p0 s3, s7;
	s7 =	simm.s32 @!p0 $0x108  }
0x21: {  	s3 =	sadd.s32 s3, s9;
	s6 =	sadd.s32 @!p0 $0x88, s6;
	s7 =	simm.s32 @p2 $0x1082  }
0x22: {  	[simem:s7], [sflag:s8] =	dma.local @!p0 [hbm:s6], $0xF7A  }
0x23: {  	s9 =	sor.u32 $0xD0000000, s2;
	s6 =	simm.s32 $0x108;
	_ =	swait.ge @!p0 [sflag:s8], $0x0  }
0x24: {  	s3 =	sadd.s32 $0x88, s3;
	s6 =	simm.s32 @!p1 $0x1082;
	[sflag:s4] =	ssyncset.s32 $0xFFFFF086  }
0x25: {  	[simem:s6], [sflag:s4] =	dma.local [hbm:s3], $0xF7A  }
0x26: {  	[smem:$0x3F9C] =	sst s1;
	(tag) =	ssettag s2;
	_ =	strace s9  }
0x27: {  	s1 =	sld [smem:$0x3FAC]  }
0x28: {  	s2 =	sld [smem:$0x3FAD]  }
0x29: {  	s4 =	sld [smem:$0x3FAF]  }
0x2a: {  	p0 =	seq.s32 s5, $0x0;
	s5 =	sld [smem:$0x3FB0]  }
0x2b: {  	s6 =	sld [smem:$0x3FB1]  }
0x2c: {  	s7 =	sld [smem:$0x3FB2]  }
0x2d: {  	s3 =	simm.s32 $0x108;
	s8 =	sld [smem:$0x3FB3]  }
0x2e: {  	s3 =	simm.s32 @!p0 $0x1082;
	s9 =	sld [smem:$0x3FB4]  }
0x2f: {  	lr =	sadd.s32 s0, s3;
	s0 =	sld [smem:$0x3FAB]  }
0x30: {  	s3 =	sld [smem:$0x3FAE]  }
0x31: {  	[smem:$0x3FB7] =	sst s10  }
0x32: {  	s10 =	sld [smem:$0x3FB5];
	_ =	sdelay $0x3  }
0x33: {  	p0 =	seq.s32 s10, $0x1;
	s10 =	sld [smem:$0x3FB7];
	_ =	sdelay $0x3  }
0x34: {  	[smem:$0x3FB7] =	sst s10  }
0x35: {  	s10 =	sld [smem:$0x3FB6];
	_ =	sdelay $0x3  }
0x36: {  	p1 =	seq.s32 s10, $0x1;
	s10 =	sld [smem:$0x3FB7];
	_ =	sdelay $0x3  }
0x37: {  	[smem:$0x3FB7] =	sst s10  }
0x38: {  	s10 =	sld [smem:$0x3FB8]  }
0x39: {  	_ = 	snop;
	(pc) =	sbr.ind lr, $3  }
0x3a: {  	_ = 	snop  }
0x3b: {  	_ = 	snop  }
0x3c: {  	p2 =	seq.s32 s10, $0x1;
	s10 =	sld [smem:$0x3FB7]  }
0x3d: {  	_ =	shalt  }
0x3e: {  	_ =	shalt  }
0x3f: {  	_ =	shalt  }
0x40: {  	_ =	shalt  }
0x41: {  	_ =	shalt  }
0x42: {  	_ =	shalt  }
0x43: {  	_ =	shalt  }
0x44: {  	_ =	shalt  }
0x45: {  	_ =	shalt  }
0x46: {  	_ =	shalt  }
0x47: {  	_ =	shalt  }
0x48: {  	_ =	shalt  }
0x49: {  	_ =	shalt  }
0x4a: {  	_ =	shalt  }
0x4b: {  	_ =	shalt  }
0x4c: {  	_ =	shalt  }
0x4d: {  	_ =	shalt  }
0x4e: {  	_ =	shalt  }
0x4f: {  	_ =	shalt  }
0x50: {  	_ =	shalt  }
0x51: {  	_ =	shalt  }
0x52: {  	_ =	shalt  }
0x53: {  	_ =	shalt  }
0x54: {  	_ =	shalt  }
0x55: {  	_ =	shalt  }
0x56: {  	_ =	shalt  }
0x57: {  	_ =	shalt  }
0x58: {  	_ =	shalt  }
0x59: {  	_ =	shalt  }
0x5a: {  	_ =	shalt  }
0x5b: {  	_ =	shalt  }
0x5c: {  	_ =	shalt  }
0x5d: {  	_ =	shalt  }
0x5e: {  	_ =	shalt  }
0x5f: {  	_ =	shalt  }
0x60: {  	_ =	shalt  }
0x61: {  	_ =	shalt  }
0x62: {  	_ =	shalt  }
0x63: {  	_ =	shalt  }
0x64: {  	_ =	shalt  }
0x65: {  	_ =	shalt  }
0x66: {  	_ =	shalt  }
0x67: {  	_ =	shalt  }
0x68: {  	_ =	shalt  }
0x69: {  	_ =	shalt  }
0x6a: {  	_ =	shalt  }
0x6b: {  	_ =	shalt  }
0x6c: {  	_ =	shalt  }
0x6d: {  	_ =	shalt  }
0x6e: {  	_ =	shalt  }
0x6f: {  	_ =	shalt  }
0x70: {  	_ =	shalt  }
0x71: {  	_ =	shalt  }
0x72: {  	_ =	shalt  }
0x73: {  	_ =	shalt  }
0x74: {  	_ =	shalt  }
0x75: {  	_ =	shalt  }
0x76: {  	_ =	shalt  }
0x77: {  	_ =	shalt  }
0x78: {  	_ =	shalt  }
0x79: {  	_ =	shalt  }
0x7a: {  	_ =	shalt  }
0x7b: {  	_ =	shalt  }
0x7c: {  	_ =	shalt  }
0x7d: {  	_ =	shalt  }
0x7e: {  	_ =	shalt  }
0x7f: {  	_ =	shalt  }
0x80: {  	_ =	shalt  }
0x81: {  	_ =	shalt  }
0x82: {  	_ =	shalt  }
0x83: {  	_ =	shalt  }
0x84: {  	_ =	shalt  }
0x85: {  	_ =	shalt  }
0x86: {  	_ =	shalt  }
0x87: {  	_ =	shalt  }
.Lfunc_end0:
.L_simem_size_0:
called_computation.3_lowered:
.L_overlay_start_0:
0x88: {  	s2 =	sld [smem:$0x3FD9]  }
0x89: {  	s3 =	sld [smem:$0x3FFE];
	_ =	sdelay $0x1  }
0x8a: {  	s1 =	srdreg.scid  }
0x8b: {  	s0 =	sand.u32 $0x1, s1  }
0x8c: {  	s17 =	sshll.u32 s0, $0xA;
	s2 =	sadd.s32 s3, s2  }
0x8d: {  	s2 =	sadd.s32 s2, s17  }
0x8e: {  	[smem:$0x3FC3] =	sst s2  }
0x8f: {  	_ = 	snop  }
0x90: {  	s2 =	sld [smem:$0x3FD0];
	(tm) =	ssettm $0x1  }
0x91: {  	s18 =	sld [smem:$0x3FFB];
	_ =	sdelay $0x3  }
0x92: {  	_ =	strace s18  }
0x93: {  	s3 =	sld [smem:$0x3FFC];
	_ =	sdelay $0x3  }
0x94: {  	_ =	strace s3  }
0x95: {  	s3 =	sld [smem:$0x3FFD];
	_ =	sdelay $0x3  }
0x96: {  	_ =	strace s3  }
0x97: {  	_ =	strace $0x8FFFFFFF  }
0x98: {  	s19 =	sld [smem:$0x3FDB];
	_ =	sdelay $0x1  }
0x99: {  	s4 =	simm.s32 $_scs_section_size  }
0x9a: {  	s5 =	simm.s32 $_size__tile_overlayer_lowered;
	s6 =	simm.s32 $_tile_overlayer_lowered  }
0x9b: {  	s22 =	simm.s32 $0x1BFF;
	s21 =	sshll.u32 s6, $0x1;
	s3 =	sadd.s32 s4, s19  }
0x9c: {  	s7 =	simm.s32 $0x0;
	s20 =	sshll.u32 s5, $0x1;
	s5 =	sadd.s32 s21, s3  }
0x9d: {  	[timem:s7], [sflag:s22] =	dma.local [hbm:s5], s20  }
0x9e: {  	_ =	swait.ge [sflag:s22], s20  }
0x9f: {  	s4 =	ssub.s32 $0x0, s20;
	[sflag:s22] =	ssyncset.done $0x0  }
0xa0: {  	[sflag:s22] =	ssyncadd.s32 s4;
	_ =	sdelay $0x1  }
0xa1: {  	s23 =	simm.s32 $0x1B8B  }
0xa2: {  	_ =	swait.ge [sflag:s23], $0x1  }
0xa3: {  	[sflag:s23] =	ssyncset.done $0x0  }
0xa4: {  	s25 =	simm.s32 $0x1B8E;
	s24 =	sld [smem:$0x3FFE];
	[sflag:s23] =	ssyncadd.s32 $0xFFFFFFFF  }
0xa5: {  	s26 =	simm.s32 $execute0_lowered;
	[smem:$0x3FD2] =	sst s25  }
0xa6: {  	s5 =	sshll.u32 s26, $0x1;
	_ =	strace $0x8000004F;
	[dreg:$0x1] =	wrdreg $0xFFFFFFFF  }
0xa7: {  	s28 =	simm.s32 $_size_execute0_lowered;
	s3 =	sadd.s32 s3, s5;
	[dreg:$0x0] =	wrdreg $0x0  }
0xa8: {  	s5 =	sshll.u32 s28, $0x1;
	[dreg:$0x2] =	wrdreg s3  }
0xa9: {  	[dreg:$0x3] =	wrdreg s5  }
0xaa: {  	[dreg:$0x4] =	wrdreg $0xC0  }
0xab: {  	_ =	task [dreg:s7], $0x5FFFF  }
0xac: {  	[dreg:$0x1] =	wrdreg $0xFFFFFFFF  }
0xad: {  	[dreg:$0x0] =	wrdreg $0x60  }
0xae: {  	[dreg:$0x2] =	wrdreg s24  }
0xaf: {  	[dreg:$0x3] =	wrdreg s2  }
0xb0: {  	[dreg:$0x4] =	wrdreg $0xAF000  }
0xb1: {  	[dreg:$0x5] =	wrdreg $0x9  }
0xb2: {  	_ =	task.clear_ibuf [dreg:s7], $0x6FFFF;
	_ =	strace $0x9000004F  }
0xb3: {  	s29 =	simm.s32 $0x9;
	_ =	strace $0x80000051  }
0xb4: {  	_ =	swait.ge [sflag:s29], $0x1  }
0xb5: {  	[sflag:s29] =	ssyncadd.s32 $0xFFFFFFFF  }
0xb6: {  	_ =	strace $0x90000051  }
0xb7: {  	_ =	sfence  }
0xb8: {  	s30 =	sld [smem:$0x0];
	_ =	sdelay $0x2  }
0xb9: {  	s31 =	sshll.u32 s1, $0xD;
	s1 =	sshrl.u32 s1, $0x2  }
0xba: {  	s3 =	sand.u32 $0x4000, s31;
	s1 =	sadd.s32 s1, s30  }
0xbb: {  	s0 =	sor.u32 s3, s0;
	s1 =	sshll.u32 s1, $0x11  }
0xbc: {  	s0 =	sor.u32 s1, s0  }
0xbd: {  	s0 =	sadd.s32 $0x8F2B, s0  }
0xbe: {  	[sflag:s0] =	ssyncadd.remote.s32 $0x1  }
0xbf: {  	_ =	sfence.sel $0xFFFF  }
0xc0: {  	[dreg:$0x0] =	wrdreg $0xFFFFFFFF;
	(pc) =	sbr.abs _section_cstart, $3  }
0xc1: {  	[dreg:$0x1] =	wrdreg $0xFFFFFFFF  }
0xc2: {  	_ =	task.clear_ibuf [dreg:s7], $0x2FFFF;
	_ =	strace $0x9FFFFFFF  }
0xc3: {  	(tm) =	ssettm $0x7FFFFFFF  }
tec
execute0_lowered:
.L_overlay_start_1:
0x0: {  	(tag) =	ssettag $0x1  }
0x1: {  	s0 =	rddreg [dreg:$0x0]  }
0x2: {  	s4 =	rddreg [dreg:$0x1]  }
0x3: {  	s1 =	srdreg.scid;
	s2 =	rddreg [dreg:$0x2];
	s3 =	simm.s32 $0x0  }
0x4: {  	s12 =	stileid.u32;
	s28 =	simm.s32 $0x190;
	s29 =	simm.s32 $0x1  }
0x5: {  	s30 =	simm.s32 $0x280;
	s31 =	simm.s32 $0x2;
	s7 =	smul.u32 $0x4E20, s12  }
0x6: {  	s1 =	sand.u32 $0x1, s1;
	[smem:$0x7FF] =	sst s3;
	s25 =	smul.u32 $0x13880, s12  }
0x7: {  	s8 =	sadd.s32 $0x1E00, s0;
	s5 =	smul.u32 $0x138800, s1;
	s1 =	ssub.s32 $0x2, s1  }
0x8: {  	s15 =	smul.u32 $0x4E200, s12;
	_ =	strace $0x80000050;
	s9 =	sshrl.u32 s1, $0x1  }
0x9: {  	s7 =	sshrl.u32 s7, $0x3;
	s6 =	sshrl.u32 s5, $0x3;
	s1 =	ssub.s32 s1, s9  }
0xa: {  	s17 =	sadd.s32 s8, s7;
	s19 =	sadd.s32 $0xA, s7;
	s10 =	sadd.s32 $0x14, s7  }
0xb: {  	s22 =	sadd.s32 $0x9A6, s7;
	s24 =	sadd.s32 $0x9B0, s7;
	s14 =	sadd.s32 $0x9BA, s7  }
0xc: {  	s5 =	sadd.s32 s25, s5;
	s6 =	sadd.s32 s6, s0;
	s0 =	sadd.s32 $0xBC00, s0  }
0xd: {  	[dreg:$0x6] =	wrdreg s17;
	s11 =	sadd.s32 s8, s19;
	s20 =	sadd.s32 s8, s10  }
0xe: {  	s23 =	sadd.s32 s8, s22;
	s26 =	sadd.s32 s8, s24;
	[dreg:$0x8] =	wrdreg s11  }
0xf: {  	s16 =	sadd.s32 s8, s14;
	s5 =	sshrl.u32 s5, $0x3;
	[dreg:$0xa] =	wrdreg s20  }
0x10: {  	s17 =	smul.u32 $0x9C4, s12;
	s1 =	smax.u32 s1, $0x1;
	[dreg:$0xc] =	wrdreg s23  }
0x11: {  	s12 =	simm.s32 $0x7;
	s18 =	sadd.s32 s0, s7;
	[dreg:$0xe] =	wrdreg s26  }
0x12: {  	s9 =	sadd.s32 s0, s19;
	s21 =	sadd.s32 s0, s10;
	[dreg:$0x10] =	wrdreg s16  }
0x13: {  	s10 =	sadd.s32 $0x15A00, s6;
	s6 =	sadd.s32 s0, s22;
	[dreg:$0x13] =	wrdreg s1  }
0x14: {  	s13 =	sadd.s32 s0, s24;
	s4 =	sadd.s32 s4, s5;
	[dreg:$0x7] =	wrdreg s18  }
0x15: {  	s24 =	sshrl.u32 s15, $0x2;
	s20 =	simm.s32 $0xA280;
	[dreg:$0x9] =	wrdreg s9  }
0x16: {  	s22 =	simm.s32 $0x50;
	s23 =	simm.s32 $0xA0;
	[dreg:$0xb] =	wrdreg s21  }
0x17: {  	s1 =	simm.s32 $0x1E0;
	s5 =	simm.s32 $0x3;
	[dreg:$0xd] =	wrdreg s6  }
0x18: {  	s7 =	simm.s32 $0x5;
	s11 =	simm.s32 $0x6;
	[dreg:$0xf] =	wrdreg s13  }
0x19: {  	s6 =	sadd.s32 s0, s14;
	[dreg:$0x12] =	wrdreg s4;
	s18 =	sadd.s32 s25, s2  }
0x1a: {  	s0 =	sadd.s32 s17, s0;
	s19 =	sadd.s32 s24, s2;
	s25 =	sadd.s32 s17, s8  }
0x1b: {  	s21 =	simm.s32 $0x9;
	s24 =	simm.s32 $0xF0;
	s4 =	simm.s32 $0x230  }
0x1c: {  	s8 =	simm.s32 $0x4;
	s9 =	simm.s32 $0x7A80;
	[dreg:$0x11] =	wrdreg s6  }
0x1d: {  	s13 =	simm.s32 $0x8;
	s14 =	simm.s32 $0x0;
	[dreg:$0x4] =	wrdreg s0  }
0x1e: {  	[dreg:$0x5] =	wrdreg s25;
	s26 =	sshrl.u32 s18, $0x3;
	s0 =	simm.s32 $0x2A80  }
0x1f: {  	v0 =	vimm.f32 $0.0e+00;
	s6 =	simm.s32 $0x5280;
	[dreg:$0x14] =	wrdreg s26;
	s26 =	simm.s32 $0x140  }
.LBB2_1:
0x20: {  	s15 =	simm.s32 $0x0;
	s16 =	simm.s32 $0x200  }
.LBB2_2:
0x21: {  	p0 =	sne.s32 s16, $0x3000;
	[tilespmem:s15+$0xA2F0] =	vst v0  }
0x22: {  	[tilespmem:s15+$0xA280] =	vst v0  }
0x23: {  	[tilespmem:s15+$0xA290] =	vst v0  }
.Ltmp0:
0x24: {  	[tilespmem:s15+$0xA2A0] =	vst v0;
	(pc) =	sbr.rel @p0 .LBB2_2-.Ltmp0, $4  }
0x25: {  	[tilespmem:s15+$0xA2B0] =	vst v0  }
0x26: {  	[tilespmem:s15+$0xA2C0] =	vst v0  }
0x27: {  	[tilespmem:s15+$0xA2D0] =	vst v0  }
0x28: {  	[tilespmem:s15+$0xA2E0] =	vst v0;
	s15 =	sshra.s32 s16, $0x2;
	s16 =	sadd.s32 $0x200, s16  }
0x29: {  	[tilespmem:s15+$0xA2F0] =	vst v0  }
0x2a: {  	[tilespmem:s15+$0xA280] =	vst v0  }
0x2b: {  	[tilespmem:s15+$0xA290] =	vst v0  }
0x2c: {  	[tilespmem:s15+$0xA2A0] =	vst v0  }
0x2d: {  	[tilespmem:s15+$0xA2B0] =	vst v0  }
0x2e: {  	[tilespmem:s15+$0xA2C0] =	vst v0  }
0x2f: {  	[tilespmem:s15+$0xA2D0] =	vst v0  }
0x30: {  	[tilespmem:s15+$0xA2E0] =	vst v0;
	s25 =	sadd.s32 $0x0, s19  }
0x31: {  	[spmem:s25] =	stream.linear.scatter [tilespmem:s20], [sflag:$0x9], $0xC80, $0x38;
	[tilespmem:$0x1E780] =	vst v63  }
0x32: {  	s15 =	simm.s32 $0x3200;
	_ =	swait.ge [sflag:s21], $0xC80  }
.LBB2_4:
0x33: {  	s16 =	sshra.s32 s15, $0x2;
	[sflag:s21] =	ssyncset.done $0x0;
	p0 =	sne.s32 s15, $0x4B000  }
.Ltmp1:
0x34: {  	s16 =	sadd.s32 s16, s19;
	[sflag:s21] =	ssyncadd.s32 $0xFFFFF380;
	(pc) =	sbr.rel @p0 .LBB2_4-.Ltmp1, $3  }
0x35: {  	[spmem:s16] =	stream.linear.scatter [tilespmem:s20], [sflag:$0x9], $0xC80, $0x38;
	[tilespmem:$0x1E780] =	vst v63  }
0x36: {  	s15 =	sadd.s32 $0x3200, s15;
	_ =	sdelay $0x1  }
0x37: {  	_ =	swait.ge [sflag:s21], $0xC80  }
0x38: {  	[sflag:s21] =	ssyncset.done $0x0  }
0x39: {  	[sflag:s21] =	ssyncadd.s32 $0xFFFFF380  }
0x3a: {  	[bflag:$0x0] =	sbarrier.arrive $0xFFFF  }
0x3b: {  	s15 =	simm.s32 $0x0;
	s16 =	rddreg [dreg:$0x6]  }
0x3c: {  	[tilespmem:s15], [sflag:$0x1] =	stream.linear.gather [hbm4b:s16+s15], $0x50, $0x38;
	[tilespmem:$0x1E780] =	vst v63  }
0x3d: {  	s25 =	rddreg [dreg:$0x7]  }
0x3e: {  	[tilespmem:s22], [sflag:$0x1] =	stream.linear.gather [hbm4b:s25+s15], $0x50, $0x38;
	[tilespmem:$0x1E780] =	vst v63  }
0x3f: {  	s17 =	rddreg [dreg:$0x8]  }
0x40: {  	[tilespmem:s23], [sflag:$0x2] =	stream.linear.gather [hbm4b:s17+s15], $0x50, $0x38;
	[tilespmem:$0x1E780] =	vst v63  }
0x41: {  	s18 =	rddreg [dreg:$0x9]  }
0x42: {  	[tilespmem:s24], [sflag:$0x2] =	stream.linear.gather [hbm4b:s18+s15], $0x50, $0x38;
	[tilespmem:$0x1E780] =	vst v63  }
0x43: {  	s25 =	rddreg [dreg:$0xa]  }
0x44: {  	[tilespmem:s26], [sflag:$0x3] =	stream.linear.gather [hbm4b:s25+s15], $0x50, $0x38;
	[tilespmem:$0x1E780] =	vst v63  }
0x45: {  	s17 =	rddreg [dreg:$0xb]  }
0x46: {  	[tilespmem:s28], [sflag:$0x3] =	stream.linear.gather [hbm4b:s17+s15], $0x50, $0x38;
	[tilespmem:$0x1E780] =	vst v63  }
0x47: {  	_ =	swait.ge [sflag:s29], $0x50  }
0x48: {  	[sflag:s29] =	ssyncset.done $0x0  }
0x49: {  	[sflag:s29] =	ssyncadd.s32 $0xFFFFFFB0  }
0x4a: {  	_ =	swait.ge [sflag:s29], $0x50  }
0x4b: {  	[sflag:s29] =	ssyncset.done $0x0  }
0x4c: {  	[sflag:s29] =	ssyncadd.s32 $0xFFFFFFB0  }
0x4d: {  	[tilespmem:s30], [sflag:$0x5] =	stream.indirect.gather [hbm4b:s10+s22], $0x80, s15, s22, $0xb8;
	[tilespmem:$0x1E780] =	vst v63  }
0x4e: {  	_ =	swait.ge [sflag:s31], $0x50  }
0x4f: {  	[sflag:s31] =	ssyncset.done $0x0  }
0x50: {  	[sflag:s31] =	ssyncadd.s32 $0xFFFFFFB0  }
0x51: {  	_ =	swait.ge [sflag:s31], $0x50  }
0x52: {  	[sflag:s31] =	ssyncset.done $0x0;
	s18 =	rddreg [dreg:$0x5]  }
0x53: {  	s25 =	rddreg [dreg:$0x4];
	[sflag:s31] =	ssyncadd.s32 $0xFFFFFFB0;
	s15 =	sadd.s32 $0x0, s18  }
0x54: {  	[tilespmem:s0], [sflag:$0x6] =	stream.indirect.gather [hbm4b:s10+s22], $0x80, s23, s22, $0xb8;
	[tilespmem:$0x1E780] =	vst v63  }
0x55: {  	s16 =	sadd.s32 $0x0, s25;
	s17 =	sadd.s32 $0x1E, s15  }
0x56: {  	[tilespmem:s1], [sflag:$0x4] =	stream.linear.gather [hbm4b:s17+s3], $0x50, $0x38;
	[tilespmem:$0x1E780] =	vst v63  }
0x57: {  	s18 =	sadd.s32 $0x1E, s16  }
0x58: {  	[tilespmem:s4], [sflag:$0x4] =	stream.linear.gather [hbm4b:s18+s3], $0x50, $0x38;
	[tilespmem:$0x1E780] =	vst v63  }
0x59: {  	_ =	swait.ge [sflag:s5], $0x50  }
0x5a: {  	[sflag:s5] =	ssyncset.done $0x0  }
0x5b: {  	[sflag:s5] =	ssyncadd.s32 $0xFFFFFFB0  }
0x5c: {  	_ =	swait.ge [sflag:s5], $0x50  }
0x5d: {  	[sflag:s5] =	ssyncset.done $0x0  }
0x5e: {  	[sflag:s5] =	ssyncadd.s32 $0xFFFFFFB0  }
0x5f: {  	[tilespmem:s6], [sflag:$0x7] =	stream.indirect.gather [hbm4b:s10+s22], $0x80, s26, s22, $0xb8;
	[tilespmem:$0x1E780] =	vst v63  }
0x60: {  	_ =	swait.ge [sflag:s7], $0x2800  }
0x61: {  	[sflag:s7] =	ssyncset.done $0x0  }
0x62: {  	[sflag:s7] =	ssyncadd.s32 $0xFFFFD800  }
0x63: {  	[spmem:s2] =	stream.indirect.scatter.add.f32 [tilespmem:s30], [sflag:$0x9], $0x80, s22, s22, $0xb8;
	[tilespmem:$0x1E780] =	vst v63  }
0x64: {  	_ =	swait.ge [sflag:s21], $0x2800  }
0x65: {  	[sflag:s21] =	ssyncset.done $0x0  }
0x66: {  	s25 =	sadd.s32 $0x28, s15;
	[sflag:s21] =	ssyncadd.s32 $0xFFFFD800  }
0x67: {  	[tilespmem:s3], [sflag:$0x1] =	stream.linear.gather [hbm4b:s25+s3], $0x50, $0x38;
	[tilespmem:$0x1E780] =	vst v63  }
0x68: {  	s18 =	sadd.s32 $0x28, s16  }
0x69: {  	[tilespmem:s22], [sflag:$0x1] =	stream.linear.gather [hbm4b:s18+s3], $0x50, $0x38;
	[tilespmem:$0x1E780] =	vst v63  }
0x6a: {  	_ =	swait.ge [sflag:s8], $0x50  }
0x6b: {  	[sflag:s8] =	ssyncset.done $0x0  }
0x6c: {  	[sflag:s8] =	ssyncadd.s32 $0xFFFFFFB0  }
0x6d: {  	_ =	swait.ge [sflag:s8], $0x50  }
0x6e: {  	[sflag:s8] =	ssyncset.done $0x0  }
0x6f: {  	[sflag:s8] =	ssyncadd.s32 $0xFFFFFFB0  }
0x70: {  	[tilespmem:s9], [sflag:$0x8] =	stream.indirect.gather [hbm4b:s10+s22], $0x80, s1, s22, $0xb8;
	[tilespmem:$0x1E780] =	vst v63  }
0x71: {  	_ =	swait.ge [sflag:s11], $0x2800  }
0x72: {  	[sflag:s11] =	ssyncset.done $0x0  }
0x73: {  	[sflag:s11] =	ssyncadd.s32 $0xFFFFD800  }
0x74: {  	[spmem:s2] =	stream.indirect.scatter.add.f32 [tilespmem:s0], [sflag:$0x9], $0x80, s24, s22, $0xb8;
	[tilespmem:$0x1E780] =	vst v63  }
0x75: {  	_ =	swait.ge [sflag:s21], $0x2800  }
0x76: {  	[sflag:s21] =	ssyncset.done $0x0  }
0x77: {  	s25 =	sadd.s32 $0x32, s15;
	[sflag:s21] =	ssyncadd.s32 $0xFFFFD800  }
0x78: {  	[tilespmem:s23], [sflag:$0x2] =	stream.linear.gather [hbm4b:s25+s3], $0x50, $0x38;
	[tilespmem:$0x1E780] =	vst v63  }
0x79: {  	s18 =	sadd.s32 $0x32, s16  }
0x7a: {  	[tilespmem:s24], [sflag:$0x2] =	stream.linear.gather [hbm4b:s18+s3], $0x50, $0x38;
	[tilespmem:$0x1E780] =	vst v63  }
0x7b: {  	_ =	swait.ge [sflag:s29], $0x50  }
0x7c: {  	[sflag:s29] =	ssyncset.done $0x0  }
0x7d: {  	[sflag:s29] =	ssyncadd.s32 $0xFFFFFFB0  }
0x7e: {  	_ =	swait.ge [sflag:s29], $0x50  }
0x7f: {  	[sflag:s29] =	ssyncset.done $0x0  }
0x80: {  	[sflag:s29] =	ssyncadd.s32 $0xFFFFFFB0  }
0x81: {  	[tilespmem:s30], [sflag:$0x5] =	stream.indirect.gather [hbm4b:s10+s22], $0x80, s3, s22, $0xb8;
	[tilespmem:$0x1E780] =	vst v63  }
0x82: {  	_ =	swait.ge [sflag:s12], $0x2800  }
0x83: {  	[sflag:s12] =	ssyncset.done $0x0  }
0x84: {  	[sflag:s12] =	ssyncadd.s32 $0xFFFFD800  }
0x85: {  	[spmem:s2] =	stream.indirect.scatter.add.f32 [tilespmem:s6], [sflag:$0x9], $0x80, s28, s22, $0xb8;
	[tilespmem:$0x1E780] =	vst v63  }
0x86: {  	_ =	swait.ge [sflag:s21], $0x2800  }
0x87: {  	[sflag:s21] =	ssyncset.done $0x0  }
0x88: {  	s15 =	sadd.s32 $0x3C, s15;
	[sflag:s21] =	ssyncadd.s32 $0xFFFFD800  }
0x89: {  	[tilespmem:s26], [sflag:$0x3] =	stream.linear.gather [hbm4b:s15+s3], $0x50, $0x38;
	[tilespmem:$0x1E780] =	vst v63  }
0x8a: {  	s25 =	sadd.s32 $0x3C, s16  }
0x8b: {  	[tilespmem:s28], [sflag:$0x3] =	stream.linear.gather [hbm4b:s25+s3], $0x50, $0x38;
	[tilespmem:$0x1E780] =	vst v63  }
0x8c: {  	_ =	swait.ge [sflag:s31], $0x50  }
0x8d: {  	[sflag:s31] =	ssyncset.done $0x0  }
0x8e: {  	[sflag:s31] =	ssyncadd.s32 $0xFFFFFFB0  }
0x8f: {  	_ =	swait.ge [sflag:s31], $0x50  }
0x90: {  	[sflag:s31] =	ssyncset.done $0x0  }
0x91: {  	[sflag:s31] =	ssyncadd.s32 $0xFFFFFFB0  }
0x92: {  	[tilespmem:s0], [sflag:$0x6] =	stream.indirect.gather [hbm4b:s10+s22], $0x80, s23, s22, $0xb8;
	[tilespmem:$0x1E780] =	vst v63  }
0x93: {  	_ =	swait.ge [sflag:s13], $0x2800  }
0x94: {  	[sflag:s13] =	ssyncset.done $0x0  }
0x95: {  	[sflag:s13] =	ssyncadd.s32 $0xFFFFD800  }
0x96: {  	[spmem:s2] =	stream.indirect.scatter.add.f32 [tilespmem:s9], [sflag:$0x9], $0x80, s4, s22, $0xb8;
	[tilespmem:$0x1E780] =	vst v63  }
0x97: {  	s15 =	simm.s32 $0x28;
	_ =	swait.ge [sflag:s21], $0x2800  }
.LBB2_6:
0x98: {  	s16 =	rddreg [dreg:$0x5];
	s17 =	smov.u32 s15  }
0x99: {  	s18 =	rddreg [dreg:$0x4];
	[sflag:s21] =	ssyncset.done $0x0;
	s16 =	sadd.s32 s17, s16  }
0x9a: {  	s17 =	sadd.s32 s17, s18;
	[sflag:s21] =	ssyncadd.s32 $0xFFFFD800;
	s25 =	sadd.s32 $0x1E, s16  }
0x9b: {  	[tilespmem:s1], [sflag:$0x4] =	stream.linear.gather [hbm4b:s25+s3], $0x50, $0x38;
	[tilespmem:$0x1E780] =	vst v63  }
0x9c: {  	s18 =	sadd.s32 $0x1E, s17  }
0x9d: {  	[tilespmem:s4], [sflag:$0x4] =	stream.linear.gather [hbm4b:s18+s3], $0x50, $0x38;
	[tilespmem:$0x1E780] =	vst v63  }
0x9e: {  	_ =	swait.ge [sflag:s5], $0x50  }
0x9f: {  	[sflag:s5] =	ssyncset.done $0x0  }
0xa0: {  	[sflag:s5] =	ssyncadd.s32 $0xFFFFFFB0  }
0xa1: {  	_ =	swait.ge [sflag:s5], $0x50  }
0xa2: {  	[sflag:s5] =	ssyncset.done $0x0  }
0xa3: {  	[sflag:s5] =	ssyncadd.s32 $0xFFFFFFB0  }
0xa4: {  	[tilespmem:s6], [sflag:$0x7] =	stream.indirect.gather [hbm4b:s10+s22], $0x80, s26, s22, $0xb8;
	[tilespmem:$0x1E780] =	vst v63  }
0xa5: {  	_ =	swait.ge [sflag:s7], $0x2800  }
0xa6: {  	[sflag:s7] =	ssyncset.done $0x0  }
0xa7: {  	[sflag:s7] =	ssyncadd.s32 $0xFFFFD800  }
0xa8: {  	[spmem:s2] =	stream.indirect.scatter.add.f32 [tilespmem:s30], [sflag:$0x9], $0x80, s22, s22, $0xb8;
	[tilespmem:$0x1E780] =	vst v63  }
0xa9: {  	_ =	swait.ge [sflag:s21], $0x2800  }
0xaa: {  	[sflag:s21] =	ssyncset.done $0x0  }
0xab: {  	s25 =	sadd.s32 $0x28, s16;
	[sflag:s21] =	ssyncadd.s32 $0xFFFFD800  }
0xac: {  	[tilespmem:s3], [sflag:$0x1] =	stream.linear.gather [hbm4b:s25+s3], $0x50, $0x38;
	[tilespmem:$0x1E780] =	vst v63  }
0xad: {  	s25 =	sadd.s32 $0x28, s17  }
0xae: {  	[tilespmem:s22], [sflag:$0x1] =	stream.linear.gather [hbm4b:s25+s3], $0x50, $0x38;
	[tilespmem:$0x1E780] =	vst v63  }
0xaf: {  	_ =	swait.ge [sflag:s8], $0x50  }
0xb0: {  	[sflag:s8] =	ssyncset.done $0x0  }
0xb1: {  	[sflag:s8] =	ssyncadd.s32 $0xFFFFFFB0  }
0xb2: {  	_ =	swait.ge [sflag:s8], $0x50  }
0xb3: {  	[sflag:s8] =	ssyncset.done $0x0  }
0xb4: {  	[sflag:s8] =	ssyncadd.s32 $0xFFFFFFB0  }
0xb5: {  	[tilespmem:s9], [sflag:$0x8] =	stream.indirect.gather [hbm4b:s10+s22], $0x80, s1, s22, $0xb8;
	[tilespmem:$0x1E780] =	vst v63  }
0xb6: {  	_ =	swait.ge [sflag:s11], $0x2800  }
0xb7: {  	[sflag:s11] =	ssyncset.done $0x0  }
0xb8: {  	[sflag:s11] =	ssyncadd.s32 $0xFFFFD800  }
0xb9: {  	[spmem:s2] =	stream.indirect.scatter.add.f32 [tilespmem:s0], [sflag:$0x9], $0x80, s24, s22, $0xb8;
	[tilespmem:$0x1E780] =	vst v63  }
0xba: {  	_ =	swait.ge [sflag:s21], $0x2800  }
0xbb: {  	[sflag:s21] =	ssyncset.done $0x0  }
0xbc: {  	s25 =	sadd.s32 $0x32, s16;
	[sflag:s21] =	ssyncadd.s32 $0xFFFFD800  }
0xbd: {  	[tilespmem:s23], [sflag:$0x2] =	stream.linear.gather [hbm4b:s25+s3], $0x50, $0x38;
	[tilespmem:$0x1E780] =	vst v63  }
0xbe: {  	s25 =	sadd.s32 $0x32, s17  }
0xbf: {  	[tilespmem:s24], [sflag:$0x2] =	stream.linear.gather [hbm4b:s25+s3], $0x50, $0x38;
	[tilespmem:$0x1E780] =	vst v63  }
0xc0: {  	_ =	swait.ge [sflag:s29], $0x50  }
0xc1: {  	[sflag:s29] =	ssyncset.done $0x0  }
0xc2: {  	[sflag:s29] =	ssyncadd.s32 $0xFFFFFFB0  }
0xc3: {  	_ =	swait.ge [sflag:s29], $0x50  }
0xc4: {  	[sflag:s29] =	ssyncset.done $0x0  }
0xc5: {  	[sflag:s29] =	ssyncadd.s32 $0xFFFFFFB0  }
0xc6: {  	[tilespmem:s30], [sflag:$0x5] =	stream.indirect.gather [hbm4b:s10+s22], $0x80, s3, s22, $0xb8;
	[tilespmem:$0x1E780] =	vst v63  }
0xc7: {  	_ =	swait.ge [sflag:s12], $0x2800  }
0xc8: {  	[sflag:s12] =	ssyncset.done $0x0  }
0xc9: {  	[sflag:s12] =	ssyncadd.s32 $0xFFFFD800  }
0xca: {  	[spmem:s2] =	stream.indirect.scatter.add.f32 [tilespmem:s6], [sflag:$0x9], $0x80, s28, s22, $0xb8;
	[tilespmem:$0x1E780] =	vst v63  }
0xcb: {  	_ =	swait.ge [sflag:s21], $0x2800  }
0xcc: {  	[sflag:s21] =	ssyncset.done $0x0  }
0xcd: {  	s16 =	sadd.s32 $0x3C, s16;
	[sflag:s21] =	ssyncadd.s32 $0xFFFFD800  }
0xce: {  	[tilespmem:s26], [sflag:$0x3] =	stream.linear.gather [hbm4b:s16+s3], $0x50, $0x38;
	[tilespmem:$0x1E780] =	vst v63  }
0xcf: {  	s25 =	sadd.s32 $0x3C, s17  }
0xd0: {  	[tilespmem:s28], [sflag:$0x3] =	stream.linear.gather [hbm4b:s25+s3], $0x50, $0x38;
	[tilespmem:$0x1E780] =	vst v63  }
0xd1: {  	_ =	swait.ge [sflag:s31], $0x50  }
0xd2: {  	[sflag:s31] =	ssyncset.done $0x0  }
0xd3: {  	[sflag:s31] =	ssyncadd.s32 $0xFFFFFFB0  }
0xd4: {  	_ =	swait.ge [sflag:s31], $0x50  }
0xd5: {  	[sflag:s31] =	ssyncset.done $0x0  }
0xd6: {  	p0 =	sne.s32 s15, $0x960;
	[sflag:s31] =	ssyncadd.s32 $0xFFFFFFB0  }
0xd7: {  	[tilespmem:s0], [sflag:$0x6] =	stream.indirect.gather [hbm4b:s10+s22], $0x80, s23, s22, $0xb8;
	[tilespmem:$0x1E780] =	vst v63  }
.Ltmp2:
0xd8: {  	_ =	swait.ge [sflag:s13], $0x2800;
	(pc) =	sbr.rel @p0 .LBB2_6-.Ltmp2, $4  }
0xd9: {  	[sflag:s13] =	ssyncset.done $0x0  }
0xda: {  	[sflag:s13] =	ssyncadd.s32 $0xFFFFD800  }
0xdb: {  	[spmem:s2] =	stream.indirect.scatter.add.f32 [tilespmem:s9], [sflag:$0x9], $0x80, s4, s22, $0xb8;
	[tilespmem:$0x1E780] =	vst v63  }
0xdc: {  	s15 =	sadd.s32 $0x28, s15;
	_ =	swait.ge [sflag:s21], $0x2800  }
0xdd: {  	[sflag:s21] =	ssyncset.done $0x0  }
0xde: {  	s15 =	rddreg [dreg:$0xc];
	[sflag:s21] =	ssyncadd.s32 $0xFFFFD800  }
0xdf: {  	[tilespmem:s1], [sflag:$0x4] =	stream.linear.gather [hbm4b:s15+s3], $0x50, $0x38;
	[tilespmem:$0x1E780] =	vst v63  }
0xe0: {  	s17 =	rddreg [dreg:$0xd]  }
0xe1: {  	[tilespmem:s4], [sflag:$0x4] =	stream.linear.gather [hbm4b:s17+s3], $0x50, $0x38;
	[tilespmem:$0x1E780] =	vst v63  }
0xe2: {  	_ =	swait.ge [sflag:s5], $0x50  }
0xe3: {  	[sflag:s5] =	ssyncset.done $0x0  }
0xe4: {  	[sflag:s5] =	ssyncadd.s32 $0xFFFFFFB0  }
0xe5: {  	_ =	swait.ge [sflag:s5], $0x50  }
0xe6: {  	[sflag:s5] =	ssyncset.done $0x0  }
0xe7: {  	[sflag:s5] =	ssyncadd.s32 $0xFFFFFFB0  }
0xe8: {  	[tilespmem:s6], [sflag:$0x7] =	stream.indirect.gather [hbm4b:s10+s22], $0x80, s26, s22, $0xb8;
	[tilespmem:$0x1E780] =	vst v63  }
0xe9: {  	_ =	swait.ge [sflag:s7], $0x2800  }
0xea: {  	[sflag:s7] =	ssyncset.done $0x0  }
0xeb: {  	[sflag:s7] =	ssyncadd.s32 $0xFFFFD800  }
0xec: {  	[spmem:s2] =	stream.indirect.scatter.add.f32 [tilespmem:s30], [sflag:$0x9], $0x80, s22, s22, $0xb8;
	[tilespmem:$0x1E780] =	vst v63  }
0xed: {  	_ =	swait.ge [sflag:s21], $0x2800  }
0xee: {  	[sflag:s21] =	ssyncset.done $0x0  }
0xef: {  	s18 =	rddreg [dreg:$0xe];
	[sflag:s21] =	ssyncadd.s32 $0xFFFFD800  }
0xf0: {  	[tilespmem:s3], [sflag:$0x1] =	stream.linear.gather [hbm4b:s18+s3], $0x50, $0x38;
	[tilespmem:$0x1E780] =	vst v63  }
0xf1: {  	s25 =	rddreg [dreg:$0xf]  }
0xf2: {  	[tilespmem:s22], [sflag:$0x1] =	stream.linear.gather [hbm4b:s25+s3], $0x50, $0x38;
	[tilespmem:$0x1E780] =	vst v63  }
0xf3: {  	_ =	swait.ge [sflag:s8], $0x50  }
0xf4: {  	[sflag:s8] =	ssyncset.done $0x0  }
0xf5: {  	[sflag:s8] =	ssyncadd.s32 $0xFFFFFFB0  }
0xf6: {  	_ =	swait.ge [sflag:s8], $0x50  }
0xf7: {  	[sflag:s8] =	ssyncset.done $0x0  }
0xf8: {  	[sflag:s8] =	ssyncadd.s32 $0xFFFFFFB0  }
0xf9: {  	[tilespmem:s9], [sflag:$0x8] =	stream.indirect.gather [hbm4b:s10+s22], $0x80, s1, s22, $0xb8;
	[tilespmem:$0x1E780] =	vst v63  }
0xfa: {  	_ =	swait.ge [sflag:s11], $0x2800  }
0xfb: {  	[sflag:s11] =	ssyncset.done $0x0  }
0xfc: {  	[sflag:s11] =	ssyncadd.s32 $0xFFFFD800  }
0xfd: {  	[spmem:s2] =	stream.indirect.scatter.add.f32 [tilespmem:s0], [sflag:$0x9], $0x80, s24, s22, $0xb8;
	[tilespmem:$0x1E780] =	vst v63  }
0xfe: {  	_ =	swait.ge [sflag:s21], $0x2800  }
0xff: {  	[sflag:s21] =	ssyncset.done $0x0  }
0x100: {  	s16 =	rddreg [dreg:$0x10];
	[sflag:s21] =	ssyncadd.s32 $0xFFFFD800  }
0x101: {  	[tilespmem:s23], [sflag:$0x2] =	stream.linear.gather [hbm4b:s16+s3], $0x50, $0x38;
	[tilespmem:$0x1E780] =	vst v63  }
0x102: {  	s17 =	rddreg [dreg:$0x11]  }
0x103: {  	[tilespmem:s24], [sflag:$0x2] =	stream.linear.gather [hbm4b:s17+s3], $0x50, $0x38;
	[tilespmem:$0x1E780] =	vst v63  }
0x104: {  	_ =	swait.ge [sflag:s29], $0x50  }
0x105: {  	[sflag:s29] =	ssyncset.done $0x0  }
0x106: {  	[sflag:s29] =	ssyncadd.s32 $0xFFFFFFB0  }
0x107: {  	_ =	swait.ge [sflag:s29], $0x50  }
0x108: {  	[sflag:s29] =	ssyncset.done $0x0  }
0x109: {  	[sflag:s29] =	ssyncadd.s32 $0xFFFFFFB0  }
0x10a: {  	[tilespmem:s30], [sflag:$0x5] =	stream.indirect.gather [hbm4b:s10+s22], $0x80, s3, s22, $0xb8;
	[tilespmem:$0x1E780] =	vst v63  }
0x10b: {  	_ =	swait.ge [sflag:s12], $0x2800  }
0x10c: {  	[sflag:s12] =	ssyncset.done $0x0  }
0x10d: {  	[sflag:s12] =	ssyncadd.s32 $0xFFFFD800  }
0x10e: {  	[spmem:s2] =	stream.indirect.scatter.add.f32 [tilespmem:s6], [sflag:$0x9], $0x80, s28, s22, $0xb8;
	[tilespmem:$0x1E780] =	vst v63  }
0x10f: {  	_ =	swait.ge [sflag:s21], $0x2800  }
0x110: {  	[sflag:s21] =	ssyncset.done $0x0  }
0x111: {  	[sflag:s21] =	ssyncadd.s32 $0xFFFFD800  }
0x112: {  	_ =	swait.ge [sflag:s31], $0x50  }
0x113: {  	[sflag:s31] =	ssyncset.done $0x0  }
0x114: {  	[sflag:s31] =	ssyncadd.s32 $0xFFFFFFB0  }
0x115: {  	_ =	swait.ge [sflag:s31], $0x50  }
0x116: {  	[sflag:s31] =	ssyncset.done $0x0  }
0x117: {  	[sflag:s31] =	ssyncadd.s32 $0xFFFFFFB0  }
0x118: {  	[tilespmem:s0], [sflag:$0x6] =	stream.indirect.gather [hbm4b:s10+s22], $0x80, s23, s22, $0xb8;
	[tilespmem:$0x1E780] =	vst v63  }
0x119: {  	_ =	swait.ge [sflag:s13], $0x2800  }
0x11a: {  	[sflag:s13] =	ssyncset.done $0x0  }
0x11b: {  	[sflag:s13] =	ssyncadd.s32 $0xFFFFD800  }
0x11c: {  	[spmem:s2] =	stream.indirect.scatter.add.f32 [tilespmem:s9], [sflag:$0x9], $0x80, s4, s22, $0xb8;
	[tilespmem:$0x1E780] =	vst v63  }
0x11d: {  	_ =	swait.ge [sflag:s21], $0x2800  }
0x11e: {  	[sflag:s21] =	ssyncset.done $0x0  }
0x11f: {  	[sflag:s21] =	ssyncadd.s32 $0xFFFFD800  }
0x120: {  	_ =	swait.ge [sflag:s7], $0x2800  }
0x121: {  	[sflag:s7] =	ssyncset.done $0x0  }
0x122: {  	[sflag:s7] =	ssyncadd.s32 $0xFFFFD800  }
0x123: {  	[spmem:s2] =	stream.indirect.scatter.add.f32 [tilespmem:s30], [sflag:$0x9], $0x80, s22, s22, $0xb8;
	[tilespmem:$0x1E780] =	vst v63  }
0x124: {  	_ =	swait.ge [sflag:s21], $0x2800  }
0x125: {  	[sflag:s21] =	ssyncset.done $0x0  }
0x126: {  	[sflag:s21] =	ssyncadd.s32 $0xFFFFD800  }
0x127: {  	_ =	swait.ge [sflag:s11], $0x2800  }
0x128: {  	[sflag:s11] =	ssyncset.done $0x0  }
0x129: {  	[sflag:s11] =	ssyncadd.s32 $0xFFFFD800  }
0x12a: {  	[spmem:s2] =	stream.indirect.scatter.add.f32 [tilespmem:s0], [sflag:$0x9], $0x80, s24, s22, $0xb8;
	[tilespmem:$0x1E780] =	vst v63  }
0x12b: {  	_ =	swait.ge [sflag:s21], $0x2800  }
0x12c: {  	[sflag:s21] =	ssyncset.done $0x0  }
0x12d: {  	[sflag:s21] =	ssyncadd.s32 $0xFFFFD800  }
0x12e: {  	s18 =	stileid.u32;
	[bflag:$0x0] =	sbarrier.arrive $0xFFFF  }
0x12f: {  	s15 =	sshll.u32 s18, $0x6;
	s16 =	rddreg [dreg:$0x12]  }
0x130: {  	s15 =	sor.u32 $0x1C09, s15;
	s17 =	rddreg [dreg:$0x14]  }
0x131: {  	[hbm:s16], [sflag:s15] =	dma.local [spmem:s17], $0x2710  }
0x132: {  	_ =	swait.ge [sflag:s21], $0x2710  }
0x133: {  	s14 =	sadd.s32 $0x1, s14;
	s25 =	rddreg [dreg:$0x13]  }
0x134: {  	p0 =	sne.s32 s14, s25  }
.Ltmp3:
0x135: {  	_ = 	snop;
	(pc) =	sbr.rel @p0 .LBB2_1-.Ltmp3, $3  }
0x136: {  	_ =	sdelay $0x1  }
0x137: {  	[sflag:s21] =	ssyncset.done $0x0  }
0x138: {  	[sflag:s21] =	ssyncadd.s32 $0xFFFFD8F0  }
0x139: {  	_ =	sfence.sel $0x180000  }
0x13a: {  	[bflag:$0x0] =	sbarrier.arrive $0xFFFF  }
0x13b: {  	_ =	strace $0x90000050  }
0x13c: {  	s0 =	stileid.u32;
	[bflag:$0x2] =	sbarrier.arrive $0xFFFF  }
0x13d: {  	p0 =	sne.s32 s0, $0x0;
	s0 =	rddreg [dreg:$0x3]  }
0x13e: {  	s0 =	sadd.s32 @!p0 $0x100000, s0  }
0x13f: {  	[sflag:s0] =	ssyncadd.tile.s32 @!p0 $0x1;
	_ =	shalt  }
.Lfunc_end2:
_tile_overlayer_lowered:
.L_overlay_start_2:
0x140: {  	(tag) =	ssettag $0x2  }
0x141: {  	s0 =	rddreg [dreg:$0x0];
	s2 =	stileid.u32  }
0x142: {  	s1 =	rddreg [dreg:$0x1];
	p0 =	sne.s32 s2, $0x0  }
0x143: {  	s3 =	rddreg [dreg:$0x2];
	[bflag:$0x3] =	sbarrier.arrive $0xFFFF;
	s2 =	simm.s32 @!p0 $0x1C09  }
0x144: {  	[timem:s3], [sflag:s2] =	dma.local @!p0 [hbm:s0], s1  }
0x145: {  	s0 =	simm.s32 @!p0 $0x9  }
0x146: {  	_ =	swait.ge @!p0 [sflag:s0], s1  }
0x147: {  	s1 =	ssub.s32 @!p0 $0x0, s1;
	[sflag:s0] =	ssyncset.done @!p0 $0x0  }
0x148: {  	[sflag:s0] =	ssyncadd.s32 @!p0 s1  }
0x149: {  	[bflag:$0x3] =	sbarrier.arrive $0xFFFF  }
0x14a: {  	_ =	shalt  }

</sc_bundles>
